<compile_context>
chip_gen: v7x
topology: tpu7x:2x2x1
jax: 0.10.2.dev20260603
libtpu: 0.0.44.dev20260713+nightly
codegen_flags: <defaults>
</compile_context>

<pallas_src>
import functools

import jax
import jax.numpy as jnp
from jax import lax
from jax.experimental import pallas as pl
from jax.experimental.pallas import tpu as pltpu
from jax.experimental.pallas import tpu_sc as plsc

_D = 32
_E = 524288
_NC = 2
_NS = 16
_NW = _NC * _NS
_EPW = _E // _NW
_CK = 256
_NCH = _EPW // _CK
_NB = 2
_L = 16
_EU = 8


def _body(psrc, pdst, nsrc, ndst, uemb, iemb, pos_out, neg_out, outv, *rest):
  bufu = rest[0:_NB]
  bufv = rest[_NB:2 * _NB]
  idxu = rest[2 * _NB:3 * _NB]
  idxv = rest[3 * _NB:4 * _NB]
  semu = rest[4 * _NB:5 * _NB]
  semv = rest[5 * _NB:6 * _NB]
  siu = rest[6 * _NB:7 * _NB]
  siv = rest[7 * _NB:8 * _NB]
  w = lax.axis_index("s") * _NC + lax.axis_index("c")
  lanes = lax.iota(jnp.int32, _L)

  uemb_w = uemb
  iemb_w = iemb

  for src_h, dst_h, out_h in ((psrc, pdst, pos_out), (nsrc, ndst, neg_out)):
    for b in range(_NB):
      pltpu.async_copy(src_h.at[w, b], idxu[b], siu[b])
      pltpu.async_copy(dst_h.at[w, b], idxv[b], siv[b])
    for b in range(_NB):
      pltpu.make_async_copy(src_h.at[w, b], idxu[b], siu[b]).wait()
      pltpu.make_async_copy(dst_h.at[w, b], idxv[b], siv[b]).wait()
      pltpu.async_copy(uemb_w.at[idxu[b]], bufu[b], semu[b])
      pltpu.async_copy(iemb_w.at[idxv[b]], bufv[b], semv[b])

    @pl.loop(0, _NCH, step=_NB)
    def _chunks(gb):
      for b in range(_NB):
        g = gb + b
        ng = g + _NB
        pltpu.make_async_copy(uemb_w.at[idxu[b]], bufu[b], semu[b]).wait()
        pltpu.make_async_copy(iemb_w.at[idxv[b]], bufv[b], semv[b]).wait()

        @pl.when(ng < _NCH)
        def _():
          pltpu.async_copy(src_h.at[w, ng], idxu[b], siu[b])
          pltpu.async_copy(dst_h.at[w, ng], idxv[b], siv[b])

        @pl.loop(0, _CK // _L)
        def _groups(j):
          rows = j * _L + lanes
          acc = jnp.zeros((_L,), jnp.float32)
          colv = jnp.zeros((_L,), jnp.int32)
          for d in range(_D // 2):
            wu = plsc.load_gather(bufu[b], [rows, colv])
            wv = plsc.load_gather(bufv[b], [rows, colv])
            u0, u1 = plsc.unpack(plsc.bitcast(wu, jnp.bfloat16),
                                 format=plsc.PackFormat.INTERLEAVED)
            v0, v1 = plsc.unpack(plsc.bitcast(wv, jnp.bfloat16),
                                 format=plsc.PackFormat.INTERLEAVED)
            acc = acc + u0 * v0 + u1 * v1
            if d < _D // 2 - 1:
              colv = colv + 1
          outv[pl.ds(g * _CK + j * _L, _L)] = acc

        @pl.when(ng < _NCH)
        def _():
          pltpu.make_async_copy(src_h.at[w, ng], idxu[b], siu[b]).wait()
          pltpu.make_async_copy(dst_h.at[w, ng], idxv[b], siv[b]).wait()
          pltpu.async_copy(uemb_w.at[idxu[b]], bufu[b], semu[b])
          pltpu.async_copy(iemb_w.at[idxv[b]], bufv[b], semv[b])

    pltpu.sync_copy(outv, out_h.at[pl.ds(w * _EPW, _EPW)])


@jax.jit
def _scores(psrc, pdst, nsrc, ndst, uemb, iemb):
  mesh = plsc.VectorSubcoreMesh(
      core_axis_name="c", subcore_axis_name="s",
      num_cores=_NC, num_subcores=_NS)
  return pl.kernel(
      _body,
      out_type=(jax.ShapeDtypeStruct((_E,), jnp.float32),
                jax.ShapeDtypeStruct((_E,), jnp.float32)),
      mesh=mesh,
      scratch_types=[
          pltpu.VMEM((_EPW,), jnp.float32),
      ] + [pltpu.VMEM((_CK, _D // 2), jnp.int32) for _ in range(2 * _NB)]
        + [pltpu.VMEM((_CK,), jnp.int32) for _ in range(2 * _NB)]
        + [pltpu.SemaphoreType.DMA for _ in range(4 * _NB)],
      compiler_params=pltpu.CompilerParams(
          use_tc_tiling_on_sc=False, needs_layout_passes=False),
      name="mf_edge_scores",
  )(psrc, pdst, nsrc, ndst, uemb, iemb)


def _pack_rows(x):
  u = jax.lax.bitcast_convert_type(x.astype(jnp.bfloat16), jnp.uint16)
  lo = u[:, :16].astype(jnp.uint32)
  hi = u[:, 16:].astype(jnp.uint32)
  return jax.lax.bitcast_convert_type(lo | (hi << 16), jnp.int32)


def kernel(pos_src, pos_dst, neg_src, neg_dst, user_emb, item_emb):
  ps = pos_src.reshape(_NW, _NCH, _CK)
  pd = pos_dst.reshape(_NW, _NCH, _CK)
  ns = neg_src.reshape(_NW, _NCH, _CK)
  nd = neg_dst.reshape(_NW, _NCH, _CK)
  pos_score, neg_score = _scores(ps, pd, ns, nd,
                                 _pack_rows(user_emb), _pack_rows(item_emb))
  return pos_score.reshape(_E, 1), neg_score.reshape(_E, 1)

# --- scband reference (transcript-rebuilt; emitter-appended) ---
"""Pipeline reference for scband-mfmodel-26456998543578 (READ-ONLY COPY).

The authoritative reference and input builder live on the scoring server;
editing this copy changes nothing except your own understanding.
"""

import jax, jax.numpy as jnp
import numpy as np

USER_NUM = 100000
ITEM_NUM = 1000000
EMBED_DIM = 32
N_EDGES = 524288


def setup_inputs(seed: int = 0) -> dict:
    key = jax.random.key(seed)
    k1, k2, k3, k4, k5, k6 = jax.random.split(key, 6)
    # Learned parameters: HeteroEmbedding tables, init normal(0, 0.01)
    user_emb = jax.random.normal(k1, (USER_NUM, EMBED_DIM), dtype=jnp.float32) * 0.01
    item_emb = jax.random.normal(k2, (ITEM_NUM, EMBED_DIM), dtype=jnp.float32) * 0.01
    # pos/neg prediction graph edges for etype 'rate' (user -> item)
    pos_src = jax.random.randint(k3, (N_EDGES,), 0, USER_NUM, dtype=jnp.int32)
    pos_dst = jax.random.randint(k4, (N_EDGES,), 0, ITEM_NUM, dtype=jnp.int32)
    neg_src = jax.random.randint(k5, (N_EDGES,), 0, USER_NUM, dtype=jnp.int32)
    neg_dst = jax.random.randint(k6, (N_EDGES,), 0, ITEM_NUM, dtype=jnp.int32)
    return {
        "pos_src": pos_src,
        "pos_dst": pos_dst,
        "neg_src": neg_src,
        "neg_dst": neg_dst,
        "user_emb": user_emb,
        "item_emb": item_emb,
    }


def reference(pos_src, pos_dst, neg_src, neg_dst, user_emb, item_emb):
    # MFModel.forward (task='Rate'):
    # 1) embedding lookup of ALL node ids (identity lookup over full tables)
    #    res_embedding = {'user': user_emb, 'item': item_emb}
    # 2) HeteroDotProductPredictor: apply_edges(u_dot_v) over 'rate' etype
    #    score[e] = <h_user[src[e]], h_item[dst[e]]>  -> shape [E, 1]
    pos_u = jnp.take(user_emb, pos_src, axis=0)
    pos_v = jnp.take(item_emb, pos_dst, axis=0)
    pos_score = jnp.sum(pos_u * pos_v, axis=-1, keepdims=True)
    neg_u = jnp.take(user_emb, neg_src, axis=0)
    neg_v = jnp.take(item_emb, neg_dst, axis=0)
    neg_score = jnp.sum(neg_u * neg_v, axis=-1, keepdims=True)
    return (pos_score, neg_score)

if __name__ == "__main__":
    import jax
    _d = setup_inputs()
    print(jax.jit(kernel)(*tuple(_d.values())))

</pallas_src>

<mosaic_0001>
#map = affine_map<(d0, d1) -> (0, 0, 0)>
#map1 = affine_map<(d0, d1) -> (0, 0)>
#map2 = affine_map<(d0, d1) -> (0)>
module attributes {stable_mosaic.version = 14 : i64} {
  func.func @mf_edge_scores(%arg0: i32, %arg1: i32, %arg2: memref<32x64x256xi32, #tpu.memory_space<hbm>>, %arg3: memref<32x64x256xi32, #tpu.memory_space<hbm>>, %arg4: memref<32x64x256xi32, #tpu.memory_space<hbm>>, %arg5: memref<32x64x256xi32, #tpu.memory_space<hbm>>, %arg6: memref<100000x16xi32, #tpu.memory_space<hbm>>, %arg7: memref<1000000x16xi32, #tpu.memory_space<hbm>>, %arg8: memref<524288xf32, #tpu.memory_space<hbm>>, %arg9: memref<524288xf32, #tpu.memory_space<hbm>>, %arg10: memref<16384xf32, #tpu.memory_space<vmem>>, %arg11: memref<256x16xi32, #tpu.memory_space<vmem>>, %arg12: memref<256x16xi32, #tpu.memory_space<vmem>>, %arg13: memref<256x16xi32, #tpu.memory_space<vmem>>, %arg14: memref<256x16xi32, #tpu.memory_space<vmem>>, %arg15: memref<256xi32, #tpu.memory_space<vmem>>, %arg16: memref<256xi32, #tpu.memory_space<vmem>>, %arg17: memref<256xi32, #tpu.memory_space<vmem>>, %arg18: memref<256xi32, #tpu.memory_space<vmem>>, %arg19: memref<!tpu.dma_semaphore, #tpu.memory_space<semaphore_mem>>, %arg20: memref<!tpu.dma_semaphore, #tpu.memory_space<semaphore_mem>>, %arg21: memref<!tpu.dma_semaphore, #tpu.memory_space<semaphore_mem>>, %arg22: memref<!tpu.dma_semaphore, #tpu.memory_space<semaphore_mem>>, %arg23: memref<!tpu.dma_semaphore, #tpu.memory_space<semaphore_mem>>, %arg24: memref<!tpu.dma_semaphore, #tpu.memory_space<semaphore_mem>>, %arg25: memref<!tpu.dma_semaphore, #tpu.memory_space<semaphore_mem>>, %arg26: memref<!tpu.dma_semaphore, #tpu.memory_space<semaphore_mem>>) attributes {dimension_semantics = [#tpu.dimension_semantics<core_parallel>, #tpu.dimension_semantics<subcore_parallel>], iteration_bounds = array<i64: 2, 16>, scalar_prefetch = 0 : i64, scratch_operands = 17 : i64, tpu.core_type = #tpu.core_type<sc_vector_subcore>, window_params = [{transform_indices = #map}, {transform_indices = #map}, {transform_indices = #map}, {transform_indices = #map}, {transform_indices = #map1}, {transform_indices = #map1}, {transform_indices = #map2}, {transform_indices = #map2}]} {
    %mul3A = arith.constant 2 : i32
    %mul3A_0 = arith.muli %arg1, %mul3A : i32
    %add3A = arith.addi %mul3A_0, %arg0 : i32
    %iota3A = tpu.iota {dimensions = array<i32: 0>} : vector<16xi32>
    %dma_start3A = arith.constant 0 : i32
    %dma_start3A_1 = arith.constant 0 : i32
    %dma_start3A_2 = tpu.memref_slice %arg2[%add3A, %dma_start3A, %dma_start3A_1] : memref<32x64x256xi32, #tpu.memory_space<hbm>> -> memref<1x1x256xi32, #tpu.memory_space<hbm>>
    %dma_start3A_3 = tpu.memref_squeeze %dma_start3A_2 : memref<1x1x256xi32, #tpu.memory_space<hbm>> -> memref<256xi32, #tpu.memory_space<hbm>>
    %dma_start3A_4 = arith.constant 0 : i32
    %dma_start3A_5 = tpu.memref_slice %arg2[%add3A, %dma_start3A, %dma_start3A_4] : memref<32x64x256xi32, #tpu.memory_space<hbm>> -> memref<1x1x256xi32, #tpu.memory_space<hbm>>
    %dma_start3A_6 = tpu.memref_squeeze %dma_start3A_5 : memref<1x1x256xi32, #tpu.memory_space<hbm>> -> memref<256xi32, #tpu.memory_space<hbm>>
    tpu.enqueue_dma source(%dma_start3A_6 : memref<256xi32, #tpu.memory_space<hbm>>) target(%arg15 : memref<256xi32, #tpu.memory_space<vmem>>) target_semaphore(%arg23 : memref<!tpu.dma_semaphore, #tpu.memory_space<semaphore_mem>>)
    %dma_start3A_7 = arith.constant 0 : i32
    %dma_start3A_8 = arith.constant 0 : i32
    %dma_start3A_9 = tpu.memref_slice %arg3[%add3A, %dma_start3A_7, %dma_start3A_8] : memref<32x64x256xi32, #tpu.memory_space<hbm>> -> memref<1x1x256xi32, #tpu.memory_space<hbm>>
    %dma_start3A_10 = tpu.memref_squeeze %dma_start3A_9 : memref<1x1x256xi32, #tpu.memory_space<hbm>> -> memref<256xi32, #tpu.memory_space<hbm>>
    %dma_start3A_11 = arith.constant 0 : i32
    %dma_start3A_12 = tpu.memref_slice %arg3[%add3A, %dma_start3A_7, %dma_start3A_11] : memref<32x64x256xi32, #tpu.memory_space<hbm>> -> memref<1x1x256xi32, #tpu.memory_space<hbm>>
    %dma_start3A_13 = tpu.memref_squeeze %dma_start3A_12 : memref<1x1x256xi32, #tpu.memory_space<hbm>> -> memref<256xi32, #tpu.memory_space<hbm>>
    tpu.enqueue_dma source(%dma_start3A_13 : memref<256xi32, #tpu.memory_space<hbm>>) target(%arg17 : memref<256xi32, #tpu.memory_space<vmem>>) target_semaphore(%arg25 : memref<!tpu.dma_semaphore, #tpu.memory_space<semaphore_mem>>)
    %dma_start3A_14 = arith.constant 1 : i32
    %dma_start3A_15 = arith.constant 0 : i32
    %dma_start3A_16 = tpu.memref_slice %arg2[%add3A, %dma_start3A_14, %dma_start3A_15] : memref<32x64x256xi32, #tpu.memory_space<hbm>> -> memref<1x1x256xi32, #tpu.memory_space<hbm>>
    %dma_start3A_17 = tpu.memref_squeeze %dma_start3A_16 : memref<1x1x256xi32, #tpu.memory_space<hbm>> -> memref<256xi32, #tpu.memory_space<hbm>>
    %dma_start3A_18 = arith.constant 0 : i32
    %dma_start3A_19 = tpu.memref_slice %arg2[%add3A, %dma_start3A_14, %dma_start3A_18] : memref<32x64x256xi32, #tpu.memory_space<hbm>> -> memref<1x1x256xi32, #tpu.memory_space<hbm>>
    %dma_start3A_20 = tpu.memref_squeeze %dma_start3A_19 : memref<1x1x256xi32, #tpu.memory_space<hbm>> -> memref<256xi32, #tpu.memory_space<hbm>>
    tpu.enqueue_dma source(%dma_start3A_20 : memref<256xi32, #tpu.memory_space<hbm>>) target(%arg16 : memref<256xi32, #tpu.memory_space<vmem>>) target_semaphore(%arg24 : memref<!tpu.dma_semaphore, #tpu.memory_space<semaphore_mem>>)
    %dma_start3A_21 = arith.constant 1 : i32
    %dma_start3A_22 = arith.constant 0 : i32
    %dma_start3A_23 = tpu.memref_slice %arg3[%add3A, %dma_start3A_21, %dma_start3A_22] : memref<32x64x256xi32, #tpu.memory_space<hbm>> -> memref<1x1x256xi32, #tpu.memory_space<hbm>>
    %dma_start3A_24 = tpu.memref_squeeze %dma_start3A_23 : memref<1x1x256xi32, #tpu.memory_space<hbm>> -> memref<256xi32, #tpu.memory_space<hbm>>
    %dma_start3A_25 = arith.constant 0 : i32
    %dma_start3A_26 = tpu.memref_slice %arg3[%add3A, %dma_start3A_21, %dma_start3A_25] : memref<32x64x256xi32, #tpu.memory_space<hbm>> -> memref<1x1x256xi32, #tpu.memory_space<hbm>>
    %dma_start3A_27 = tpu.memref_squeeze %dma_start3A_26 : memref<1x1x256xi32, #tpu.memory_space<hbm>> -> memref<256xi32, #tpu.memory_space<hbm>>
    tpu.enqueue_dma source(%dma_start3A_27 : memref<256xi32, #tpu.memory_space<hbm>>) target(%arg18 : memref<256xi32, #tpu.memory_space<vmem>>) target_semaphore(%arg26 : memref<!tpu.dma_semaphore, #tpu.memory_space<semaphore_mem>>)
    %dma_wait3A = arith.constant 0 : i32
    %dma_wait3A_28 = arith.constant 0 : i32
    %dma_wait3A_29 = tpu.memref_slice %arg2[%add3A, %dma_wait3A, %dma_wait3A_28] : memref<32x64x256xi32, #tpu.memory_space<hbm>> -> memref<1x1x256xi32, #tpu.memory_space<hbm>>
    %dma_wait3A_30 = tpu.memref_squeeze %dma_wait3A_29 : memref<1x1x256xi32, #tpu.memory_space<hbm>> -> memref<256xi32, #tpu.memory_space<hbm>>
    %dma_wait3A_31 = arith.constant 0 : i32
    %dma_wait3A_32 = tpu.memref_slice %arg2[%add3A, %dma_wait3A, %dma_wait3A_31] : memref<32x64x256xi32, #tpu.memory_space<hbm>> -> memref<1x1x256xi32, #tpu.memory_space<hbm>>
    %dma_wait3A_33 = tpu.memref_squeeze %dma_wait3A_32 : memref<1x1x256xi32, #tpu.memory_space<hbm>> -> memref<256xi32, #tpu.memory_space<hbm>>
    tpu.wait_dma2 semaphore(%arg23 : memref<!tpu.dma_semaphore, #tpu.memory_space<semaphore_mem>>) src(%dma_wait3A_33 : memref<256xi32, #tpu.memory_space<hbm>>) dst(%arg15 : memref<256xi32, #tpu.memory_space<vmem>>)
    %dma_wait3A_34 = arith.constant 0 : i32
    %dma_wait3A_35 = arith.constant 0 : i32
    %dma_wait3A_36 = tpu.memref_slice %arg3[%add3A, %dma_wait3A_34, %dma_wait3A_35] : memref<32x64x256xi32, #tpu.memory_space<hbm>> -> memref<1x1x256xi32, #tpu.memory_space<hbm>>
    %dma_wait3A_37 = tpu.memref_squeeze %dma_wait3A_36 : memref<1x1x256xi32, #tpu.memory_space<hbm>> -> memref<256xi32, #tpu.memory_space<hbm>>
    %dma_wait3A_38 = arith.constant 0 : i32
    %dma_wait3A_39 = tpu.memref_slice %arg3[%add3A, %dma_wait3A_34, %dma_wait3A_38] : memref<32x64x256xi32, #tpu.memory_space<hbm>> -> memref<1x1x256xi32, #tpu.memory_space<hbm>>
    %dma_wait3A_40 = tpu.memref_squeeze %dma_wait3A_39 : memref<1x1x256xi32, #tpu.memory_space<hbm>> -> memref<256xi32, #tpu.memory_space<hbm>>
    tpu.wait_dma2 semaphore(%arg25 : memref<!tpu.dma_semaphore, #tpu.memory_space<semaphore_mem>>) src(%dma_wait3A_40 : memref<256xi32, #tpu.memory_space<hbm>>) dst(%arg17 : memref<256xi32, #tpu.memory_space<vmem>>)
    %dma_start3A_41 = arith.constant 0 : i32
    %dma_start3A_42 = arith.constant 0 : i32
    %dma_start3A_43 = tpu.memref_slice %arg6[%dma_start3A_41, %dma_start3A_42] : memref<100000x16xi32, #tpu.memory_space<hbm>> -> memref<100000x16xi32, #tpu.memory_space<hbm>>
    tpu.enqueue_indirect_dma source(%dma_start3A_43 : memref<100000x16xi32, #tpu.memory_space<hbm>>) target(%arg11 : memref<256x16xi32, #tpu.memory_space<vmem>>) offsets(%arg15 : memref<256xi32, #tpu.memory_space<vmem>>) semaphore(%arg19 : memref<!tpu.dma_semaphore, #tpu.memory_space<semaphore_mem>>)
    %dma_start3A_44 = arith.constant 0 : i32
    %dma_start3A_45 = arith.constant 0 : i32
    %dma_start3A_46 = tpu.memref_slice %arg7[%dma_start3A_44, %dma_start3A_45] : memref<1000000x16xi32, #tpu.memory_space<hbm>> -> memref<1000000x16xi32, #tpu.memory_space<hbm>>
    tpu.enqueue_indirect_dma source(%dma_start3A_46 : memref<1000000x16xi32, #tpu.memory_space<hbm>>) target(%arg13 : memref<256x16xi32, #tpu.memory_space<vmem>>) offsets(%arg17 : memref<256xi32, #tpu.memory_space<vmem>>) semaphore(%arg21 : memref<!tpu.dma_semaphore, #tpu.memory_space<semaphore_mem>>)
    %dma_wait3A_47 = arith.constant 1 : i32
    %dma_wait3A_48 = arith.constant 0 : i32
    %dma_wait3A_49 = tpu.memref_slice %arg2[%add3A, %dma_wait3A_47, %dma_wait3A_48] : memref<32x64x256xi32, #tpu.memory_space<hbm>> -> memref<1x1x256xi32, #tpu.memory_space<hbm>>
    %dma_wait3A_50 = tpu.memref_squeeze %dma_wait3A_49 : memref<1x1x256xi32, #tpu.memory_space<hbm>> -> memref<256xi32, #tpu.memory_space<hbm>>
    %dma_wait3A_51 = arith.constant 0 : i32
    %dma_wait3A_52 = tpu.memref_slice %arg2[%add3A, %dma_wait3A_47, %dma_wait3A_51] : memref<32x64x256xi32, #tpu.memory_space<hbm>> -> memref<1x1x256xi32, #tpu.memory_space<hbm>>
    %dma_wait3A_53 = tpu.memref_squeeze %dma_wait3A_52 : memref<1x1x256xi32, #tpu.memory_space<hbm>> -> memref<256xi32, #tpu.memory_space<hbm>>
    tpu.wait_dma2 semaphore(%arg24 : memref<!tpu.dma_semaphore, #tpu.memory_space<semaphore_mem>>) src(%dma_wait3A_53 : memref<256xi32, #tpu.memory_space<hbm>>) dst(%arg16 : memref<256xi32, #tpu.memory_space<vmem>>)
    %dma_wait3A_54 = arith.constant 1 : i32
    %dma_wait3A_55 = arith.constant 0 : i32
    %dma_wait3A_56 = tpu.memref_slice %arg3[%add3A, %dma_wait3A_54, %dma_wait3A_55] : memref<32x64x256xi32, #tpu.memory_space<hbm>> -> memref<1x1x256xi32, #tpu.memory_space<hbm>>
    %dma_wait3A_57 = tpu.memref_squeeze %dma_wait3A_56 : memref<1x1x256xi32, #tpu.memory_space<hbm>> -> memref<256xi32, #tpu.memory_space<hbm>>
    %dma_wait3A_58 = arith.constant 0 : i32
    %dma_wait3A_59 = tpu.memref_slice %arg3[%add3A, %dma_wait3A_54, %dma_wait3A_58] : memref<32x64x256xi32, #tpu.memory_space<hbm>> -> memref<1x1x256xi32, #tpu.memory_space<hbm>>
    %dma_wait3A_60 = tpu.memref_squeeze %dma_wait3A_59 : memref<1x1x256xi32, #tpu.memory_space<hbm>> -> memref<256xi32, #tpu.memory_space<hbm>>
    tpu.wait_dma2 semaphore(%arg26 : memref<!tpu.dma_semaphore, #tpu.memory_space<semaphore_mem>>) src(%dma_wait3A_60 : memref<256xi32, #tpu.memory_space<hbm>>) dst(%arg18 : memref<256xi32, #tpu.memory_space<vmem>>)
    %dma_start3A_61 = arith.constant 0 : i32
    %dma_start3A_62 = arith.constant 0 : i32
    %dma_start3A_63 = tpu.memref_slice %arg6[%dma_start3A_61, %dma_start3A_62] : memref<100000x16xi32, #tpu.memory_space<hbm>> -> memref<100000x16xi32, #tpu.memory_space<hbm>>
    tpu.enqueue_indirect_dma source(%dma_start3A_63 : memref<100000x16xi32, #tpu.memory_space<hbm>>) target(%arg12 : memref<256x16xi32, #tpu.memory_space<vmem>>) offsets(%arg16 : memref<256xi32, #tpu.memory_space<vmem>>) semaphore(%arg20 : memref<!tpu.dma_semaphore, #tpu.memory_space<semaphore_mem>>)
    %dma_start3A_64 = arith.constant 0 : i32
    %dma_start3A_65 = arith.constant 0 : i32
    %dma_start3A_66 = tpu.memref_slice %arg7[%dma_start3A_64, %dma_start3A_65] : memref<1000000x16xi32, #tpu.memory_space<hbm>> -> memref<1000000x16xi32, #tpu.memory_space<hbm>>
    tpu.enqueue_indirect_dma source(%dma_start3A_66 : memref<1000000x16xi32, #tpu.memory_space<hbm>>) target(%arg14 : memref<256x16xi32, #tpu.memory_space<vmem>>) offsets(%arg18 : memref<256xi32, #tpu.memory_space<vmem>>) semaphore(%arg22 : memref<!tpu.dma_semaphore, #tpu.memory_space<semaphore_mem>>)
    %scan3A = arith.constant 0 : i32
    %scan3A_67 = arith.constant 32 : i32
    %scan3A_68 = arith.addi %scan3A, %scan3A_67 : i32
    %scan3A_69 = arith.constant 1 : i32
    scf.for %scan3A_148 = %scan3A to %scan3A_68 step %scan3A_69  : i32 {
      %mul3A_149 = arith.constant 2 : i32
      %mul3A_150 = arith.muli %scan3A_148, %mul3A_149 : i32
      %add3A_151 = arith.constant 0 : i32
      %add3A_152 = arith.addi %add3A_151, %mul3A_150 : i32
      %add3A_153 = arith.constant 0 : i32
      %add3A_154 = arith.addi %add3A_152, %add3A_153 : i32
      %add3A_155 = arith.constant 2 : i32
      %add3A_156 = arith.addi %add3A_154, %add3A_155 : i32
      %dma_wait3A_157 = arith.constant 0 : i32
      %dma_wait3A_158 = arith.constant 0 : i32
      %dma_wait3A_159 = tpu.memref_slice %arg6[%dma_wait3A_157, %dma_wait3A_158] : memref<100000x16xi32, #tpu.memory_space<hbm>> -> memref<100000x16xi32, #tpu.memory_space<hbm>>
      tpu.wait_indirect_dma semaphore(%arg19 : memref<!tpu.dma_semaphore, #tpu.memory_space<semaphore_mem>>) src(%dma_wait3A_159 : memref<100000x16xi32, #tpu.memory_space<hbm>>) dst(%arg11 : memref<256x16xi32, #tpu.memory_space<vmem>>)
      %dma_wait3A_160 = arith.constant 0 : i32
      %dma_wait3A_161 = arith.constant 0 : i32
      %dma_wait3A_162 = tpu.memref_slice %arg7[%dma_wait3A_160, %dma_wait3A_161] : memref<1000000x16xi32, #tpu.memory_space<hbm>> -> memref<1000000x16xi32, #tpu.memory_space<hbm>>
      tpu.wait_indirect_dma semaphore(%arg21 : memref<!tpu.dma_semaphore, #tpu.memory_space<semaphore_mem>>) src(%dma_wait3A_162 : memref<1000000x16xi32, #tpu.memory_space<hbm>>) dst(%arg13 : memref<256x16xi32, #tpu.memory_space<vmem>>)
      %lt3A = arith.constant 64 : i32
      %lt3A_163 = arith.cmpi slt, %add3A_156, %lt3A : i32
      %convert_element_type3A = arith.extui %lt3A_163 : i1 to i32
      %cond3A = arith.constant 0 : i32
      %cond3A_164 = arith.cmpi ne, %convert_element_type3A, %cond3A : i32
      scf.if %cond3A_164 {
        %dma_start3A_200 = arith.constant 0 : i32
        %dma_start3A_201 = tpu.memref_slice %arg2[%add3A, %add3A_156, %dma_start3A_200] : memref<32x64x256xi32, #tpu.memory_space<hbm>> -> memref<1x1x256xi32, #tpu.memory_space<hbm>>
        %dma_start3A_202 = tpu.memref_squeeze %dma_start3A_201 : memref<1x1x256xi32, #tpu.memory_space<hbm>> -> memref<256xi32, #tpu.memory_space<hbm>>
        %dma_start3A_203 = arith.constant 0 : i32
        %dma_start3A_204 = tpu.memref_slice %arg2[%add3A, %add3A_156, %dma_start3A_203] : memref<32x64x256xi32, #tpu.memory_space<hbm>> -> memref<1x1x256xi32, #tpu.memory_space<hbm>>
        %dma_start3A_205 = tpu.memref_squeeze %dma_start3A_204 : memref<1x1x256xi32, #tpu.memory_space<hbm>> -> memref<256xi32, #tpu.memory_space<hbm>>
        tpu.enqueue_dma source(%dma_start3A_205 : memref<256xi32, #tpu.memory_space<hbm>>) target(%arg15 : memref<256xi32, #tpu.memory_space<vmem>>) target_semaphore(%arg23 : memref<!tpu.dma_semaphore, #tpu.memory_space<semaphore_mem>>)
        %dma_start3A_206 = arith.constant 0 : i32
        %dma_start3A_207 = tpu.memref_slice %arg3[%add3A, %add3A_156, %dma_start3A_206] : memref<32x64x256xi32, #tpu.memory_space<hbm>> -> memref<1x1x256xi32, #tpu.memory_space<hbm>>
        %dma_start3A_208 = tpu.memref_squeeze %dma_start3A_207 : memref<1x1x256xi32, #tpu.memory_space<hbm>> -> memref<256xi32, #tpu.memory_space<hbm>>
        %dma_start3A_209 = arith.constant 0 : i32
        %dma_start3A_210 = tpu.memref_slice %arg3[%add3A, %add3A_156, %dma_start3A_209] : memref<32x64x256xi32, #tpu.memory_space<hbm>> -> memref<1x1x256xi32, #tpu.memory_space<hbm>>
        %dma_start3A_211 = tpu.memref_squeeze %dma_start3A_210 : memref<1x1x256xi32, #tpu.memory_space<hbm>> -> memref<256xi32, #tpu.memory_space<hbm>>
        tpu.enqueue_dma source(%dma_start3A_211 : memref<256xi32, #tpu.memory_space<hbm>>) target(%arg17 : memref<256xi32, #tpu.memory_space<vmem>>) target_semaphore(%arg25 : memref<!tpu.dma_semaphore, #tpu.memory_space<semaphore_mem>>)
      } else {
      }
      %scan3A_165 = arith.constant 0 : i32
      %scan3A_166 = arith.constant 16 : i32
      %scan3A_167 = arith.addi %scan3A_165, %scan3A_166 : i32
      %scan3A_168 = arith.constant 1 : i32
      scf.for %scan3A_200 = %scan3A_165 to %scan3A_167 step %scan3A_168  : i32 {
        %mul3A_201 = arith.constant 1 : i32
        %mul3A_202 = arith.muli %scan3A_200, %mul3A_201 : i32
        %add3A_203 = arith.constant 0 : i32
        %add3A_204 = arith.addi %add3A_203, %mul3A_202 : i32
        %mul3A_205 = arith.constant 16 : i32
        %mul3A_206 = arith.muli %add3A_204, %mul3A_205 : i32
        %add3A_207 = vector.broadcast %mul3A_206 : i32 to vector<16xi32>
        %add3A_208 = arith.addi %add3A_207, %iota3A : vector<16xi32>
        %broadcast_in_dim3A = arith.constant 0.000000e+00 : f32
        %broadcast_in_dim3A_209 = vector.broadcast %broadcast_in_dim3A : f32 to vector<16xf32>
        %broadcast_in_dim3A_210 = arith.constant 0 : i32
        %broadcast_in_dim3A_211 = vector.broadcast %broadcast_in_dim3A_210 : i32 to vector<16xi32>
        %gather3A = tpu.vector_load_idx %arg11[%add3A_208, %broadcast_in_dim3A_211] : memref<256x16xi32, #tpu.memory_space<vmem>>[vector<16xi32>, vector<16xi32>], vector<16xi32>,
        %gather3A_212 = tpu.vector_load_idx %arg13[%add3A_208, %broadcast_in_dim3A_211] : memref<256x16xi32, #tpu.memory_space<vmem>>[vector<16xi32>, vector<16xi32>], vector<16xi32>,
        %bitcast3A = vector.bitcast %gather3A : vector<16xi32> to vector<32xbf16>
        %unpack3A = tpu.unpack_subelements %bitcast3A, 0 {pack_format = #tpu.pack_format<interleaved>} : vector<32xbf16> -> vector<16xf32>
        %unpack3A_213 = tpu.unpack_subelements %bitcast3A, 1 {pack_format = #tpu.pack_format<interleaved>} : vector<32xbf16> -> vector<16xf32>
        %bitcast3A_214 = vector.bitcast %gather3A_212 : vector<16xi32> to vector<32xbf16>
        %unpack3A_215 = tpu.unpack_subelements %bitcast3A_214, 0 {pack_format = #tpu.pack_format<interleaved>} : vector<32xbf16> -> vector<16xf32>
        %unpack3A_216 = tpu.unpack_subelements %bitcast3A_214, 1 {pack_format = #tpu.pack_format<interleaved>} : vector<32xbf16> -> vector<16xf32>
        %mul3A_217 = arith.mulf %unpack3A, %unpack3A_215 : vector<16xf32>
        %add3A_218 = arith.addf %broadcast_in_dim3A_209, %mul3A_217 : vector<16xf32>
        %mul3A_219 = arith.mulf %unpack3A_213, %unpack3A_216 : vector<16xf32>
        %add3A_220 = arith.addf %add3A_218, %mul3A_219 : vector<16xf32>
        %add3A_221 = arith.constant 1 : i32
        %add3A_222 = vector.broadcast %add3A_221 : i32 to vector<16xi32>
        %add3A_223 = arith.addi %broadcast_in_dim3A_211, %add3A_222 : vector<16xi32>
        %gather3A_224 = tpu.vector_load_idx %arg11[%add3A_208, %add3A_223] : memref<256x16xi32, #tpu.memory_space<vmem>>[vector<16xi32>, vector<16xi32>], vector<16xi32>,
        %gather3A_225 = tpu.vector_load_idx %arg13[%add3A_208, %add3A_223] : memref<256x16xi32, #tpu.memory_space<vmem>>[vector<16xi32>, vector<16xi32>], vector<16xi32>,
        %bitcast3A_226 = vector.bitcast %gather3A_224 : vector<16xi32> to vector<32xbf16>
        %unpack3A_227 = tpu.unpack_subelements %bitcast3A_226, 0 {pack_format = #tpu.pack_format<interleaved>} : vector<32xbf16> -> vector<16xf32>
        %unpack3A_228 = tpu.unpack_subelements %bitcast3A_226, 1 {pack_format = #tpu.pack_format<interleaved>} : vector<32xbf16> -> vector<16xf32>
        %bitcast3A_229 = vector.bitcast %gather3A_225 : vector<16xi32> to vector<32xbf16>
        %unpack3A_230 = tpu.unpack_subelements %bitcast3A_229, 0 {pack_format = #tpu.pack_format<interleaved>} : vector<32xbf16> -> vector<16xf32>
        %unpack3A_231 = tpu.unpack_subelements %bitcast3A_229, 1 {pack_format = #tpu.pack_format<interleaved>} : vector<32xbf16> -> vector<16xf32>
        %mul3A_232 = arith.mulf %unpack3A_227, %unpack3A_230 : vector<16xf32>
        %add3A_233 = arith.addf %add3A_220, %mul3A_232 : vector<16xf32>
        %mul3A_234 = arith.mulf %unpack3A_228, %unpack3A_231 : vector<16xf32>
        %add3A_235 = arith.addf %add3A_233, %mul3A_234 : vector<16xf32>
        %add3A_236 = arith.constant 1 : i32
        %add3A_237 = vector.broadcast %add3A_236 : i32 to vector<16xi32>
        %add3A_238 = arith.addi %add3A_223, %add3A_237 : vector<16xi32>
        %gather3A_239 = tpu.vector_load_idx %arg11[%add3A_208, %add3A_238] : memref<256x16xi32, #tpu.memory_space<vmem>>[vector<16xi32>, vector<16xi32>], vector<16xi32>,
        %gather3A_240 = tpu.vector_load_idx %arg13[%add3A_208, %add3A_238] : memref<256x16xi32, #tpu.memory_space<vmem>>[vector<16xi32>, vector<16xi32>], vector<16xi32>,
        %bitcast3A_241 = vector.bitcast %gather3A_239 : vector<16xi32> to vector<32xbf16>
        %unpack3A_242 = tpu.unpack_subelements %bitcast3A_241, 0 {pack_format = #tpu.pack_format<interleaved>} : vector<32xbf16> -> vector<16xf32>
        %unpack3A_243 = tpu.unpack_subelements %bitcast3A_241, 1 {pack_format = #tpu.pack_format<interleaved>} : vector<32xbf16> -> vector<16xf32>
        %bitcast3A_244 = vector.bitcast %gather3A_240 : vector<16xi32> to vector<32xbf16>
        %unpack3A_245 = tpu.unpack_subelements %bitcast3A_244, 0 {pack_format = #tpu.pack_format<interleaved>} : vector<32xbf16> -> vector<16xf32>
        %unpack3A_246 = tpu.unpack_subelements %bitcast3A_244, 1 {pack_format = #tpu.pack_format<interleaved>} : vector<32xbf16> -> vector<16xf32>
        %mul3A_247 = arith.mulf %unpack3A_242, %unpack3A_245 : vector<16xf32>
        %add3A_248 = arith.addf %add3A_235, %mul3A_247 : vector<16xf32>
        %mul3A_249 = arith.mulf %unpack3A_243, %unpack3A_246 : vector<16xf32>
        %add3A_250 = arith.addf %add3A_248, %mul3A_249 : vector<16xf32>
        %add3A_251 = arith.constant 1 : i32
        %add3A_252 = vector.broadcast %add3A_251 : i32 to vector<16xi32>
        %add3A_253 = arith.addi %add3A_238, %add3A_252 : vector<16xi32>
        %gather3A_254 = tpu.vector_load_idx %arg11[%add3A_208, %add3A_253] : memref<256x16xi32, #tpu.memory_space<vmem>>[vector<16xi32>, vector<16xi32>], vector<16xi32>,
        %gather3A_255 = tpu.vector_load_idx %arg13[%add3A_208, %add3A_253] : memref<256x16xi32, #tpu.memory_space<vmem>>[vector<16xi32>, vector<16xi32>], vector<16xi32>,
        %bitcast3A_256 = vector.bitcast %gather3A_254 : vector<16xi32> to vector<32xbf16>
        %unpack3A_257 = tpu.unpack_subelements %bitcast3A_256, 0 {pack_format = #tpu.pack_format<interleaved>} : vector<32xbf16> -> vector<16xf32>
        %unpack3A_258 = tpu.unpack_subelements %bitcast3A_256, 1 {pack_format = #tpu.pack_format<interleaved>} : vector<32xbf16> -> vector<16xf32>
        %bitcast3A_259 = vector.bitcast %gather3A_255 : vector<16xi32> to vector<32xbf16>
        %unpack3A_260 = tpu.unpack_subelements %bitcast3A_259, 0 {pack_format = #tpu.pack_format<interleaved>} : vector<32xbf16> -> vector<16xf32>
        %unpack3A_261 = tpu.unpack_subelements %bitcast3A_259, 1 {pack_format = #tpu.pack_format<interleaved>} : vector<32xbf16> -> vector<16xf32>
        %mul3A_262 = arith.mulf %unpack3A_257, %unpack3A_260 : vector<16xf32>
        %add3A_263 = arith.addf %add3A_250, %mul3A_262 : vector<16xf32>
        %mul3A_264 = arith.mulf %unpack3A_258, %unpack3A_261 : vector<16xf32>
        %add3A_265 = arith.addf %add3A_263, %mul3A_264 : vector<16xf32>
        %add3A_266 = arith.constant 1 : i32
        %add3A_267 = vector.broadcast %add3A_266 : i32 to vector<16xi32>
        %add3A_268 = arith.addi %add3A_253, %add3A_267 : vector<16xi32>
        %gather3A_269 = tpu.vector_load_idx %arg11[%add3A_208, %add3A_268] : memref<256x16xi32, #tpu.memory_space<vmem>>[vector<16xi32>, vector<16xi32>], vector<16xi32>,
        %gather3A_270 = tpu.vector_load_idx %arg13[%add3A_208, %add3A_268] : memref<256x16xi32, #tpu.memory_space<vmem>>[vector<16xi32>, vector<16xi32>], vector<16xi32>,
        %bitcast3A_271 = vector.bitcast %gather3A_269 : vector<16xi32> to vector<32xbf16>
        %unpack3A_272 = tpu.unpack_subelements %bitcast3A_271, 0 {pack_format = #tpu.pack_format<interleaved>} : vector<32xbf16> -> vector<16xf32>
        %unpack3A_273 = tpu.unpack_subelements %bitcast3A_271, 1 {pack_format = #tpu.pack_format<interleaved>} : vector<32xbf16> -> vector<16xf32>
        %bitcast3A_274 = vector.bitcast %gather3A_270 : vector<16xi32> to vector<32xbf16>
        %unpack3A_275 = tpu.unpack_subelements %bitcast3A_274, 0 {pack_format = #tpu.pack_format<interleaved>} : vector<32xbf16> -> vector<16xf32>
        %unpack3A_276 = tpu.unpack_subelements %bitcast3A_274, 1 {pack_format = #tpu.pack_format<interleaved>} : vector<32xbf16> -> vector<16xf32>
        %mul3A_277 = arith.mulf %unpack3A_272, %unpack3A_275 : vector<16xf32>
        %add3A_278 = arith.addf %add3A_265, %mul3A_277 : vector<16xf32>
        %mul3A_279 = arith.mulf %unpack3A_273, %unpack3A_276 : vector<16xf32>
        %add3A_280 = arith.addf %add3A_278, %mul3A_279 : vector<16xf32>
        %add3A_281 = arith.constant 1 : i32
        %add3A_282 = vector.broadcast %add3A_281 : i32 to vector<16xi32>
        %add3A_283 = arith.addi %add3A_268, %add3A_282 : vector<16xi32>
        %gather3A_284 = tpu.vector_load_idx %arg11[%add3A_208, %add3A_283] : memref<256x16xi32, #tpu.memory_space<vmem>>[vector<16xi32>, vector<16xi32>], vector<16xi32>,
        %gather3A_285 = tpu.vector_load_idx %arg13[%add3A_208, %add3A_283] : memref<256x16xi32, #tpu.memory_space<vmem>>[vector<16xi32>, vector<16xi32>], vector<16xi32>,
        %bitcast3A_286 = vector.bitcast %gather3A_284 : vector<16xi32> to vector<32xbf16>
        %unpack3A_287 = tpu.unpack_subelements %bitcast3A_286, 0 {pack_format = #tpu.pack_format<interleaved>} : vector<32xbf16> -> vector<16xf32>
        %unpack3A_288 = tpu.unpack_subelements %bitcast3A_286, 1 {pack_format = #tpu.pack_format<interleaved>} : vector<32xbf16> -> vector<16xf32>
        %bitcast3A_289 = vector.bitcast %gather3A_285 : vector<16xi32> to vector<32xbf16>
        %unpack3A_290 = tpu.unpack_subelements %bitcast3A_289, 0 {pack_format = #tpu.pack_format<interleaved>} : vector<32xbf16> -> vector<16xf32>
        %unpack3A_291 = tpu.unpack_subelements %bitcast3A_289, 1 {pack_format = #tpu.pack_format<interleaved>} : vector<32xbf16> -> vector<16xf32>
        %mul3A_292 = arith.mulf %unpack3A_287, %unpack3A_290 : vector<16xf32>
        %add3A_293 = arith.addf %add3A_280, %mul3A_292 : vector<16xf32>
        %mul3A_294 = arith.mulf %unpack3A_288, %unpack3A_291 : vector<16xf32>
        %add3A_295 = arith.addf %add3A_293, %mul3A_294 : vector<16xf32>
        %add3A_296 = arith.constant 1 : i32
        %add3A_297 = vector.broadcast %add3A_296 : i32 to vector<16xi32>
        %add3A_298 = arith.addi %add3A_283, %add3A_297 : vector<16xi32>
        %gather3A_299 = tpu.vector_load_idx %arg11[%add3A_208, %add3A_298] : memref<256x16xi32, #tpu.memory_space<vmem>>[vector<16xi32>, vector<16xi32>], vector<16xi32>,
        %gather3A_300 = tpu.vector_load_idx %arg13[%add3A_208, %add3A_298] : memref<256x16xi32, #tpu.memory_space<vmem>>[vector<16xi32>, vector<16xi32>], vector<16xi32>,
        %bitcast3A_301 = vector.bitcast %gather3A_299 : vector<16xi32> to vector<32xbf16>
        %unpack3A_302 = tpu.unpack_subelements %bitcast3A_301, 0 {pack_format = #tpu.pack_format<interleaved>} : vector<32xbf16> -> vector<16xf32>
        %unpack3A_303 = tpu.unpack_subelements %bitcast3A_301, 1 {pack_format = #tpu.pack_format<interleaved>} : vector<32xbf16> -> vector<16xf32>
        %bitcast3A_304 = vector.bitcast %gather3A_300 : vector<16xi32> to vector<32xbf16>
        %unpack3A_305 = tpu.unpack_subelements %bitcast3A_304, 0 {pack_format = #tpu.pack_format<interleaved>} : vector<32xbf16> -> vector<16xf32>
        %unpack3A_306 = tpu.unpack_subelements %bitcast3A_304, 1 {pack_format = #tpu.pack_format<interleaved>} : vector<32xbf16> -> vector<16xf32>
        %mul3A_307 = arith.mulf %unpack3A_302, %unpack3A_305 : vector<16xf32>
        %add3A_308 = arith.addf %add3A_295, %mul3A_307 : vector<16xf32>
        %mul3A_309 = arith.mulf %unpack3A_303, %unpack3A_306 : vector<16xf32>
        %add3A_310 = arith.addf %add3A_308, %mul3A_309 : vector<16xf32>
        %add3A_311 = arith.constant 1 : i32
        %add3A_312 = vector.broadcast %add3A_311 : i32 to vector<16xi32>
        %add3A_313 = arith.addi %add3A_298, %add3A_312 : vector<16xi32>
        %gather3A_314 = tpu.vector_load_idx %arg11[%add3A_208, %add3A_313] : memref<256x16xi32, #tpu.memory_space<vmem>>[vector<16xi32>, vector<16xi32>], vector<16xi32>,
        %gather3A_315 = tpu.vector_load_idx %arg13[%add3A_208, %add3A_313] : memref<256x16xi32, #tpu.memory_space<vmem>>[vector<16xi32>, vector<16xi32>], vector<16xi32>,
        %bitcast3A_316 = vector.bitcast %gather3A_314 : vector<16xi32> to vector<32xbf16>
        %unpack3A_317 = tpu.unpack_subelements %bitcast3A_316, 0 {pack_format = #tpu.pack_format<interleaved>} : vector<32xbf16> -> vector<16xf32>
        %unpack3A_318 = tpu.unpack_subelements %bitcast3A_316, 1 {pack_format = #tpu.pack_format<interleaved>} : vector<32xbf16> -> vector<16xf32>
        %bitcast3A_319 = vector.bitcast %gather3A_315 : vector<16xi32> to vector<32xbf16>
        %unpack3A_320 = tpu.unpack_subelements %bitcast3A_319, 0 {pack_format = #tpu.pack_format<interleaved>} : vector<32xbf16> -> vector<16xf32>
        %unpack3A_321 = tpu.unpack_subelements %bitcast3A_319, 1 {pack_format = #tpu.pack_format<interleaved>} : vector<32xbf16> -> vector<16xf32>
        %mul3A_322 = arith.mulf %unpack3A_317, %unpack3A_320 : vector<16xf32>
        %add3A_323 = arith.addf %add3A_310, %mul3A_322 : vector<16xf32>
        %mul3A_324 = arith.mulf %unpack3A_318, %unpack3A_321 : vector<16xf32>
        %add3A_325 = arith.addf %add3A_323, %mul3A_324 : vector<16xf32>
        %add3A_326 = arith.constant 1 : i32
        %add3A_327 = vector.broadcast %add3A_326 : i32 to vector<16xi32>
        %add3A_328 = arith.addi %add3A_313, %add3A_327 : vector<16xi32>
        %gather3A_329 = tpu.vector_load_idx %arg11[%add3A_208, %add3A_328] : memref<256x16xi32, #tpu.memory_space<vmem>>[vector<16xi32>, vector<16xi32>], vector<16xi32>,
        %gather3A_330 = tpu.vector_load_idx %arg13[%add3A_208, %add3A_328] : memref<256x16xi32, #tpu.memory_space<vmem>>[vector<16xi32>, vector<16xi32>], vector<16xi32>,
        %bitcast3A_331 = vector.bitcast %gather3A_329 : vector<16xi32> to vector<32xbf16>
        %unpack3A_332 = tpu.unpack_subelements %bitcast3A_331, 0 {pack_format = #tpu.pack_format<interleaved>} : vector<32xbf16> -> vector<16xf32>
        %unpack3A_333 = tpu.unpack_subelements %bitcast3A_331, 1 {pack_format = #tpu.pack_format<interleaved>} : vector<32xbf16> -> vector<16xf32>
        %bitcast3A_334 = vector.bitcast %gather3A_330 : vector<16xi32> to vector<32xbf16>
        %unpack3A_335 = tpu.unpack_subelements %bitcast3A_334, 0 {pack_format = #tpu.pack_format<interleaved>} : vector<32xbf16> -> vector<16xf32>
        %unpack3A_336 = tpu.unpack_subelements %bitcast3A_334, 1 {pack_format = #tpu.pack_format<interleaved>} : vector<32xbf16> -> vector<16xf32>
        %mul3A_337 = arith.mulf %unpack3A_332, %unpack3A_335 : vector<16xf32>
        %add3A_338 = arith.addf %add3A_325, %mul3A_337 : vector<16xf32>
        %mul3A_339 = arith.mulf %unpack3A_333, %unpack3A_336 : vector<16xf32>
        %add3A_340 = arith.addf %add3A_338, %mul3A_339 : vector<16xf32>
        %add3A_341 = arith.constant 1 : i32
        %add3A_342 = vector.broadcast %add3A_341 : i32 to vector<16xi32>
        %add3A_343 = arith.addi %add3A_328, %add3A_342 : vector<16xi32>
        %gather3A_344 = tpu.vector_load_idx %arg11[%add3A_208, %add3A_343] : memref<256x16xi32, #tpu.memory_space<vmem>>[vector<16xi32>, vector<16xi32>], vector<16xi32>,
        %gather3A_345 = tpu.vector_load_idx %arg13[%add3A_208, %add3A_343] : memref<256x16xi32, #tpu.memory_space<vmem>>[vector<16xi32>, vector<16xi32>], vector<16xi32>,
        %bitcast3A_346 = vector.bitcast %gather3A_344 : vector<16xi32> to vector<32xbf16>
        %unpack3A_347 = tpu.unpack_subelements %bitcast3A_346, 0 {pack_format = #tpu.pack_format<interleaved>} : vector<32xbf16> -> vector<16xf32>
        %unpack3A_348 = tpu.unpack_subelements %bitcast3A_346, 1 {pack_format = #tpu.pack_format<interleaved>} : vector<32xbf16> -> vector<16xf32>
        %bitcast3A_349 = vector.bitcast %gather3A_345 : vector<16xi32> to vector<32xbf16>
        %unpack3A_350 = tpu.unpack_subelements %bitcast3A_349, 0 {pack_format = #tpu.pack_format<interleaved>} : vector<32xbf16> -> vector<16xf32>
        %unpack3A_351 = tpu.unpack_subelements %bitcast3A_349, 1 {pack_format = #tpu.pack_format<interleaved>} : vector<32xbf16> -> vector<16xf32>
        %mul3A_352 = arith.mulf %unpack3A_347, %unpack3A_350 : vector<16xf32>
        %add3A_353 = arith.addf %add3A_340, %mul3A_352 : vector<16xf32>
        %mul3A_354 = arith.mulf %unpack3A_348, %unpack3A_351 : vector<16xf32>
        %add3A_355 = arith.addf %add3A_353, %mul3A_354 : vector<16xf32>
        %add3A_356 = arith.constant 1 : i32
        %add3A_357 = vector.broadcast %add3A_356 : i32 to vector<16xi32>
        %add3A_358 = arith.addi %add3A_343, %add3A_357 : vector<16xi32>
        %gather3A_359 = tpu.vector_load_idx %arg11[%add3A_208, %add3A_358] : memref<256x16xi32, #tpu.memory_space<vmem>>[vector<16xi32>, vector<16xi32>], vector<16xi32>,
        %gather3A_360 = tpu.vector_load_idx %arg13[%add3A_208, %add3A_358] : memref<256x16xi32, #tpu.memory_space<vmem>>[vector<16xi32>, vector<16xi32>], vector<16xi32>,
        %bitcast3A_361 = vector.bitcast %gather3A_359 : vector<16xi32> to vector<32xbf16>
        %unpack3A_362 = tpu.unpack_subelements %bitcast3A_361, 0 {pack_format = #tpu.pack_format<interleaved>} : vector<32xbf16> -> vector<16xf32>
        %unpack3A_363 = tpu.unpack_subelements %bitcast3A_361, 1 {pack_format = #tpu.pack_format<interleaved>} : vector<32xbf16> -> vector<16xf32>
        %bitcast3A_364 = vector.bitcast %gather3A_360 : vector<16xi32> to vector<32xbf16>
        %unpack3A_365 = tpu.unpack_subelements %bitcast3A_364, 0 {pack_format = #tpu.pack_format<interleaved>} : vector<32xbf16> -> vector<16xf32>
        %unpack3A_366 = tpu.unpack_subelements %bitcast3A_364, 1 {pack_format = #tpu.pack_format<interleaved>} : vector<32xbf16> -> vector<16xf32>
        %mul3A_367 = arith.mulf %unpack3A_362, %unpack3A_365 : vector<16xf32>
        %add3A_368 = arith.addf %add3A_355, %mul3A_367 : vector<16xf32>
        %mul3A_369 = arith.mulf %unpack3A_363, %unpack3A_366 : vector<16xf32>
        %add3A_370 = arith.addf %add3A_368, %mul3A_369 : vector<16xf32>
        %add3A_371 = arith.constant 1 : i32
        %add3A_372 = vector.broadcast %add3A_371 : i32 to vector<16xi32>
        %add3A_373 = arith.addi %add3A_358, %add3A_372 : vector<16xi32>
        %gather3A_374 = tpu.vector_load_idx %arg11[%add3A_208, %add3A_373] : memref<256x16xi32, #tpu.memory_space<vmem>>[vector<16xi32>, vector<16xi32>], vector<16xi32>,
        %gather3A_375 = tpu.vector_load_idx %arg13[%add3A_208, %add3A_373] : memref<256x16xi32, #tpu.memory_space<vmem>>[vector<16xi32>, vector<16xi32>], vector<16xi32>,
        %bitcast3A_376 = vector.bitcast %gather3A_374 : vector<16xi32> to vector<32xbf16>
        %unpack3A_377 = tpu.unpack_subelements %bitcast3A_376, 0 {pack_format = #tpu.pack_format<interleaved>} : vector<32xbf16> -> vector<16xf32>
        %unpack3A_378 = tpu.unpack_subelements %bitcast3A_376, 1 {pack_format = #tpu.pack_format<interleaved>} : vector<32xbf16> -> vector<16xf32>
        %bitcast3A_379 = vector.bitcast %gather3A_375 : vector<16xi32> to vector<32xbf16>
        %unpack3A_380 = tpu.unpack_subelements %bitcast3A_379, 0 {pack_format = #tpu.pack_format<interleaved>} : vector<32xbf16> -> vector<16xf32>
        %unpack3A_381 = tpu.unpack_subelements %bitcast3A_379, 1 {pack_format = #tpu.pack_format<interleaved>} : vector<32xbf16> -> vector<16xf32>
        %mul3A_382 = arith.mulf %unpack3A_377, %unpack3A_380 : vector<16xf32>
        %add3A_383 = arith.addf %add3A_370, %mul3A_382 : vector<16xf32>
        %mul3A_384 = arith.mulf %unpack3A_378, %unpack3A_381 : vector<16xf32>
        %add3A_385 = arith.addf %add3A_383, %mul3A_384 : vector<16xf32>
        %add3A_386 = arith.constant 1 : i32
        %add3A_387 = vector.broadcast %add3A_386 : i32 to vector<16xi32>
        %add3A_388 = arith.addi %add3A_373, %add3A_387 : vector<16xi32>
        %gather3A_389 = tpu.vector_load_idx %arg11[%add3A_208, %add3A_388] : memref<256x16xi32, #tpu.memory_space<vmem>>[vector<16xi32>, vector<16xi32>], vector<16xi32>,
        %gather3A_390 = tpu.vector_load_idx %arg13[%add3A_208, %add3A_388] : memref<256x16xi32, #tpu.memory_space<vmem>>[vector<16xi32>, vector<16xi32>], vector<16xi32>,
        %bitcast3A_391 = vector.bitcast %gather3A_389 : vector<16xi32> to vector<32xbf16>
        %unpack3A_392 = tpu.unpack_subelements %bitcast3A_391, 0 {pack_format = #tpu.pack_format<interleaved>} : vector<32xbf16> -> vector<16xf32>
        %unpack3A_393 = tpu.unpack_subelements %bitcast3A_391, 1 {pack_format = #tpu.pack_format<interleaved>} : vector<32xbf16> -> vector<16xf32>
        %bitcast3A_394 = vector.bitcast %gather3A_390 : vector<16xi32> to vector<32xbf16>
        %unpack3A_395 = tpu.unpack_subelements %bitcast3A_394, 0 {pack_format = #tpu.pack_format<interleaved>} : vector<32xbf16> -> vector<16xf32>
        %unpack3A_396 = tpu.unpack_subelements %bitcast3A_394, 1 {pack_format = #tpu.pack_format<interleaved>} : vector<32xbf16> -> vector<16xf32>
        %mul3A_397 = arith.mulf %unpack3A_392, %unpack3A_395 : vector<16xf32>
        %add3A_398 = arith.addf %add3A_385, %mul3A_397 : vector<16xf32>
        %mul3A_399 = arith.mulf %unpack3A_393, %unpack3A_396 : vector<16xf32>
        %add3A_400 = arith.addf %add3A_398, %mul3A_399 : vector<16xf32>
        %add3A_401 = arith.constant 1 : i32
        %add3A_402 = vector.broadcast %add3A_401 : i32 to vector<16xi32>
        %add3A_403 = arith.addi %add3A_388, %add3A_402 : vector<16xi32>
        %gather3A_404 = tpu.vector_load_idx %arg11[%add3A_208, %add3A_403] : memref<256x16xi32, #tpu.memory_space<vmem>>[vector<16xi32>, vector<16xi32>], vector<16xi32>,
        %gather3A_405 = tpu.vector_load_idx %arg13[%add3A_208, %add3A_403] : memref<256x16xi32, #tpu.memory_space<vmem>>[vector<16xi32>, vector<16xi32>], vector<16xi32>,
        %bitcast3A_406 = vector.bitcast %gather3A_404 : vector<16xi32> to vector<32xbf16>
        %unpack3A_407 = tpu.unpack_subelements %bitcast3A_406, 0 {pack_format = #tpu.pack_format<interleaved>} : vector<32xbf16> -> vector<16xf32>
        %unpack3A_408 = tpu.unpack_subelements %bitcast3A_406, 1 {pack_format = #tpu.pack_format<interleaved>} : vector<32xbf16> -> vector<16xf32>
        %bitcast3A_409 = vector.bitcast %gather3A_405 : vector<16xi32> to vector<32xbf16>
        %unpack3A_410 = tpu.unpack_subelements %bitcast3A_409, 0 {pack_format = #tpu.pack_format<interleaved>} : vector<32xbf16> -> vector<16xf32>
        %unpack3A_411 = tpu.unpack_subelements %bitcast3A_409, 1 {pack_format = #tpu.pack_format<interleaved>} : vector<32xbf16> -> vector<16xf32>
        %mul3A_412 = arith.mulf %unpack3A_407, %unpack3A_410 : vector<16xf32>
        %add3A_413 = arith.addf %add3A_400, %mul3A_412 : vector<16xf32>
        %mul3A_414 = arith.mulf %unpack3A_408, %unpack3A_411 : vector<16xf32>
        %add3A_415 = arith.addf %add3A_413, %mul3A_414 : vector<16xf32>
        %add3A_416 = arith.constant 1 : i32
        %add3A_417 = vector.broadcast %add3A_416 : i32 to vector<16xi32>
        %add3A_418 = arith.addi %add3A_403, %add3A_417 : vector<16xi32>
        %gather3A_419 = tpu.vector_load_idx %arg11[%add3A_208, %add3A_418] : memref<256x16xi32, #tpu.memory_space<vmem>>[vector<16xi32>, vector<16xi32>], vector<16xi32>,
        %gather3A_420 = tpu.vector_load_idx %arg13[%add3A_208, %add3A_418] : memref<256x16xi32, #tpu.memory_space<vmem>>[vector<16xi32>, vector<16xi32>], vector<16xi32>,
        %bitcast3A_421 = vector.bitcast %gather3A_419 : vector<16xi32> to vector<32xbf16>
        %unpack3A_422 = tpu.unpack_subelements %bitcast3A_421, 0 {pack_format = #tpu.pack_format<interleaved>} : vector<32xbf16> -> vector<16xf32>
        %unpack3A_423 = tpu.unpack_subelements %bitcast3A_421, 1 {pack_format = #tpu.pack_format<interleaved>} : vector<32xbf16> -> vector<16xf32>
        %bitcast3A_424 = vector.bitcast %gather3A_420 : vector<16xi32> to vector<32xbf16>
        %unpack3A_425 = tpu.unpack_subelements %bitcast3A_424, 0 {pack_format = #tpu.pack_format<interleaved>} : vector<32xbf16> -> vector<16xf32>
        %unpack3A_426 = tpu.unpack_subelements %bitcast3A_424, 1 {pack_format = #tpu.pack_format<interleaved>} : vector<32xbf16> -> vector<16xf32>
        %mul3A_427 = arith.mulf %unpack3A_422, %unpack3A_425 : vector<16xf32>
        %add3A_428 = arith.addf %add3A_415, %mul3A_427 : vector<16xf32>
        %mul3A_429 = arith.mulf %unpack3A_423, %unpack3A_426 : vector<16xf32>
        %add3A_430 = arith.addf %add3A_428, %mul3A_429 : vector<16xf32>
        %add3A_431 = arith.constant 1 : i32
        %add3A_432 = vector.broadcast %add3A_431 : i32 to vector<16xi32>
        %add3A_433 = arith.addi %add3A_418, %add3A_432 : vector<16xi32>
        %gather3A_434 = tpu.vector_load_idx %arg11[%add3A_208, %add3A_433] : memref<256x16xi32, #tpu.memory_space<vmem>>[vector<16xi32>, vector<16xi32>], vector<16xi32>,
        %gather3A_435 = tpu.vector_load_idx %arg13[%add3A_208, %add3A_433] : memref<256x16xi32, #tpu.memory_space<vmem>>[vector<16xi32>, vector<16xi32>], vector<16xi32>,
        %bitcast3A_436 = vector.bitcast %gather3A_434 : vector<16xi32> to vector<32xbf16>
        %unpack3A_437 = tpu.unpack_subelements %bitcast3A_436, 0 {pack_format = #tpu.pack_format<interleaved>} : vector<32xbf16> -> vector<16xf32>
        %unpack3A_438 = tpu.unpack_subelements %bitcast3A_436, 1 {pack_format = #tpu.pack_format<interleaved>} : vector<32xbf16> -> vector<16xf32>
        %bitcast3A_439 = vector.bitcast %gather3A_435 : vector<16xi32> to vector<32xbf16>
        %unpack3A_440 = tpu.unpack_subelements %bitcast3A_439, 0 {pack_format = #tpu.pack_format<interleaved>} : vector<32xbf16> -> vector<16xf32>
        %unpack3A_441 = tpu.unpack_subelements %bitcast3A_439, 1 {pack_format = #tpu.pack_format<interleaved>} : vector<32xbf16> -> vector<16xf32>
        %mul3A_442 = arith.mulf %unpack3A_437, %unpack3A_440 : vector<16xf32>
        %add3A_443 = arith.addf %add3A_430, %mul3A_442 : vector<16xf32>
        %mul3A_444 = arith.mulf %unpack3A_438, %unpack3A_441 : vector<16xf32>
        %add3A_445 = arith.addf %add3A_443, %mul3A_444 : vector<16xf32>
        %mul3A_446 = arith.constant 256 : i32
        %mul3A_447 = arith.muli %add3A_154, %mul3A_446 : i32
        %mul3A_448 = arith.constant 16 : i32
        %mul3A_449 = arith.muli %add3A_204, %mul3A_448 : i32
        %add3A_450 = arith.addi %mul3A_447, %mul3A_449 : i32
        %swap3A = arith.index_cast %add3A_450 : i32 to index
        %swap3A_451 = tpu.vector_load %arg10[%swap3A] {strides = array<i32>} : memref<16384xf32, #tpu.memory_space<vmem>>, vector<16xf32>,
        tpu.vector_store %arg10[%swap3A], %add3A_445 {strides = array<i32>} : memref<16384xf32, #tpu.memory_space<vmem>>, vector<16xf32>,
      }
      %scan3A_169 = arith.constant 16 : i32
      %lt3A_170 = arith.constant 64 : i32
      %lt3A_171 = arith.cmpi slt, %add3A_156, %lt3A_170 : i32
      %convert_element_type3A_172 = arith.extui %lt3A_171 : i1 to i32
      %cond3A_173 = arith.constant 0 : i32
      %cond3A_174 = arith.cmpi ne, %convert_element_type3A_172, %cond3A_173 : i32
      scf.if %cond3A_174 {
        %dma_wait3A_200 = arith.constant 0 : i32
        %dma_wait3A_201 = tpu.memref_slice %arg2[%add3A, %add3A_156, %dma_wait3A_200] : memref<32x64x256xi32, #tpu.memory_space<hbm>> -> memref<1x1x256xi32, #tpu.memory_space<hbm>>
        %dma_wait3A_202 = tpu.memref_squeeze %dma_wait3A_201 : memref<1x1x256xi32, #tpu.memory_space<hbm>> -> memref<256xi32, #tpu.memory_space<hbm>>
        %dma_wait3A_203 = arith.constant 0 : i32
        %dma_wait3A_204 = tpu.memref_slice %arg2[%add3A, %add3A_156, %dma_wait3A_203] : memref<32x64x256xi32, #tpu.memory_space<hbm>> -> memref<1x1x256xi32, #tpu.memory_space<hbm>>
        %dma_wait3A_205 = tpu.memref_squeeze %dma_wait3A_204 : memref<1x1x256xi32, #tpu.memory_space<hbm>> -> memref<256xi32, #tpu.memory_space<hbm>>
        tpu.wait_dma2 semaphore(%arg23 : memref<!tpu.dma_semaphore, #tpu.memory_space<semaphore_mem>>) src(%dma_wait3A_205 : memref<256xi32, #tpu.memory_space<hbm>>) dst(%arg15 : memref<256xi32, #tpu.memory_space<vmem>>)
        %dma_wait3A_206 = arith.constant 0 : i32
        %dma_wait3A_207 = tpu.memref_slice %arg3[%add3A, %add3A_156, %dma_wait3A_206] : memref<32x64x256xi32, #tpu.memory_space<hbm>> -> memref<1x1x256xi32, #tpu.memory_space<hbm>>
        %dma_wait3A_208 = tpu.memref_squeeze %dma_wait3A_207 : memref<1x1x256xi32, #tpu.memory_space<hbm>> -> memref<256xi32, #tpu.memory_space<hbm>>
        %dma_wait3A_209 = arith.constant 0 : i32
        %dma_wait3A_210 = tpu.memref_slice %arg3[%add3A, %add3A_156, %dma_wait3A_209] : memref<32x64x256xi32, #tpu.memory_space<hbm>> -> memref<1x1x256xi32, #tpu.memory_space<hbm>>
        %dma_wait3A_211 = tpu.memref_squeeze %dma_wait3A_210 : memref<1x1x256xi32, #tpu.memory_space<hbm>> -> memref<256xi32, #tpu.memory_space<hbm>>
        tpu.wait_dma2 semaphore(%arg25 : memref<!tpu.dma_semaphore, #tpu.memory_space<semaphore_mem>>) src(%dma_wait3A_211 : memref<256xi32, #tpu.memory_space<hbm>>) dst(%arg17 : memref<256xi32, #tpu.memory_space<vmem>>)
        %dma_start3A_212 = arith.constant 0 : i32
        %dma_start3A_213 = arith.constant 0 : i32
        %dma_start3A_214 = tpu.memref_slice %arg6[%dma_start3A_212, %dma_start3A_213] : memref<100000x16xi32, #tpu.memory_space<hbm>> -> memref<100000x16xi32, #tpu.memory_space<hbm>>
        tpu.enqueue_indirect_dma source(%dma_start3A_214 : memref<100000x16xi32, #tpu.memory_space<hbm>>) target(%arg11 : memref<256x16xi32, #tpu.memory_space<vmem>>) offsets(%arg15 : memref<256xi32, #tpu.memory_space<vmem>>) semaphore(%arg19 : memref<!tpu.dma_semaphore, #tpu.memory_space<semaphore_mem>>)
        %dma_start3A_215 = arith.constant 0 : i32
        %dma_start3A_216 = arith.constant 0 : i32
        %dma_start3A_217 = tpu.memref_slice %arg7[%dma_start3A_215, %dma_start3A_216] : memref<1000000x16xi32, #tpu.memory_space<hbm>> -> memref<1000000x16xi32, #tpu.memory_space<hbm>>
        tpu.enqueue_indirect_dma source(%dma_start3A_217 : memref<1000000x16xi32, #tpu.memory_space<hbm>>) target(%arg13 : memref<256x16xi32, #tpu.memory_space<vmem>>) offsets(%arg17 : memref<256xi32, #tpu.memory_space<vmem>>) semaphore(%arg21 : memref<!tpu.dma_semaphore, #tpu.memory_space<semaphore_mem>>)
      } else {
      }
      %add3A_175 = arith.constant 1 : i32
      %add3A_176 = arith.addi %add3A_152, %add3A_175 : i32
      %add3A_177 = arith.constant 2 : i32
      %add3A_178 = arith.addi %add3A_176, %add3A_177 : i32
      %dma_wait3A_179 = arith.constant 0 : i32
      %dma_wait3A_180 = arith.constant 0 : i32
      %dma_wait3A_181 = tpu.memref_slice %arg6[%dma_wait3A_179, %dma_wait3A_180] : memref<100000x16xi32, #tpu.memory_space<hbm>> -> memref<100000x16xi32, #tpu.memory_space<hbm>>
      tpu.wait_indirect_dma semaphore(%arg20 : memref<!tpu.dma_semaphore, #tpu.memory_space<semaphore_mem>>) src(%dma_wait3A_181 : memref<100000x16xi32, #tpu.memory_space<hbm>>) dst(%arg12 : memref<256x16xi32, #tpu.memory_space<vmem>>)
      %dma_wait3A_182 = arith.constant 0 : i32
      %dma_wait3A_183 = arith.constant 0 : i32
      %dma_wait3A_184 = tpu.memref_slice %arg7[%dma_wait3A_182, %dma_wait3A_183] : memref<1000000x16xi32, #tpu.memory_space<hbm>> -> memref<1000000x16xi32, #tpu.memory_space<hbm>>
      tpu.wait_indirect_dma semaphore(%arg22 : memref<!tpu.dma_semaphore, #tpu.memory_space<semaphore_mem>>) src(%dma_wait3A_184 : memref<1000000x16xi32, #tpu.memory_space<hbm>>) dst(%arg14 : memref<256x16xi32, #tpu.memory_space<vmem>>)
      %lt3A_185 = arith.constant 64 : i32
      %lt3A_186 = arith.cmpi slt, %add3A_178, %lt3A_185 : i32
      %convert_element_type3A_187 = arith.extui %lt3A_186 : i1 to i32
      %cond3A_188 = arith.constant 0 : i32
      %cond3A_189 = arith.cmpi ne, %convert_element_type3A_187, %cond3A_188 : i32
      scf.if %cond3A_189 {
        %dma_start3A_200 = arith.constant 0 : i32
        %dma_start3A_201 = tpu.memref_slice %arg2[%add3A, %add3A_178, %dma_start3A_200] : memref<32x64x256xi32, #tpu.memory_space<hbm>> -> memref<1x1x256xi32, #tpu.memory_space<hbm>>
        %dma_start3A_202 = tpu.memref_squeeze %dma_start3A_201 : memref<1x1x256xi32, #tpu.memory_space<hbm>> -> memref<256xi32, #tpu.memory_space<hbm>>
        %dma_start3A_203 = arith.constant 0 : i32
        %dma_start3A_204 = tpu.memref_slice %arg2[%add3A, %add3A_178, %dma_start3A_203] : memref<32x64x256xi32, #tpu.memory_space<hbm>> -> memref<1x1x256xi32, #tpu.memory_space<hbm>>
        %dma_start3A_205 = tpu.memref_squeeze %dma_start3A_204 : memref<1x1x256xi32, #tpu.memory_space<hbm>> -> memref<256xi32, #tpu.memory_space<hbm>>
        tpu.enqueue_dma source(%dma_start3A_205 : memref<256xi32, #tpu.memory_space<hbm>>) target(%arg16 : memref<256xi32, #tpu.memory_space<vmem>>) target_semaphore(%arg24 : memref<!tpu.dma_semaphore, #tpu.memory_space<semaphore_mem>>)
        %dma_start3A_206 = arith.constant 0 : i32
        %dma_start3A_207 = tpu.memref_slice %arg3[%add3A, %add3A_178, %dma_start3A_206] : memref<32x64x256xi32, #tpu.memory_space<hbm>> -> memref<1x1x256xi32, #tpu.memory_space<hbm>>
        %dma_start3A_208 = tpu.memref_squeeze %dma_start3A_207 : memref<1x1x256xi32, #tpu.memory_space<hbm>> -> memref<256xi32, #tpu.memory_space<hbm>>
        %dma_start3A_209 = arith.constant 0 : i32
        %dma_start3A_210 = tpu.memref_slice %arg3[%add3A, %add3A_178, %dma_start3A_209] : memref<32x64x256xi32, #tpu.memory_space<hbm>> -> memref<1x1x256xi32, #tpu.memory_space<hbm>>
        %dma_start3A_211 = tpu.memref_squeeze %dma_start3A_210 : memref<1x1x256xi32, #tpu.memory_space<hbm>> -> memref<256xi32, #tpu.memory_space<hbm>>
        tpu.enqueue_dma source(%dma_start3A_211 : memref<256xi32, #tpu.memory_space<hbm>>) target(%arg18 : memref<256xi32, #tpu.memory_space<vmem>>) target_semaphore(%arg26 : memref<!tpu.dma_semaphore, #tpu.memory_space<semaphore_mem>>)
      } else {
      }
      %scan3A_190 = arith.constant 0 : i32
      %scan3A_191 = arith.constant 16 : i32
      %scan3A_192 = arith.addi %scan3A_190, %scan3A_191 : i32
      %scan3A_193 = arith.constant 1 : i32
      scf.for %scan3A_200 = %scan3A_190 to %scan3A_192 step %scan3A_193  : i32 {
        %mul3A_201 = arith.constant 1 : i32
        %mul3A_202 = arith.muli %scan3A_200, %mul3A_201 : i32
        %add3A_203 = arith.constant 0 : i32
        %add3A_204 = arith.addi %add3A_203, %mul3A_202 : i32
        %mul3A_205 = arith.constant 16 : i32
        %mul3A_206 = arith.muli %add3A_204, %mul3A_205 : i32
        %add3A_207 = vector.broadcast %mul3A_206 : i32 to vector<16xi32>
        %add3A_208 = arith.addi %add3A_207, %iota3A : vector<16xi32>
        %broadcast_in_dim3A = arith.constant 0.000000e+00 : f32
        %broadcast_in_dim3A_209 = vector.broadcast %broadcast_in_dim3A : f32 to vector<16xf32>
        %broadcast_in_dim3A_210 = arith.constant 0 : i32
        %broadcast_in_dim3A_211 = vector.broadcast %broadcast_in_dim3A_210 : i32 to vector<16xi32>
        %gather3A = tpu.vector_load_idx %arg12[%add3A_208, %broadcast_in_dim3A_211] : memref<256x16xi32, #tpu.memory_space<vmem>>[vector<16xi32>, vector<16xi32>], vector<16xi32>,
        %gather3A_212 = tpu.vector_load_idx %arg14[%add3A_208, %broadcast_in_dim3A_211] : memref<256x16xi32, #tpu.memory_space<vmem>>[vector<16xi32>, vector<16xi32>], vector<16xi32>,
        %bitcast3A = vector.bitcast %gather3A : vector<16xi32> to vector<32xbf16>
        %unpack3A = tpu.unpack_subelements %bitcast3A, 0 {pack_format = #tpu.pack_format<interleaved>} : vector<32xbf16> -> vector<16xf32>
        %unpack3A_213 = tpu.unpack_subelements %bitcast3A, 1 {pack_format = #tpu.pack_format<interleaved>} : vector<32xbf16> -> vector<16xf32>
        %bitcast3A_214 = vector.bitcast %gather3A_212 : vector<16xi32> to vector<32xbf16>
        %unpack3A_215 = tpu.unpack_subelements %bitcast3A_214, 0 {pack_format = #tpu.pack_format<interleaved>} : vector<32xbf16> -> vector<16xf32>
        %unpack3A_216 = tpu.unpack_subelements %bitcast3A_214, 1 {pack_format = #tpu.pack_format<interleaved>} : vector<32xbf16> -> vector<16xf32>
        %mul3A_217 = arith.mulf %unpack3A, %unpack3A_215 : vector<16xf32>
        %add3A_218 = arith.addf %broadcast_in_dim3A_209, %mul3A_217 : vector<16xf32>
        %mul3A_219 = arith.mulf %unpack3A_213, %unpack3A_216 : vector<16xf32>
        %add3A_220 = arith.addf %add3A_218, %mul3A_219 : vector<16xf32>
        %add3A_221 = arith.constant 1 : i32
        %add3A_222 = vector.broadcast %add3A_221 : i32 to vector<16xi32>
        %add3A_223 = arith.addi %broadcast_in_dim3A_211, %add3A_222 : vector<16xi32>
        %gather3A_224 = tpu.vector_load_idx %arg12[%add3A_208, %add3A_223] : memref<256x16xi32, #tpu.memory_space<vmem>>[vector<16xi32>, vector<16xi32>], vector<16xi32>,
        %gather3A_225 = tpu.vector_load_idx %arg14[%add3A_208, %add3A_223] : memref<256x16xi32, #tpu.memory_space<vmem>>[vector<16xi32>, vector<16xi32>], vector<16xi32>,
        %bitcast3A_226 = vector.bitcast %gather3A_224 : vector<16xi32> to vector<32xbf16>
        %unpack3A_227 = tpu.unpack_subelements %bitcast3A_226, 0 {pack_format = #tpu.pack_format<interleaved>} : vector<32xbf16> -> vector<16xf32>
        %unpack3A_228 = tpu.unpack_subelements %bitcast3A_226, 1 {pack_format = #tpu.pack_format<interleaved>} : vector<32xbf16> -> vector<16xf32>
        %bitcast3A_229 = vector.bitcast %gather3A_225 : vector<16xi32> to vector<32xbf16>
        %unpack3A_230 = tpu.unpack_subelements %bitcast3A_229, 0 {pack_format = #tpu.pack_format<interleaved>} : vector<32xbf16> -> vector<16xf32>
        %unpack3A_231 = tpu.unpack_subelements %bitcast3A_229, 1 {pack_format = #tpu.pack_format<interleaved>} : vector<32xbf16> -> vector<16xf32>
        %mul3A_232 = arith.mulf %unpack3A_227, %unpack3A_230 : vector<16xf32>
        %add3A_233 = arith.addf %add3A_220, %mul3A_232 : vector<16xf32>
        %mul3A_234 = arith.mulf %unpack3A_228, %unpack3A_231 : vector<16xf32>
        %add3A_235 = arith.addf %add3A_233, %mul3A_234 : vector<16xf32>
        %add3A_236 = arith.constant 1 : i32
        %add3A_237 = vector.broadcast %add3A_236 : i32 to vector<16xi32>
        %add3A_238 = arith.addi %add3A_223, %add3A_237 : vector<16xi32>
        %gather3A_239 = tpu.vector_load_idx %arg12[%add3A_208, %add3A_238] : memref<256x16xi32, #tpu.memory_space<vmem>>[vector<16xi32>, vector<16xi32>], vector<16xi32>,
        %gather3A_240 = tpu.vector_load_idx %arg14[%add3A_208, %add3A_238] : memref<256x16xi32, #tpu.memory_space<vmem>>[vector<16xi32>, vector<16xi32>], vector<16xi32>,
        %bitcast3A_241 = vector.bitcast %gather3A_239 : vector<16xi32> to vector<32xbf16>
        %unpack3A_242 = tpu.unpack_subelements %bitcast3A_241, 0 {pack_format = #tpu.pack_format<interleaved>} : vector<32xbf16> -> vector<16xf32>
        %unpack3A_243 = tpu.unpack_subelements %bitcast3A_241, 1 {pack_format = #tpu.pack_format<interleaved>} : vector<32xbf16> -> vector<16xf32>
        %bitcast3A_244 = vector.bitcast %gather3A_240 : vector<16xi32> to vector<32xbf16>
        %unpack3A_245 = tpu.unpack_subelements %bitcast3A_244, 0 {pack_format = #tpu.pack_format<interleaved>} : vector<32xbf16> -> vector<16xf32>
        %unpack3A_246 = tpu.unpack_subelements %bitcast3A_244, 1 {pack_format = #tpu.pack_format<interleaved>} : vector<32xbf16> -> vector<16xf32>
        %mul3A_247 = arith.mulf %unpack3A_242, %unpack3A_245 : vector<16xf32>
        %add3A_248 = arith.addf %add3A_235, %mul3A_247 : vector<16xf32>
        %mul3A_249 = arith.mulf %unpack3A_243, %unpack3A_246 : vector<16xf32>
        %add3A_250 = arith.addf %add3A_248, %mul3A_249 : vector<16xf32>
        %add3A_251 = arith.constant 1 : i32
        %add3A_252 = vector.broadcast %add3A_251 : i32 to vector<16xi32>
        %add3A_253 = arith.addi %add3A_238, %add3A_252 : vector<16xi32>
        %gather3A_254 = tpu.vector_load_idx %arg12[%add3A_208, %add3A_253] : memref<256x16xi32, #tpu.memory_space<vmem>>[vector<16xi32>, vector<16xi32>], vector<16xi32>,
        %gather3A_255 = tpu.vector_load_idx %arg14[%add3A_208, %add3A_253] : memref<256x16xi32, #tpu.memory_space<vmem>>[vector<16xi32>, vector<16xi32>], vector<16xi32>,
        %bitcast3A_256 = vector.bitcast %gather3A_254 : vector<16xi32> to vector<32xbf16>
        %unpack3A_257 = tpu.unpack_subelements %bitcast3A_256, 0 {pack_format = #tpu.pack_format<interleaved>} : vector<32xbf16> -> vector<16xf32>
        %unpack3A_258 = tpu.unpack_subelements %bitcast3A_256, 1 {pack_format = #tpu.pack_format<interleaved>} : vector<32xbf16> -> vector<16xf32>
        %bitcast3A_259 = vector.bitcast %gather3A_255 : vector<16xi32> to vector<32xbf16>
        %unpack3A_260 = tpu.unpack_subelements %bitcast3A_259, 0 {pack_format = #tpu.pack_format<interleaved>} : vector<32xbf16> -> vector<16xf32>
        %unpack3A_261 = tpu.unpack_subelements %bitcast3A_259, 1 {pack_format = #tpu.pack_format<interleaved>} : vector<32xbf16> -> vector<16xf32>
        %mul3A_262 = arith.mulf %unpack3A_257, %unpack3A_260 : vector<16xf32>
        %add3A_263 = arith.addf %add3A_250, %mul3A_262 : vector<16xf32>
        %mul3A_264 = arith.mulf %unpack3A_258, %unpack3A_261 : vector<16xf32>
        %add3A_265 = arith.addf %add3A_263, %mul3A_264 : vector<16xf32>
        %add3A_266 = arith.constant 1 : i32
        %add3A_267 = vector.broadcast %add3A_266 : i32 to vector<16xi32>
        %add3A_268 = arith.addi %add3A_253, %add3A_267 : vector<16xi32>
        %gather3A_269 = tpu.vector_load_idx %arg12[%add3A_208, %add3A_268] : memref<256x16xi32, #tpu.memory_space<vmem>>[vector<16xi32>, vector<16xi32>], vector<16xi32>,
        %gather3A_270 = tpu.vector_load_idx %arg14[%add3A_208, %add3A_268] : memref<256x16xi32, #tpu.memory_space<vmem>>[vector<16xi32>, vector<16xi32>], vector<16xi32>,
        %bitcast3A_271 = vector.bitcast %gather3A_269 : vector<16xi32> to vector<32xbf16>
        %unpack3A_272 = tpu.unpack_subelements %bitcast3A_271, 0 {pack_format = #tpu.pack_format<interleaved>} : vector<32xbf16> -> vector<16xf32>
        %unpack3A_273 = tpu.unpack_subelements %bitcast3A_271, 1 {pack_format = #tpu.pack_format<interleaved>} : vector<32xbf16> -> vector<16xf32>
        %bitcast3A_274 = vector.bitcast %gather3A_270 : vector<16xi32> to vector<32xbf16>
        %unpack3A_275 = tpu.unpack_subelements %bitcast3A_274, 0 {pack_format = #tpu.pack_format<interleaved>} : vector<32xbf16> -> vector<16xf32>
        %unpack3A_276 = tpu.unpack_subelements %bitcast3A_274, 1 {pack_format = #tpu.pack_format<interleaved>} : vector<32xbf16> -> vector<16xf32>
        %mul3A_277 = arith.mulf %unpack3A_272, %unpack3A_275 : vector<16xf32>
        %add3A_278 = arith.addf %add3A_265, %mul3A_277 : vector<16xf32>
        %mul3A_279 = arith.mulf %unpack3A_273, %unpack3A_276 : vector<16xf32>
        %add3A_280 = arith.addf %add3A_278, %mul3A_279 : vector<16xf32>
        %add3A_281 = arith.constant 1 : i32
        %add3A_282 = vector.broadcast %add3A_281 : i32 to vector<16xi32>
        %add3A_283 = arith.addi %add3A_268, %add3A_282 : vector<16xi32>
        %gather3A_284 = tpu.vector_load_idx %arg12[%add3A_208, %add3A_283] : memref<256x16xi32, #tpu.memory_space<vmem>>[vector<16xi32>, vector<16xi32>], vector<16xi32>,
        %gather3A_285 = tpu.vector_load_idx %arg14[%add3A_208, %add3A_283] : memref<256x16xi32, #tpu.memory_space<vmem>>[vector<16xi32>, vector<16xi32>], vector<16xi32>,
        %bitcast3A_286 = vector.bitcast %gather3A_284 : vector<16xi32> to vector<32xbf16>
        %unpack3A_287 = tpu.unpack_subelements %bitcast3A_286, 0 {pack_format = #tpu.pack_format<interleaved>} : vector<32xbf16> -> vector<16xf32>
        %unpack3A_288 = tpu.unpack_subelements %bitcast3A_286, 1 {pack_format = #tpu.pack_format<interleaved>} : vector<32xbf16> -> vector<16xf32>
        %bitcast3A_289 = vector.bitcast %gather3A_285 : vector<16xi32> to vector<32xbf16>
        %unpack3A_290 = tpu.unpack_subelements %bitcast3A_289, 0 {pack_format = #tpu.pack_format<interleaved>} : vector<32xbf16> -> vector<16xf32>
        %unpack3A_291 = tpu.unpack_subelements %bitcast3A_289, 1 {pack_format = #tpu.pack_format<interleaved>} : vector<32xbf16> -> vector<16xf32>
        %mul3A_292 = arith.mulf %unpack3A_287, %unpack3A_290 : vector<16xf32>
        %add3A_293 = arith.addf %add3A_280, %mul3A_292 : vector<16xf32>
        %mul3A_294 = arith.mulf %unpack3A_288, %unpack3A_291 : vector<16xf32>
        %add3A_295 = arith.addf %add3A_293, %mul3A_294 : vector<16xf32>
        %add3A_296 = arith.constant 1 : i32
        %add3A_297 = vector.broadcast %add3A_296 : i32 to vector<16xi32>
        %add3A_298 = arith.addi %add3A_283, %add3A_297 : vector<16xi32>
        %gather3A_299 = tpu.vector_load_idx %arg12[%add3A_208, %add3A_298] : memref<256x16xi32, #tpu.memory_space<vmem>>[vector<16xi32>, vector<16xi32>], vector<16xi32>,
        %gather3A_300 = tpu.vector_load_idx %arg14[%add3A_208, %add3A_298] : memref<256x16xi32, #tpu.memory_space<vmem>>[vector<16xi32>, vector<16xi32>], vector<16xi32>,
        %bitcast3A_301 = vector.bitcast %gather3A_299 : vector<16xi32> to vector<32xbf16>
        %unpack3A_302 = tpu.unpack_subelements %bitcast3A_301, 0 {pack_format = #tpu.pack_format<interleaved>} : vector<32xbf16> -> vector<16xf32>
        %unpack3A_303 = tpu.unpack_subelements %bitcast3A_301, 1 {pack_format = #tpu.pack_format<interleaved>} : vector<32xbf16> -> vector<16xf32>
        %bitcast3A_304 = vector.bitcast %gather3A_300 : vector<16xi32> to vector<32xbf16>
        %unpack3A_305 = tpu.unpack_subelements %bitcast3A_304, 0 {pack_format = #tpu.pack_format<interleaved>} : vector<32xbf16> -> vector<16xf32>
        %unpack3A_306 = tpu.unpack_subelements %bitcast3A_304, 1 {pack_format = #tpu.pack_format<interleaved>} : vector<32xbf16> -> vector<16xf32>
        %mul3A_307 = arith.mulf %unpack3A_302, %unpack3A_305 : vector<16xf32>
        %add3A_308 = arith.addf %add3A_295, %mul3A_307 : vector<16xf32>
        %mul3A_309 = arith.mulf %unpack3A_303, %unpack3A_306 : vector<16xf32>
        %add3A_310 = arith.addf %add3A_308, %mul3A_309 : vector<16xf32>
        %add3A_311 = arith.constant 1 : i32
        %add3A_312 = vector.broadcast %add3A_311 : i32 to vector<16xi32>
        %add3A_313 = arith.addi %add3A_298, %add3A_312 : vector<16xi32>
        %gather3A_314 = tpu.vector_load_idx %arg12[%add3A_208, %add3A_313] : memref<256x16xi32, #tpu.memory_space<vmem>>[vector<16xi32>, vector<16xi32>], vector<16xi32>,
        %gather3A_315 = tpu.vector_load_idx %arg14[%add3A_208, %add3A_313] : memref<256x16xi32, #tpu.memory_space<vmem>>[vector<16xi32>, vector<16xi32>], vector<16xi32>,
        %bitcast3A_316 = vector.bitcast %gather3A_314 : vector<16xi32> to vector<32xbf16>
        %unpack3A_317 = tpu.unpack_subelements %bitcast3A_316, 0 {pack_format = #tpu.pack_format<interleaved>} : vector<32xbf16> -> vector<16xf32>
        %unpack3A_318 = tpu.unpack_subelements %bitcast3A_316, 1 {pack_format = #tpu.pack_format<interleaved>} : vector<32xbf16> -> vector<16xf32>
        %bitcast3A_319 = vector.bitcast %gather3A_315 : vector<16xi32> to vector<32xbf16>
        %unpack3A_320 = tpu.unpack_subelements %bitcast3A_319, 0 {pack_format = #tpu.pack_format<interleaved>} : vector<32xbf16> -> vector<16xf32>
        %unpack3A_321 = tpu.unpack_subelements %bitcast3A_319, 1 {pack_format = #tpu.pack_format<interleaved>} : vector<32xbf16> -> vector<16xf32>
        %mul3A_322 = arith.mulf %unpack3A_317, %unpack3A_320 : vector<16xf32>
        %add3A_323 = arith.addf %add3A_310, %mul3A_322 : vector<16xf32>
        %mul3A_324 = arith.mulf %unpack3A_318, %unpack3A_321 : vector<16xf32>
        %add3A_325 = arith.addf %add3A_323, %mul3A_324 : vector<16xf32>
        %add3A_326 = arith.constant 1 : i32
        %add3A_327 = vector.broadcast %add3A_326 : i32 to vector<16xi32>
        %add3A_328 = arith.addi %add3A_313, %add3A_327 : vector<16xi32>
        %gather3A_329 = tpu.vector_load_idx %arg12[%add3A_208, %add3A_328] : memref<256x16xi32, #tpu.memory_space<vmem>>[vector<16xi32>, vector<16xi32>], vector<16xi32>,
        %gather3A_330 = tpu.vector_load_idx %arg14[%add3A_208, %add3A_328] : memref<256x16xi32, #tpu.memory_space<vmem>>[vector<16xi32>, vector<16xi32>], vector<16xi32>,
        %bitcast3A_331 = vector.bitcast %gather3A_329 : vector<16xi32> to vector<32xbf16>
        %unpack3A_332 = tpu.unpack_subelements %bitcast3A_331, 0 {pack_format = #tpu.pack_format<interleaved>} : vector<32xbf16> -> vector<16xf32>
        %unpack3A_333 = tpu.unpack_subelements %bitcast3A_331, 1 {pack_format = #tpu.pack_format<interleaved>} : vector<32xbf16> -> vector<16xf32>
        %bitcast3A_334 = vector.bitcast %gather3A_330 : vector<16xi32> to vector<32xbf16>
        %unpack3A_335 = tpu.unpack_subelements %bitcast3A_334, 0 {pack_format = #tpu.pack_format<interleaved>} : vector<32xbf16> -> vector<16xf32>
        %unpack3A_336 = tpu.unpack_subelements %bitcast3A_334, 1 {pack_format = #tpu.pack_format<interleaved>} : vector<32xbf16> -> vector<16xf32>
        %mul3A_337 = arith.mulf %unpack3A_332, %unpack3A_335 : vector<16xf32>
        %add3A_338 = arith.addf %add3A_325, %mul3A_337 : vector<16xf32>
        %mul3A_339 = arith.mulf %unpack3A_333, %unpack3A_336 : vector<16xf32>
        %add3A_340 = arith.addf %add3A_338, %mul3A_339 : vector<16xf32>
        %add3A_341 = arith.constant 1 : i32
        %add3A_342 = vector.broadcast %add3A_341 : i32 to vector<16xi32>
        %add3A_343 = arith.addi %add3A_328, %add3A_342 : vector<16xi32>
        %gather3A_344 = tpu.vector_load_idx %arg12[%add3A_208, %add3A_343] : memref<256x16xi32, #tpu.memory_space<vmem>>[vector<16xi32>, vector<16xi32>], vector<16xi32>,
        %gather3A_345 = tpu.vector_load_idx %arg14[%add3A_208, %add3A_343] : memref<256x16xi32, #tpu.memory_space<vmem>>[vector<16xi32>, vector<16xi32>], vector<16xi32>,
        %bitcast3A_346 = vector.bitcast %gather3A_344 : vector<16xi32> to vector<32xbf16>
        %unpack3A_347 = tpu.unpack_subelements %bitcast3A_346, 0 {pack_format = #tpu.pack_format<interleaved>} : vector<32xbf16> -> vector<16xf32>
        %unpack3A_348 = tpu.unpack_subelements %bitcast3A_346, 1 {pack_format = #tpu.pack_format<interleaved>} : vector<32xbf16> -> vector<16xf32>
        %bitcast3A_349 = vector.bitcast %gather3A_345 : vector<16xi32> to vector<32xbf16>
        %unpack3A_350 = tpu.unpack_subelements %bitcast3A_349, 0 {pack_format = #tpu.pack_format<interleaved>} : vector<32xbf16> -> vector<16xf32>
        %unpack3A_351 = tpu.unpack_subelements %bitcast3A_349, 1 {pack_format = #tpu.pack_format<interleaved>} : vector<32xbf16> -> vector<16xf32>
        %mul3A_352 = arith.mulf %unpack3A_347, %unpack3A_350 : vector<16xf32>
        %add3A_353 = arith.addf %add3A_340, %mul3A_352 : vector<16xf32>
        %mul3A_354 = arith.mulf %unpack3A_348, %unpack3A_351 : vector<16xf32>
        %add3A_355 = arith.addf %add3A_353, %mul3A_354 : vector<16xf32>
        %add3A_356 = arith.constant 1 : i32
        %add3A_357 = vector.broadcast %add3A_356 : i32 to vector<16xi32>
        %add3A_358 = arith.addi %add3A_343, %add3A_357 : vector<16xi32>
        %gather3A_359 = tpu.vector_load_idx %arg12[%add3A_208, %add3A_358] : memref<256x16xi32, #tpu.memory_space<vmem>>[vector<16xi32>, vector<16xi32>], vector<16xi32>,
        %gather3A_360 = tpu.vector_load_idx %arg14[%add3A_208, %add3A_358] : memref<256x16xi32, #tpu.memory_space<vmem>>[vector<16xi32>, vector<16xi32>], vector<16xi32>,
        %bitcast3A_361 = vector.bitcast %gather3A_359 : vector<16xi32> to vector<32xbf16>
        %unpack3A_362 = tpu.unpack_subelements %bitcast3A_361, 0 {pack_format = #tpu.pack_format<interleaved>} : vector<32xbf16> -> vector<16xf32>
        %unpack3A_363 = tpu.unpack_subelements %bitcast3A_361, 1 {pack_format = #tpu.pack_format<interleaved>} : vector<32xbf16> -> vector<16xf32>
        %bitcast3A_364 = vector.bitcast %gather3A_360 : vector<16xi32> to vector<32xbf16>
        %unpack3A_365 = tpu.unpack_subelements %bitcast3A_364, 0 {pack_format = #tpu.pack_format<interleaved>} : vector<32xbf16> -> vector<16xf32>
        %unpack3A_366 = tpu.unpack_subelements %bitcast3A_364, 1 {pack_format = #tpu.pack_format<interleaved>} : vector<32xbf16> -> vector<16xf32>
        %mul3A_367 = arith.mulf %unpack3A_362, %unpack3A_365 : vector<16xf32>
        %add3A_368 = arith.addf %add3A_355, %mul3A_367 : vector<16xf32>
        %mul3A_369 = arith.mulf %unpack3A_363, %unpack3A_366 : vector<16xf32>
        %add3A_370 = arith.addf %add3A_368, %mul3A_369 : vector<16xf32>
        %add3A_371 = arith.constant 1 : i32
        %add3A_372 = vector.broadcast %add3A_371 : i32 to vector<16xi32>
        %add3A_373 = arith.addi %add3A_358, %add3A_372 : vector<16xi32>
        %gather3A_374 = tpu.vector_load_idx %arg12[%add3A_208, %add3A_373] : memref<256x16xi32, #tpu.memory_space<vmem>>[vector<16xi32>, vector<16xi32>], vector<16xi32>,
        %gather3A_375 = tpu.vector_load_idx %arg14[%add3A_208, %add3A_373] : memref<256x16xi32, #tpu.memory_space<vmem>>[vector<16xi32>, vector<16xi32>], vector<16xi32>,
        %bitcast3A_376 = vector.bitcast %gather3A_374 : vector<16xi32> to vector<32xbf16>
        %unpack3A_377 = tpu.unpack_subelements %bitcast3A_376, 0 {pack_format = #tpu.pack_format<interleaved>} : vector<32xbf16> -> vector<16xf32>
        %unpack3A_378 = tpu.unpack_subelements %bitcast3A_376, 1 {pack_format = #tpu.pack_format<interleaved>} : vector<32xbf16> -> vector<16xf32>
        %bitcast3A_379 = vector.bitcast %gather3A_375 : vector<16xi32> to vector<32xbf16>
        %unpack3A_380 = tpu.unpack_subelements %bitcast3A_379, 0 {pack_format = #tpu.pack_format<interleaved>} : vector<32xbf16> -> vector<16xf32>
        %unpack3A_381 = tpu.unpack_subelements %bitcast3A_379, 1 {pack_format = #tpu.pack_format<interleaved>} : vector<32xbf16> -> vector<16xf32>
        %mul3A_382 = arith.mulf %unpack3A_377, %unpack3A_380 : vector<16xf32>
        %add3A_383 = arith.addf %add3A_370, %mul3A_382 : vector<16xf32>
        %mul3A_384 = arith.mulf %unpack3A_378, %unpack3A_381 : vector<16xf32>
        %add3A_385 = arith.addf %add3A_383, %mul3A_384 : vector<16xf32>
        %add3A_386 = arith.constant 1 : i32
        %add3A_387 = vector.broadcast %add3A_386 : i32 to vector<16xi32>
        %add3A_388 = arith.addi %add3A_373, %add3A_387 : vector<16xi32>
        %gather3A_389 = tpu.vector_load_idx %arg12[%add3A_208, %add3A_388] : memref<256x16xi32, #tpu.memory_space<vmem>>[vector<16xi32>, vector<16xi32>], vector<16xi32>,
        %gather3A_390 = tpu.vector_load_idx %arg14[%add3A_208, %add3A_388] : memref<256x16xi32, #tpu.memory_space<vmem>>[vector<16xi32>, vector<16xi32>], vector<16xi32>,
        %bitcast3A_391 = vector.bitcast %gather3A_389 : vector<16xi32> to vector<32xbf16>
        %unpack3A_392 = tpu.unpack_subelements %bitcast3A_391, 0 {pack_format = #tpu.pack_format<interleaved>} : vector<32xbf16> -> vector<16xf32>
        %unpack3A_393 = tpu.unpack_subelements %bitcast3A_391, 1 {pack_format = #tpu.pack_format<interleaved>} : vector<32xbf16> -> vector<16xf32>
        %bitcast3A_394 = vector.bitcast %gather3A_390 : vector<16xi32> to vector<32xbf16>
        %unpack3A_395 = tpu.unpack_subelements %bitcast3A_394, 0 {pack_format = #tpu.pack_format<interleaved>} : vector<32xbf16> -> vector<16xf32>
        %unpack3A_396 = tpu.unpack_subelements %bitcast3A_394, 1 {pack_format = #tpu.pack_format<interleaved>} : vector<32xbf16> -> vector<16xf32>
        %mul3A_397 = arith.mulf %unpack3A_392, %unpack3A_395 : vector<16xf32>
        %add3A_398 = arith.addf %add3A_385, %mul3A_397 : vector<16xf32>
        %mul3A_399 = arith.mulf %unpack3A_393, %unpack3A_396 : vector<16xf32>
        %add3A_400 = arith.addf %add3A_398, %mul3A_399 : vector<16xf32>
        %add3A_401 = arith.constant 1 : i32
        %add3A_402 = vector.broadcast %add3A_401 : i32 to vector<16xi32>
        %add3A_403 = arith.addi %add3A_388, %add3A_402 : vector<16xi32>
        %gather3A_404 = tpu.vector_load_idx %arg12[%add3A_208, %add3A_403] : memref<256x16xi32, #tpu.memory_space<vmem>>[vector<16xi32>, vector<16xi32>], vector<16xi32>,
        %gather3A_405 = tpu.vector_load_idx %arg14[%add3A_208, %add3A_403] : memref<256x16xi32, #tpu.memory_space<vmem>>[vector<16xi32>, vector<16xi32>], vector<16xi32>,
        %bitcast3A_406 = vector.bitcast %gather3A_404 : vector<16xi32> to vector<32xbf16>
        %unpack3A_407 = tpu.unpack_subelements %bitcast3A_406, 0 {pack_format = #tpu.pack_format<interleaved>} : vector<32xbf16> -> vector<16xf32>
        %unpack3A_408 = tpu.unpack_subelements %bitcast3A_406, 1 {pack_format = #tpu.pack_format<interleaved>} : vector<32xbf16> -> vector<16xf32>
        %bitcast3A_409 = vector.bitcast %gather3A_405 : vector<16xi32> to vector<32xbf16>
        %unpack3A_410 = tpu.unpack_subelements %bitcast3A_409, 0 {pack_format = #tpu.pack_format<interleaved>} : vector<32xbf16> -> vector<16xf32>
        %unpack3A_411 = tpu.unpack_subelements %bitcast3A_409, 1 {pack_format = #tpu.pack_format<interleaved>} : vector<32xbf16> -> vector<16xf32>
        %mul3A_412 = arith.mulf %unpack3A_407, %unpack3A_410 : vector<16xf32>
        %add3A_413 = arith.addf %add3A_400, %mul3A_412 : vector<16xf32>
        %mul3A_414 = arith.mulf %unpack3A_408, %unpack3A_411 : vector<16xf32>
        %add3A_415 = arith.addf %add3A_413, %mul3A_414 : vector<16xf32>
        %add3A_416 = arith.constant 1 : i32
        %add3A_417 = vector.broadcast %add3A_416 : i32 to vector<16xi32>
        %add3A_418 = arith.addi %add3A_403, %add3A_417 : vector<16xi32>
        %gather3A_419 = tpu.vector_load_idx %arg12[%add3A_208, %add3A_418] : memref<256x16xi32, #tpu.memory_space<vmem>>[vector<16xi32>, vector<16xi32>], vector<16xi32>,
        %gather3A_420 = tpu.vector_load_idx %arg14[%add3A_208, %add3A_418] : memref<256x16xi32, #tpu.memory_space<vmem>>[vector<16xi32>, vector<16xi32>], vector<16xi32>,
        %bitcast3A_421 = vector.bitcast %gather3A_419 : vector<16xi32> to vector<32xbf16>
        %unpack3A_422 = tpu.unpack_subelements %bitcast3A_421, 0 {pack_format = #tpu.pack_format<interleaved>} : vector<32xbf16> -> vector<16xf32>
        %unpack3A_423 = tpu.unpack_subelements %bitcast3A_421, 1 {pack_format = #tpu.pack_format<interleaved>} : vector<32xbf16> -> vector<16xf32>
        %bitcast3A_424 = vector.bitcast %gather3A_420 : vector<16xi32> to vector<32xbf16>
        %unpack3A_425 = tpu.unpack_subelements %bitcast3A_424, 0 {pack_format = #tpu.pack_format<interleaved>} : vector<32xbf16> -> vector<16xf32>
        %unpack3A_426 = tpu.unpack_subelements %bitcast3A_424, 1 {pack_format = #tpu.pack_format<interleaved>} : vector<32xbf16> -> vector<16xf32>
        %mul3A_427 = arith.mulf %unpack3A_422, %unpack3A_425 : vector<16xf32>
        %add3A_428 = arith.addf %add3A_415, %mul3A_427 : vector<16xf32>
        %mul3A_429 = arith.mulf %unpack3A_423, %unpack3A_426 : vector<16xf32>
        %add3A_430 = arith.addf %add3A_428, %mul3A_429 : vector<16xf32>
        %add3A_431 = arith.constant 1 : i32
        %add3A_432 = vector.broadcast %add3A_431 : i32 to vector<16xi32>
        %add3A_433 = arith.addi %add3A_418, %add3A_432 : vector<16xi32>
        %gather3A_434 = tpu.vector_load_idx %arg12[%add3A_208, %add3A_433] : memref<256x16xi32, #tpu.memory_space<vmem>>[vector<16xi32>, vector<16xi32>], vector<16xi32>,
        %gather3A_435 = tpu.vector_load_idx %arg14[%add3A_208, %add3A_433] : memref<256x16xi32, #tpu.memory_space<vmem>>[vector<16xi32>, vector<16xi32>], vector<16xi32>,
        %bitcast3A_436 = vector.bitcast %gather3A_434 : vector<16xi32> to vector<32xbf16>
        %unpack3A_437 = tpu.unpack_subelements %bitcast3A_436, 0 {pack_format = #tpu.pack_format<interleaved>} : vector<32xbf16> -> vector<16xf32>
        %unpack3A_438 = tpu.unpack_subelements %bitcast3A_436, 1 {pack_format = #tpu.pack_format<interleaved>} : vector<32xbf16> -> vector<16xf32>
        %bitcast3A_439 = vector.bitcast %gather3A_435 : vector<16xi32> to vector<32xbf16>
        %unpack3A_440 = tpu.unpack_subelements %bitcast3A_439, 0 {pack_format = #tpu.pack_format<interleaved>} : vector<32xbf16> -> vector<16xf32>
        %unpack3A_441 = tpu.unpack_subelements %bitcast3A_439, 1 {pack_format = #tpu.pack_format<interleaved>} : vector<32xbf16> -> vector<16xf32>
        %mul3A_442 = arith.mulf %unpack3A_437, %unpack3A_440 : vector<16xf32>
        %add3A_443 = arith.addf %add3A_430, %mul3A_442 : vector<16xf32>
        %mul3A_444 = arith.mulf %unpack3A_438, %unpack3A_441 : vector<16xf32>
        %add3A_445 = arith.addf %add3A_443, %mul3A_444 : vector<16xf32>
        %mul3A_446 = arith.constant 256 : i32
        %mul3A_447 = arith.muli %add3A_176, %mul3A_446 : i32
        %mul3A_448 = arith.constant 16 : i32
        %mul3A_449 = arith.muli %add3A_204, %mul3A_448 : i32
        %add3A_450 = arith.addi %mul3A_447, %mul3A_449 : i32
        %swap3A = arith.index_cast %add3A_450 : i32 to index
        %swap3A_451 = tpu.vector_load %arg10[%swap3A] {strides = array<i32>} : memref<16384xf32, #tpu.memory_space<vmem>>, vector<16xf32>,
        tpu.vector_store %arg10[%swap3A], %add3A_445 {strides = array<i32>} : memref<16384xf32, #tpu.memory_space<vmem>>, vector<16xf32>,
      }
      %scan3A_194 = arith.constant 16 : i32
      %lt3A_195 = arith.constant 64 : i32
      %lt3A_196 = arith.cmpi slt, %add3A_178, %lt3A_195 : i32
      %convert_element_type3A_197 = arith.extui %lt3A_196 : i1 to i32
      %cond3A_198 = arith.constant 0 : i32
      %cond3A_199 = arith.cmpi ne, %convert_element_type3A_197, %cond3A_198 : i32
      scf.if %cond3A_199 {
        %dma_wait3A_200 = arith.constant 0 : i32
        %dma_wait3A_201 = tpu.memref_slice %arg2[%add3A, %add3A_178, %dma_wait3A_200] : memref<32x64x256xi32, #tpu.memory_space<hbm>> -> memref<1x1x256xi32, #tpu.memory_space<hbm>>
        %dma_wait3A_202 = tpu.memref_squeeze %dma_wait3A_201 : memref<1x1x256xi32, #tpu.memory_space<hbm>> -> memref<256xi32, #tpu.memory_space<hbm>>
        %dma_wait3A_203 = arith.constant 0 : i32
        %dma_wait3A_204 = tpu.memref_slice %arg2[%add3A, %add3A_178, %dma_wait3A_203] : memref<32x64x256xi32, #tpu.memory_space<hbm>> -> memref<1x1x256xi32, #tpu.memory_space<hbm>>
        %dma_wait3A_205 = tpu.memref_squeeze %dma_wait3A_204 : memref<1x1x256xi32, #tpu.memory_space<hbm>> -> memref<256xi32, #tpu.memory_space<hbm>>
        tpu.wait_dma2 semaphore(%arg24 : memref<!tpu.dma_semaphore, #tpu.memory_space<semaphore_mem>>) src(%dma_wait3A_205 : memref<256xi32, #tpu.memory_space<hbm>>) dst(%arg16 : memref<256xi32, #tpu.memory_space<vmem>>)
        %dma_wait3A_206 = arith.constant 0 : i32
        %dma_wait3A_207 = tpu.memref_slice %arg3[%add3A, %add3A_178, %dma_wait3A_206] : memref<32x64x256xi32, #tpu.memory_space<hbm>> -> memref<1x1x256xi32, #tpu.memory_space<hbm>>
        %dma_wait3A_208 = tpu.memref_squeeze %dma_wait3A_207 : memref<1x1x256xi32, #tpu.memory_space<hbm>> -> memref<256xi32, #tpu.memory_space<hbm>>
        %dma_wait3A_209 = arith.constant 0 : i32
        %dma_wait3A_210 = tpu.memref_slice %arg3[%add3A, %add3A_178, %dma_wait3A_209] : memref<32x64x256xi32, #tpu.memory_space<hbm>> -> memref<1x1x256xi32, #tpu.memory_space<hbm>>
        %dma_wait3A_211 = tpu.memref_squeeze %dma_wait3A_210 : memref<1x1x256xi32, #tpu.memory_space<hbm>> -> memref<256xi32, #tpu.memory_space<hbm>>
        tpu.wait_dma2 semaphore(%arg26 : memref<!tpu.dma_semaphore, #tpu.memory_space<semaphore_mem>>) src(%dma_wait3A_211 : memref<256xi32, #tpu.memory_space<hbm>>) dst(%arg18 : memref<256xi32, #tpu.memory_space<vmem>>)
        %dma_start3A_212 = arith.constant 0 : i32
        %dma_start3A_213 = arith.constant 0 : i32
        %dma_start3A_214 = tpu.memref_slice %arg6[%dma_start3A_212, %dma_start3A_213] : memref<100000x16xi32, #tpu.memory_space<hbm>> -> memref<100000x16xi32, #tpu.memory_space<hbm>>
        tpu.enqueue_indirect_dma source(%dma_start3A_214 : memref<100000x16xi32, #tpu.memory_space<hbm>>) target(%arg12 : memref<256x16xi32, #tpu.memory_space<vmem>>) offsets(%arg16 : memref<256xi32, #tpu.memory_space<vmem>>) semaphore(%arg20 : memref<!tpu.dma_semaphore, #tpu.memory_space<semaphore_mem>>)
        %dma_start3A_215 = arith.constant 0 : i32
        %dma_start3A_216 = arith.constant 0 : i32
        %dma_start3A_217 = tpu.memref_slice %arg7[%dma_start3A_215, %dma_start3A_216] : memref<1000000x16xi32, #tpu.memory_space<hbm>> -> memref<1000000x16xi32, #tpu.memory_space<hbm>>
        tpu.enqueue_indirect_dma source(%dma_start3A_217 : memref<1000000x16xi32, #tpu.memory_space<hbm>>) target(%arg14 : memref<256x16xi32, #tpu.memory_space<vmem>>) offsets(%arg18 : memref<256xi32, #tpu.memory_space<vmem>>) semaphore(%arg22 : memref<!tpu.dma_semaphore, #tpu.memory_space<semaphore_mem>>)
      } else {
      }
    }
    %scan3A_70 = arith.constant 32 : i32
    %mul3A_71 = arith.constant 16384 : i32
    %mul3A_72 = arith.muli %add3A, %mul3A_71 : i32
    "tpu.region"() ({
      %run_scoped3A = tpu.sem_alloc : memref<!tpu.dma_semaphore, #tpu.memory_space<semaphore_mem>>
      %dma_start3A_148 = tpu.memref_slice %arg8[%mul3A_72] : memref<524288xf32, #tpu.memory_space<hbm>> -> memref<16384xf32, #tpu.memory_space<hbm>>
      %dma_start3A_149 = tpu.memref_slice %arg8[%mul3A_72] : memref<524288xf32, #tpu.memory_space<hbm>> -> memref<16384xf32, #tpu.memory_space<hbm>>
      tpu.enqueue_dma source(%arg10 : memref<16384xf32, #tpu.memory_space<vmem>>) target(%dma_start3A_149 : memref<16384xf32, #tpu.memory_space<hbm>>) target_semaphore(%run_scoped3A : memref<!tpu.dma_semaphore, #tpu.memory_space<semaphore_mem>>)
      %dma_wait3A_150 = tpu.memref_slice %arg8[%mul3A_72] : memref<524288xf32, #tpu.memory_space<hbm>> -> memref<16384xf32, #tpu.memory_space<hbm>>
      %dma_wait3A_151 = tpu.memref_slice %arg8[%mul3A_72] : memref<524288xf32, #tpu.memory_space<hbm>> -> memref<16384xf32, #tpu.memory_space<hbm>>
      tpu.wait_dma2 semaphore(%run_scoped3A : memref<!tpu.dma_semaphore, #tpu.memory_space<semaphore_mem>>) src(%arg10 : memref<16384xf32, #tpu.memory_space<vmem>>) dst(%dma_wait3A_151 : memref<16384xf32, #tpu.memory_space<hbm>>)
      tpu.yield
    }) : () -> ()
    %dma_start3A_73 = arith.constant 0 : i32
    %dma_start3A_74 = arith.constant 0 : i32
    %dma_start3A_75 = tpu.memref_slice %arg4[%add3A, %dma_start3A_73, %dma_start3A_74] : memref<32x64x256xi32, #tpu.memory_space<hbm>> -> memref<1x1x256xi32, #tpu.memory_space<hbm>>
    %dma_start3A_76 = tpu.memref_squeeze %dma_start3A_75 : memref<1x1x256xi32, #tpu.memory_space<hbm>> -> memref<256xi32, #tpu.memory_space<hbm>>
    %dma_start3A_77 = arith.constant 0 : i32
    %dma_start3A_78 = tpu.memref_slice %arg4[%add3A, %dma_start3A_73, %dma_start3A_77] : memref<32x64x256xi32, #tpu.memory_space<hbm>> -> memref<1x1x256xi32, #tpu.memory_space<hbm>>
    %dma_start3A_79 = tpu.memref_squeeze %dma_start3A_78 : memref<1x1x256xi32, #tpu.memory_space<hbm>> -> memref<256xi32, #tpu.memory_space<hbm>>
    tpu.enqueue_dma source(%dma_start3A_79 : memref<256xi32, #tpu.memory_space<hbm>>) target(%arg15 : memref<256xi32, #tpu.memory_space<vmem>>) target_semaphore(%arg23 : memref<!tpu.dma_semaphore, #tpu.memory_space<semaphore_mem>>)
    %dma_start3A_80 = arith.constant 0 : i32
    %dma_start3A_81 = arith.constant 0 : i32
    %dma_start3A_82 = tpu.memref_slice %arg5[%add3A, %dma_start3A_80, %dma_start3A_81] : memref<32x64x256xi32, #tpu.memory_space<hbm>> -> memref<1x1x256xi32, #tpu.memory_space<hbm>>
    %dma_start3A_83 = tpu.memref_squeeze %dma_start3A_82 : memref<1x1x256xi32, #tpu.memory_space<hbm>> -> memref<256xi32, #tpu.memory_space<hbm>>
    %dma_start3A_84 = arith.constant 0 : i32
    %dma_start3A_85 = tpu.memref_slice %arg5[%add3A, %dma_start3A_80, %dma_start3A_84] : memref<32x64x256xi32, #tpu.memory_space<hbm>> -> memref<1x1x256xi32, #tpu.memory_space<hbm>>
    %dma_start3A_86 = tpu.memref_squeeze %dma_start3A_85 : memref<1x1x256xi32, #tpu.memory_space<hbm>> -> memref<256xi32, #tpu.memory_space<hbm>>
    tpu.enqueue_dma source(%dma_start3A_86 : memref<256xi32, #tpu.memory_space<hbm>>) target(%arg17 : memref<256xi32, #tpu.memory_space<vmem>>) target_semaphore(%arg25 : memref<!tpu.dma_semaphore, #tpu.memory_space<semaphore_mem>>)
    %dma_start3A_87 = arith.constant 1 : i32
    %dma_start3A_88 = arith.constant 0 : i32
    %dma_start3A_89 = tpu.memref_slice %arg4[%add3A, %dma_start3A_87, %dma_start3A_88] : memref<32x64x256xi32, #tpu.memory_space<hbm>> -> memref<1x1x256xi32, #tpu.memory_space<hbm>>
    %dma_start3A_90 = tpu.memref_squeeze %dma_start3A_89 : memref<1x1x256xi32, #tpu.memory_space<hbm>> -> memref<256xi32, #tpu.memory_space<hbm>>
    %dma_start3A_91 = arith.constant 0 : i32
    %dma_start3A_92 = tpu.memref_slice %arg4[%add3A, %dma_start3A_87, %dma_start3A_91] : memref<32x64x256xi32, #tpu.memory_space<hbm>> -> memref<1x1x256xi32, #tpu.memory_space<hbm>>
    %dma_start3A_93 = tpu.memref_squeeze %dma_start3A_92 : memref<1x1x256xi32, #tpu.memory_space<hbm>> -> memref<256xi32, #tpu.memory_space<hbm>>
    tpu.enqueue_dma source(%dma_start3A_93 : memref<256xi32, #tpu.memory_space<hbm>>) target(%arg16 : memref<256xi32, #tpu.memory_space<vmem>>) target_semaphore(%arg24 : memref<!tpu.dma_semaphore, #tpu.memory_space<semaphore_mem>>)
    %dma_start3A_94 = arith.constant 1 : i32
    %dma_start3A_95 = arith.constant 0 : i32
    %dma_start3A_96 = tpu.memref_slice %arg5[%add3A, %dma_start3A_94, %dma_start3A_95] : memref<32x64x256xi32, #tpu.memory_space<hbm>> -> memref<1x1x256xi32, #tpu.memory_space<hbm>>
    %dma_start3A_97 = tpu.memref_squeeze %dma_start3A_96 : memref<1x1x256xi32, #tpu.memory_space<hbm>> -> memref<256xi32, #tpu.memory_space<hbm>>
    %dma_start3A_98 = arith.constant 0 : i32
    %dma_start3A_99 = tpu.memref_slice %arg5[%add3A, %dma_start3A_94, %dma_start3A_98] : memref<32x64x256xi32, #tpu.memory_space<hbm>> -> memref<1x1x256xi32, #tpu.memory_space<hbm>>
    %dma_start3A_100 = tpu.memref_squeeze %dma_start3A_99 : memref<1x1x256xi32, #tpu.memory_space<hbm>> -> memref<256xi32, #tpu.memory_space<hbm>>
    tpu.enqueue_dma source(%dma_start3A_100 : memref<256xi32, #tpu.memory_space<hbm>>) target(%arg18 : memref<256xi32, #tpu.memory_space<vmem>>) target_semaphore(%arg26 : memref<!tpu.dma_semaphore, #tpu.memory_space<semaphore_mem>>)
    %dma_wait3A_101 = arith.constant 0 : i32
    %dma_wait3A_102 = arith.constant 0 : i32
    %dma_wait3A_103 = tpu.memref_slice %arg4[%add3A, %dma_wait3A_101, %dma_wait3A_102] : memref<32x64x256xi32, #tpu.memory_space<hbm>> -> memref<1x1x256xi32, #tpu.memory_space<hbm>>
    %dma_wait3A_104 = tpu.memref_squeeze %dma_wait3A_103 : memref<1x1x256xi32, #tpu.memory_space<hbm>> -> memref<256xi32, #tpu.memory_space<hbm>>
    %dma_wait3A_105 = arith.constant 0 : i32
    %dma_wait3A_106 = tpu.memref_slice %arg4[%add3A, %dma_wait3A_101, %dma_wait3A_105] : memref<32x64x256xi32, #tpu.memory_space<hbm>> -> memref<1x1x256xi32, #tpu.memory_space<hbm>>
    %dma_wait3A_107 = tpu.memref_squeeze %dma_wait3A_106 : memref<1x1x256xi32, #tpu.memory_space<hbm>> -> memref<256xi32, #tpu.memory_space<hbm>>
    tpu.wait_dma2 semaphore(%arg23 : memref<!tpu.dma_semaphore, #tpu.memory_space<semaphore_mem>>) src(%dma_wait3A_107 : memref<256xi32, #tpu.memory_space<hbm>>) dst(%arg15 : memref<256xi32, #tpu.memory_space<vmem>>)
    %dma_wait3A_108 = arith.constant 0 : i32
    %dma_wait3A_109 = arith.constant 0 : i32
    %dma_wait3A_110 = tpu.memref_slice %arg5[%add3A, %dma_wait3A_108, %dma_wait3A_109] : memref<32x64x256xi32, #tpu.memory_space<hbm>> -> memref<1x1x256xi32, #tpu.memory_space<hbm>>
    %dma_wait3A_111 = tpu.memref_squeeze %dma_wait3A_110 : memref<1x1x256xi32, #tpu.memory_space<hbm>> -> memref<256xi32, #tpu.memory_space<hbm>>
    %dma_wait3A_112 = arith.constant 0 : i32
    %dma_wait3A_113 = tpu.memref_slice %arg5[%add3A, %dma_wait3A_108, %dma_wait3A_112] : memref<32x64x256xi32, #tpu.memory_space<hbm>> -> memref<1x1x256xi32, #tpu.memory_space<hbm>>
    %dma_wait3A_114 = tpu.memref_squeeze %dma_wait3A_113 : memref<1x1x256xi32, #tpu.memory_space<hbm>> -> memref<256xi32, #tpu.memory_space<hbm>>
    tpu.wait_dma2 semaphore(%arg25 : memref<!tpu.dma_semaphore, #tpu.memory_space<semaphore_mem>>) src(%dma_wait3A_114 : memref<256xi32, #tpu.memory_space<hbm>>) dst(%arg17 : memref<256xi32, #tpu.memory_space<vmem>>)
    %dma_start3A_115 = arith.constant 0 : i32
    %dma_start3A_116 = arith.constant 0 : i32
    %dma_start3A_117 = tpu.memref_slice %arg6[%dma_start3A_115, %dma_start3A_116] : memref<100000x16xi32, #tpu.memory_space<hbm>> -> memref<100000x16xi32, #tpu.memory_space<hbm>>
    tpu.enqueue_indirect_dma source(%dma_start3A_117 : memref<100000x16xi32, #tpu.memory_space<hbm>>) target(%arg11 : memref<256x16xi32, #tpu.memory_space<vmem>>) offsets(%arg15 : memref<256xi32, #tpu.memory_space<vmem>>) semaphore(%arg19 : memref<!tpu.dma_semaphore, #tpu.memory_space<semaphore_mem>>)
    %dma_start3A_118 = arith.constant 0 : i32
    %dma_start3A_119 = arith.constant 0 : i32
    %dma_start3A_120 = tpu.memref_slice %arg7[%dma_start3A_118, %dma_start3A_119] : memref<1000000x16xi32, #tpu.memory_space<hbm>> -> memref<1000000x16xi32, #tpu.memory_space<hbm>>
    tpu.enqueue_indirect_dma source(%dma_start3A_120 : memref<1000000x16xi32, #tpu.memory_space<hbm>>) target(%arg13 : memref<256x16xi32, #tpu.memory_space<vmem>>) offsets(%arg17 : memref<256xi32, #tpu.memory_space<vmem>>) semaphore(%arg21 : memref<!tpu.dma_semaphore, #tpu.memory_space<semaphore_mem>>)
    %dma_wait3A_121 = arith.constant 1 : i32
    %dma_wait3A_122 = arith.constant 0 : i32
    %dma_wait3A_123 = tpu.memref_slice %arg4[%add3A, %dma_wait3A_121, %dma_wait3A_122] : memref<32x64x256xi32, #tpu.memory_space<hbm>> -> memref<1x1x256xi32, #tpu.memory_space<hbm>>
    %dma_wait3A_124 = tpu.memref_squeeze %dma_wait3A_123 : memref<1x1x256xi32, #tpu.memory_space<hbm>> -> memref<256xi32, #tpu.memory_space<hbm>>
    %dma_wait3A_125 = arith.constant 0 : i32
    %dma_wait3A_126 = tpu.memref_slice %arg4[%add3A, %dma_wait3A_121, %dma_wait3A_125] : memref<32x64x256xi32, #tpu.memory_space<hbm>> -> memref<1x1x256xi32, #tpu.memory_space<hbm>>
    %dma_wait3A_127 = tpu.memref_squeeze %dma_wait3A_126 : memref<1x1x256xi32, #tpu.memory_space<hbm>> -> memref<256xi32, #tpu.memory_space<hbm>>
    tpu.wait_dma2 semaphore(%arg24 : memref<!tpu.dma_semaphore, #tpu.memory_space<semaphore_mem>>) src(%dma_wait3A_127 : memref<256xi32, #tpu.memory_space<hbm>>) dst(%arg16 : memref<256xi32, #tpu.memory_space<vmem>>)
    %dma_wait3A_128 = arith.constant 1 : i32
    %dma_wait3A_129 = arith.constant 0 : i32
    %dma_wait3A_130 = tpu.memref_slice %arg5[%add3A, %dma_wait3A_128, %dma_wait3A_129] : memref<32x64x256xi32, #tpu.memory_space<hbm>> -> memref<1x1x256xi32, #tpu.memory_space<hbm>>
    %dma_wait3A_131 = tpu.memref_squeeze %dma_wait3A_130 : memref<1x1x256xi32, #tpu.memory_space<hbm>> -> memref<256xi32, #tpu.memory_space<hbm>>
    %dma_wait3A_132 = arith.constant 0 : i32
    %dma_wait3A_133 = tpu.memref_slice %arg5[%add3A, %dma_wait3A_128, %dma_wait3A_132] : memref<32x64x256xi32, #tpu.memory_space<hbm>> -> memref<1x1x256xi32, #tpu.memory_space<hbm>>
    %dma_wait3A_134 = tpu.memref_squeeze %dma_wait3A_133 : memref<1x1x256xi32, #tpu.memory_space<hbm>> -> memref<256xi32, #tpu.memory_space<hbm>>
    tpu.wait_dma2 semaphore(%arg26 : memref<!tpu.dma_semaphore, #tpu.memory_space<semaphore_mem>>) src(%dma_wait3A_134 : memref<256xi32, #tpu.memory_space<hbm>>) dst(%arg18 : memref<256xi32, #tpu.memory_space<vmem>>)
    %dma_start3A_135 = arith.constant 0 : i32
    %dma_start3A_136 = arith.constant 0 : i32
    %dma_start3A_137 = tpu.memref_slice %arg6[%dma_start3A_135, %dma_start3A_136] : memref<100000x16xi32, #tpu.memory_space<hbm>> -> memref<100000x16xi32, #tpu.memory_space<hbm>>
    tpu.enqueue_indirect_dma source(%dma_start3A_137 : memref<100000x16xi32, #tpu.memory_space<hbm>>) target(%arg12 : memref<256x16xi32, #tpu.memory_space<vmem>>) offsets(%arg16 : memref<256xi32, #tpu.memory_space<vmem>>) semaphore(%arg20 : memref<!tpu.dma_semaphore, #tpu.memory_space<semaphore_mem>>)
    %dma_start3A_138 = arith.constant 0 : i32
    %dma_start3A_139 = arith.constant 0 : i32
    %dma_start3A_140 = tpu.memref_slice %arg7[%dma_start3A_138, %dma_start3A_139] : memref<1000000x16xi32, #tpu.memory_space<hbm>> -> memref<1000000x16xi32, #tpu.memory_space<hbm>>
    tpu.enqueue_indirect_dma source(%dma_start3A_140 : memref<1000000x16xi32, #tpu.memory_space<hbm>>) target(%arg14 : memref<256x16xi32, #tpu.memory_space<vmem>>) offsets(%arg18 : memref<256xi32, #tpu.memory_space<vmem>>) semaphore(%arg22 : memref<!tpu.dma_semaphore, #tpu.memory_space<semaphore_mem>>)
    %scan3A_141 = arith.constant 0 : i32
    %scan3A_142 = arith.constant 32 : i32
    %scan3A_143 = arith.addi %scan3A_141, %scan3A_142 : i32
    %scan3A_144 = arith.constant 1 : i32
    scf.for %scan3A_148 = %scan3A_141 to %scan3A_143 step %scan3A_144  : i32 {
      %mul3A_149 = arith.constant 2 : i32
      %mul3A_150 = arith.muli %scan3A_148, %mul3A_149 : i32
      %add3A_151 = arith.constant 0 : i32
      %add3A_152 = arith.addi %add3A_151, %mul3A_150 : i32
      %add3A_153 = arith.constant 0 : i32
      %add3A_154 = arith.addi %add3A_152, %add3A_153 : i32
      %add3A_155 = arith.constant 2 : i32
      %add3A_156 = arith.addi %add3A_154, %add3A_155 : i32
      %dma_wait3A_157 = arith.constant 0 : i32
      %dma_wait3A_158 = arith.constant 0 : i32
      %dma_wait3A_159 = tpu.memref_slice %arg6[%dma_wait3A_157, %dma_wait3A_158] : memref<100000x16xi32, #tpu.memory_space<hbm>> -> memref<100000x16xi32, #tpu.memory_space<hbm>>
      tpu.wait_indirect_dma semaphore(%arg19 : memref<!tpu.dma_semaphore, #tpu.memory_space<semaphore_mem>>) src(%dma_wait3A_159 : memref<100000x16xi32, #tpu.memory_space<hbm>>) dst(%arg11 : memref<256x16xi32, #tpu.memory_space<vmem>>)
      %dma_wait3A_160 = arith.constant 0 : i32
      %dma_wait3A_161 = arith.constant 0 : i32
      %dma_wait3A_162 = tpu.memref_slice %arg7[%dma_wait3A_160, %dma_wait3A_161] : memref<1000000x16xi32, #tpu.memory_space<hbm>> -> memref<1000000x16xi32, #tpu.memory_space<hbm>>
      tpu.wait_indirect_dma semaphore(%arg21 : memref<!tpu.dma_semaphore, #tpu.memory_space<semaphore_mem>>) src(%dma_wait3A_162 : memref<1000000x16xi32, #tpu.memory_space<hbm>>) dst(%arg13 : memref<256x16xi32, #tpu.memory_space<vmem>>)
      %lt3A = arith.constant 64 : i32
      %lt3A_163 = arith.cmpi slt, %add3A_156, %lt3A : i32
      %convert_element_type3A = arith.extui %lt3A_163 : i1 to i32
      %cond3A = arith.constant 0 : i32
      %cond3A_164 = arith.cmpi ne, %convert_element_type3A, %cond3A : i32
      scf.if %cond3A_164 {
        %dma_start3A_200 = arith.constant 0 : i32
        %dma_start3A_201 = tpu.memref_slice %arg4[%add3A, %add3A_156, %dma_start3A_200] : memref<32x64x256xi32, #tpu.memory_space<hbm>> -> memref<1x1x256xi32, #tpu.memory_space<hbm>>
        %dma_start3A_202 = tpu.memref_squeeze %dma_start3A_201 : memref<1x1x256xi32, #tpu.memory_space<hbm>> -> memref<256xi32, #tpu.memory_space<hbm>>
        %dma_start3A_203 = arith.constant 0 : i32
        %dma_start3A_204 = tpu.memref_slice %arg4[%add3A, %add3A_156, %dma_start3A_203] : memref<32x64x256xi32, #tpu.memory_space<hbm>> -> memref<1x1x256xi32, #tpu.memory_space<hbm>>
        %dma_start3A_205 = tpu.memref_squeeze %dma_start3A_204 : memref<1x1x256xi32, #tpu.memory_space<hbm>> -> memref<256xi32, #tpu.memory_space<hbm>>
        tpu.enqueue_dma source(%dma_start3A_205 : memref<256xi32, #tpu.memory_space<hbm>>) target(%arg15 : memref<256xi32, #tpu.memory_space<vmem>>) target_semaphore(%arg23 : memref<!tpu.dma_semaphore, #tpu.memory_space<semaphore_mem>>)
        %dma_start3A_206 = arith.constant 0 : i32
        %dma_start3A_207 = tpu.memref_slice %arg5[%add3A, %add3A_156, %dma_start3A_206] : memref<32x64x256xi32, #tpu.memory_space<hbm>> -> memref<1x1x256xi32, #tpu.memory_space<hbm>>
        %dma_start3A_208 = tpu.memref_squeeze %dma_start3A_207 : memref<1x1x256xi32, #tpu.memory_space<hbm>> -> memref<256xi32, #tpu.memory_space<hbm>>
        %dma_start3A_209 = arith.constant 0 : i32
        %dma_start3A_210 = tpu.memref_slice %arg5[%add3A, %add3A_156, %dma_start3A_209] : memref<32x64x256xi32, #tpu.memory_space<hbm>> -> memref<1x1x256xi32, #tpu.memory_space<hbm>>
        %dma_start3A_211 = tpu.memref_squeeze %dma_start3A_210 : memref<1x1x256xi32, #tpu.memory_space<hbm>> -> memref<256xi32, #tpu.memory_space<hbm>>
        tpu.enqueue_dma source(%dma_start3A_211 : memref<256xi32, #tpu.memory_space<hbm>>) target(%arg17 : memref<256xi32, #tpu.memory_space<vmem>>) target_semaphore(%arg25 : memref<!tpu.dma_semaphore, #tpu.memory_space<semaphore_mem>>)
      } else {
      }
      %scan3A_165 = arith.constant 0 : i32
      %scan3A_166 = arith.constant 16 : i32
      %scan3A_167 = arith.addi %scan3A_165, %scan3A_166 : i32
      %scan3A_168 = arith.constant 1 : i32
      scf.for %scan3A_200 = %scan3A_165 to %scan3A_167 step %scan3A_168  : i32 {
        %mul3A_201 = arith.constant 1 : i32
        %mul3A_202 = arith.muli %scan3A_200, %mul3A_201 : i32
        %add3A_203 = arith.constant 0 : i32
        %add3A_204 = arith.addi %add3A_203, %mul3A_202 : i32
        %mul3A_205 = arith.constant 16 : i32
        %mul3A_206 = arith.muli %add3A_204, %mul3A_205 : i32
        %add3A_207 = vector.broadcast %mul3A_206 : i32 to vector<16xi32>
        %add3A_208 = arith.addi %add3A_207, %iota3A : vector<16xi32>
        %broadcast_in_dim3A = arith.constant 0.000000e+00 : f32
        %broadcast_in_dim3A_209 = vector.broadcast %broadcast_in_dim3A : f32 to vector<16xf32>
        %broadcast_in_dim3A_210 = arith.constant 0 : i32
        %broadcast_in_dim3A_211 = vector.broadcast %broadcast_in_dim3A_210 : i32 to vector<16xi32>
        %gather3A = tpu.vector_load_idx %arg11[%add3A_208, %broadcast_in_dim3A_211] : memref<256x16xi32, #tpu.memory_space<vmem>>[vector<16xi32>, vector<16xi32>], vector<16xi32>,
        %gather3A_212 = tpu.vector_load_idx %arg13[%add3A_208, %broadcast_in_dim3A_211] : memref<256x16xi32, #tpu.memory_space<vmem>>[vector<16xi32>, vector<16xi32>], vector<16xi32>,
        %bitcast3A = vector.bitcast %gather3A : vector<16xi32> to vector<32xbf16>
        %unpack3A = tpu.unpack_subelements %bitcast3A, 0 {pack_format = #tpu.pack_format<interleaved>} : vector<32xbf16> -> vector<16xf32>
        %unpack3A_213 = tpu.unpack_subelements %bitcast3A, 1 {pack_format = #tpu.pack_format<interleaved>} : vector<32xbf16> -> vector<16xf32>
        %bitcast3A_214 = vector.bitcast %gather3A_212 : vector<16xi32> to vector<32xbf16>
        %unpack3A_215 = tpu.unpack_subelements %bitcast3A_214, 0 {pack_format = #tpu.pack_format<interleaved>} : vector<32xbf16> -> vector<16xf32>
        %unpack3A_216 = tpu.unpack_subelements %bitcast3A_214, 1 {pack_format = #tpu.pack_format<interleaved>} : vector<32xbf16> -> vector<16xf32>
        %mul3A_217 = arith.mulf %unpack3A, %unpack3A_215 : vector<16xf32>
        %add3A_218 = arith.addf %broadcast_in_dim3A_209, %mul3A_217 : vector<16xf32>
        %mul3A_219 = arith.mulf %unpack3A_213, %unpack3A_216 : vector<16xf32>
        %add3A_220 = arith.addf %add3A_218, %mul3A_219 : vector<16xf32>
        %add3A_221 = arith.constant 1 : i32
        %add3A_222 = vector.broadcast %add3A_221 : i32 to vector<16xi32>
        %add3A_223 = arith.addi %broadcast_in_dim3A_211, %add3A_222 : vector<16xi32>
        %gather3A_224 = tpu.vector_load_idx %arg11[%add3A_208, %add3A_223] : memref<256x16xi32, #tpu.memory_space<vmem>>[vector<16xi32>, vector<16xi32>], vector<16xi32>,
        %gather3A_225 = tpu.vector_load_idx %arg13[%add3A_208, %add3A_223] : memref<256x16xi32, #tpu.memory_space<vmem>>[vector<16xi32>, vector<16xi32>], vector<16xi32>,
        %bitcast3A_226 = vector.bitcast %gather3A_224 : vector<16xi32> to vector<32xbf16>
        %unpack3A_227 = tpu.unpack_subelements %bitcast3A_226, 0 {pack_format = #tpu.pack_format<interleaved>} : vector<32xbf16> -> vector<16xf32>
        %unpack3A_228 = tpu.unpack_subelements %bitcast3A_226, 1 {pack_format = #tpu.pack_format<interleaved>} : vector<32xbf16> -> vector<16xf32>
        %bitcast3A_229 = vector.bitcast %gather3A_225 : vector<16xi32> to vector<32xbf16>
        %unpack3A_230 = tpu.unpack_subelements %bitcast3A_229, 0 {pack_format = #tpu.pack_format<interleaved>} : vector<32xbf16> -> vector<16xf32>
        %unpack3A_231 = tpu.unpack_subelements %bitcast3A_229, 1 {pack_format = #tpu.pack_format<interleaved>} : vector<32xbf16> -> vector<16xf32>
        %mul3A_232 = arith.mulf %unpack3A_227, %unpack3A_230 : vector<16xf32>
        %add3A_233 = arith.addf %add3A_220, %mul3A_232 : vector<16xf32>
        %mul3A_234 = arith.mulf %unpack3A_228, %unpack3A_231 : vector<16xf32>
        %add3A_235 = arith.addf %add3A_233, %mul3A_234 : vector<16xf32>
        %add3A_236 = arith.constant 1 : i32
        %add3A_237 = vector.broadcast %add3A_236 : i32 to vector<16xi32>
        %add3A_238 = arith.addi %add3A_223, %add3A_237 : vector<16xi32>
        %gather3A_239 = tpu.vector_load_idx %arg11[%add3A_208, %add3A_238] : memref<256x16xi32, #tpu.memory_space<vmem>>[vector<16xi32>, vector<16xi32>], vector<16xi32>,
        %gather3A_240 = tpu.vector_load_idx %arg13[%add3A_208, %add3A_238] : memref<256x16xi32, #tpu.memory_space<vmem>>[vector<16xi32>, vector<16xi32>], vector<16xi32>,
        %bitcast3A_241 = vector.bitcast %gather3A_239 : vector<16xi32> to vector<32xbf16>
        %unpack3A_242 = tpu.unpack_subelements %bitcast3A_241, 0 {pack_format = #tpu.pack_format<interleaved>} : vector<32xbf16> -> vector<16xf32>
        %unpack3A_243 = tpu.unpack_subelements %bitcast3A_241, 1 {pack_format = #tpu.pack_format<interleaved>} : vector<32xbf16> -> vector<16xf32>
        %bitcast3A_244 = vector.bitcast %gather3A_240 : vector<16xi32> to vector<32xbf16>
        %unpack3A_245 = tpu.unpack_subelements %bitcast3A_244, 0 {pack_format = #tpu.pack_format<interleaved>} : vector<32xbf16> -> vector<16xf32>
        %unpack3A_246 = tpu.unpack_subelements %bitcast3A_244, 1 {pack_format = #tpu.pack_format<interleaved>} : vector<32xbf16> -> vector<16xf32>
        %mul3A_247 = arith.mulf %unpack3A_242, %unpack3A_245 : vector<16xf32>
        %add3A_248 = arith.addf %add3A_235, %mul3A_247 : vector<16xf32>
        %mul3A_249 = arith.mulf %unpack3A_243, %unpack3A_246 : vector<16xf32>
        %add3A_250 = arith.addf %add3A_248, %mul3A_249 : vector<16xf32>
        %add3A_251 = arith.constant 1 : i32
        %add3A_252 = vector.broadcast %add3A_251 : i32 to vector<16xi32>
        %add3A_253 = arith.addi %add3A_238, %add3A_252 : vector<16xi32>
        %gather3A_254 = tpu.vector_load_idx %arg11[%add3A_208, %add3A_253] : memref<256x16xi32, #tpu.memory_space<vmem>>[vector<16xi32>, vector<16xi32>], vector<16xi32>,
        %gather3A_255 = tpu.vector_load_idx %arg13[%add3A_208, %add3A_253] : memref<256x16xi32, #tpu.memory_space<vmem>>[vector<16xi32>, vector<16xi32>], vector<16xi32>,
        %bitcast3A_256 = vector.bitcast %gather3A_254 : vector<16xi32> to vector<32xbf16>
        %unpack3A_257 = tpu.unpack_subelements %bitcast3A_256, 0 {pack_format = #tpu.pack_format<interleaved>} : vector<32xbf16> -> vector<16xf32>
        %unpack3A_258 = tpu.unpack_subelements %bitcast3A_256, 1 {pack_format = #tpu.pack_format<interleaved>} : vector<32xbf16> -> vector<16xf32>
        %bitcast3A_259 = vector.bitcast %gather3A_255 : vector<16xi32> to vector<32xbf16>
        %unpack3A_260 = tpu.unpack_subelements %bitcast3A_259, 0 {pack_format = #tpu.pack_format<interleaved>} : vector<32xbf16> -> vector<16xf32>
        %unpack3A_261 = tpu.unpack_subelements %bitcast3A_259, 1 {pack_format = #tpu.pack_format<interleaved>} : vector<32xbf16> -> vector<16xf32>
        %mul3A_262 = arith.mulf %unpack3A_257, %unpack3A_260 : vector<16xf32>
        %add3A_263 = arith.addf %add3A_250, %mul3A_262 : vector<16xf32>
        %mul3A_264 = arith.mulf %unpack3A_258, %unpack3A_261 : vector<16xf32>
        %add3A_265 = arith.addf %add3A_263, %mul3A_264 : vector<16xf32>
        %add3A_266 = arith.constant 1 : i32
        %add3A_267 = vector.broadcast %add3A_266 : i32 to vector<16xi32>
        %add3A_268 = arith.addi %add3A_253, %add3A_267 : vector<16xi32>
        %gather3A_269 = tpu.vector_load_idx %arg11[%add3A_208, %add3A_268] : memref<256x16xi32, #tpu.memory_space<vmem>>[vector<16xi32>, vector<16xi32>], vector<16xi32>,
        %gather3A_270 = tpu.vector_load_idx %arg13[%add3A_208, %add3A_268] : memref<256x16xi32, #tpu.memory_space<vmem>>[vector<16xi32>, vector<16xi32>], vector<16xi32>,
        %bitcast3A_271 = vector.bitcast %gather3A_269 : vector<16xi32> to vector<32xbf16>
        %unpack3A_272 = tpu.unpack_subelements %bitcast3A_271, 0 {pack_format = #tpu.pack_format<interleaved>} : vector<32xbf16> -> vector<16xf32>
        %unpack3A_273 = tpu.unpack_subelements %bitcast3A_271, 1 {pack_format = #tpu.pack_format<interleaved>} : vector<32xbf16> -> vector<16xf32>
        %bitcast3A_274 = vector.bitcast %gather3A_270 : vector<16xi32> to vector<32xbf16>
        %unpack3A_275 = tpu.unpack_subelements %bitcast3A_274, 0 {pack_format = #tpu.pack_format<interleaved>} : vector<32xbf16> -> vector<16xf32>
        %unpack3A_276 = tpu.unpack_subelements %bitcast3A_274, 1 {pack_format = #tpu.pack_format<interleaved>} : vector<32xbf16> -> vector<16xf32>
        %mul3A_277 = arith.mulf %unpack3A_272, %unpack3A_275 : vector<16xf32>
        %add3A_278 = arith.addf %add3A_265, %mul3A_277 : vector<16xf32>
        %mul3A_279 = arith.mulf %unpack3A_273, %unpack3A_276 : vector<16xf32>
        %add3A_280 = arith.addf %add3A_278, %mul3A_279 : vector<16xf32>
        %add3A_281 = arith.constant 1 : i32
        %add3A_282 = vector.broadcast %add3A_281 : i32 to vector<16xi32>
        %add3A_283 = arith.addi %add3A_268, %add3A_282 : vector<16xi32>
        %gather3A_284 = tpu.vector_load_idx %arg11[%add3A_208, %add3A_283] : memref<256x16xi32, #tpu.memory_space<vmem>>[vector<16xi32>, vector<16xi32>], vector<16xi32>,
        %gather3A_285 = tpu.vector_load_idx %arg13[%add3A_208, %add3A_283] : memref<256x16xi32, #tpu.memory_space<vmem>>[vector<16xi32>, vector<16xi32>], vector<16xi32>,
        %bitcast3A_286 = vector.bitcast %gather3A_284 : vector<16xi32> to vector<32xbf16>
        %unpack3A_287 = tpu.unpack_subelements %bitcast3A_286, 0 {pack_format = #tpu.pack_format<interleaved>} : vector<32xbf16> -> vector<16xf32>
        %unpack3A_288 = tpu.unpack_subelements %bitcast3A_286, 1 {pack_format = #tpu.pack_format<interleaved>} : vector<32xbf16> -> vector<16xf32>
        %bitcast3A_289 = vector.bitcast %gather3A_285 : vector<16xi32> to vector<32xbf16>
        %unpack3A_290 = tpu.unpack_subelements %bitcast3A_289, 0 {pack_format = #tpu.pack_format<interleaved>} : vector<32xbf16> -> vector<16xf32>
        %unpack3A_291 = tpu.unpack_subelements %bitcast3A_289, 1 {pack_format = #tpu.pack_format<interleaved>} : vector<32xbf16> -> vector<16xf32>
        %mul3A_292 = arith.mulf %unpack3A_287, %unpack3A_290 : vector<16xf32>
        %add3A_293 = arith.addf %add3A_280, %mul3A_292 : vector<16xf32>
        %mul3A_294 = arith.mulf %unpack3A_288, %unpack3A_291 : vector<16xf32>
        %add3A_295 = arith.addf %add3A_293, %mul3A_294 : vector<16xf32>
        %add3A_296 = arith.constant 1 : i32
        %add3A_297 = vector.broadcast %add3A_296 : i32 to vector<16xi32>
        %add3A_298 = arith.addi %add3A_283, %add3A_297 : vector<16xi32>
        %gather3A_299 = tpu.vector_load_idx %arg11[%add3A_208, %add3A_298] : memref<256x16xi32, #tpu.memory_space<vmem>>[vector<16xi32>, vector<16xi32>], vector<16xi32>,
        %gather3A_300 = tpu.vector_load_idx %arg13[%add3A_208, %add3A_298] : memref<256x16xi32, #tpu.memory_space<vmem>>[vector<16xi32>, vector<16xi32>], vector<16xi32>,
        %bitcast3A_301 = vector.bitcast %gather3A_299 : vector<16xi32> to vector<32xbf16>
        %unpack3A_302 = tpu.unpack_subelements %bitcast3A_301, 0 {pack_format = #tpu.pack_format<interleaved>} : vector<32xbf16> -> vector<16xf32>
        %unpack3A_303 = tpu.unpack_subelements %bitcast3A_301, 1 {pack_format = #tpu.pack_format<interleaved>} : vector<32xbf16> -> vector<16xf32>
        %bitcast3A_304 = vector.bitcast %gather3A_300 : vector<16xi32> to vector<32xbf16>
        %unpack3A_305 = tpu.unpack_subelements %bitcast3A_304, 0 {pack_format = #tpu.pack_format<interleaved>} : vector<32xbf16> -> vector<16xf32>
        %unpack3A_306 = tpu.unpack_subelements %bitcast3A_304, 1 {pack_format = #tpu.pack_format<interleaved>} : vector<32xbf16> -> vector<16xf32>
        %mul3A_307 = arith.mulf %unpack3A_302, %unpack3A_305 : vector<16xf32>
        %add3A_308 = arith.addf %add3A_295, %mul3A_307 : vector<16xf32>
        %mul3A_309 = arith.mulf %unpack3A_303, %unpack3A_306 : vector<16xf32>
        %add3A_310 = arith.addf %add3A_308, %mul3A_309 : vector<16xf32>
        %add3A_311 = arith.constant 1 : i32
        %add3A_312 = vector.broadcast %add3A_311 : i32 to vector<16xi32>
        %add3A_313 = arith.addi %add3A_298, %add3A_312 : vector<16xi32>
        %gather3A_314 = tpu.vector_load_idx %arg11[%add3A_208, %add3A_313] : memref<256x16xi32, #tpu.memory_space<vmem>>[vector<16xi32>, vector<16xi32>], vector<16xi32>,
        %gather3A_315 = tpu.vector_load_idx %arg13[%add3A_208, %add3A_313] : memref<256x16xi32, #tpu.memory_space<vmem>>[vector<16xi32>, vector<16xi32>], vector<16xi32>,
        %bitcast3A_316 = vector.bitcast %gather3A_314 : vector<16xi32> to vector<32xbf16>
        %unpack3A_317 = tpu.unpack_subelements %bitcast3A_316, 0 {pack_format = #tpu.pack_format<interleaved>} : vector<32xbf16> -> vector<16xf32>
        %unpack3A_318 = tpu.unpack_subelements %bitcast3A_316, 1 {pack_format = #tpu.pack_format<interleaved>} : vector<32xbf16> -> vector<16xf32>
        %bitcast3A_319 = vector.bitcast %gather3A_315 : vector<16xi32> to vector<32xbf16>
        %unpack3A_320 = tpu.unpack_subelements %bitcast3A_319, 0 {pack_format = #tpu.pack_format<interleaved>} : vector<32xbf16> -> vector<16xf32>
        %unpack3A_321 = tpu.unpack_subelements %bitcast3A_319, 1 {pack_format = #tpu.pack_format<interleaved>} : vector<32xbf16> -> vector<16xf32>
        %mul3A_322 = arith.mulf %unpack3A_317, %unpack3A_320 : vector<16xf32>
        %add3A_323 = arith.addf %add3A_310, %mul3A_322 : vector<16xf32>
        %mul3A_324 = arith.mulf %unpack3A_318, %unpack3A_321 : vector<16xf32>
        %add3A_325 = arith.addf %add3A_323, %mul3A_324 : vector<16xf32>
        %add3A_326 = arith.constant 1 : i32
        %add3A_327 = vector.broadcast %add3A_326 : i32 to vector<16xi32>
        %add3A_328 = arith.addi %add3A_313, %add3A_327 : vector<16xi32>
        %gather3A_329 = tpu.vector_load_idx %arg11[%add3A_208, %add3A_328] : memref<256x16xi32, #tpu.memory_space<vmem>>[vector<16xi32>, vector<16xi32>], vector<16xi32>,
        %gather3A_330 = tpu.vector_load_idx %arg13[%add3A_208, %add3A_328] : memref<256x16xi32, #tpu.memory_space<vmem>>[vector<16xi32>, vector<16xi32>], vector<16xi32>,
        %bitcast3A_331 = vector.bitcast %gather3A_329 : vector<16xi32> to vector<32xbf16>
        %unpack3A_332 = tpu.unpack_subelements %bitcast3A_331, 0 {pack_format = #tpu.pack_format<interleaved>} : vector<32xbf16> -> vector<16xf32>
        %unpack3A_333 = tpu.unpack_subelements %bitcast3A_331, 1 {pack_format = #tpu.pack_format<interleaved>} : vector<32xbf16> -> vector<16xf32>
        %bitcast3A_334 = vector.bitcast %gather3A_330 : vector<16xi32> to vector<32xbf16>
        %unpack3A_335 = tpu.unpack_subelements %bitcast3A_334, 0 {pack_format = #tpu.pack_format<interleaved>} : vector<32xbf16> -> vector<16xf32>
        %unpack3A_336 = tpu.unpack_subelements %bitcast3A_334, 1 {pack_format = #tpu.pack_format<interleaved>} : vector<32xbf16> -> vector<16xf32>
        %mul3A_337 = arith.mulf %unpack3A_332, %unpack3A_335 : vector<16xf32>
        %add3A_338 = arith.addf %add3A_325, %mul3A_337 : vector<16xf32>
        %mul3A_339 = arith.mulf %unpack3A_333, %unpack3A_336 : vector<16xf32>
        %add3A_340 = arith.addf %add3A_338, %mul3A_339 : vector<16xf32>
        %add3A_341 = arith.constant 1 : i32
        %add3A_342 = vector.broadcast %add3A_341 : i32 to vector<16xi32>
        %add3A_343 = arith.addi %add3A_328, %add3A_342 : vector<16xi32>
        %gather3A_344 = tpu.vector_load_idx %arg11[%add3A_208, %add3A_343] : memref<256x16xi32, #tpu.memory_space<vmem>>[vector<16xi32>, vector<16xi32>], vector<16xi32>,
        %gather3A_345 = tpu.vector_load_idx %arg13[%add3A_208, %add3A_343] : memref<256x16xi32, #tpu.memory_space<vmem>>[vector<16xi32>, vector<16xi32>], vector<16xi32>,
        %bitcast3A_346 = vector.bitcast %gather3A_344 : vector<16xi32> to vector<32xbf16>
        %unpack3A_347 = tpu.unpack_subelements %bitcast3A_346, 0 {pack_format = #tpu.pack_format<interleaved>} : vector<32xbf16> -> vector<16xf32>
        %unpack3A_348 = tpu.unpack_subelements %bitcast3A_346, 1 {pack_format = #tpu.pack_format<interleaved>} : vector<32xbf16> -> vector<16xf32>
        %bitcast3A_349 = vector.bitcast %gather3A_345 : vector<16xi32> to vector<32xbf16>
        %unpack3A_350 = tpu.unpack_subelements %bitcast3A_349, 0 {pack_format = #tpu.pack_format<interleaved>} : vector<32xbf16> -> vector<16xf32>
        %unpack3A_351 = tpu.unpack_subelements %bitcast3A_349, 1 {pack_format = #tpu.pack_format<interleaved>} : vector<32xbf16> -> vector<16xf32>
        %mul3A_352 = arith.mulf %unpack3A_347, %unpack3A_350 : vector<16xf32>
        %add3A_353 = arith.addf %add3A_340, %mul3A_352 : vector<16xf32>
        %mul3A_354 = arith.mulf %unpack3A_348, %unpack3A_351 : vector<16xf32>
        %add3A_355 = arith.addf %add3A_353, %mul3A_354 : vector<16xf32>
        %add3A_356 = arith.constant 1 : i32
        %add3A_357 = vector.broadcast %add3A_356 : i32 to vector<16xi32>
        %add3A_358 = arith.addi %add3A_343, %add3A_357 : vector<16xi32>
        %gather3A_359 = tpu.vector_load_idx %arg11[%add3A_208, %add3A_358] : memref<256x16xi32, #tpu.memory_space<vmem>>[vector<16xi32>, vector<16xi32>], vector<16xi32>,
        %gather3A_360 = tpu.vector_load_idx %arg13[%add3A_208, %add3A_358] : memref<256x16xi32, #tpu.memory_space<vmem>>[vector<16xi32>, vector<16xi32>], vector<16xi32>,
        %bitcast3A_361 = vector.bitcast %gather3A_359 : vector<16xi32> to vector<32xbf16>
        %unpack3A_362 = tpu.unpack_subelements %bitcast3A_361, 0 {pack_format = #tpu.pack_format<interleaved>} : vector<32xbf16> -> vector<16xf32>
        %unpack3A_363 = tpu.unpack_subelements %bitcast3A_361, 1 {pack_format = #tpu.pack_format<interleaved>} : vector<32xbf16> -> vector<16xf32>
        %bitcast3A_364 = vector.bitcast %gather3A_360 : vector<16xi32> to vector<32xbf16>
        %unpack3A_365 = tpu.unpack_subelements %bitcast3A_364, 0 {pack_format = #tpu.pack_format<interleaved>} : vector<32xbf16> -> vector<16xf32>
        %unpack3A_366 = tpu.unpack_subelements %bitcast3A_364, 1 {pack_format = #tpu.pack_format<interleaved>} : vector<32xbf16> -> vector<16xf32>
        %mul3A_367 = arith.mulf %unpack3A_362, %unpack3A_365 : vector<16xf32>
        %add3A_368 = arith.addf %add3A_355, %mul3A_367 : vector<16xf32>
        %mul3A_369 = arith.mulf %unpack3A_363, %unpack3A_366 : vector<16xf32>
        %add3A_370 = arith.addf %add3A_368, %mul3A_369 : vector<16xf32>
        %add3A_371 = arith.constant 1 : i32
        %add3A_372 = vector.broadcast %add3A_371 : i32 to vector<16xi32>
        %add3A_373 = arith.addi %add3A_358, %add3A_372 : vector<16xi32>
        %gather3A_374 = tpu.vector_load_idx %arg11[%add3A_208, %add3A_373] : memref<256x16xi32, #tpu.memory_space<vmem>>[vector<16xi32>, vector<16xi32>], vector<16xi32>,
        %gather3A_375 = tpu.vector_load_idx %arg13[%add3A_208, %add3A_373] : memref<256x16xi32, #tpu.memory_space<vmem>>[vector<16xi32>, vector<16xi32>], vector<16xi32>,
        %bitcast3A_376 = vector.bitcast %gather3A_374 : vector<16xi32> to vector<32xbf16>
        %unpack3A_377 = tpu.unpack_subelements %bitcast3A_376, 0 {pack_format = #tpu.pack_format<interleaved>} : vector<32xbf16> -> vector<16xf32>
        %unpack3A_378 = tpu.unpack_subelements %bitcast3A_376, 1 {pack_format = #tpu.pack_format<interleaved>} : vector<32xbf16> -> vector<16xf32>
        %bitcast3A_379 = vector.bitcast %gather3A_375 : vector<16xi32> to vector<32xbf16>
        %unpack3A_380 = tpu.unpack_subelements %bitcast3A_379, 0 {pack_format = #tpu.pack_format<interleaved>} : vector<32xbf16> -> vector<16xf32>
        %unpack3A_381 = tpu.unpack_subelements %bitcast3A_379, 1 {pack_format = #tpu.pack_format<interleaved>} : vector<32xbf16> -> vector<16xf32>
        %mul3A_382 = arith.mulf %unpack3A_377, %unpack3A_380 : vector<16xf32>
        %add3A_383 = arith.addf %add3A_370, %mul3A_382 : vector<16xf32>
        %mul3A_384 = arith.mulf %unpack3A_378, %unpack3A_381 : vector<16xf32>
        %add3A_385 = arith.addf %add3A_383, %mul3A_384 : vector<16xf32>
        %add3A_386 = arith.constant 1 : i32
        %add3A_387 = vector.broadcast %add3A_386 : i32 to vector<16xi32>
        %add3A_388 = arith.addi %add3A_373, %add3A_387 : vector<16xi32>
        %gather3A_389 = tpu.vector_load_idx %arg11[%add3A_208, %add3A_388] : memref<256x16xi32, #tpu.memory_space<vmem>>[vector<16xi32>, vector<16xi32>], vector<16xi32>,
        %gather3A_390 = tpu.vector_load_idx %arg13[%add3A_208, %add3A_388] : memref<256x16xi32, #tpu.memory_space<vmem>>[vector<16xi32>, vector<16xi32>], vector<16xi32>,
        %bitcast3A_391 = vector.bitcast %gather3A_389 : vector<16xi32> to vector<32xbf16>
        %unpack3A_392 = tpu.unpack_subelements %bitcast3A_391, 0 {pack_format = #tpu.pack_format<interleaved>} : vector<32xbf16> -> vector<16xf32>
        %unpack3A_393 = tpu.unpack_subelements %bitcast3A_391, 1 {pack_format = #tpu.pack_format<interleaved>} : vector<32xbf16> -> vector<16xf32>
        %bitcast3A_394 = vector.bitcast %gather3A_390 : vector<16xi32> to vector<32xbf16>
        %unpack3A_395 = tpu.unpack_subelements %bitcast3A_394, 0 {pack_format = #tpu.pack_format<interleaved>} : vector<32xbf16> -> vector<16xf32>
        %unpack3A_396 = tpu.unpack_subelements %bitcast3A_394, 1 {pack_format = #tpu.pack_format<interleaved>} : vector<32xbf16> -> vector<16xf32>
        %mul3A_397 = arith.mulf %unpack3A_392, %unpack3A_395 : vector<16xf32>
        %add3A_398 = arith.addf %add3A_385, %mul3A_397 : vector<16xf32>
        %mul3A_399 = arith.mulf %unpack3A_393, %unpack3A_396 : vector<16xf32>
        %add3A_400 = arith.addf %add3A_398, %mul3A_399 : vector<16xf32>
        %add3A_401 = arith.constant 1 : i32
        %add3A_402 = vector.broadcast %add3A_401 : i32 to vector<16xi32>
        %add3A_403 = arith.addi %add3A_388, %add3A_402 : vector<16xi32>
        %gather3A_404 = tpu.vector_load_idx %arg11[%add3A_208, %add3A_403] : memref<256x16xi32, #tpu.memory_space<vmem>>[vector<16xi32>, vector<16xi32>], vector<16xi32>,
        %gather3A_405 = tpu.vector_load_idx %arg13[%add3A_208, %add3A_403] : memref<256x16xi32, #tpu.memory_space<vmem>>[vector<16xi32>, vector<16xi32>], vector<16xi32>,
        %bitcast3A_406 = vector.bitcast %gather3A_404 : vector<16xi32> to vector<32xbf16>
        %unpack3A_407 = tpu.unpack_subelements %bitcast3A_406, 0 {pack_format = #tpu.pack_format<interleaved>} : vector<32xbf16> -> vector<16xf32>
        %unpack3A_408 = tpu.unpack_subelements %bitcast3A_406, 1 {pack_format = #tpu.pack_format<interleaved>} : vector<32xbf16> -> vector<16xf32>
        %bitcast3A_409 = vector.bitcast %gather3A_405 : vector<16xi32> to vector<32xbf16>
        %unpack3A_410 = tpu.unpack_subelements %bitcast3A_409, 0 {pack_format = #tpu.pack_format<interleaved>} : vector<32xbf16> -> vector<16xf32>
        %unpack3A_411 = tpu.unpack_subelements %bitcast3A_409, 1 {pack_format = #tpu.pack_format<interleaved>} : vector<32xbf16> -> vector<16xf32>
        %mul3A_412 = arith.mulf %unpack3A_407, %unpack3A_410 : vector<16xf32>
        %add3A_413 = arith.addf %add3A_400, %mul3A_412 : vector<16xf32>
        %mul3A_414 = arith.mulf %unpack3A_408, %unpack3A_411 : vector<16xf32>
        %add3A_415 = arith.addf %add3A_413, %mul3A_414 : vector<16xf32>
        %add3A_416 = arith.constant 1 : i32
        %add3A_417 = vector.broadcast %add3A_416 : i32 to vector<16xi32>
        %add3A_418 = arith.addi %add3A_403, %add3A_417 : vector<16xi32>
        %gather3A_419 = tpu.vector_load_idx %arg11[%add3A_208, %add3A_418] : memref<256x16xi32, #tpu.memory_space<vmem>>[vector<16xi32>, vector<16xi32>], vector<16xi32>,
        %gather3A_420 = tpu.vector_load_idx %arg13[%add3A_208, %add3A_418] : memref<256x16xi32, #tpu.memory_space<vmem>>[vector<16xi32>, vector<16xi32>], vector<16xi32>,
        %bitcast3A_421 = vector.bitcast %gather3A_419 : vector<16xi32> to vector<32xbf16>
        %unpack3A_422 = tpu.unpack_subelements %bitcast3A_421, 0 {pack_format = #tpu.pack_format<interleaved>} : vector<32xbf16> -> vector<16xf32>
        %unpack3A_423 = tpu.unpack_subelements %bitcast3A_421, 1 {pack_format = #tpu.pack_format<interleaved>} : vector<32xbf16> -> vector<16xf32>
        %bitcast3A_424 = vector.bitcast %gather3A_420 : vector<16xi32> to vector<32xbf16>
        %unpack3A_425 = tpu.unpack_subelements %bitcast3A_424, 0 {pack_format = #tpu.pack_format<interleaved>} : vector<32xbf16> -> vector<16xf32>
        %unpack3A_426 = tpu.unpack_subelements %bitcast3A_424, 1 {pack_format = #tpu.pack_format<interleaved>} : vector<32xbf16> -> vector<16xf32>
        %mul3A_427 = arith.mulf %unpack3A_422, %unpack3A_425 : vector<16xf32>
        %add3A_428 = arith.addf %add3A_415, %mul3A_427 : vector<16xf32>
        %mul3A_429 = arith.mulf %unpack3A_423, %unpack3A_426 : vector<16xf32>
        %add3A_430 = arith.addf %add3A_428, %mul3A_429 : vector<16xf32>
        %add3A_431 = arith.constant 1 : i32
        %add3A_432 = vector.broadcast %add3A_431 : i32 to vector<16xi32>
        %add3A_433 = arith.addi %add3A_418, %add3A_432 : vector<16xi32>
        %gather3A_434 = tpu.vector_load_idx %arg11[%add3A_208, %add3A_433] : memref<256x16xi32, #tpu.memory_space<vmem>>[vector<16xi32>, vector<16xi32>], vector<16xi32>,
        %gather3A_435 = tpu.vector_load_idx %arg13[%add3A_208, %add3A_433] : memref<256x16xi32, #tpu.memory_space<vmem>>[vector<16xi32>, vector<16xi32>], vector<16xi32>,
        %bitcast3A_436 = vector.bitcast %gather3A_434 : vector<16xi32> to vector<32xbf16>
        %unpack3A_437 = tpu.unpack_subelements %bitcast3A_436, 0 {pack_format = #tpu.pack_format<interleaved>} : vector<32xbf16> -> vector<16xf32>
        %unpack3A_438 = tpu.unpack_subelements %bitcast3A_436, 1 {pack_format = #tpu.pack_format<interleaved>} : vector<32xbf16> -> vector<16xf32>
        %bitcast3A_439 = vector.bitcast %gather3A_435 : vector<16xi32> to vector<32xbf16>
        %unpack3A_440 = tpu.unpack_subelements %bitcast3A_439, 0 {pack_format = #tpu.pack_format<interleaved>} : vector<32xbf16> -> vector<16xf32>
        %unpack3A_441 = tpu.unpack_subelements %bitcast3A_439, 1 {pack_format = #tpu.pack_format<interleaved>} : vector<32xbf16> -> vector<16xf32>
        %mul3A_442 = arith.mulf %unpack3A_437, %unpack3A_440 : vector<16xf32>
        %add3A_443 = arith.addf %add3A_430, %mul3A_442 : vector<16xf32>
        %mul3A_444 = arith.mulf %unpack3A_438, %unpack3A_441 : vector<16xf32>
        %add3A_445 = arith.addf %add3A_443, %mul3A_444 : vector<16xf32>
        %mul3A_446 = arith.constant 256 : i32
        %mul3A_447 = arith.muli %add3A_154, %mul3A_446 : i32
        %mul3A_448 = arith.constant 16 : i32
        %mul3A_449 = arith.muli %add3A_204, %mul3A_448 : i32
        %add3A_450 = arith.addi %mul3A_447, %mul3A_449 : i32
        %swap3A = arith.index_cast %add3A_450 : i32 to index
        %swap3A_451 = tpu.vector_load %arg10[%swap3A] {strides = array<i32>} : memref<16384xf32, #tpu.memory_space<vmem>>, vector<16xf32>,
        tpu.vector_store %arg10[%swap3A], %add3A_445 {strides = array<i32>} : memref<16384xf32, #tpu.memory_space<vmem>>, vector<16xf32>,
      }
      %scan3A_169 = arith.constant 16 : i32
      %lt3A_170 = arith.constant 64 : i32
      %lt3A_171 = arith.cmpi slt, %add3A_156, %lt3A_170 : i32
      %convert_element_type3A_172 = arith.extui %lt3A_171 : i1 to i32
      %cond3A_173 = arith.constant 0 : i32
      %cond3A_174 = arith.cmpi ne, %convert_element_type3A_172, %cond3A_173 : i32
      scf.if %cond3A_174 {
        %dma_wait3A_200 = arith.constant 0 : i32
        %dma_wait3A_201 = tpu.memref_slice %arg4[%add3A, %add3A_156, %dma_wait3A_200] : memref<32x64x256xi32, #tpu.memory_space<hbm>> -> memref<1x1x256xi32, #tpu.memory_space<hbm>>
        %dma_wait3A_202 = tpu.memref_squeeze %dma_wait3A_201 : memref<1x1x256xi32, #tpu.memory_space<hbm>> -> memref<256xi32, #tpu.memory_space<hbm>>
        %dma_wait3A_203 = arith.constant 0 : i32
        %dma_wait3A_204 = tpu.memref_slice %arg4[%add3A, %add3A_156, %dma_wait3A_203] : memref<32x64x256xi32, #tpu.memory_space<hbm>> -> memref<1x1x256xi32, #tpu.memory_space<hbm>>
        %dma_wait3A_205 = tpu.memref_squeeze %dma_wait3A_204 : memref<1x1x256xi32, #tpu.memory_space<hbm>> -> memref<256xi32, #tpu.memory_space<hbm>>
        tpu.wait_dma2 semaphore(%arg23 : memref<!tpu.dma_semaphore, #tpu.memory_space<semaphore_mem>>) src(%dma_wait3A_205 : memref<256xi32, #tpu.memory_space<hbm>>) dst(%arg15 : memref<256xi32, #tpu.memory_space<vmem>>)
        %dma_wait3A_206 = arith.constant 0 : i32
        %dma_wait3A_207 = tpu.memref_slice %arg5[%add3A, %add3A_156, %dma_wait3A_206] : memref<32x64x256xi32, #tpu.memory_space<hbm>> -> memref<1x1x256xi32, #tpu.memory_space<hbm>>
        %dma_wait3A_208 = tpu.memref_squeeze %dma_wait3A_207 : memref<1x1x256xi32, #tpu.memory_space<hbm>> -> memref<256xi32, #tpu.memory_space<hbm>>
        %dma_wait3A_209 = arith.constant 0 : i32
        %dma_wait3A_210 = tpu.memref_slice %arg5[%add3A, %add3A_156, %dma_wait3A_209] : memref<32x64x256xi32, #tpu.memory_space<hbm>> -> memref<1x1x256xi32, #tpu.memory_space<hbm>>
        %dma_wait3A_211 = tpu.memref_squeeze %dma_wait3A_210 : memref<1x1x256xi32, #tpu.memory_space<hbm>> -> memref<256xi32, #tpu.memory_space<hbm>>
        tpu.wait_dma2 semaphore(%arg25 : memref<!tpu.dma_semaphore, #tpu.memory_space<semaphore_mem>>) src(%dma_wait3A_211 : memref<256xi32, #tpu.memory_space<hbm>>) dst(%arg17 : memref<256xi32, #tpu.memory_space<vmem>>)
        %dma_start3A_212 = arith.constant 0 : i32
        %dma_start3A_213 = arith.constant 0 : i32
        %dma_start3A_214 = tpu.memref_slice %arg6[%dma_start3A_212, %dma_start3A_213] : memref<100000x16xi32, #tpu.memory_space<hbm>> -> memref<100000x16xi32, #tpu.memory_space<hbm>>
        tpu.enqueue_indirect_dma source(%dma_start3A_214 : memref<100000x16xi32, #tpu.memory_space<hbm>>) target(%arg11 : memref<256x16xi32, #tpu.memory_space<vmem>>) offsets(%arg15 : memref<256xi32, #tpu.memory_space<vmem>>) semaphore(%arg19 : memref<!tpu.dma_semaphore, #tpu.memory_space<semaphore_mem>>)
        %dma_start3A_215 = arith.constant 0 : i32
        %dma_start3A_216 = arith.constant 0 : i32
        %dma_start3A_217 = tpu.memref_slice %arg7[%dma_start3A_215, %dma_start3A_216] : memref<1000000x16xi32, #tpu.memory_space<hbm>> -> memref<1000000x16xi32, #tpu.memory_space<hbm>>
        tpu.enqueue_indirect_dma source(%dma_start3A_217 : memref<1000000x16xi32, #tpu.memory_space<hbm>>) target(%arg13 : memref<256x16xi32, #tpu.memory_space<vmem>>) offsets(%arg17 : memref<256xi32, #tpu.memory_space<vmem>>) semaphore(%arg21 : memref<!tpu.dma_semaphore, #tpu.memory_space<semaphore_mem>>)
      } else {
      }
      %add3A_175 = arith.constant 1 : i32
      %add3A_176 = arith.addi %add3A_152, %add3A_175 : i32
      %add3A_177 = arith.constant 2 : i32
      %add3A_178 = arith.addi %add3A_176, %add3A_177 : i32
      %dma_wait3A_179 = arith.constant 0 : i32
      %dma_wait3A_180 = arith.constant 0 : i32
      %dma_wait3A_181 = tpu.memref_slice %arg6[%dma_wait3A_179, %dma_wait3A_180] : memref<100000x16xi32, #tpu.memory_space<hbm>> -> memref<100000x16xi32, #tpu.memory_space<hbm>>
      tpu.wait_indirect_dma semaphore(%arg20 : memref<!tpu.dma_semaphore, #tpu.memory_space<semaphore_mem>>) src(%dma_wait3A_181 : memref<100000x16xi32, #tpu.memory_space<hbm>>) dst(%arg12 : memref<256x16xi32, #tpu.memory_space<vmem>>)
      %dma_wait3A_182 = arith.constant 0 : i32
      %dma_wait3A_183 = arith.constant 0 : i32
      %dma_wait3A_184 = tpu.memref_slice %arg7[%dma_wait3A_182, %dma_wait3A_183] : memref<1000000x16xi32, #tpu.memory_space<hbm>> -> memref<1000000x16xi32, #tpu.memory_space<hbm>>
      tpu.wait_indirect_dma semaphore(%arg22 : memref<!tpu.dma_semaphore, #tpu.memory_space<semaphore_mem>>) src(%dma_wait3A_184 : memref<1000000x16xi32, #tpu.memory_space<hbm>>) dst(%arg14 : memref<256x16xi32, #tpu.memory_space<vmem>>)
      %lt3A_185 = arith.constant 64 : i32
      %lt3A_186 = arith.cmpi slt, %add3A_178, %lt3A_185 : i32
      %convert_element_type3A_187 = arith.extui %lt3A_186 : i1 to i32
      %cond3A_188 = arith.constant 0 : i32
      %cond3A_189 = arith.cmpi ne, %convert_element_type3A_187, %cond3A_188 : i32
      scf.if %cond3A_189 {
        %dma_start3A_200 = arith.constant 0 : i32
        %dma_start3A_201 = tpu.memref_slice %arg4[%add3A, %add3A_178, %dma_start3A_200] : memref<32x64x256xi32, #tpu.memory_space<hbm>> -> memref<1x1x256xi32, #tpu.memory_space<hbm>>
        %dma_start3A_202 = tpu.memref_squeeze %dma_start3A_201 : memref<1x1x256xi32, #tpu.memory_space<hbm>> -> memref<256xi32, #tpu.memory_space<hbm>>
        %dma_start3A_203 = arith.constant 0 : i32
        %dma_start3A_204 = tpu.memref_slice %arg4[%add3A, %add3A_178, %dma_start3A_203] : memref<32x64x256xi32, #tpu.memory_space<hbm>> -> memref<1x1x256xi32, #tpu.memory_space<hbm>>
        %dma_start3A_205 = tpu.memref_squeeze %dma_start3A_204 : memref<1x1x256xi32, #tpu.memory_space<hbm>> -> memref<256xi32, #tpu.memory_space<hbm>>
        tpu.enqueue_dma source(%dma_start3A_205 : memref<256xi32, #tpu.memory_space<hbm>>) target(%arg16 : memref<256xi32, #tpu.memory_space<vmem>>) target_semaphore(%arg24 : memref<!tpu.dma_semaphore, #tpu.memory_space<semaphore_mem>>)
        %dma_start3A_206 = arith.constant 0 : i32
        %dma_start3A_207 = tpu.memref_slice %arg5[%add3A, %add3A_178, %dma_start3A_206] : memref<32x64x256xi32, #tpu.memory_space<hbm>> -> memref<1x1x256xi32, #tpu.memory_space<hbm>>
        %dma_start3A_208 = tpu.memref_squeeze %dma_start3A_207 : memref<1x1x256xi32, #tpu.memory_space<hbm>> -> memref<256xi32, #tpu.memory_space<hbm>>
        %dma_start3A_209 = arith.constant 0 : i32
        %dma_start3A_210 = tpu.memref_slice %arg5[%add3A, %add3A_178, %dma_start3A_209] : memref<32x64x256xi32, #tpu.memory_space<hbm>> -> memref<1x1x256xi32, #tpu.memory_space<hbm>>
        %dma_start3A_211 = tpu.memref_squeeze %dma_start3A_210 : memref<1x1x256xi32, #tpu.memory_space<hbm>> -> memref<256xi32, #tpu.memory_space<hbm>>
        tpu.enqueue_dma source(%dma_start3A_211 : memref<256xi32, #tpu.memory_space<hbm>>) target(%arg18 : memref<256xi32, #tpu.memory_space<vmem>>) target_semaphore(%arg26 : memref<!tpu.dma_semaphore, #tpu.memory_space<semaphore_mem>>)
      } else {
      }
      %scan3A_190 = arith.constant 0 : i32
      %scan3A_191 = arith.constant 16 : i32
      %scan3A_192 = arith.addi %scan3A_190, %scan3A_191 : i32
      %scan3A_193 = arith.constant 1 : i32
      scf.for %scan3A_200 = %scan3A_190 to %scan3A_192 step %scan3A_193  : i32 {
        %mul3A_201 = arith.constant 1 : i32
        %mul3A_202 = arith.muli %scan3A_200, %mul3A_201 : i32
        %add3A_203 = arith.constant 0 : i32
        %add3A_204 = arith.addi %add3A_203, %mul3A_202 : i32
        %mul3A_205 = arith.constant 16 : i32
        %mul3A_206 = arith.muli %add3A_204, %mul3A_205 : i32
        %add3A_207 = vector.broadcast %mul3A_206 : i32 to vector<16xi32>
        %add3A_208 = arith.addi %add3A_207, %iota3A : vector<16xi32>
        %broadcast_in_dim3A = arith.constant 0.000000e+00 : f32
        %broadcast_in_dim3A_209 = vector.broadcast %broadcast_in_dim3A : f32 to vector<16xf32>
        %broadcast_in_dim3A_210 = arith.constant 0 : i32
        %broadcast_in_dim3A_211 = vector.broadcast %broadcast_in_dim3A_210 : i32 to vector<16xi32>
        %gather3A = tpu.vector_load_idx %arg12[%add3A_208, %broadcast_in_dim3A_211] : memref<256x16xi32, #tpu.memory_space<vmem>>[vector<16xi32>, vector<16xi32>], vector<16xi32>,
        %gather3A_212 = tpu.vector_load_idx %arg14[%add3A_208, %broadcast_in_dim3A_211] : memref<256x16xi32, #tpu.memory_space<vmem>>[vector<16xi32>, vector<16xi32>], vector<16xi32>,
        %bitcast3A = vector.bitcast %gather3A : vector<16xi32> to vector<32xbf16>
        %unpack3A = tpu.unpack_subelements %bitcast3A, 0 {pack_format = #tpu.pack_format<interleaved>} : vector<32xbf16> -> vector<16xf32>
        %unpack3A_213 = tpu.unpack_subelements %bitcast3A, 1 {pack_format = #tpu.pack_format<interleaved>} : vector<32xbf16> -> vector<16xf32>
        %bitcast3A_214 = vector.bitcast %gather3A_212 : vector<16xi32> to vector<32xbf16>
        %unpack3A_215 = tpu.unpack_subelements %bitcast3A_214, 0 {pack_format = #tpu.pack_format<interleaved>} : vector<32xbf16> -> vector<16xf32>
        %unpack3A_216 = tpu.unpack_subelements %bitcast3A_214, 1 {pack_format = #tpu.pack_format<interleaved>} : vector<32xbf16> -> vector<16xf32>
        %mul3A_217 = arith.mulf %unpack3A, %unpack3A_215 : vector<16xf32>
        %add3A_218 = arith.addf %broadcast_in_dim3A_209, %mul3A_217 : vector<16xf32>
        %mul3A_219 = arith.mulf %unpack3A_213, %unpack3A_216 : vector<16xf32>
        %add3A_220 = arith.addf %add3A_218, %mul3A_219 : vector<16xf32>
        %add3A_221 = arith.constant 1 : i32
        %add3A_222 = vector.broadcast %add3A_221 : i32 to vector<16xi32>
        %add3A_223 = arith.addi %broadcast_in_dim3A_211, %add3A_222 : vector<16xi32>
        %gather3A_224 = tpu.vector_load_idx %arg12[%add3A_208, %add3A_223] : memref<256x16xi32, #tpu.memory_space<vmem>>[vector<16xi32>, vector<16xi32>], vector<16xi32>,
        %gather3A_225 = tpu.vector_load_idx %arg14[%add3A_208, %add3A_223] : memref<256x16xi32, #tpu.memory_space<vmem>>[vector<16xi32>, vector<16xi32>], vector<16xi32>,
        %bitcast3A_226 = vector.bitcast %gather3A_224 : vector<16xi32> to vector<32xbf16>
        %unpack3A_227 = tpu.unpack_subelements %bitcast3A_226, 0 {pack_format = #tpu.pack_format<interleaved>} : vector<32xbf16> -> vector<16xf32>
        %unpack3A_228 = tpu.unpack_subelements %bitcast3A_226, 1 {pack_format = #tpu.pack_format<interleaved>} : vector<32xbf16> -> vector<16xf32>
        %bitcast3A_229 = vector.bitcast %gather3A_225 : vector<16xi32> to vector<32xbf16>
        %unpack3A_230 = tpu.unpack_subelements %bitcast3A_229, 0 {pack_format = #tpu.pack_format<interleaved>} : vector<32xbf16> -> vector<16xf32>
        %unpack3A_231 = tpu.unpack_subelements %bitcast3A_229, 1 {pack_format = #tpu.pack_format<interleaved>} : vector<32xbf16> -> vector<16xf32>
        %mul3A_232 = arith.mulf %unpack3A_227, %unpack3A_230 : vector<16xf32>
        %add3A_233 = arith.addf %add3A_220, %mul3A_232 : vector<16xf32>
        %mul3A_234 = arith.mulf %unpack3A_228, %unpack3A_231 : vector<16xf32>
        %add3A_235 = arith.addf %add3A_233, %mul3A_234 : vector<16xf32>
        %add3A_236 = arith.constant 1 : i32
        %add3A_237 = vector.broadcast %add3A_236 : i32 to vector<16xi32>
        %add3A_238 = arith.addi %add3A_223, %add3A_237 : vector<16xi32>
        %gather3A_239 = tpu.vector_load_idx %arg12[%add3A_208, %add3A_238] : memref<256x16xi32, #tpu.memory_space<vmem>>[vector<16xi32>, vector<16xi32>], vector<16xi32>,
        %gather3A_240 = tpu.vector_load_idx %arg14[%add3A_208, %add3A_238] : memref<256x16xi32, #tpu.memory_space<vmem>>[vector<16xi32>, vector<16xi32>], vector<16xi32>,
        %bitcast3A_241 = vector.bitcast %gather3A_239 : vector<16xi32> to vector<32xbf16>
        %unpack3A_242 = tpu.unpack_subelements %bitcast3A_241, 0 {pack_format = #tpu.pack_format<interleaved>} : vector<32xbf16> -> vector<16xf32>
        %unpack3A_243 = tpu.unpack_subelements %bitcast3A_241, 1 {pack_format = #tpu.pack_format<interleaved>} : vector<32xbf16> -> vector<16xf32>
        %bitcast3A_244 = vector.bitcast %gather3A_240 : vector<16xi32> to vector<32xbf16>
        %unpack3A_245 = tpu.unpack_subelements %bitcast3A_244, 0 {pack_format = #tpu.pack_format<interleaved>} : vector<32xbf16> -> vector<16xf32>
        %unpack3A_246 = tpu.unpack_subelements %bitcast3A_244, 1 {pack_format = #tpu.pack_format<interleaved>} : vector<32xbf16> -> vector<16xf32>
        %mul3A_247 = arith.mulf %unpack3A_242, %unpack3A_245 : vector<16xf32>
        %add3A_248 = arith.addf %add3A_235, %mul3A_247 : vector<16xf32>
        %mul3A_249 = arith.mulf %unpack3A_243, %unpack3A_246 : vector<16xf32>
        %add3A_250 = arith.addf %add3A_248, %mul3A_249 : vector<16xf32>
        %add3A_251 = arith.constant 1 : i32
        %add3A_252 = vector.broadcast %add3A_251 : i32 to vector<16xi32>
        %add3A_253 = arith.addi %add3A_238, %add3A_252 : vector<16xi32>
        %gather3A_254 = tpu.vector_load_idx %arg12[%add3A_208, %add3A_253] : memref<256x16xi32, #tpu.memory_space<vmem>>[vector<16xi32>, vector<16xi32>], vector<16xi32>,
        %gather3A_255 = tpu.vector_load_idx %arg14[%add3A_208, %add3A_253] : memref<256x16xi32, #tpu.memory_space<vmem>>[vector<16xi32>, vector<16xi32>], vector<16xi32>,
        %bitcast3A_256 = vector.bitcast %gather3A_254 : vector<16xi32> to vector<32xbf16>
        %unpack3A_257 = tpu.unpack_subelements %bitcast3A_256, 0 {pack_format = #tpu.pack_format<interleaved>} : vector<32xbf16> -> vector<16xf32>
        %unpack3A_258 = tpu.unpack_subelements %bitcast3A_256, 1 {pack_format = #tpu.pack_format<interleaved>} : vector<32xbf16> -> vector<16xf32>
        %bitcast3A_259 = vector.bitcast %gather3A_255 : vector<16xi32> to vector<32xbf16>
        %unpack3A_260 = tpu.unpack_subelements %bitcast3A_259, 0 {pack_format = #tpu.pack_format<interleaved>} : vector<32xbf16> -> vector<16xf32>
        %unpack3A_261 = tpu.unpack_subelements %bitcast3A_259, 1 {pack_format = #tpu.pack_format<interleaved>} : vector<32xbf16> -> vector<16xf32>
        %mul3A_262 = arith.mulf %unpack3A_257, %unpack3A_260 : vector<16xf32>
        %add3A_263 = arith.addf %add3A_250, %mul3A_262 : vector<16xf32>
        %mul3A_264 = arith.mulf %unpack3A_258, %unpack3A_261 : vector<16xf32>
        %add3A_265 = arith.addf %add3A_263, %mul3A_264 : vector<16xf32>
        %add3A_266 = arith.constant 1 : i32
        %add3A_267 = vector.broadcast %add3A_266 : i32 to vector<16xi32>
        %add3A_268 = arith.addi %add3A_253, %add3A_267 : vector<16xi32>
        %gather3A_269 = tpu.vector_load_idx %arg12[%add3A_208, %add3A_268] : memref<256x16xi32, #tpu.memory_space<vmem>>[vector<16xi32>, vector<16xi32>], vector<16xi32>,
        %gather3A_270 = tpu.vector_load_idx %arg14[%add3A_208, %add3A_268] : memref<256x16xi32, #tpu.memory_space<vmem>>[vector<16xi32>, vector<16xi32>], vector<16xi32>,
        %bitcast3A_271 = vector.bitcast %gather3A_269 : vector<16xi32> to vector<32xbf16>
        %unpack3A_272 = tpu.unpack_subelements %bitcast3A_271, 0 {pack_format = #tpu.pack_format<interleaved>} : vector<32xbf16> -> vector<16xf32>
        %unpack3A_273 = tpu.unpack_subelements %bitcast3A_271, 1 {pack_format = #tpu.pack_format<interleaved>} : vector<32xbf16> -> vector<16xf32>
        %bitcast3A_274 = vector.bitcast %gather3A_270 : vector<16xi32> to vector<32xbf16>
        %unpack3A_275 = tpu.unpack_subelements %bitcast3A_274, 0 {pack_format = #tpu.pack_format<interleaved>} : vector<32xbf16> -> vector<16xf32>
        %unpack3A_276 = tpu.unpack_subelements %bitcast3A_274, 1 {pack_format = #tpu.pack_format<interleaved>} : vector<32xbf16> -> vector<16xf32>
        %mul3A_277 = arith.mulf %unpack3A_272, %unpack3A_275 : vector<16xf32>
        %add3A_278 = arith.addf %add3A_265, %mul3A_277 : vector<16xf32>
        %mul3A_279 = arith.mulf %unpack3A_273, %unpack3A_276 : vector<16xf32>
        %add3A_280 = arith.addf %add3A_278, %mul3A_279 : vector<16xf32>
        %add3A_281 = arith.constant 1 : i32
        %add3A_282 = vector.broadcast %add3A_281 : i32 to vector<16xi32>
        %add3A_283 = arith.addi %add3A_268, %add3A_282 : vector<16xi32>
        %gather3A_284 = tpu.vector_load_idx %arg12[%add3A_208, %add3A_283] : memref<256x16xi32, #tpu.memory_space<vmem>>[vector<16xi32>, vector<16xi32>], vector<16xi32>,
        %gather3A_285 = tpu.vector_load_idx %arg14[%add3A_208, %add3A_283] : memref<256x16xi32, #tpu.memory_space<vmem>>[vector<16xi32>, vector<16xi32>], vector<16xi32>,
        %bitcast3A_286 = vector.bitcast %gather3A_284 : vector<16xi32> to vector<32xbf16>
        %unpack3A_287 = tpu.unpack_subelements %bitcast3A_286, 0 {pack_format = #tpu.pack_format<interleaved>} : vector<32xbf16> -> vector<16xf32>
        %unpack3A_288 = tpu.unpack_subelements %bitcast3A_286, 1 {pack_format = #tpu.pack_format<interleaved>} : vector<32xbf16> -> vector<16xf32>
        %bitcast3A_289 = vector.bitcast %gather3A_285 : vector<16xi32> to vector<32xbf16>
        %unpack3A_290 = tpu.unpack_subelements %bitcast3A_289, 0 {pack_format = #tpu.pack_format<interleaved>} : vector<32xbf16> -> vector<16xf32>
        %unpack3A_291 = tpu.unpack_subelements %bitcast3A_289, 1 {pack_format = #tpu.pack_format<interleaved>} : vector<32xbf16> -> vector<16xf32>
        %mul3A_292 = arith.mulf %unpack3A_287, %unpack3A_290 : vector<16xf32>
        %add3A_293 = arith.addf %add3A_280, %mul3A_292 : vector<16xf32>
        %mul3A_294 = arith.mulf %unpack3A_288, %unpack3A_291 : vector<16xf32>
        %add3A_295 = arith.addf %add3A_293, %mul3A_294 : vector<16xf32>
        %add3A_296 = arith.constant 1 : i32
        %add3A_297 = vector.broadcast %add3A_296 : i32 to vector<16xi32>
        %add3A_298 = arith.addi %add3A_283, %add3A_297 : vector<16xi32>
        %gather3A_299 = tpu.vector_load_idx %arg12[%add3A_208, %add3A_298] : memref<256x16xi32, #tpu.memory_space<vmem>>[vector<16xi32>, vector<16xi32>], vector<16xi32>,
        %gather3A_300 = tpu.vector_load_idx %arg14[%add3A_208, %add3A_298] : memref<256x16xi32, #tpu.memory_space<vmem>>[vector<16xi32>, vector<16xi32>], vector<16xi32>,
        %bitcast3A_301 = vector.bitcast %gather3A_299 : vector<16xi32> to vector<32xbf16>
        %unpack3A_302 = tpu.unpack_subelements %bitcast3A_301, 0 {pack_format = #tpu.pack_format<interleaved>} : vector<32xbf16> -> vector<16xf32>
        %unpack3A_303 = tpu.unpack_subelements %bitcast3A_301, 1 {pack_format = #tpu.pack_format<interleaved>} : vector<32xbf16> -> vector<16xf32>
        %bitcast3A_304 = vector.bitcast %gather3A_300 : vector<16xi32> to vector<32xbf16>
        %unpack3A_305 = tpu.unpack_subelements %bitcast3A_304, 0 {pack_format = #tpu.pack_format<interleaved>} : vector<32xbf16> -> vector<16xf32>
        %unpack3A_306 = tpu.unpack_subelements %bitcast3A_304, 1 {pack_format = #tpu.pack_format<interleaved>} : vector<32xbf16> -> vector<16xf32>
        %mul3A_307 = arith.mulf %unpack3A_302, %unpack3A_305 : vector<16xf32>
        %add3A_308 = arith.addf %add3A_295, %mul3A_307 : vector<16xf32>
        %mul3A_309 = arith.mulf %unpack3A_303, %unpack3A_306 : vector<16xf32>
        %add3A_310 = arith.addf %add3A_308, %mul3A_309 : vector<16xf32>
        %add3A_311 = arith.constant 1 : i32
        %add3A_312 = vector.broadcast %add3A_311 : i32 to vector<16xi32>
        %add3A_313 = arith.addi %add3A_298, %add3A_312 : vector<16xi32>
        %gather3A_314 = tpu.vector_load_idx %arg12[%add3A_208, %add3A_313] : memref<256x16xi32, #tpu.memory_space<vmem>>[vector<16xi32>, vector<16xi32>], vector<16xi32>,
        %gather3A_315 = tpu.vector_load_idx %arg14[%add3A_208, %add3A_313] : memref<256x16xi32, #tpu.memory_space<vmem>>[vector<16xi32>, vector<16xi32>], vector<16xi32>,
        %bitcast3A_316 = vector.bitcast %gather3A_314 : vector<16xi32> to vector<32xbf16>
        %unpack3A_317 = tpu.unpack_subelements %bitcast3A_316, 0 {pack_format = #tpu.pack_format<interleaved>} : vector<32xbf16> -> vector<16xf32>
        %unpack3A_318 = tpu.unpack_subelements %bitcast3A_316, 1 {pack_format = #tpu.pack_format<interleaved>} : vector<32xbf16> -> vector<16xf32>
        %bitcast3A_319 = vector.bitcast %gather3A_315 : vector<16xi32> to vector<32xbf16>
        %unpack3A_320 = tpu.unpack_subelements %bitcast3A_319, 0 {pack_format = #tpu.pack_format<interleaved>} : vector<32xbf16> -> vector<16xf32>
        %unpack3A_321 = tpu.unpack_subelements %bitcast3A_319, 1 {pack_format = #tpu.pack_format<interleaved>} : vector<32xbf16> -> vector<16xf32>
        %mul3A_322 = arith.mulf %unpack3A_317, %unpack3A_320 : vector<16xf32>
        %add3A_323 = arith.addf %add3A_310, %mul3A_322 : vector<16xf32>
        %mul3A_324 = arith.mulf %unpack3A_318, %unpack3A_321 : vector<16xf32>
        %add3A_325 = arith.addf %add3A_323, %mul3A_324 : vector<16xf32>
        %add3A_326 = arith.constant 1 : i32
        %add3A_327 = vector.broadcast %add3A_326 : i32 to vector<16xi32>
        %add3A_328 = arith.addi %add3A_313, %add3A_327 : vector<16xi32>
        %gather3A_329 = tpu.vector_load_idx %arg12[%add3A_208, %add3A_328] : memref<256x16xi32, #tpu.memory_space<vmem>>[vector<16xi32>, vector<16xi32>], vector<16xi32>,
        %gather3A_330 = tpu.vector_load_idx %arg14[%add3A_208, %add3A_328] : memref<256x16xi32, #tpu.memory_space<vmem>>[vector<16xi32>, vector<16xi32>], vector<16xi32>,
        %bitcast3A_331 = vector.bitcast %gather3A_329 : vector<16xi32> to vector<32xbf16>
        %unpack3A_332 = tpu.unpack_subelements %bitcast3A_331, 0 {pack_format = #tpu.pack_format<interleaved>} : vector<32xbf16> -> vector<16xf32>
        %unpack3A_333 = tpu.unpack_subelements %bitcast3A_331, 1 {pack_format = #tpu.pack_format<interleaved>} : vector<32xbf16> -> vector<16xf32>
        %bitcast3A_334 = vector.bitcast %gather3A_330 : vector<16xi32> to vector<32xbf16>
        %unpack3A_335 = tpu.unpack_subelements %bitcast3A_334, 0 {pack_format = #tpu.pack_format<interleaved>} : vector<32xbf16> -> vector<16xf32>
        %unpack3A_336 = tpu.unpack_subelements %bitcast3A_334, 1 {pack_format = #tpu.pack_format<interleaved>} : vector<32xbf16> -> vector<16xf32>
        %mul3A_337 = arith.mulf %unpack3A_332, %unpack3A_335 : vector<16xf32>
        %add3A_338 = arith.addf %add3A_325, %mul3A_337 : vector<16xf32>
        %mul3A_339 = arith.mulf %unpack3A_333, %unpack3A_336 : vector<16xf32>
        %add3A_340 = arith.addf %add3A_338, %mul3A_339 : vector<16xf32>
        %add3A_341 = arith.constant 1 : i32
        %add3A_342 = vector.broadcast %add3A_341 : i32 to vector<16xi32>
        %add3A_343 = arith.addi %add3A_328, %add3A_342 : vector<16xi32>
        %gather3A_344 = tpu.vector_load_idx %arg12[%add3A_208, %add3A_343] : memref<256x16xi32, #tpu.memory_space<vmem>>[vector<16xi32>, vector<16xi32>], vector<16xi32>,
        %gather3A_345 = tpu.vector_load_idx %arg14[%add3A_208, %add3A_343] : memref<256x16xi32, #tpu.memory_space<vmem>>[vector<16xi32>, vector<16xi32>], vector<16xi32>,
        %bitcast3A_346 = vector.bitcast %gather3A_344 : vector<16xi32> to vector<32xbf16>
        %unpack3A_347 = tpu.unpack_subelements %bitcast3A_346, 0 {pack_format = #tpu.pack_format<interleaved>} : vector<32xbf16> -> vector<16xf32>
        %unpack3A_348 = tpu.unpack_subelements %bitcast3A_346, 1 {pack_format = #tpu.pack_format<interleaved>} : vector<32xbf16> -> vector<16xf32>
        %bitcast3A_349 = vector.bitcast %gather3A_345 : vector<16xi32> to vector<32xbf16>
        %unpack3A_350 = tpu.unpack_subelements %bitcast3A_349, 0 {pack_format = #tpu.pack_format<interleaved>} : vector<32xbf16> -> vector<16xf32>
        %unpack3A_351 = tpu.unpack_subelements %bitcast3A_349, 1 {pack_format = #tpu.pack_format<interleaved>} : vector<32xbf16> -> vector<16xf32>
        %mul3A_352 = arith.mulf %unpack3A_347, %unpack3A_350 : vector<16xf32>
        %add3A_353 = arith.addf %add3A_340, %mul3A_352 : vector<16xf32>
        %mul3A_354 = arith.mulf %unpack3A_348, %unpack3A_351 : vector<16xf32>
        %add3A_355 = arith.addf %add3A_353, %mul3A_354 : vector<16xf32>
        %add3A_356 = arith.constant 1 : i32
        %add3A_357 = vector.broadcast %add3A_356 : i32 to vector<16xi32>
        %add3A_358 = arith.addi %add3A_343, %add3A_357 : vector<16xi32>
        %gather3A_359 = tpu.vector_load_idx %arg12[%add3A_208, %add3A_358] : memref<256x16xi32, #tpu.memory_space<vmem>>[vector<16xi32>, vector<16xi32>], vector<16xi32>,
        %gather3A_360 = tpu.vector_load_idx %arg14[%add3A_208, %add3A_358] : memref<256x16xi32, #tpu.memory_space<vmem>>[vector<16xi32>, vector<16xi32>], vector<16xi32>,
        %bitcast3A_361 = vector.bitcast %gather3A_359 : vector<16xi32> to vector<32xbf16>
        %unpack3A_362 = tpu.unpack_subelements %bitcast3A_361, 0 {pack_format = #tpu.pack_format<interleaved>} : vector<32xbf16> -> vector<16xf32>
        %unpack3A_363 = tpu.unpack_subelements %bitcast3A_361, 1 {pack_format = #tpu.pack_format<interleaved>} : vector<32xbf16> -> vector<16xf32>
        %bitcast3A_364 = vector.bitcast %gather3A_360 : vector<16xi32> to vector<32xbf16>
        %unpack3A_365 = tpu.unpack_subelements %bitcast3A_364, 0 {pack_format = #tpu.pack_format<interleaved>} : vector<32xbf16> -> vector<16xf32>
        %unpack3A_366 = tpu.unpack_subelements %bitcast3A_364, 1 {pack_format = #tpu.pack_format<interleaved>} : vector<32xbf16> -> vector<16xf32>
        %mul3A_367 = arith.mulf %unpack3A_362, %unpack3A_365 : vector<16xf32>
        %add3A_368 = arith.addf %add3A_355, %mul3A_367 : vector<16xf32>
        %mul3A_369 = arith.mulf %unpack3A_363, %unpack3A_366 : vector<16xf32>
        %add3A_370 = arith.addf %add3A_368, %mul3A_369 : vector<16xf32>
        %add3A_371 = arith.constant 1 : i32
        %add3A_372 = vector.broadcast %add3A_371 : i32 to vector<16xi32>
        %add3A_373 = arith.addi %add3A_358, %add3A_372 : vector<16xi32>
        %gather3A_374 = tpu.vector_load_idx %arg12[%add3A_208, %add3A_373] : memref<256x16xi32, #tpu.memory_space<vmem>>[vector<16xi32>, vector<16xi32>], vector<16xi32>,
        %gather3A_375 = tpu.vector_load_idx %arg14[%add3A_208, %add3A_373] : memref<256x16xi32, #tpu.memory_space<vmem>>[vector<16xi32>, vector<16xi32>], vector<16xi32>,
        %bitcast3A_376 = vector.bitcast %gather3A_374 : vector<16xi32> to vector<32xbf16>
        %unpack3A_377 = tpu.unpack_subelements %bitcast3A_376, 0 {pack_format = #tpu.pack_format<interleaved>} : vector<32xbf16> -> vector<16xf32>
        %unpack3A_378 = tpu.unpack_subelements %bitcast3A_376, 1 {pack_format = #tpu.pack_format<interleaved>} : vector<32xbf16> -> vector<16xf32>
        %bitcast3A_379 = vector.bitcast %gather3A_375 : vector<16xi32> to vector<32xbf16>
        %unpack3A_380 = tpu.unpack_subelements %bitcast3A_379, 0 {pack_format = #tpu.pack_format<interleaved>} : vector<32xbf16> -> vector<16xf32>
        %unpack3A_381 = tpu.unpack_subelements %bitcast3A_379, 1 {pack_format = #tpu.pack_format<interleaved>} : vector<32xbf16> -> vector<16xf32>
        %mul3A_382 = arith.mulf %unpack3A_377, %unpack3A_380 : vector<16xf32>
        %add3A_383 = arith.addf %add3A_370, %mul3A_382 : vector<16xf32>
        %mul3A_384 = arith.mulf %unpack3A_378, %unpack3A_381 : vector<16xf32>
        %add3A_385 = arith.addf %add3A_383, %mul3A_384 : vector<16xf32>
        %add3A_386 = arith.constant 1 : i32
        %add3A_387 = vector.broadcast %add3A_386 : i32 to vector<16xi32>
        %add3A_388 = arith.addi %add3A_373, %add3A_387 : vector<16xi32>
        %gather3A_389 = tpu.vector_load_idx %arg12[%add3A_208, %add3A_388] : memref<256x16xi32, #tpu.memory_space<vmem>>[vector<16xi32>, vector<16xi32>], vector<16xi32>,
        %gather3A_390 = tpu.vector_load_idx %arg14[%add3A_208, %add3A_388] : memref<256x16xi32, #tpu.memory_space<vmem>>[vector<16xi32>, vector<16xi32>], vector<16xi32>,
        %bitcast3A_391 = vector.bitcast %gather3A_389 : vector<16xi32> to vector<32xbf16>
        %unpack3A_392 = tpu.unpack_subelements %bitcast3A_391, 0 {pack_format = #tpu.pack_format<interleaved>} : vector<32xbf16> -> vector<16xf32>
        %unpack3A_393 = tpu.unpack_subelements %bitcast3A_391, 1 {pack_format = #tpu.pack_format<interleaved>} : vector<32xbf16> -> vector<16xf32>
        %bitcast3A_394 = vector.bitcast %gather3A_390 : vector<16xi32> to vector<32xbf16>
        %unpack3A_395 = tpu.unpack_subelements %bitcast3A_394, 0 {pack_format = #tpu.pack_format<interleaved>} : vector<32xbf16> -> vector<16xf32>
        %unpack3A_396 = tpu.unpack_subelements %bitcast3A_394, 1 {pack_format = #tpu.pack_format<interleaved>} : vector<32xbf16> -> vector<16xf32>
        %mul3A_397 = arith.mulf %unpack3A_392, %unpack3A_395 : vector<16xf32>
        %add3A_398 = arith.addf %add3A_385, %mul3A_397 : vector<16xf32>
        %mul3A_399 = arith.mulf %unpack3A_393, %unpack3A_396 : vector<16xf32>
        %add3A_400 = arith.addf %add3A_398, %mul3A_399 : vector<16xf32>
        %add3A_401 = arith.constant 1 : i32
        %add3A_402 = vector.broadcast %add3A_401 : i32 to vector<16xi32>
        %add3A_403 = arith.addi %add3A_388, %add3A_402 : vector<16xi32>
        %gather3A_404 = tpu.vector_load_idx %arg12[%add3A_208, %add3A_403] : memref<256x16xi32, #tpu.memory_space<vmem>>[vector<16xi32>, vector<16xi32>], vector<16xi32>,
        %gather3A_405 = tpu.vector_load_idx %arg14[%add3A_208, %add3A_403] : memref<256x16xi32, #tpu.memory_space<vmem>>[vector<16xi32>, vector<16xi32>], vector<16xi32>,
        %bitcast3A_406 = vector.bitcast %gather3A_404 : vector<16xi32> to vector<32xbf16>
        %unpack3A_407 = tpu.unpack_subelements %bitcast3A_406, 0 {pack_format = #tpu.pack_format<interleaved>} : vector<32xbf16> -> vector<16xf32>
        %unpack3A_408 = tpu.unpack_subelements %bitcast3A_406, 1 {pack_format = #tpu.pack_format<interleaved>} : vector<32xbf16> -> vector<16xf32>
        %bitcast3A_409 = vector.bitcast %gather3A_405 : vector<16xi32> to vector<32xbf16>
        %unpack3A_410 = tpu.unpack_subelements %bitcast3A_409, 0 {pack_format = #tpu.pack_format<interleaved>} : vector<32xbf16> -> vector<16xf32>
        %unpack3A_411 = tpu.unpack_subelements %bitcast3A_409, 1 {pack_format = #tpu.pack_format<interleaved>} : vector<32xbf16> -> vector<16xf32>
        %mul3A_412 = arith.mulf %unpack3A_407, %unpack3A_410 : vector<16xf32>
        %add3A_413 = arith.addf %add3A_400, %mul3A_412 : vector<16xf32>
        %mul3A_414 = arith.mulf %unpack3A_408, %unpack3A_411 : vector<16xf32>
        %add3A_415 = arith.addf %add3A_413, %mul3A_414 : vector<16xf32>
        %add3A_416 = arith.constant 1 : i32
        %add3A_417 = vector.broadcast %add3A_416 : i32 to vector<16xi32>
        %add3A_418 = arith.addi %add3A_403, %add3A_417 : vector<16xi32>
        %gather3A_419 = tpu.vector_load_idx %arg12[%add3A_208, %add3A_418] : memref<256x16xi32, #tpu.memory_space<vmem>>[vector<16xi32>, vector<16xi32>], vector<16xi32>,
        %gather3A_420 = tpu.vector_load_idx %arg14[%add3A_208, %add3A_418] : memref<256x16xi32, #tpu.memory_space<vmem>>[vector<16xi32>, vector<16xi32>], vector<16xi32>,
        %bitcast3A_421 = vector.bitcast %gather3A_419 : vector<16xi32> to vector<32xbf16>
        %unpack3A_422 = tpu.unpack_subelements %bitcast3A_421, 0 {pack_format = #tpu.pack_format<interleaved>} : vector<32xbf16> -> vector<16xf32>
        %unpack3A_423 = tpu.unpack_subelements %bitcast3A_421, 1 {pack_format = #tpu.pack_format<interleaved>} : vector<32xbf16> -> vector<16xf32>
        %bitcast3A_424 = vector.bitcast %gather3A_420 : vector<16xi32> to vector<32xbf16>
        %unpack3A_425 = tpu.unpack_subelements %bitcast3A_424, 0 {pack_format = #tpu.pack_format<interleaved>} : vector<32xbf16> -> vector<16xf32>
        %unpack3A_426 = tpu.unpack_subelements %bitcast3A_424, 1 {pack_format = #tpu.pack_format<interleaved>} : vector<32xbf16> -> vector<16xf32>
        %mul3A_427 = arith.mulf %unpack3A_422, %unpack3A_425 : vector<16xf32>
        %add3A_428 = arith.addf %add3A_415, %mul3A_427 : vector<16xf32>
        %mul3A_429 = arith.mulf %unpack3A_423, %unpack3A_426 : vector<16xf32>
        %add3A_430 = arith.addf %add3A_428, %mul3A_429 : vector<16xf32>
        %add3A_431 = arith.constant 1 : i32
        %add3A_432 = vector.broadcast %add3A_431 : i32 to vector<16xi32>
        %add3A_433 = arith.addi %add3A_418, %add3A_432 : vector<16xi32>
        %gather3A_434 = tpu.vector_load_idx %arg12[%add3A_208, %add3A_433] : memref<256x16xi32, #tpu.memory_space<vmem>>[vector<16xi32>, vector<16xi32>], vector<16xi32>,
        %gather3A_435 = tpu.vector_load_idx %arg14[%add3A_208, %add3A_433] : memref<256x16xi32, #tpu.memory_space<vmem>>[vector<16xi32>, vector<16xi32>], vector<16xi32>,
        %bitcast3A_436 = vector.bitcast %gather3A_434 : vector<16xi32> to vector<32xbf16>
        %unpack3A_437 = tpu.unpack_subelements %bitcast3A_436, 0 {pack_format = #tpu.pack_format<interleaved>} : vector<32xbf16> -> vector<16xf32>
        %unpack3A_438 = tpu.unpack_subelements %bitcast3A_436, 1 {pack_format = #tpu.pack_format<interleaved>} : vector<32xbf16> -> vector<16xf32>
        %bitcast3A_439 = vector.bitcast %gather3A_435 : vector<16xi32> to vector<32xbf16>
        %unpack3A_440 = tpu.unpack_subelements %bitcast3A_439, 0 {pack_format = #tpu.pack_format<interleaved>} : vector<32xbf16> -> vector<16xf32>
        %unpack3A_441 = tpu.unpack_subelements %bitcast3A_439, 1 {pack_format = #tpu.pack_format<interleaved>} : vector<32xbf16> -> vector<16xf32>
        %mul3A_442 = arith.mulf %unpack3A_437, %unpack3A_440 : vector<16xf32>
        %add3A_443 = arith.addf %add3A_430, %mul3A_442 : vector<16xf32>
        %mul3A_444 = arith.mulf %unpack3A_438, %unpack3A_441 : vector<16xf32>
        %add3A_445 = arith.addf %add3A_443, %mul3A_444 : vector<16xf32>
        %mul3A_446 = arith.constant 256 : i32
        %mul3A_447 = arith.muli %add3A_176, %mul3A_446 : i32
        %mul3A_448 = arith.constant 16 : i32
        %mul3A_449 = arith.muli %add3A_204, %mul3A_448 : i32
        %add3A_450 = arith.addi %mul3A_447, %mul3A_449 : i32
        %swap3A = arith.index_cast %add3A_450 : i32 to index
        %swap3A_451 = tpu.vector_load %arg10[%swap3A] {strides = array<i32>} : memref<16384xf32, #tpu.memory_space<vmem>>, vector<16xf32>,
        tpu.vector_store %arg10[%swap3A], %add3A_445 {strides = array<i32>} : memref<16384xf32, #tpu.memory_space<vmem>>, vector<16xf32>,
      }
      %scan3A_194 = arith.constant 16 : i32
      %lt3A_195 = arith.constant 64 : i32
      %lt3A_196 = arith.cmpi slt, %add3A_178, %lt3A_195 : i32
      %convert_element_type3A_197 = arith.extui %lt3A_196 : i1 to i32
      %cond3A_198 = arith.constant 0 : i32
      %cond3A_199 = arith.cmpi ne, %convert_element_type3A_197, %cond3A_198 : i32
      scf.if %cond3A_199 {
        %dma_wait3A_200 = arith.constant 0 : i32
        %dma_wait3A_201 = tpu.memref_slice %arg4[%add3A, %add3A_178, %dma_wait3A_200] : memref<32x64x256xi32, #tpu.memory_space<hbm>> -> memref<1x1x256xi32, #tpu.memory_space<hbm>>
        %dma_wait3A_202 = tpu.memref_squeeze %dma_wait3A_201 : memref<1x1x256xi32, #tpu.memory_space<hbm>> -> memref<256xi32, #tpu.memory_space<hbm>>
        %dma_wait3A_203 = arith.constant 0 : i32
        %dma_wait3A_204 = tpu.memref_slice %arg4[%add3A, %add3A_178, %dma_wait3A_203] : memref<32x64x256xi32, #tpu.memory_space<hbm>> -> memref<1x1x256xi32, #tpu.memory_space<hbm>>
        %dma_wait3A_205 = tpu.memref_squeeze %dma_wait3A_204 : memref<1x1x256xi32, #tpu.memory_space<hbm>> -> memref<256xi32, #tpu.memory_space<hbm>>
        tpu.wait_dma2 semaphore(%arg24 : memref<!tpu.dma_semaphore, #tpu.memory_space<semaphore_mem>>) src(%dma_wait3A_205 : memref<256xi32, #tpu.memory_space<hbm>>) dst(%arg16 : memref<256xi32, #tpu.memory_space<vmem>>)
        %dma_wait3A_206 = arith.constant 0 : i32
        %dma_wait3A_207 = tpu.memref_slice %arg5[%add3A, %add3A_178, %dma_wait3A_206] : memref<32x64x256xi32, #tpu.memory_space<hbm>> -> memref<1x1x256xi32, #tpu.memory_space<hbm>>
        %dma_wait3A_208 = tpu.memref_squeeze %dma_wait3A_207 : memref<1x1x256xi32, #tpu.memory_space<hbm>> -> memref<256xi32, #tpu.memory_space<hbm>>
        %dma_wait3A_209 = arith.constant 0 : i32
        %dma_wait3A_210 = tpu.memref_slice %arg5[%add3A, %add3A_178, %dma_wait3A_209] : memref<32x64x256xi32, #tpu.memory_space<hbm>> -> memref<1x1x256xi32, #tpu.memory_space<hbm>>
        %dma_wait3A_211 = tpu.memref_squeeze %dma_wait3A_210 : memref<1x1x256xi32, #tpu.memory_space<hbm>> -> memref<256xi32, #tpu.memory_space<hbm>>
        tpu.wait_dma2 semaphore(%arg26 : memref<!tpu.dma_semaphore, #tpu.memory_space<semaphore_mem>>) src(%dma_wait3A_211 : memref<256xi32, #tpu.memory_space<hbm>>) dst(%arg18 : memref<256xi32, #tpu.memory_space<vmem>>)
        %dma_start3A_212 = arith.constant 0 : i32
        %dma_start3A_213 = arith.constant 0 : i32
        %dma_start3A_214 = tpu.memref_slice %arg6[%dma_start3A_212, %dma_start3A_213] : memref<100000x16xi32, #tpu.memory_space<hbm>> -> memref<100000x16xi32, #tpu.memory_space<hbm>>
        tpu.enqueue_indirect_dma source(%dma_start3A_214 : memref<100000x16xi32, #tpu.memory_space<hbm>>) target(%arg12 : memref<256x16xi32, #tpu.memory_space<vmem>>) offsets(%arg16 : memref<256xi32, #tpu.memory_space<vmem>>) semaphore(%arg20 : memref<!tpu.dma_semaphore, #tpu.memory_space<semaphore_mem>>)
        %dma_start3A_215 = arith.constant 0 : i32
        %dma_start3A_216 = arith.constant 0 : i32
        %dma_start3A_217 = tpu.memref_slice %arg7[%dma_start3A_215, %dma_start3A_216] : memref<1000000x16xi32, #tpu.memory_space<hbm>> -> memref<1000000x16xi32, #tpu.memory_space<hbm>>
        tpu.enqueue_indirect_dma source(%dma_start3A_217 : memref<1000000x16xi32, #tpu.memory_space<hbm>>) target(%arg14 : memref<256x16xi32, #tpu.memory_space<vmem>>) offsets(%arg18 : memref<256xi32, #tpu.memory_space<vmem>>) semaphore(%arg22 : memref<!tpu.dma_semaphore, #tpu.memory_space<semaphore_mem>>)
      } else {
      }
    }
    %scan3A_145 = arith.constant 32 : i32
    %mul3A_146 = arith.constant 16384 : i32
    %mul3A_147 = arith.muli %add3A, %mul3A_146 : i32
    "tpu.region"() ({
      %run_scoped3A = tpu.sem_alloc : memref<!tpu.dma_semaphore, #tpu.memory_space<semaphore_mem>>
      %dma_start3A_148 = tpu.memref_slice %arg9[%mul3A_147] : memref<524288xf32, #tpu.memory_space<hbm>> -> memref<16384xf32, #tpu.memory_space<hbm>>
      %dma_start3A_149 = tpu.memref_slice %arg9[%mul3A_147] : memref<524288xf32, #tpu.memory_space<hbm>> -> memref<16384xf32, #tpu.memory_space<hbm>>
      tpu.enqueue_dma source(%arg10 : memref<16384xf32, #tpu.memory_space<vmem>>) target(%dma_start3A_149 : memref<16384xf32, #tpu.memory_space<hbm>>) target_semaphore(%run_scoped3A : memref<!tpu.dma_semaphore, #tpu.memory_space<semaphore_mem>>)
      %dma_wait3A_150 = tpu.memref_slice %arg9[%mul3A_147] : memref<524288xf32, #tpu.memory_space<hbm>> -> memref<16384xf32, #tpu.memory_space<hbm>>
      %dma_wait3A_151 = tpu.memref_slice %arg9[%mul3A_147] : memref<524288xf32, #tpu.memory_space<hbm>> -> memref<16384xf32, #tpu.memory_space<hbm>>
      tpu.wait_dma2 semaphore(%run_scoped3A : memref<!tpu.dma_semaphore, #tpu.memory_space<semaphore_mem>>) src(%arg10 : memref<16384xf32, #tpu.memory_space<vmem>>) dst(%dma_wait3A_151 : memref<16384xf32, #tpu.memory_space<hbm>>)
      tpu.yield
    }) : () -> ()
    return
  }
}

</mosaic_0001>

<sc_bundles>
// kernel: mf_edge_scores.3.cloned.1.call-start
scs
__scs_entry_jumppad:
0x0: {  	(pc) =	sbr.rel $0x88, $3  }
0x1: {  	(tag) =	ssettag $0x0;
	lr =	simm.s32 $0x1  }
0x2: {  	[smem:$0x3F9B] =	sst lr;
	_ =	strace $0xD0000000  }
0x3: {  	_ = 	snop  }
0x4: {  	_ = 	snop  }
0x5: {  	_ = 	snop  }
0x6: {  	_ = 	snop  }
0x7: {  	_ = 	snop  }
__scs_overlays_trampoline_lowered:
0x8: {  	[smem:$0x3FAA] =	sst s0  }
0x9: {  	[smem:$0x3FAB] =	sst s1  }
0xa: {  	[smem:$0x3FAC] =	sst s2  }
0xb: {  	[smem:$0x3FAD] =	sst s3  }
0xc: {  	[smem:$0x3FAE] =	sst s4  }
0xd: {  	[smem:$0x3FAF] =	sst s5  }
0xe: {  	[smem:$0x3FB0] =	sst s6  }
0xf: {  	[smem:$0x3FB1] =	sst s7  }
0x10: {  	[smem:$0x3FB2] =	sst s8  }
0x11: {  	[smem:$0x3FB3] =	sst s9;
	s0 =	simm.s32 @!p0 $0x0  }
0x12: {  	s1 =	sld [smem:$0x3F99];
	s0 =	simm.s32 @p0 $0x1  }
0x13: {  	[smem:$0x3FB4] =	sst s0;
	s0 =	simm.s32 @!p1 $0x0  }
0x14: {  	s2 =	sld [smem:$0x3F98];
	s0 =	simm.s32 @p1 $0x1  }
0x15: {  	[smem:$0x3FB5] =	sst s0;
	s0 =	simm.s32 @!p2 $0x0  }
0x16: {  	s3 =	sld [smem:$0x3FDB];
	s0 =	simm.s32 @p2 $0x1  }
0x17: {  	s4 =	simm.s32 $0x1BF5;
	[smem:$0x3FB7] =	sst s0  }
0x18: {  	s0 =	sld [smem:$0x3F9A];
	_ =	swait.ge [sflag:s4], $0x0  }
0x19: {  	s7 =	sld [smem:$0x3F9B]  }
0x1a: {  	s8 =	sadd.s32 $0xFFFFE003, lr  }
0x1b: {  	s9 =	sadd.s32 $0xFFFFFEF7, lr;
	s5 =	simm.s32 $0xFFFFFFFF;
	p2 =	slt.u32 s8, $0xFFFFF086  }
0x1c: {  	p1 =	slt.u32 s9, $0xF7A;
	s5 =	simm.s32 @!p2 $0x0  }
0x1d: {  	s5 =	simm.s32 @p1 $0x1;
	p0 =	seq.s32 s7, s2  }
0x1e: {  	s7 =	smul.u32 @!p0 $0xF7A, s2;
	p2 =	seq.s32 @!p0 s5, $0x0  }
0x1f: {  	s9 =	smul.u32 $0xF7A, s1;
	s8 =	simm.s32 @!p0 $0x1BF5;
	p2 =	por !p2, p0  }
0x20: {  	[sflag:s8] =	ssyncset.s32 @!p0 $0xFFFFF086;
	s6 =	sadd.s32 @!p0 s3, s7;
	s7 =	simm.s32 @!p0 $0x108  }
0x21: {  	s3 =	sadd.s32 s3, s9;
	s6 =	sadd.s32 @!p0 $0x88, s6;
	s7 =	simm.s32 @p2 $0x1082  }
0x22: {  	[simem:s7], [sflag:s8] =	dma.local @!p0 [hbm:s6], $0xF7A  }
0x23: {  	s9 =	sor.u32 $0xD0000000, s2;
	s6 =	simm.s32 $0x108;
	_ =	swait.ge @!p0 [sflag:s8], $0x0  }
0x24: {  	s3 =	sadd.s32 $0x88, s3;
	s6 =	simm.s32 @!p1 $0x1082;
	[sflag:s4] =	ssyncset.s32 $0xFFFFF086  }
0x25: {  	[simem:s6], [sflag:s4] =	dma.local [hbm:s3], $0xF7A  }
0x26: {  	[smem:$0x3F9B] =	sst s1;
	(tag) =	ssettag s2;
	_ =	strace s9  }
0x27: {  	s1 =	sld [smem:$0x3FAB]  }
0x28: {  	s2 =	sld [smem:$0x3FAC]  }
0x29: {  	s4 =	sld [smem:$0x3FAE]  }
0x2a: {  	p0 =	seq.s32 s5, $0x0;
	s5 =	sld [smem:$0x3FAF]  }
0x2b: {  	s6 =	sld [smem:$0x3FB0]  }
0x2c: {  	s7 =	sld [smem:$0x3FB1]  }
0x2d: {  	s3 =	simm.s32 $0x108;
	s8 =	sld [smem:$0x3FB2]  }
0x2e: {  	s3 =	simm.s32 @!p0 $0x1082;
	s9 =	sld [smem:$0x3FB3]  }
0x2f: {  	lr =	sadd.s32 s0, s3;
	s0 =	sld [smem:$0x3FAA]  }
0x30: {  	s3 =	sld [smem:$0x3FAD]  }
0x31: {  	[smem:$0x3FB6] =	sst s10  }
0x32: {  	s10 =	sld [smem:$0x3FB4];
	_ =	sdelay $0x3  }
0x33: {  	p0 =	seq.s32 s10, $0x1;
	s10 =	sld [smem:$0x3FB6];
	_ =	sdelay $0x3  }
0x34: {  	[smem:$0x3FB6] =	sst s10  }
0x35: {  	s10 =	sld [smem:$0x3FB5];
	_ =	sdelay $0x3  }
0x36: {  	p1 =	seq.s32 s10, $0x1;
	s10 =	sld [smem:$0x3FB6];
	_ =	sdelay $0x3  }
0x37: {  	[smem:$0x3FB6] =	sst s10  }
0x38: {  	s10 =	sld [smem:$0x3FB7]  }
0x39: {  	_ = 	snop;
	(pc) =	sbr.ind lr, $3  }
0x3a: {  	_ = 	snop  }
0x3b: {  	_ = 	snop  }
0x3c: {  	p2 =	seq.s32 s10, $0x1;
	s10 =	sld [smem:$0x3FB6]  }
0x3d: {  	_ =	shalt  }
0x3e: {  	_ =	shalt  }
0x3f: {  	_ =	shalt  }
0x40: {  	_ =	shalt  }
0x41: {  	_ =	shalt  }
0x42: {  	_ =	shalt  }
0x43: {  	_ =	shalt  }
0x44: {  	_ =	shalt  }
0x45: {  	_ =	shalt  }
0x46: {  	_ =	shalt  }
0x47: {  	_ =	shalt  }
0x48: {  	_ =	shalt  }
0x49: {  	_ =	shalt  }
0x4a: {  	_ =	shalt  }
0x4b: {  	_ =	shalt  }
0x4c: {  	_ =	shalt  }
0x4d: {  	_ =	shalt  }
0x4e: {  	_ =	shalt  }
0x4f: {  	_ =	shalt  }
0x50: {  	_ =	shalt  }
0x51: {  	_ =	shalt  }
0x52: {  	_ =	shalt  }
0x53: {  	_ =	shalt  }
0x54: {  	_ =	shalt  }
0x55: {  	_ =	shalt  }
0x56: {  	_ =	shalt  }
0x57: {  	_ =	shalt  }
0x58: {  	_ =	shalt  }
0x59: {  	_ =	shalt  }
0x5a: {  	_ =	shalt  }
0x5b: {  	_ =	shalt  }
0x5c: {  	_ =	shalt  }
0x5d: {  	_ =	shalt  }
0x5e: {  	_ =	shalt  }
0x5f: {  	_ =	shalt  }
0x60: {  	_ =	shalt  }
0x61: {  	_ =	shalt  }
0x62: {  	_ =	shalt  }
0x63: {  	_ =	shalt  }
0x64: {  	_ =	shalt  }
0x65: {  	_ =	shalt  }
0x66: {  	_ =	shalt  }
0x67: {  	_ =	shalt  }
0x68: {  	_ =	shalt  }
0x69: {  	_ =	shalt  }
0x6a: {  	_ =	shalt  }
0x6b: {  	_ =	shalt  }
0x6c: {  	_ =	shalt  }
0x6d: {  	_ =	shalt  }
0x6e: {  	_ =	shalt  }
0x6f: {  	_ =	shalt  }
0x70: {  	_ =	shalt  }
0x71: {  	_ =	shalt  }
0x72: {  	_ =	shalt  }
0x73: {  	_ =	shalt  }
0x74: {  	_ =	shalt  }
0x75: {  	_ =	shalt  }
0x76: {  	_ =	shalt  }
0x77: {  	_ =	shalt  }
0x78: {  	_ =	shalt  }
0x79: {  	_ =	shalt  }
0x7a: {  	_ =	shalt  }
0x7b: {  	_ =	shalt  }
0x7c: {  	_ =	shalt  }
0x7d: {  	_ =	shalt  }
0x7e: {  	_ =	shalt  }
0x7f: {  	_ =	shalt  }
0x80: {  	_ =	shalt  }
0x81: {  	_ =	shalt  }
0x82: {  	_ =	shalt  }
0x83: {  	_ =	shalt  }
0x84: {  	_ =	shalt  }
0x85: {  	_ =	shalt  }
0x86: {  	_ =	shalt  }
0x87: {  	_ =	shalt  }
.Lfunc_end0:
.L_simem_size_0:
called_computation_lowered:
.L_overlay_start_0:
0x88: {  	s2 =	sld [smem:$0x3FD9]  }
0x89: {  	s3 =	sld [smem:$0x3FFE];
	_ =	sdelay $0x1  }
0x8a: {  	s1 =	srdreg.scid  }
0x8b: {  	s0 =	sand.u32 $0x1, s1  }
0x8c: {  	s14 =	sshll.u32 s0, $0xA;
	s2 =	sadd.s32 s3, s2  }
0x8d: {  	s2 =	sadd.s32 s2, s14  }
0x8e: {  	[smem:$0x3FC2] =	sst s2  }
0x8f: {  	_ = 	snop  }
0x90: {  	s2 =	sld [smem:$0x3FD0];
	_ =	sdelay $0x2  }
0x91: {  	s15 =	simm.s32 $0xA;
	s4 =	simm.s32 $0x10  }
0x92: {  	[smem:s4], [sflag:s15] =	dma.local [hbm:s2], $0x1  }
0x93: {  	_ =	swait.eq [sflag:s15], $0x1  }
0x94: {  	[sflag:s15] =	ssyncset.done $0x0  }
0x95: {  	s16 =	sld [smem:$0x10];
	[sflag:s15] =	ssyncadd.s32 $0xFFFFFFFF  }
0x96: {  	s17 =	sld [smem:$0x11];
	(tm) =	ssettm $0x1  }
0x97: {  	s18 =	sld [smem:$0x3FFB];
	_ =	sdelay $0x3  }
0x98: {  	_ =	strace s18  }
0x99: {  	s4 =	sld [smem:$0x3FFC];
	_ =	sdelay $0x3  }
0x9a: {  	_ =	strace s4  }
0x9b: {  	s4 =	sld [smem:$0x3FFD];
	_ =	sdelay $0x3  }
0x9c: {  	_ =	strace s4  }
0x9d: {  	_ =	strace $0x8FFFFFFF  }
0x9e: {  	s19 =	sld [smem:$0x3FDB];
	_ =	sdelay $0x1  }
0x9f: {  	s5 =	simm.s32 $_scs_section_size  }
0xa0: {  	s6 =	simm.s32 $_size__tile_overlayer_lowered;
	s7 =	simm.s32 $_tile_overlayer_lowered  }
0xa1: {  	s22 =	simm.s32 $0x1BFF;
	s21 =	sshll.u32 s7, $0x1;
	s4 =	sadd.s32 s5, s19  }
0xa2: {  	s8 =	simm.s32 $0x0;
	s20 =	sshll.u32 s6, $0x1;
	s6 =	sadd.s32 s21, s4  }
0xa3: {  	[timem:s8], [sflag:s22] =	dma.local [hbm:s6], s20  }
0xa4: {  	_ =	swait.ge [sflag:s22], s20  }
0xa5: {  	s5 =	ssub.s32 $0x0, s20;
	[sflag:s22] =	ssyncset.done $0x0  }
0xa6: {  	[sflag:s22] =	ssyncadd.s32 s5;
	_ =	sdelay $0x1  }
0xa7: {  	s23 =	simm.s32 $0x1B8B  }
0xa8: {  	_ =	swait.ge [sflag:s23], $0x1  }
0xa9: {  	[sflag:s23] =	ssyncset.done $0x0  }
0xaa: {  	s25 =	simm.s32 $0x1B8E;
	s24 =	sld [smem:$0x3FFE];
	[sflag:s23] =	ssyncadd.s32 $0xFFFFFFFF  }
0xab: {  	s26 =	simm.s32 $execute0_lowered;
	[smem:$0x3FD2] =	sst s25  }
0xac: {  	s6 =	sshll.u32 s26, $0x1;
	_ =	strace $0x80000046;
	[dreg:$0x1] =	wrdreg $0xFFFFFFFF  }
0xad: {  	s28 =	simm.s32 $_size_execute0_lowered;
	s4 =	sadd.s32 s4, s6;
	[dreg:$0x0] =	wrdreg $0x0  }
0xae: {  	s6 =	sshll.u32 s28, $0x1;
	[dreg:$0x2] =	wrdreg s4  }
0xaf: {  	[dreg:$0x3] =	wrdreg s6  }
0xb0: {  	[dreg:$0x4] =	wrdreg $0xC0  }
0xb1: {  	_ =	task [dreg:s8], $0x5FFFF  }
0xb2: {  	[dreg:$0x1] =	wrdreg $0xFFFFFFFF  }
0xb3: {  	[dreg:$0x0] =	wrdreg $0x60  }
0xb4: {  	[dreg:$0x2] =	wrdreg s24  }
0xb5: {  	[dreg:$0x3] =	wrdreg s16  }
0xb6: {  	[dreg:$0x4] =	wrdreg s17  }
0xb7: {  	[dreg:$0x5] =	wrdreg $0x9  }
0xb8: {  	_ =	task.clear_ibuf [dreg:s8], $0x6FFFF;
	_ =	strace $0x90000046  }
0xb9: {  	s29 =	simm.s32 $0x9;
	_ =	strace $0x80000048  }
0xba: {  	_ =	swait.ge [sflag:s29], $0x1  }
0xbb: {  	[sflag:s29] =	ssyncadd.s32 $0xFFFFFFFF  }
0xbc: {  	_ =	strace $0x90000048  }
0xbd: {  	_ =	sfence  }
0xbe: {  	s30 =	sld [smem:$0x0];
	_ =	sdelay $0x2  }
0xbf: {  	s31 =	sshll.u32 s1, $0xD;
	s1 =	sshrl.u32 s1, $0x2  }
0xc0: {  	s3 =	sand.u32 $0x4000, s31;
	s1 =	sadd.s32 s1, s30  }
0xc1: {  	s0 =	sor.u32 s3, s0;
	s1 =	sshll.u32 s1, $0x11  }
0xc2: {  	s0 =	sor.u32 s1, s0  }
0xc3: {  	s0 =	sadd.s32 $0x8F2B, s0  }
0xc4: {  	[sflag:s0] =	ssyncadd.remote.s32 $0x1  }
0xc5: {  	_ =	sfence.sel $0xFFFF  }
0xc6: {  	[dreg:$0x0] =	wrdreg $0xFFFFFFFF;
	(pc) =	sbr.abs _section_cstart, $3  }
0xc7: {  	[dreg:$0x1] =	wrdreg $0xFFFFFFFF  }
0xc8: {  	_ =	task.clear_ibuf [dreg:s8], $0x2FFFF;
	_ =	strace $0x9FFFFFFF  }
0xc9: {  	(tm) =	ssettm $0x7FFFFFFF  }
tec
execute0_lowered:
.L_overlay_start_1:
0x0: {  	(tag) =	ssettag $0x1  }
0x1: {  	s0 =	rddreg [dreg:$0x0]  }
0x2: {  	s2 =	rddreg [dreg:$0x1]  }
0x3: {  	s9 =	rddreg [dreg:$0x2];
	s1 =	simm.s32 $0x0;
	s5 =	srdreg.scid  }
0x4: {  	s6 =	stileid.u32;
	s28 =	simm.s32 $0x7;
	s29 =	simm.s32 $0x4000  }
0x5: {  	s30 =	simm.s32 $0x6000;
	s31 =	simm.s32 $0x6;
	[smem:$0x7FF] =	sst s1  }
0x6: {  	s3 =	sadd.s32 $0x31000, s0;
	s4 =	sadd.s32 $0x21000, s0;
	s7 =	sand.u32 $0x1, s5  }
0x7: {  	s5 =	sadd.s32 $0x11000, s0;
	s8 =	sshll.u32 s6, $0xF;
	s6 =	sadd.s32 $0x1000, s0  }
0x8: {  	_ =	strace $0x80000047;
	s10 =	sshll.u32 s7, $0xE;
	s11 =	ssub.s32 $0x2, s7  }
0x9: {  	s7 =	sadd.s32 $0x187A00, s0;
	s10 =	sor.u32 s10, s8;
	s12 =	sshrl.u32 s11, $0x1  }
0xa: {  	s8 =	sadd.s32 $0xF43400, s0;
	s15 =	sshrl.u32 s10, $0x3;
	s16 =	ssub.s32 s11, s12  }
0xb: {  	s13 =	sor.u32 $0x200, s10;
	s14 =	sor.u32 $0x300, s10;
	s18 =	sadd.s32 s3, s15  }
0xc: {  	s10 =	simm.s32 $0x1;
	s19 =	sadd.s32 s4, s15;
	[dreg:$0x4] =	wrdreg s18  }
0xd: {  	s11 =	simm.s32 $0x3;
	s2 =	sadd.s32 s2, s15;
	[dreg:$0x5] =	wrdreg s19  }
0xe: {  	s12 =	simm.s32 $0x9;
	s22 =	sadd.s32 s5, s15;
	[dreg:$0x8] =	wrdreg s2  }
0xf: {  	s17 =	sor.u32 $0x20, s15;
	s23 =	sadd.s32 s6, s15;
	[dreg:$0x9] =	wrdreg s22  }
0x10: {  	s26 =	sadd.s32 s9, s15;
	s0 =	smax.u32 s16, $0x1;
	[dreg:$0xa] =	wrdreg s23  }
0x11: {  	s9 =	simm.s32 $0x7000;
	s15 =	simm.s32 $0x100;
	[dreg:$0xd] =	wrdreg s26  }
.Ltmp0:
0x12: {  	s20 =	sadd.s32 s3, s17;
	[dreg:$0xe] =	wrdreg s0;
	(pc) =	sbr.rel .LBB2_1-.Ltmp0, $4  }
0x13: {  	s16 =	simm.s32 $0x0;
	s21 =	sadd.s32 s4, s17;
	[dreg:$0x6] =	wrdreg s20  }
0x14: {  	v0 =	vlaneseq.u32;
	s24 =	sadd.s32 s5, s17;
	s25 =	sadd.s32 s6, s17;
	[dreg:$0x7] =	wrdreg s21  }
0x15: {  	v0 =	vmul.u32 $0x10, v0;
	s0 =	simm.s32 $0x8;
	s2 =	simm.s32 $0x5000;
	[dreg:$0xb] =	wrdreg s24  }
0x16: {  	[dreg:$0xc] =	wrdreg s25;
	s24 =	simm.s32 $0x8100;
	s25 =	simm.s32 $0x8300  }
.LBB2_15:
0x17: {  	s1 =	simm.s32 $0x0;
	s17 =	rddreg [dreg:$0xd]  }
0x18: {  	[hbm4b:s17+s1] =	stream.linear.scatter [tilespmem:s1], [sflag:$0x9], $0x4000, $0x38;
	[tilespmem:$0x8400] =	vst v63  }
0x19: {  	_ =	swait.ge [sflag:s12], $0x4000  }
0x1a: {  	s16 =	sadd.s32 $0x1, s16;
	s26 =	rddreg [dreg:$0xe]  }
0x1b: {  	p0 =	sne.s32 s16, s26  }
.Ltmp1:
0x1c: {  	_ = 	snop;
	(pc) =	sbr.rel @!p0 .LBB2_16-.Ltmp1, $3  }
0x1d: {  	_ =	sdelay $0x1  }
0x1e: {  	[sflag:s12] =	ssyncset.done $0x0  }
0x1f: {  	[sflag:s12] =	ssyncadd.s32 $0xFFFFC000  }
.LBB2_1:
0x20: {  	s17 =	rddreg [dreg:$0x4];
	s18 =	simm.s32 $0x8000  }
0x21: {  	[tilespmem:s18], [sflag:$0x5] =	stream.linear.gather [hbm4b:s17+s1], $0x100, $0x38;
	[tilespmem:$0x8400] =	vst v63  }
0x22: {  	s21 =	rddreg [dreg:$0x5];
	s19 =	simm.s32 $0x8200  }
0x23: {  	[tilespmem:s19], [sflag:$0x7] =	stream.linear.gather [hbm4b:s21+s1], $0x100, $0x38;
	[tilespmem:$0x8400] =	vst v63  }
0x24: {  	s22 =	rddreg [dreg:$0x6]  }
0x25: {  	[tilespmem:s24], [sflag:$0x6] =	stream.linear.gather [hbm4b:s22+s1], $0x100, $0x38;
	[tilespmem:$0x8400] =	vst v63  }
0x26: {  	s23 =	rddreg [dreg:$0x7];
	s26 =	simm.s32 $0x5  }
0x27: {  	[tilespmem:s25], [sflag:$0x8] =	stream.linear.gather [hbm4b:s23+s1], $0x100, $0x38;
	[tilespmem:$0x8400] =	vst v63  }
0x28: {  	_ =	swait.ge [sflag:s26], $0x100  }
0x29: {  	[sflag:s26] =	ssyncset.done $0x0  }
0x2a: {  	[sflag:s26] =	ssyncadd.s32 $0xFFFFFF00  }
0x2b: {  	_ =	swait.ge [sflag:s28], $0x100  }
0x2c: {  	[sflag:s28] =	ssyncset.done $0x0  }
0x2d: {  	[sflag:s28] =	ssyncadd.s32 $0xFFFFFF00  }
0x2e: {  	[tilespmem:s29], [sflag:$0x1] =	stream.indirect.gather [hbm4b:s7+s15], $0x10, s18, s15, $0xb8;
	[tilespmem:$0x8400] =	vst v63  }
0x2f: {  	_ = 	snop  }
0x30: {  	[tilespmem:s30], [sflag:$0x3] =	stream.indirect.gather [hbm4b:s8+s15], $0x10, s19, s15, $0xb8;
	[tilespmem:$0x8400] =	vst v63  }
0x31: {  	_ =	swait.ge [sflag:s31], $0x100  }
0x32: {  	[sflag:s31] =	ssyncset.done $0x0  }
0x33: {  	[sflag:s31] =	ssyncadd.s32 $0xFFFFFF00  }
0x34: {  	_ =	swait.ge [sflag:s0], $0x100  }
0x35: {  	[sflag:s0] =	ssyncset.done $0x0  }
0x36: {  	[sflag:s0] =	ssyncadd.s32 $0xFFFFFF00  }
0x37: {  	[tilespmem:s2], [sflag:$0x2] =	stream.indirect.gather [hbm4b:s7+s15], $0x10, s24, s15, $0xb8;
	[tilespmem:$0x8400] =	vst v63  }
0x38: {  	s17 =	simm.s32 $0x100;
	s18 =	simm.s32 $0x0;
	s19 =	simm.s32 $0x0  }
0x39: {  	[tilespmem:s9], [sflag:$0x4] =	stream.indirect.gather [hbm4b:s8+s15], $0x10, s25, s15, $0xb8;
	[tilespmem:$0x8400] =	vst v63  }
.LBB2_2:
0x3a: {  	_ =	swait.ge [sflag:s10], $0x1000  }
0x3b: {  	s21 =	simm.s32 $0x0;
	[sflag:s10] =	ssyncset.done $0x0  }
0x3c: {  	s20 =	sshll.u32 s19, $0x9;
	p0 =	seq.s32 s19, $0x1F;
	v1 =	vmov s21;
	[sflag:s10] =	ssyncadd.s32 $0xFFFFF000  }
0x3d: {  	s21 =	sadd.s32 @!p0 s20, s13;
	v1 =	vshll.u32 v1, $0x4;
	_ =	swait.ge [sflag:s11], $0x1000  }
0x3e: {  	s23 =	simm.s32 @!p0 $0x0;
	s21 =	sshrl.u32 @!p0 s21, $0x3;
	v1 =	vor.u32 v0, v1;
	[sflag:s11] =	ssyncset.done $0x0  }
0x3f: {  	s1 =	simm.s32 @!p0 $0x8000;
	s22 =	sadd.s32 @!p0 s3, s21;
	[sflag:s11] =	ssyncadd.s32 $0xFFFFF000  }
0x40: {  	[tilespmem:s1], [sflag:$0x5] =	stream.linear.gather @!p0 [hbm4b:s22+s23], $0x100, $0x38;
	[tilespmem:$0x8400] =	vst v63  }
0x41: {  	s1 =	sadd.s32 @!p0 s4, s21;
	s21 =	simm.s32 @!p0 $0x8200  }
0x42: {  	v2 =	vor.u32 $0x1, v1;
	[tilespmem:s21], [sflag:$0x7] =	stream.linear.gather @!p0 [hbm4b:s1+s23], $0x100, $0x38;
	[tilespmem:$0x8400] =	vst v63  }
0x43: {  	v3 =	vld.idx.msk [tilespmem:v1+s29+$0x0], $0xffff  }
0x44: {  	v4 =	vld.idx.msk [tilespmem:v1+s30+$0x0], $0xffff;
	_ =	sdelay $0x1  }
0x45: {  	v5 =	vor.u32 $0x2, v1  }
0x46: {  	v6 =	vld.idx.msk [tilespmem:v2+s29+$0x0], $0xffff  }
0x47: {  	v2 =	vld.idx.msk [tilespmem:v2+s30+$0x0], $0xffff  }
0x48: {  	v7 =	vunpack.i.l.bf16.f32 v3;
	v8 =	vunpack.i.l.bf16.f32 v4  }
0x49: {  	v9 =	vor.u32 $0x3, v1;
	v7 =	vmul.f32 v8, v7  }
0x4a: {  	v15 =	vld.idx.msk [tilespmem:v5+s29+$0x0], $0xffff;
	v3 =	vunpack.i.u.bf16.f32 v3;
	v4 =	vunpack.i.u.bf16.f32 v4  }
0x4b: {  	v5 =	vld.idx.msk [tilespmem:v5+s30+$0x0], $0xffff;
	v3 =	vmul.f32 v4, v3;
	v7 =	vadd.f32 $0.0e+00, v7  }
0x4c: {  	v10 =	vunpack.i.l.bf16.f32 v2;
	v4 =	vunpack.i.l.bf16.f32 v6  }
0x4d: {  	v11 =	vor.u32 $0x4, v1;
	v4 =	vmul.f32 v10, v4;
	v3 =	vadd.f32 v7, v3  }
0x4e: {  	v2 =	vunpack.i.u.bf16.f32 v2;
	v6 =	vunpack.i.u.bf16.f32 v6;
	v7 =	vld.idx.msk [tilespmem:v9+s29+$0x0], $0xffff  }
0x4f: {  	v2 =	vmul.f32 v2, v6;
	v9 =	vld.idx.msk [tilespmem:v9+s30+$0x0], $0xffff;
	v3 =	vadd.f32 v4, v3  }
0x50: {  	v6 =	vunpack.i.l.bf16.f32 v5;
	v4 =	vunpack.i.l.bf16.f32 v15  }
0x51: {  	v16 =	vor.u32 $0x5, v1;
	v2 =	vadd.f32 v3, v2;
	v3 =	vmul.f32 v6, v4  }
0x52: {  	v17 =	vld.idx.msk [tilespmem:v11+s30+$0x0], $0xffff;
	v5 =	vunpack.i.u.bf16.f32 v5;
	v6 =	vunpack.i.u.bf16.f32 v15  }
0x53: {  	v4 =	vld.idx.msk [tilespmem:v11+s29+$0x0], $0xffff;
	v2 =	vadd.f32 v3, v2;
	v3 =	vmul.f32 v5, v6  }
0x54: {  	v5 =	vunpack.i.l.bf16.f32 v7;
	v6 =	vunpack.i.l.bf16.f32 v9  }
0x55: {  	v18 =	vor.u32 $0x6, v1;
	v2 =	vadd.f32 v2, v3;
	v3 =	vmul.f32 v6, v5  }
0x56: {  	v19 =	vld.idx.msk [tilespmem:v16+s30+$0x0], $0xffff;
	v6 =	vunpack.i.u.bf16.f32 v7;
	v7 =	vunpack.i.u.bf16.f32 v9  }
0x57: {  	v5 =	vld.idx.msk [tilespmem:v16+s29+$0x0], $0xffff;
	v2 =	vadd.f32 v3, v2;
	v3 =	vmul.f32 v7, v6  }
0x58: {  	v6 =	vunpack.i.l.bf16.f32 v4;
	v7 =	vunpack.i.l.bf16.f32 v17  }
0x59: {  	v20 =	vor.u32 $0x7, v1;
	v2 =	vadd.f32 v2, v3;
	v3 =	vmul.f32 v7, v6  }
0x5a: {  	v21 =	vld.idx.msk [tilespmem:v18+s30+$0x0], $0xffff;
	v4 =	vunpack.i.u.bf16.f32 v4;
	v7 =	vunpack.i.u.bf16.f32 v17  }
0x5b: {  	v6 =	vld.idx.msk [tilespmem:v18+s29+$0x0], $0xffff;
	v2 =	vadd.f32 v3, v2;
	v3 =	vmul.f32 v7, v4  }
0x5c: {  	v4 =	vunpack.i.l.bf16.f32 v5;
	v7 =	vunpack.i.l.bf16.f32 v19  }
0x5d: {  	v22 =	vor.u32 $0x8, v1;
	v2 =	vadd.f32 v2, v3;
	v3 =	vmul.f32 v7, v4  }
0x5e: {  	v23 =	vld.idx.msk [tilespmem:v20+s30+$0x0], $0xffff;
	v5 =	vunpack.i.u.bf16.f32 v5;
	v7 =	vunpack.i.u.bf16.f32 v19  }
0x5f: {  	v4 =	vld.idx.msk [tilespmem:v20+s29+$0x0], $0xffff;
	v2 =	vadd.f32 v3, v2;
	v3 =	vmul.f32 v7, v5  }
0x60: {  	v5 =	vunpack.i.l.bf16.f32 v6;
	v7 =	vunpack.i.l.bf16.f32 v21  }
0x61: {  	v24 =	vor.u32 $0x9, v1;
	v2 =	vadd.f32 v2, v3;
	v3 =	vmul.f32 v7, v5  }
0x62: {  	v25 =	vld.idx.msk [tilespmem:v22+s30+$0x0], $0xffff;
	v6 =	vunpack.i.u.bf16.f32 v6;
	v7 =	vunpack.i.u.bf16.f32 v21  }
0x63: {  	v5 =	vld.idx.msk [tilespmem:v22+s29+$0x0], $0xffff;
	v2 =	vadd.f32 v3, v2;
	v3 =	vmul.f32 v7, v6  }
0x64: {  	v6 =	vunpack.i.l.bf16.f32 v4;
	v7 =	vunpack.i.l.bf16.f32 v23  }
0x65: {  	v26 =	vor.u32 $0xA, v1;
	v2 =	vadd.f32 v2, v3;
	v3 =	vmul.f32 v7, v6  }
0x66: {  	v27 =	vld.idx.msk [tilespmem:v24+s30+$0x0], $0xffff;
	v4 =	vunpack.i.u.bf16.f32 v4;
	v7 =	vunpack.i.u.bf16.f32 v23  }
0x67: {  	v6 =	vld.idx.msk [tilespmem:v24+s29+$0x0], $0xffff;
	v2 =	vadd.f32 v3, v2;
	v3 =	vmul.f32 v7, v4  }
0x68: {  	v4 =	vunpack.i.l.bf16.f32 v5;
	v7 =	vunpack.i.l.bf16.f32 v25  }
0x69: {  	v28 =	vor.u32 $0xB, v1;
	v2 =	vadd.f32 v2, v3;
	v3 =	vmul.f32 v7, v4  }
0x6a: {  	v29 =	vld.idx.msk [tilespmem:v26+s30+$0x0], $0xffff;
	v5 =	vunpack.i.u.bf16.f32 v5;
	v7 =	vunpack.i.u.bf16.f32 v25  }
0x6b: {  	v4 =	vld.idx.msk [tilespmem:v26+s29+$0x0], $0xffff;
	v2 =	vadd.f32 v3, v2;
	v3 =	vmul.f32 v7, v5  }
0x6c: {  	v5 =	vunpack.i.l.bf16.f32 v6;
	v7 =	vunpack.i.l.bf16.f32 v27  }
0x6d: {  	v30 =	vor.u32 $0xC, v1;
	v2 =	vadd.f32 v2, v3;
	v3 =	vmul.f32 v7, v5  }
0x6e: {  	v31 =	vld.idx.msk [tilespmem:v28+s30+$0x0], $0xffff;
	v6 =	vunpack.i.u.bf16.f32 v6;
	v7 =	vunpack.i.u.bf16.f32 v27  }
0x6f: {  	v5 =	vld.idx.msk [tilespmem:v28+s29+$0x0], $0xffff;
	v2 =	vadd.f32 v3, v2;
	v3 =	vmul.f32 v7, v6  }
0x70: {  	v6 =	vunpack.i.l.bf16.f32 v4;
	v7 =	vunpack.i.l.bf16.f32 v29  }
0x71: {  	v32 =	vor.u32 $0xD, v1;
	v2 =	vadd.f32 v2, v3;
	v3 =	vmul.f32 v7, v6  }
0x72: {  	v33 =	vld.idx.msk [tilespmem:v30+s30+$0x0], $0xffff;
	v4 =	vunpack.i.u.bf16.f32 v4;
	v7 =	vunpack.i.u.bf16.f32 v29  }
0x73: {  	v6 =	vld.idx.msk [tilespmem:v30+s29+$0x0], $0xffff;
	v2 =	vadd.f32 v3, v2;
	v3 =	vmul.f32 v7, v4  }
0x74: {  	v4 =	vunpack.i.l.bf16.f32 v5;
	v7 =	vunpack.i.l.bf16.f32 v31  }
0x75: {  	v34 =	vor.u32 $0xE, v1;
	v2 =	vadd.f32 v2, v3;
	v3 =	vmul.f32 v7, v4  }
0x76: {  	v35 =	vld.idx.msk [tilespmem:v32+s30+$0x0], $0xffff;
	v5 =	vunpack.i.u.bf16.f32 v5;
	v7 =	vunpack.i.u.bf16.f32 v31  }
0x77: {  	v4 =	vld.idx.msk [tilespmem:v32+s29+$0x0], $0xffff;
	v2 =	vadd.f32 v3, v2;
	v3 =	vmul.f32 v7, v5  }
0x78: {  	v5 =	vunpack.i.l.bf16.f32 v6;
	v7 =	vunpack.i.l.bf16.f32 v33  }
0x79: {  	v1 =	vor.u32 $0xF, v1;
	v2 =	vadd.f32 v2, v3;
	v3 =	vmul.f32 v7, v5  }
0x7a: {  	v36 =	vld.idx.msk [tilespmem:v34+s30+$0x0], $0xffff;
	v6 =	vunpack.i.u.bf16.f32 v6;
	v7 =	vunpack.i.u.bf16.f32 v33  }
0x7b: {  	v5 =	vld.idx.msk [tilespmem:v34+s29+$0x0], $0xffff;
	v2 =	vadd.f32 v3, v2;
	v3 =	vmul.f32 v7, v6  }
0x7c: {  	v6 =	vunpack.i.l.bf16.f32 v4;
	v7 =	vunpack.i.l.bf16.f32 v35  }
0x7d: {  	v2 =	vadd.f32 v2, v3;
	v3 =	vmul.f32 v7, v6  }
0x7e: {  	v4 =	vunpack.i.u.bf16.f32 v4;
	v6 =	vld.idx.msk [tilespmem:v1+s29+$0x0], $0xffff;
	v7 =	vunpack.i.u.bf16.f32 v35  }
0x7f: {  	v1 =	vld.idx.msk [tilespmem:v1+s30+$0x0], $0xffff;
	v2 =	vadd.f32 v3, v2;
	v3 =	vmul.f32 v7, v4  }
0x80: {  	v4 =	vunpack.i.l.bf16.f32 v5;
	v7 =	vunpack.i.l.bf16.f32 v36  }
0x81: {  	v2 =	vadd.f32 v2, v3;
	v3 =	vmul.f32 v7, v4  }
0x82: {  	v4 =	vunpack.i.u.bf16.f32 v5;
	v5 =	vunpack.i.u.bf16.f32 v36  }
0x83: {  	v2 =	vadd.f32 v3, v2;
	v3 =	vmul.f32 v5, v4  }
0x84: {  	s23 =	simm.s32 $0x10;
	v4 =	vunpack.i.l.bf16.f32 v6;
	v5 =	vunpack.i.l.bf16.f32 v1  }
0x85: {  	v7 =	vmov s23;
	v2 =	vadd.f32 v2, v3;
	v3 =	vmul.f32 v5, v4  }
0x86: {  	v4 =	vshll.u32 v7, $0x4;
	v5 =	vunpack.i.u.bf16.f32 v6;
	v6 =	vunpack.i.u.bf16.f32 v1  }
0x87: {  	v1 =	vor.u32 v0, v4;
	v2 =	vadd.f32 v3, v2;
	v3 =	vmul.f32 v6, v5;
	_ =	sdelay $0x1  }
0x88: {  	v2 =	vadd.f32 v2, v3;
	_ =	sdelay $0x1  }
0x89: {  	v3 =	vor.u32 $0x1, v1;
	[tilespmem:s18+$0x0] =	vst v2  }
0x8a: {  	v2 =	vld.idx.msk [tilespmem:v1+s29+$0x0], $0xffff  }
0x8b: {  	v4 =	vld.idx.msk [tilespmem:v1+s30+$0x0], $0xffff;
	_ =	sdelay $0x1  }
0x8c: {  	v5 =	vor.u32 $0x2, v1  }
0x8d: {  	v6 =	vld.idx.msk [tilespmem:v3+s29+$0x0], $0xffff  }
0x8e: {  	v3 =	vld.idx.msk [tilespmem:v3+s30+$0x0], $0xffff  }
0x8f: {  	v7 =	vunpack.i.l.bf16.f32 v2;
	v37 =	vunpack.i.l.bf16.f32 v4  }
0x90: {  	v38 =	vor.u32 $0x3, v1;
	v7 =	vmul.f32 v37, v7  }
0x91: {  	v39 =	vld.idx.msk [tilespmem:v5+s29+$0x0], $0xffff;
	v2 =	vunpack.i.u.bf16.f32 v2;
	v4 =	vunpack.i.u.bf16.f32 v4  }
0x92: {  	v5 =	vld.idx.msk [tilespmem:v5+s30+$0x0], $0xffff;
	v2 =	vmul.f32 v4, v2;
	v7 =	vadd.f32 $0.0e+00, v7  }
0x93: {  	v4 =	vunpack.i.l.bf16.f32 v6;
	v40 =	vunpack.i.l.bf16.f32 v3  }
0x94: {  	v41 =	vor.u32 $0x4, v1;
	v4 =	vmul.f32 v40, v4;
	v2 =	vadd.f32 v7, v2  }
0x95: {  	v9 =	vld.idx.msk [tilespmem:v38+s30+$0x0], $0xffff;
	v6 =	vunpack.i.u.bf16.f32 v6;
	v3 =	vunpack.i.u.bf16.f32 v3  }
0x96: {  	v3 =	vmul.f32 v3, v6;
	v7 =	vld.idx.msk [tilespmem:v38+s29+$0x0], $0xffff;
	v2 =	vadd.f32 v4, v2  }
0x97: {  	v6 =	vunpack.i.l.bf16.f32 v5;
	v4 =	vunpack.i.l.bf16.f32 v39  }
0x98: {  	v42 =	vor.u32 $0x5, v1;
	v2 =	vadd.f32 v2, v3;
	v3 =	vmul.f32 v6, v4  }
0x99: {  	v43 =	vld.idx.msk [tilespmem:v41+s30+$0x0], $0xffff;
	v5 =	vunpack.i.u.bf16.f32 v5;
	v6 =	vunpack.i.u.bf16.f32 v39  }
0x9a: {  	v4 =	vld.idx.msk [tilespmem:v41+s29+$0x0], $0xffff;
	v2 =	vadd.f32 v3, v2;
	v3 =	vmul.f32 v5, v6  }
0x9b: {  	v5 =	vunpack.i.l.bf16.f32 v7;
	v6 =	vunpack.i.l.bf16.f32 v9  }
0x9c: {  	v44 =	vor.u32 $0x6, v1;
	v2 =	vadd.f32 v2, v3;
	v3 =	vmul.f32 v6, v5  }
0x9d: {  	v45 =	vld.idx.msk [tilespmem:v42+s30+$0x0], $0xffff;
	v6 =	vunpack.i.u.bf16.f32 v7;
	v7 =	vunpack.i.u.bf16.f32 v9  }
0x9e: {  	v5 =	vld.idx.msk [tilespmem:v42+s29+$0x0], $0xffff;
	v2 =	vadd.f32 v3, v2;
	v3 =	vmul.f32 v7, v6  }
0x9f: {  	v6 =	vunpack.i.l.bf16.f32 v4;
	v7 =	vunpack.i.l.bf16.f32 v43  }
0xa0: {  	v46 =	vor.u32 $0x7, v1;
	v2 =	vadd.f32 v2, v3;
	v3 =	vmul.f32 v7, v6  }
0xa1: {  	v47 =	vld.idx.msk [tilespmem:v44+s30+$0x0], $0xffff;
	v4 =	vunpack.i.u.bf16.f32 v4;
	v7 =	vunpack.i.u.bf16.f32 v43  }
0xa2: {  	v6 =	vld.idx.msk [tilespmem:v44+s29+$0x0], $0xffff;
	v2 =	vadd.f32 v3, v2;
	v3 =	vmul.f32 v7, v4  }
0xa3: {  	v4 =	vunpack.i.l.bf16.f32 v5;
	v7 =	vunpack.i.l.bf16.f32 v45  }
0xa4: {  	v48 =	vor.u32 $0x8, v1;
	v2 =	vadd.f32 v2, v3;
	v3 =	vmul.f32 v7, v4  }
0xa5: {  	v49 =	vld.idx.msk [tilespmem:v46+s30+$0x0], $0xffff;
	v5 =	vunpack.i.u.bf16.f32 v5;
	v7 =	vunpack.i.u.bf16.f32 v45  }
0xa6: {  	v4 =	vld.idx.msk [tilespmem:v46+s29+$0x0], $0xffff;
	v2 =	vadd.f32 v3, v2;
	v3 =	vmul.f32 v7, v5  }
0xa7: {  	v5 =	vunpack.i.l.bf16.f32 v6;
	v7 =	vunpack.i.l.bf16.f32 v47  }
0xa8: {  	v50 =	vor.u32 $0x9, v1;
	v2 =	vadd.f32 v2, v3;
	v3 =	vmul.f32 v7, v5  }
0xa9: {  	v51 =	vld.idx.msk [tilespmem:v48+s30+$0x0], $0xffff;
	v6 =	vunpack.i.u.bf16.f32 v6;
	v7 =	vunpack.i.u.bf16.f32 v47  }
0xaa: {  	v5 =	vld.idx.msk [tilespmem:v48+s29+$0x0], $0xffff;
	v2 =	vadd.f32 v3, v2;
	v3 =	vmul.f32 v7, v6  }
0xab: {  	v6 =	vunpack.i.l.bf16.f32 v4;
	v7 =	vunpack.i.l.bf16.f32 v49  }
0xac: {  	v52 =	vor.u32 $0xA, v1;
	v2 =	vadd.f32 v2, v3;
	v3 =	vmul.f32 v7, v6  }
0xad: {  	v53 =	vld.idx.msk [tilespmem:v50+s30+$0x0], $0xffff;
	v4 =	vunpack.i.u.bf16.f32 v4;
	v7 =	vunpack.i.u.bf16.f32 v49  }
0xae: {  	v6 =	vld.idx.msk [tilespmem:v50+s29+$0x0], $0xffff;
	v2 =	vadd.f32 v3, v2;
	v3 =	vmul.f32 v7, v4  }
0xaf: {  	v4 =	vunpack.i.l.bf16.f32 v5;
	v7 =	vunpack.i.l.bf16.f32 v51  }
0xb0: {  	v54 =	vor.u32 $0xB, v1;
	v2 =	vadd.f32 v2, v3;
	v3 =	vmul.f32 v7, v4  }
0xb1: {  	v55 =	vld.idx.msk [tilespmem:v52+s30+$0x0], $0xffff;
	v5 =	vunpack.i.u.bf16.f32 v5;
	v7 =	vunpack.i.u.bf16.f32 v51  }
0xb2: {  	v4 =	vld.idx.msk [tilespmem:v52+s29+$0x0], $0xffff;
	v2 =	vadd.f32 v3, v2;
	v3 =	vmul.f32 v7, v5  }
0xb3: {  	v5 =	vunpack.i.l.bf16.f32 v6;
	v7 =	vunpack.i.l.bf16.f32 v53  }
0xb4: {  	v56 =	vor.u32 $0xC, v1;
	v2 =	vadd.f32 v2, v3;
	v3 =	vmul.f32 v7, v5  }
0xb5: {  	v57 =	vld.idx.msk [tilespmem:v54+s30+$0x0], $0xffff;
	v6 =	vunpack.i.u.bf16.f32 v6;
	v7 =	vunpack.i.u.bf16.f32 v53  }
0xb6: {  	v5 =	vld.idx.msk [tilespmem:v54+s29+$0x0], $0xffff;
	v2 =	vadd.f32 v3, v2;
	v3 =	vmul.f32 v7, v6  }
0xb7: {  	v6 =	vunpack.i.l.bf16.f32 v4;
	v7 =	vunpack.i.l.bf16.f32 v55  }
0xb8: {  	v58 =	vor.u32 $0xD, v1;
	v2 =	vadd.f32 v2, v3;
	v3 =	vmul.f32 v7, v6  }
0xb9: {  	v59 =	vld.idx.msk [tilespmem:v56+s30+$0x0], $0xffff;
	v4 =	vunpack.i.u.bf16.f32 v4;
	v7 =	vunpack.i.u.bf16.f32 v55  }
0xba: {  	v6 =	vld.idx.msk [tilespmem:v56+s29+$0x0], $0xffff;
	v2 =	vadd.f32 v3, v2;
	v3 =	vmul.f32 v7, v4  }
0xbb: {  	v4 =	vunpack.i.l.bf16.f32 v5;
	v7 =	vunpack.i.l.bf16.f32 v57  }
0xbc: {  	v60 =	vor.u32 $0xE, v1;
	v2 =	vadd.f32 v2, v3;
	v3 =	vmul.f32 v7, v4  }
0xbd: {  	v61 =	vld.idx.msk [tilespmem:v58+s30+$0x0], $0xffff;
	v5 =	vunpack.i.u.bf16.f32 v5;
	v7 =	vunpack.i.u.bf16.f32 v57  }
0xbe: {  	v4 =	vld.idx.msk [tilespmem:v58+s29+$0x0], $0xffff;
	v2 =	vadd.f32 v3, v2;
	v3 =	vmul.f32 v7, v5  }
0xbf: {  	v5 =	vunpack.i.l.bf16.f32 v6;
	v7 =	vunpack.i.l.bf16.f32 v59  }
0xc0: {  	v1 =	vor.u32 $0xF, v1;
	v2 =	vadd.f32 v2, v3;
	v3 =	vmul.f32 v7, v5  }
0xc1: {  	v62 =	vld.idx.msk [tilespmem:v60+s30+$0x0], $0xffff;
	v6 =	vunpack.i.u.bf16.f32 v6;
	v7 =	vunpack.i.u.bf16.f32 v59  }
0xc2: {  	v5 =	vld.idx.msk [tilespmem:v60+s29+$0x0], $0xffff;
	v2 =	vadd.f32 v3, v2;
	v3 =	vmul.f32 v7, v6  }
0xc3: {  	v6 =	vunpack.i.l.bf16.f32 v4;
	v7 =	vunpack.i.l.bf16.f32 v61  }
0xc4: {  	v2 =	vadd.f32 v2, v3;
	v3 =	vmul.f32 v7, v6  }
0xc5: {  	v63 =	vld.idx.msk [tilespmem:v1+s30+$0x0], $0xffff;
	v4 =	vunpack.i.u.bf16.f32 v4;
	v7 =	vunpack.i.u.bf16.f32 v61  }
0xc6: {  	v6 =	vld.idx.msk [tilespmem:v1+s29+$0x0], $0xffff;
	v1 =	vadd.f32 v3, v2;
	v2 =	vmul.f32 v7, v4  }
0xc7: {  	v3 =	vunpack.i.l.bf16.f32 v5;
	v4 =	vunpack.i.l.bf16.f32 v62  }
0xc8: {  	v1 =	vadd.f32 v1, v2;
	v2 =	vmul.f32 v4, v3  }
0xc9: {  	v3 =	vunpack.i.u.bf16.f32 v5;
	v4 =	vunpack.i.u.bf16.f32 v62  }
0xca: {  	v1 =	vadd.f32 v2, v1;
	v2 =	vmul.f32 v4, v3  }
0xcb: {  	s26 =	simm.s32 $0x20;
	v3 =	vunpack.i.l.bf16.f32 v6;
	v4 =	vunpack.i.l.bf16.f32 v63  }
0xcc: {  	v5 =	vmov s26;
	v3 =	vmul.f32 v4, v3;
	v2 =	vadd.f32 v1, v2  }
0xcd: {  	s22 =	simm.s32 $0x30;
	s21 =	smov.u32 s18;
	v4 =	vunpack.i.u.bf16.f32 v6;
	v1 =	vshll.u32 v5, $0x4;
	v5 =	vunpack.i.u.bf16.f32 v63  }
.LBB2_3:
0xce: {  	p1 =	sne.s32 s22, $0xF0;
	v1 =	vor.u32 v0, v1;
	v2 =	vadd.f32 v3, v2;
	v3 =	vmul.f32 v5, v4;
	_ =	sdelay $0x1  }
0xcf: {  	v2 =	vadd.f32 v2, v3  }
0xd0: {  	s21 =	sadd.s32 $0x10, s21  }
0xd1: {  	v3 =	vor.u32 $0x1, v1;
	[tilespmem:s21+$0x0] =	vst v2  }
0xd2: {  	v2 =	vld.idx.msk [tilespmem:v1+s29+$0x0], $0xffff  }
0xd3: {  	v4 =	vld.idx.msk [tilespmem:v1+s30+$0x0], $0xffff;
	_ =	sdelay $0x1  }
0xd4: {  	v5 =	vor.u32 $0x2, v1  }
0xd5: {  	v6 =	vld.idx.msk [tilespmem:v3+s29+$0x0], $0xffff  }
0xd6: {  	v3 =	vld.idx.msk [tilespmem:v3+s30+$0x0], $0xffff;
	_ =	sdelay $0x1  }
0xd7: {  	v9 =	vor.u32 $0x3, v1;
	v7 =	vunpack.i.l.bf16.f32 v2;
	v8 =	vunpack.i.l.bf16.f32 v4  }
0xd8: {  	v7 =	vmul.f32 v8, v7;
	v8 =	vld.idx.msk [tilespmem:v5+s29+$0x0], $0xffff  }
0xd9: {  	v2 =	vunpack.i.u.bf16.f32 v2;
	v4 =	vunpack.i.u.bf16.f32 v4;
	v5 =	vld.idx.msk [tilespmem:v5+s30+$0x0], $0xffff  }
0xda: {  	v2 =	vmul.f32 v4, v2;
	v7 =	vadd.f32 $0.0e+00, v7  }
0xdb: {  	v11 =	vor.u32 $0x4, v1;
	v4 =	vunpack.i.l.bf16.f32 v6;
	v10 =	vunpack.i.l.bf16.f32 v3  }
0xdc: {  	v2 =	vadd.f32 v7, v2;
	v4 =	vmul.f32 v10, v4;
	v7 =	vld.idx.msk [tilespmem:v9+s29+$0x0], $0xffff  }
0xdd: {  	v6 =	vunpack.i.u.bf16.f32 v6;
	v3 =	vunpack.i.u.bf16.f32 v3;
	v9 =	vld.idx.msk [tilespmem:v9+s30+$0x0], $0xffff  }
0xde: {  	v3 =	vmul.f32 v3, v6;
	v2 =	vadd.f32 v4, v2  }
0xdf: {  	v10 =	vor.u32 $0x5, v1;
	v4 =	vunpack.i.l.bf16.f32 v8;
	v6 =	vunpack.i.l.bf16.f32 v5  }
0xe0: {  	v2 =	vadd.f32 v2, v3;
	v3 =	vmul.f32 v6, v4;
	v4 =	vld.idx.msk [tilespmem:v11+s29+$0x0], $0xffff  }
0xe1: {  	v5 =	vunpack.i.u.bf16.f32 v5;
	v6 =	vunpack.i.u.bf16.f32 v8;
	v8 =	vld.idx.msk [tilespmem:v11+s30+$0x0], $0xffff  }
0xe2: {  	v2 =	vadd.f32 v3, v2;
	v3 =	vmul.f32 v5, v6  }
0xe3: {  	v5 =	vunpack.i.l.bf16.f32 v7;
	v11 =	vor.u32 $0x6, v1;
	v6 =	vunpack.i.l.bf16.f32 v9  }
0xe4: {  	v2 =	vadd.f32 v2, v3;
	v3 =	vmul.f32 v6, v5;
	v5 =	vld.idx.msk [tilespmem:v10+s29+$0x0], $0xffff  }
0xe5: {  	v6 =	vunpack.i.u.bf16.f32 v7;
	v7 =	vunpack.i.u.bf16.f32 v9;
	v9 =	vld.idx.msk [tilespmem:v10+s30+$0x0], $0xffff  }
0xe6: {  	v2 =	vadd.f32 v3, v2;
	v3 =	vmul.f32 v7, v6  }
0xe7: {  	v6 =	vunpack.i.l.bf16.f32 v4;
	v10 =	vor.u32 $0x7, v1;
	v7 =	vunpack.i.l.bf16.f32 v8  }
0xe8: {  	v2 =	vadd.f32 v2, v3;
	v3 =	vmul.f32 v7, v6;
	v6 =	vld.idx.msk [tilespmem:v11+s29+$0x0], $0xffff  }
0xe9: {  	v4 =	vunpack.i.u.bf16.f32 v4;
	v7 =	vunpack.i.u.bf16.f32 v8;
	v8 =	vld.idx.msk [tilespmem:v11+s30+$0x0], $0xffff  }
0xea: {  	v2 =	vadd.f32 v3, v2;
	v3 =	vmul.f32 v7, v4  }
0xeb: {  	v4 =	vunpack.i.l.bf16.f32 v5;
	v11 =	vor.u32 $0x8, v1;
	v7 =	vunpack.i.l.bf16.f32 v9  }
0xec: {  	v2 =	vadd.f32 v2, v3;
	v3 =	vmul.f32 v7, v4;
	v4 =	vld.idx.msk [tilespmem:v10+s29+$0x0], $0xffff  }
0xed: {  	v5 =	vunpack.i.u.bf16.f32 v5;
	v7 =	vunpack.i.u.bf16.f32 v9;
	v9 =	vld.idx.msk [tilespmem:v10+s30+$0x0], $0xffff  }
0xee: {  	v2 =	vadd.f32 v3, v2;
	v3 =	vmul.f32 v7, v5  }
0xef: {  	v5 =	vunpack.i.l.bf16.f32 v6;
	v10 =	vor.u32 $0x9, v1;
	v7 =	vunpack.i.l.bf16.f32 v8  }
0xf0: {  	v2 =	vadd.f32 v2, v3;
	v3 =	vmul.f32 v7, v5;
	v5 =	vld.idx.msk [tilespmem:v11+s29+$0x0], $0xffff  }
0xf1: {  	v6 =	vunpack.i.u.bf16.f32 v6;
	v7 =	vunpack.i.u.bf16.f32 v8;
	v8 =	vld.idx.msk [tilespmem:v11+s30+$0x0], $0xffff  }
0xf2: {  	v2 =	vadd.f32 v3, v2;
	v3 =	vmul.f32 v7, v6  }
0xf3: {  	v6 =	vunpack.i.l.bf16.f32 v4;
	v11 =	vor.u32 $0xA, v1;
	v7 =	vunpack.i.l.bf16.f32 v9  }
0xf4: {  	v2 =	vadd.f32 v2, v3;
	v3 =	vmul.f32 v7, v6;
	v6 =	vld.idx.msk [tilespmem:v10+s29+$0x0], $0xffff  }
0xf5: {  	v4 =	vunpack.i.u.bf16.f32 v4;
	v7 =	vunpack.i.u.bf16.f32 v9;
	v9 =	vld.idx.msk [tilespmem:v10+s30+$0x0], $0xffff  }
0xf6: {  	v2 =	vadd.f32 v3, v2;
	v3 =	vmul.f32 v7, v4  }
0xf7: {  	v4 =	vunpack.i.l.bf16.f32 v5;
	v10 =	vor.u32 $0xB, v1;
	v7 =	vunpack.i.l.bf16.f32 v8  }
0xf8: {  	v2 =	vadd.f32 v2, v3;
	v3 =	vmul.f32 v7, v4;
	v4 =	vld.idx.msk [tilespmem:v11+s29+$0x0], $0xffff  }
0xf9: {  	v5 =	vunpack.i.u.bf16.f32 v5;
	v7 =	vunpack.i.u.bf16.f32 v8;
	v8 =	vld.idx.msk [tilespmem:v11+s30+$0x0], $0xffff  }
0xfa: {  	v2 =	vadd.f32 v3, v2;
	v3 =	vmul.f32 v7, v5  }
0xfb: {  	v5 =	vunpack.i.l.bf16.f32 v6;
	v11 =	vor.u32 $0xC, v1;
	v7 =	vunpack.i.l.bf16.f32 v9  }
0xfc: {  	v2 =	vadd.f32 v2, v3;
	v3 =	vmul.f32 v7, v5;
	v5 =	vld.idx.msk [tilespmem:v10+s29+$0x0], $0xffff  }
0xfd: {  	v6 =	vunpack.i.u.bf16.f32 v6;
	v7 =	vunpack.i.u.bf16.f32 v9;
	v9 =	vld.idx.msk [tilespmem:v10+s30+$0x0], $0xffff  }
0xfe: {  	v2 =	vadd.f32 v3, v2;
	v3 =	vmul.f32 v7, v6  }
0xff: {  	v6 =	vunpack.i.l.bf16.f32 v4;
	v10 =	vor.u32 $0xD, v1;
	v7 =	vunpack.i.l.bf16.f32 v8  }
0x100: {  	v2 =	vadd.f32 v2, v3;
	v3 =	vmul.f32 v7, v6;
	v6 =	vld.idx.msk [tilespmem:v11+s29+$0x0], $0xffff  }
0x101: {  	v4 =	vunpack.i.u.bf16.f32 v4;
	v7 =	vunpack.i.u.bf16.f32 v8;
	v8 =	vld.idx.msk [tilespmem:v11+s30+$0x0], $0xffff  }
0x102: {  	v2 =	vadd.f32 v3, v2;
	v3 =	vmul.f32 v7, v4  }
0x103: {  	v4 =	vunpack.i.l.bf16.f32 v5;
	v11 =	vor.u32 $0xE, v1;
	v7 =	vunpack.i.l.bf16.f32 v9  }
0x104: {  	v2 =	vadd.f32 v2, v3;
	v3 =	vmul.f32 v7, v4;
	v4 =	vld.idx.msk [tilespmem:v10+s29+$0x0], $0xffff  }
0x105: {  	v5 =	vunpack.i.u.bf16.f32 v5;
	v7 =	vunpack.i.u.bf16.f32 v9;
	v9 =	vld.idx.msk [tilespmem:v10+s30+$0x0], $0xffff  }
0x106: {  	v2 =	vadd.f32 v3, v2;
	v3 =	vmul.f32 v7, v5  }
0x107: {  	v1 =	vor.u32 $0xF, v1;
	v5 =	vunpack.i.l.bf16.f32 v6;
	v7 =	vunpack.i.l.bf16.f32 v8  }
0x108: {  	v2 =	vadd.f32 v2, v3;
	v3 =	vmul.f32 v7, v5;
	v5 =	vld.idx.msk [tilespmem:v11+s29+$0x0], $0xffff  }
0x109: {  	v6 =	vunpack.i.u.bf16.f32 v6;
	v7 =	vunpack.i.u.bf16.f32 v8;
	v8 =	vld.idx.msk [tilespmem:v11+s30+$0x0], $0xffff  }
0x10a: {  	v2 =	vadd.f32 v3, v2;
	v3 =	vmul.f32 v7, v6  }
0x10b: {  	v6 =	vunpack.i.l.bf16.f32 v4;
	v7 =	vunpack.i.l.bf16.f32 v9  }
0x10c: {  	v2 =	vadd.f32 v2, v3;
	v3 =	vmul.f32 v7, v6;
	v6 =	vld.idx.msk [tilespmem:v1+s29+$0x0], $0xffff  }
0x10d: {  	v4 =	vunpack.i.u.bf16.f32 v4;
	v7 =	vunpack.i.u.bf16.f32 v9;
	v9 =	vld.idx.msk [tilespmem:v1+s30+$0x0], $0xffff  }
0x10e: {  	v1 =	vadd.f32 v3, v2;
	v2 =	vmul.f32 v7, v4  }
0x10f: {  	v3 =	vunpack.i.l.bf16.f32 v5;
	v4 =	vunpack.i.l.bf16.f32 v8  }
0x110: {  	v1 =	vadd.f32 v1, v2;
	v2 =	vmul.f32 v4, v3  }
.Ltmp2:
0x111: {  	v3 =	vunpack.i.u.bf16.f32 v5;
	v4 =	vunpack.i.u.bf16.f32 v8;
	(pc) =	sbr.rel @p1 .LBB2_3-.Ltmp2, $4  }
0x112: {  	v1 =	vadd.f32 v2, v1;
	v2 =	vmul.f32 v4, v3  }
0x113: {  	v3 =	vunpack.i.l.bf16.f32 v6;
	v4 =	vunpack.i.l.bf16.f32 v9  }
0x114: {  	v5 =	vmov s22;
	v2 =	vadd.f32 v1, v2;
	v3 =	vmul.f32 v4, v3  }
0x115: {  	s22 =	sadd.s32 $0x10, s22;
	v1 =	vshll.u32 v5, $0x4;
	v4 =	vunpack.i.u.bf16.f32 v6;
	v5 =	vunpack.i.u.bf16.f32 v9  }
0x116: {  	v1 =	vor.u32 v0, v1;
	v2 =	vadd.f32 v3, v2;
	v3 =	vmul.f32 v5, v4;
	_ =	sdelay $0x1  }
0x117: {  	v2 =	vadd.f32 v2, v3  }
0x118: {  	s21 =	sadd.s32 $0x10, s21  }
0x119: {  	v3 =	vor.u32 $0x1, v1;
	[tilespmem:s21+$0x0] =	vst v2  }
0x11a: {  	v2 =	vld.idx.msk [tilespmem:v1+s29+$0x0], $0xffff  }
0x11b: {  	v4 =	vld.idx.msk [tilespmem:v1+s30+$0x0], $0xffff;
	_ =	sdelay $0x1  }
0x11c: {  	v5 =	vor.u32 $0x2, v1  }
0x11d: {  	v6 =	vld.idx.msk [tilespmem:v3+s29+$0x0], $0xffff  }
0x11e: {  	v3 =	vld.idx.msk [tilespmem:v3+s30+$0x0], $0xffff  }
0x11f: {  	v7 =	vunpack.i.l.bf16.f32 v2;
	v8 =	vunpack.i.l.bf16.f32 v4  }
0x120: {  	v9 =	vor.u32 $0x3, v1;
	v7 =	vmul.f32 v8, v7  }
0x121: {  	v41 =	vld.idx.msk [tilespmem:v5+s29+$0x0], $0xffff;
	v2 =	vunpack.i.u.bf16.f32 v2;
	v4 =	vunpack.i.u.bf16.f32 v4  }
0x122: {  	v5 =	vld.idx.msk [tilespmem:v5+s30+$0x0], $0xffff;
	v2 =	vmul.f32 v4, v2;
	v7 =	vadd.f32 $0.0e+00, v7  }
0x123: {  	v4 =	vunpack.i.l.bf16.f32 v6;
	v10 =	vunpack.i.l.bf16.f32 v3  }
0x124: {  	v11 =	vor.u32 $0x4, v1;
	v4 =	vmul.f32 v10, v4;
	v2 =	vadd.f32 v7, v2  }
0x125: {  	v6 =	vunpack.i.u.bf16.f32 v6;
	v3 =	vunpack.i.u.bf16.f32 v3;
	v7 =	vld.idx.msk [tilespmem:v9+s29+$0x0], $0xffff  }
0x126: {  	v3 =	vmul.f32 v3, v6;
	v9 =	vld.idx.msk [tilespmem:v9+s30+$0x0], $0xffff;
	v2 =	vadd.f32 v4, v2  }
0x127: {  	v6 =	vunpack.i.l.bf16.f32 v5;
	v4 =	vunpack.i.l.bf16.f32 v41  }
0x128: {  	v42 =	vor.u32 $0x5, v1;
	v2 =	vadd.f32 v2, v3;
	v3 =	vmul.f32 v6, v4  }
0x129: {  	v43 =	vld.idx.msk [tilespmem:v11+s30+$0x0], $0xffff;
	v5 =	vunpack.i.u.bf16.f32 v5;
	v6 =	vunpack.i.u.bf16.f32 v41  }
0x12a: {  	v4 =	vld.idx.msk [tilespmem:v11+s29+$0x0], $0xffff;
	v2 =	vadd.f32 v3, v2;
	v3 =	vmul.f32 v5, v6  }
0x12b: {  	v5 =	vunpack.i.l.bf16.f32 v7;
	v6 =	vunpack.i.l.bf16.f32 v9  }
0x12c: {  	v44 =	vor.u32 $0x6, v1;
	v2 =	vadd.f32 v2, v3;
	v3 =	vmul.f32 v6, v5  }
0x12d: {  	v45 =	vld.idx.msk [tilespmem:v42+s30+$0x0], $0xffff;
	v6 =	vunpack.i.u.bf16.f32 v7;
	v7 =	vunpack.i.u.bf16.f32 v9  }
0x12e: {  	v5 =	vld.idx.msk [tilespmem:v42+s29+$0x0], $0xffff;
	v2 =	vadd.f32 v3, v2;
	v3 =	vmul.f32 v7, v6  }
0x12f: {  	v6 =	vunpack.i.l.bf16.f32 v4;
	v7 =	vunpack.i.l.bf16.f32 v43  }
0x130: {  	v46 =	vor.u32 $0x7, v1;
	v2 =	vadd.f32 v2, v3;
	v3 =	vmul.f32 v7, v6  }
0x131: {  	v47 =	vld.idx.msk [tilespmem:v44+s30+$0x0], $0xffff;
	v4 =	vunpack.i.u.bf16.f32 v4;
	v7 =	vunpack.i.u.bf16.f32 v43  }
0x132: {  	v6 =	vld.idx.msk [tilespmem:v44+s29+$0x0], $0xffff;
	v2 =	vadd.f32 v3, v2;
	v3 =	vmul.f32 v7, v4  }
0x133: {  	v4 =	vunpack.i.l.bf16.f32 v5;
	v7 =	vunpack.i.l.bf16.f32 v45  }
0x134: {  	v48 =	vor.u32 $0x8, v1;
	v2 =	vadd.f32 v2, v3;
	v3 =	vmul.f32 v7, v4  }
0x135: {  	v49 =	vld.idx.msk [tilespmem:v46+s30+$0x0], $0xffff;
	v5 =	vunpack.i.u.bf16.f32 v5;
	v7 =	vunpack.i.u.bf16.f32 v45  }
0x136: {  	v4 =	vld.idx.msk [tilespmem:v46+s29+$0x0], $0xffff;
	v2 =	vadd.f32 v3, v2;
	v3 =	vmul.f32 v7, v5  }
0x137: {  	v5 =	vunpack.i.l.bf16.f32 v6;
	v7 =	vunpack.i.l.bf16.f32 v47  }
0x138: {  	v50 =	vor.u32 $0x9, v1;
	v2 =	vadd.f32 v2, v3;
	v3 =	vmul.f32 v7, v5  }
0x139: {  	v51 =	vld.idx.msk [tilespmem:v48+s30+$0x0], $0xffff;
	v6 =	vunpack.i.u.bf16.f32 v6;
	v7 =	vunpack.i.u.bf16.f32 v47  }
0x13a: {  	v5 =	vld.idx.msk [tilespmem:v48+s29+$0x0], $0xffff;
	v2 =	vadd.f32 v3, v2;
	v3 =	vmul.f32 v7, v6  }
0x13b: {  	v6 =	vunpack.i.l.bf16.f32 v4;
	v7 =	vunpack.i.l.bf16.f32 v49  }
0x13c: {  	v52 =	vor.u32 $0xA, v1;
	v2 =	vadd.f32 v2, v3;
	v3 =	vmul.f32 v7, v6  }
0x13d: {  	v53 =	vld.idx.msk [tilespmem:v50+s30+$0x0], $0xffff;
	v4 =	vunpack.i.u.bf16.f32 v4;
	v7 =	vunpack.i.u.bf16.f32 v49  }
0x13e: {  	v6 =	vld.idx.msk [tilespmem:v50+s29+$0x0], $0xffff;
	v2 =	vadd.f32 v3, v2;
	v3 =	vmul.f32 v7, v4  }
0x13f: {  	v4 =	vunpack.i.l.bf16.f32 v5;
	v7 =	vunpack.i.l.bf16.f32 v51  }
0x140: {  	v54 =	vor.u32 $0xB, v1;
	v2 =	vadd.f32 v2, v3;
	v3 =	vmul.f32 v7, v4  }
0x141: {  	v55 =	vld.idx.msk [tilespmem:v52+s30+$0x0], $0xffff;
	v5 =	vunpack.i.u.bf16.f32 v5;
	v7 =	vunpack.i.u.bf16.f32 v51  }
0x142: {  	v4 =	vld.idx.msk [tilespmem:v52+s29+$0x0], $0xffff;
	v2 =	vadd.f32 v3, v2;
	v3 =	vmul.f32 v7, v5  }
0x143: {  	v5 =	vunpack.i.l.bf16.f32 v6;
	v7 =	vunpack.i.l.bf16.f32 v53  }
0x144: {  	v56 =	vor.u32 $0xC, v1;
	v2 =	vadd.f32 v2, v3;
	v3 =	vmul.f32 v7, v5  }
0x145: {  	v57 =	vld.idx.msk [tilespmem:v54+s30+$0x0], $0xffff;
	v6 =	vunpack.i.u.bf16.f32 v6;
	v7 =	vunpack.i.u.bf16.f32 v53  }
0x146: {  	v5 =	vld.idx.msk [tilespmem:v54+s29+$0x0], $0xffff;
	v2 =	vadd.f32 v3, v2;
	v3 =	vmul.f32 v7, v6  }
0x147: {  	v6 =	vunpack.i.l.bf16.f32 v4;
	v7 =	vunpack.i.l.bf16.f32 v55  }
0x148: {  	v58 =	vor.u32 $0xD, v1;
	v2 =	vadd.f32 v2, v3;
	v3 =	vmul.f32 v7, v6  }
0x149: {  	v59 =	vld.idx.msk [tilespmem:v56+s30+$0x0], $0xffff;
	v4 =	vunpack.i.u.bf16.f32 v4;
	v7 =	vunpack.i.u.bf16.f32 v55  }
0x14a: {  	v6 =	vld.idx.msk [tilespmem:v56+s29+$0x0], $0xffff;
	v2 =	vadd.f32 v3, v2;
	v3 =	vmul.f32 v7, v4  }
0x14b: {  	v4 =	vunpack.i.l.bf16.f32 v5;
	v7 =	vunpack.i.l.bf16.f32 v57  }
0x14c: {  	v60 =	vor.u32 $0xE, v1;
	v2 =	vadd.f32 v2, v3;
	v3 =	vmul.f32 v7, v4  }
0x14d: {  	v61 =	vld.idx.msk [tilespmem:v58+s30+$0x0], $0xffff;
	v5 =	vunpack.i.u.bf16.f32 v5;
	v7 =	vunpack.i.u.bf16.f32 v57  }
0x14e: {  	v4 =	vld.idx.msk [tilespmem:v58+s29+$0x0], $0xffff;
	v2 =	vadd.f32 v3, v2;
	v3 =	vmul.f32 v7, v5  }
0x14f: {  	v5 =	vunpack.i.l.bf16.f32 v6;
	v7 =	vunpack.i.l.bf16.f32 v59  }
0x150: {  	v1 =	vor.u32 $0xF, v1;
	v2 =	vadd.f32 v2, v3;
	v3 =	vmul.f32 v7, v5  }
0x151: {  	v62 =	vld.idx.msk [tilespmem:v60+s30+$0x0], $0xffff;
	v6 =	vunpack.i.u.bf16.f32 v6;
	v7 =	vunpack.i.u.bf16.f32 v59  }
0x152: {  	v5 =	vld.idx.msk [tilespmem:v60+s29+$0x0], $0xffff;
	v2 =	vadd.f32 v3, v2;
	v3 =	vmul.f32 v7, v6  }
0x153: {  	v6 =	vunpack.i.l.bf16.f32 v4;
	v7 =	vunpack.i.l.bf16.f32 v61  }
0x154: {  	v2 =	vadd.f32 v2, v3;
	v3 =	vmul.f32 v7, v6  }
0x155: {  	v4 =	vunpack.i.u.bf16.f32 v4;
	v6 =	vld.idx.msk [tilespmem:v1+s29+$0x0], $0xffff;
	v7 =	vunpack.i.u.bf16.f32 v61  }
0x156: {  	v1 =	vld.idx.msk [tilespmem:v1+s30+$0x0], $0xffff;
	v2 =	vadd.f32 v3, v2;
	v3 =	vmul.f32 v7, v4  }
0x157: {  	v4 =	vunpack.i.l.bf16.f32 v5;
	v7 =	vunpack.i.l.bf16.f32 v62  }
0x158: {  	v2 =	vadd.f32 v2, v3;
	v3 =	vmul.f32 v7, v4  }
0x159: {  	v4 =	vunpack.i.u.bf16.f32 v5;
	v5 =	vunpack.i.u.bf16.f32 v62  }
0x15a: {  	v2 =	vadd.f32 v3, v2;
	v3 =	vmul.f32 v5, v4  }
0x15b: {  	v4 =	vunpack.i.l.bf16.f32 v6;
	v5 =	vunpack.i.l.bf16.f32 v1  }
0x15c: {  	v2 =	vadd.f32 v2, v3;
	v3 =	vmul.f32 v5, v4  }
0x15d: {  	v1 =	vunpack.i.u.bf16.f32 v1;
	v4 =	vunpack.i.u.bf16.f32 v6  }
0x15e: {  	v1 =	vmul.f32 v1, v4;
	v2 =	vadd.f32 v3, v2;
	_ =	sdelay $0x1  }
0x15f: {  	v1 =	vadd.f32 v2, v1  }
0x160: {  	s1 =	sadd.s32 $0x10, s21  }
0x161: {  	[tilespmem:s1+$0x0] =	vst v1;
	s1 =	simm.s32 @p0 $0x2  }
0x162: {  	_ =	swait.ge @p0 [sflag:s1], $0x1000  }
0x163: {  	[sflag:s1] =	ssyncset.done @p0 $0x0  }
0x164: {  	[sflag:s1] =	ssyncadd.s32 @p0 $0xFFFFF000;
	s1 =	simm.s32 @p0 $0x4  }
0x165: {  	_ =	swait.ge @p0 [sflag:s1], $0x1000  }
0x166: {  	[sflag:s1] =	ssyncset.done @p0 $0x0  }
0x167: {  	[sflag:s1] =	ssyncadd.s32 @p0 $0xFFFFF000;
	s1 =	simm.s32 @!p0 $0x5  }
0x168: {  	_ =	swait.ge @!p0 [sflag:s1], $0x100  }
0x169: {  	[sflag:s1] =	ssyncset.done @!p0 $0x0  }
0x16a: {  	[sflag:s1] =	ssyncadd.s32 @!p0 $0xFFFFFF00;
	s1 =	simm.s32 @!p0 $0x7  }
0x16b: {  	_ =	swait.ge @!p0 [sflag:s1], $0x100  }
0x16c: {  	s22 =	simm.s32 @!p0 $0x4000;
	[sflag:s1] =	ssyncset.done @!p0 $0x0  }
0x16d: {  	s21 =	simm.s32 @!p0 $0x8000;
	[sflag:s1] =	ssyncadd.s32 @!p0 $0xFFFFFF00;
	s1 =	simm.s32 @!p0 $0x100  }
0x16e: {  	[tilespmem:s22], [sflag:$0x1] =	stream.indirect.gather @!p0 [hbm4b:s7+s1], $0x10, s21, s1, $0xb8;
	[tilespmem:$0x8400] =	vst v63  }
0x16f: {  	s21 =	simm.s32 @!p0 $0x8200;
	s22 =	simm.s32 @!p0 $0x6000  }
0x170: {  	[tilespmem:s22], [sflag:$0x3] =	stream.indirect.gather @!p0 [hbm4b:s8+s1], $0x10, s21, s1, $0xb8;
	[tilespmem:$0x8400] =	vst v63  }
0x171: {  	s1 =	simm.s32 @!p0 $0x2  }
0x172: {  	_ =	swait.ge @!p0 [sflag:s1], $0x1000  }
0x173: {  	[sflag:s1] =	ssyncset.done @!p0 $0x0  }
0x174: {  	s22 =	simm.s32 $0x0;
	[sflag:s1] =	ssyncadd.s32 @!p0 $0xFFFFF000;
	s1 =	simm.s32 @!p0 $0x4  }
0x175: {  	v1 =	vmov s22;
	_ =	swait.ge @!p0 [sflag:s1], $0x1000  }
0x176: {  	s20 =	sadd.s32 @!p0 s20, s14;
	v1 =	vshll.u32 v1, $0x4;
	[sflag:s1] =	ssyncset.done @!p0 $0x0  }
0x177: {  	v1 =	vor.u32 v0, v1;
	[sflag:s1] =	ssyncadd.s32 @!p0 $0xFFFFF000;
	s1 =	sshrl.u32 @!p0 s20, $0x3  }
0x178: {  	s21 =	simm.s32 @!p0 $0x0;
	s22 =	simm.s32 @!p0 $0x8100;
	s20 =	sadd.s32 @!p0 s3, s1  }
0x179: {  	[tilespmem:s22], [sflag:$0x6] =	stream.linear.gather @!p0 [hbm4b:s20+s21], $0x100, $0x38;
	[tilespmem:$0x8400] =	vst v63  }
0x17a: {  	s1 =	sadd.s32 @!p0 s4, s1;
	s20 =	simm.s32 @!p0 $0x8300  }
0x17b: {  	v2 =	vor.u32 $0x1, v1;
	[tilespmem:s20], [sflag:$0x8] =	stream.linear.gather @!p0 [hbm4b:s1+s21], $0x100, $0x38;
	[tilespmem:$0x8400] =	vst v63  }
0x17c: {  	v3 =	vld.idx.msk [tilespmem:v1+s2+$0x0], $0xffff  }
0x17d: {  	v4 =	vld.idx.msk [tilespmem:v1+s9+$0x0], $0xffff;
	_ =	sdelay $0x1  }
0x17e: {  	v5 =	vor.u32 $0x2, v1  }
0x17f: {  	v6 =	vld.idx.msk [tilespmem:v2+s2+$0x0], $0xffff  }
0x180: {  	v2 =	vld.idx.msk [tilespmem:v2+s9+$0x0], $0xffff  }
0x181: {  	v7 =	vunpack.i.l.bf16.f32 v3;
	v63 =	vunpack.i.l.bf16.f32 v4  }
0x182: {  	v12 =	vor.u32 $0x3, v1;
	v7 =	vmul.f32 v63, v7  }
0x183: {  	v13 =	vld.idx.msk [tilespmem:v5+s2+$0x0], $0xffff;
	v3 =	vunpack.i.u.bf16.f32 v3;
	v4 =	vunpack.i.u.bf16.f32 v4  }
0x184: {  	v5 =	vld.idx.msk [tilespmem:v5+s9+$0x0], $0xffff;
	v3 =	vmul.f32 v4, v3;
	v7 =	vadd.f32 $0.0e+00, v7  }
0x185: {  	v14 =	vunpack.i.l.bf16.f32 v2;
	v4 =	vunpack.i.l.bf16.f32 v6  }
0x186: {  	v15 =	vor.u32 $0x4, v1;
	v4 =	vmul.f32 v14, v4;
	v3 =	vadd.f32 v7, v3  }
0x187: {  	v9 =	vld.idx.msk [tilespmem:v12+s9+$0x0], $0xffff;
	v2 =	vunpack.i.u.bf16.f32 v2;
	v6 =	vunpack.i.u.bf16.f32 v6  }
0x188: {  	v2 =	vmul.f32 v2, v6;
	v7 =	vld.idx.msk [tilespmem:v12+s2+$0x0], $0xffff;
	v3 =	vadd.f32 v4, v3  }
0x189: {  	v6 =	vunpack.i.l.bf16.f32 v5;
	v4 =	vunpack.i.l.bf16.f32 v13  }
0x18a: {  	v16 =	vor.u32 $0x5, v1;
	v2 =	vadd.f32 v3, v2;
	v3 =	vmul.f32 v6, v4  }
0x18b: {  	v17 =	vld.idx.msk [tilespmem:v15+s9+$0x0], $0xffff;
	v5 =	vunpack.i.u.bf16.f32 v5;
	v6 =	vunpack.i.u.bf16.f32 v13  }
0x18c: {  	v4 =	vld.idx.msk [tilespmem:v15+s2+$0x0], $0xffff;
	v2 =	vadd.f32 v3, v2;
	v3 =	vmul.f32 v5, v6  }
0x18d: {  	v5 =	vunpack.i.l.bf16.f32 v7;
	v6 =	vunpack.i.l.bf16.f32 v9  }
0x18e: {  	v18 =	vor.u32 $0x6, v1;
	v2 =	vadd.f32 v2, v3;
	v3 =	vmul.f32 v6, v5  }
0x18f: {  	v19 =	vld.idx.msk [tilespmem:v16+s9+$0x0], $0xffff;
	v6 =	vunpack.i.u.bf16.f32 v7;
	v7 =	vunpack.i.u.bf16.f32 v9  }
0x190: {  	v5 =	vld.idx.msk [tilespmem:v16+s2+$0x0], $0xffff;
	v2 =	vadd.f32 v3, v2;
	v3 =	vmul.f32 v7, v6  }
0x191: {  	v6 =	vunpack.i.l.bf16.f32 v4;
	v7 =	vunpack.i.l.bf16.f32 v17  }
0x192: {  	v20 =	vor.u32 $0x7, v1;
	v2 =	vadd.f32 v2, v3;
	v3 =	vmul.f32 v7, v6  }
0x193: {  	v21 =	vld.idx.msk [tilespmem:v18+s9+$0x0], $0xffff;
	v4 =	vunpack.i.u.bf16.f32 v4;
	v7 =	vunpack.i.u.bf16.f32 v17  }
0x194: {  	v6 =	vld.idx.msk [tilespmem:v18+s2+$0x0], $0xffff;
	v2 =	vadd.f32 v3, v2;
	v3 =	vmul.f32 v7, v4  }
0x195: {  	v4 =	vunpack.i.l.bf16.f32 v5;
	v7 =	vunpack.i.l.bf16.f32 v19  }
0x196: {  	v22 =	vor.u32 $0x8, v1;
	v2 =	vadd.f32 v2, v3;
	v3 =	vmul.f32 v7, v4  }
0x197: {  	v23 =	vld.idx.msk [tilespmem:v20+s9+$0x0], $0xffff;
	v5 =	vunpack.i.u.bf16.f32 v5;
	v7 =	vunpack.i.u.bf16.f32 v19  }
0x198: {  	v4 =	vld.idx.msk [tilespmem:v20+s2+$0x0], $0xffff;
	v2 =	vadd.f32 v3, v2;
	v3 =	vmul.f32 v7, v5  }
0x199: {  	v5 =	vunpack.i.l.bf16.f32 v6;
	v7 =	vunpack.i.l.bf16.f32 v21  }
0x19a: {  	v24 =	vor.u32 $0x9, v1;
	v2 =	vadd.f32 v2, v3;
	v3 =	vmul.f32 v7, v5  }
0x19b: {  	v25 =	vld.idx.msk [tilespmem:v22+s9+$0x0], $0xffff;
	v6 =	vunpack.i.u.bf16.f32 v6;
	v7 =	vunpack.i.u.bf16.f32 v21  }
0x19c: {  	v5 =	vld.idx.msk [tilespmem:v22+s2+$0x0], $0xffff;
	v2 =	vadd.f32 v3, v2;
	v3 =	vmul.f32 v7, v6  }
0x19d: {  	v6 =	vunpack.i.l.bf16.f32 v4;
	v7 =	vunpack.i.l.bf16.f32 v23  }
0x19e: {  	v26 =	vor.u32 $0xA, v1;
	v2 =	vadd.f32 v2, v3;
	v3 =	vmul.f32 v7, v6  }
0x19f: {  	v27 =	vld.idx.msk [tilespmem:v24+s9+$0x0], $0xffff;
	v4 =	vunpack.i.u.bf16.f32 v4;
	v7 =	vunpack.i.u.bf16.f32 v23  }
0x1a0: {  	v6 =	vld.idx.msk [tilespmem:v24+s2+$0x0], $0xffff;
	v2 =	vadd.f32 v3, v2;
	v3 =	vmul.f32 v7, v4  }
0x1a1: {  	v4 =	vunpack.i.l.bf16.f32 v5;
	v7 =	vunpack.i.l.bf16.f32 v25  }
0x1a2: {  	v28 =	vor.u32 $0xB, v1;
	v2 =	vadd.f32 v2, v3;
	v3 =	vmul.f32 v7, v4  }
0x1a3: {  	v29 =	vld.idx.msk [tilespmem:v26+s9+$0x0], $0xffff;
	v5 =	vunpack.i.u.bf16.f32 v5;
	v7 =	vunpack.i.u.bf16.f32 v25  }
0x1a4: {  	v4 =	vld.idx.msk [tilespmem:v26+s2+$0x0], $0xffff;
	v2 =	vadd.f32 v3, v2;
	v3 =	vmul.f32 v7, v5  }
0x1a5: {  	v5 =	vunpack.i.l.bf16.f32 v6;
	v7 =	vunpack.i.l.bf16.f32 v27  }
0x1a6: {  	v30 =	vor.u32 $0xC, v1;
	v2 =	vadd.f32 v2, v3;
	v3 =	vmul.f32 v7, v5  }
0x1a7: {  	v31 =	vld.idx.msk [tilespmem:v28+s9+$0x0], $0xffff;
	v6 =	vunpack.i.u.bf16.f32 v6;
	v7 =	vunpack.i.u.bf16.f32 v27  }
0x1a8: {  	v5 =	vld.idx.msk [tilespmem:v28+s2+$0x0], $0xffff;
	v2 =	vadd.f32 v3, v2;
	v3 =	vmul.f32 v7, v6  }
0x1a9: {  	v6 =	vunpack.i.l.bf16.f32 v4;
	v7 =	vunpack.i.l.bf16.f32 v29  }
0x1aa: {  	v32 =	vor.u32 $0xD, v1;
	v2 =	vadd.f32 v2, v3;
	v3 =	vmul.f32 v7, v6  }
0x1ab: {  	v33 =	vld.idx.msk [tilespmem:v30+s9+$0x0], $0xffff;
	v4 =	vunpack.i.u.bf16.f32 v4;
	v7 =	vunpack.i.u.bf16.f32 v29  }
0x1ac: {  	v6 =	vld.idx.msk [tilespmem:v30+s2+$0x0], $0xffff;
	v2 =	vadd.f32 v3, v2;
	v3 =	vmul.f32 v7, v4  }
0x1ad: {  	v4 =	vunpack.i.l.bf16.f32 v5;
	v7 =	vunpack.i.l.bf16.f32 v31  }
0x1ae: {  	v34 =	vor.u32 $0xE, v1;
	v2 =	vadd.f32 v2, v3;
	v3 =	vmul.f32 v7, v4  }
0x1af: {  	v35 =	vld.idx.msk [tilespmem:v32+s9+$0x0], $0xffff;
	v5 =	vunpack.i.u.bf16.f32 v5;
	v7 =	vunpack.i.u.bf16.f32 v31  }
0x1b0: {  	v4 =	vld.idx.msk [tilespmem:v32+s2+$0x0], $0xffff;
	v2 =	vadd.f32 v3, v2;
	v3 =	vmul.f32 v7, v5  }
0x1b1: {  	v5 =	vunpack.i.l.bf16.f32 v6;
	v7 =	vunpack.i.l.bf16.f32 v33  }
0x1b2: {  	v1 =	vor.u32 $0xF, v1;
	v2 =	vadd.f32 v2, v3;
	v3 =	vmul.f32 v7, v5  }
0x1b3: {  	v36 =	vld.idx.msk [tilespmem:v34+s9+$0x0], $0xffff;
	v6 =	vunpack.i.u.bf16.f32 v6;
	v7 =	vunpack.i.u.bf16.f32 v33  }
0x1b4: {  	v5 =	vld.idx.msk [tilespmem:v34+s2+$0x0], $0xffff;
	v2 =	vadd.f32 v3, v2;
	v3 =	vmul.f32 v7, v6  }
0x1b5: {  	v6 =	vunpack.i.l.bf16.f32 v4;
	v7 =	vunpack.i.l.bf16.f32 v35  }
0x1b6: {  	v2 =	vadd.f32 v2, v3;
	v3 =	vmul.f32 v7, v6  }
0x1b7: {  	v4 =	vunpack.i.u.bf16.f32 v4;
	v6 =	vld.idx.msk [tilespmem:v1+s2+$0x0], $0xffff;
	v7 =	vunpack.i.u.bf16.f32 v35  }
0x1b8: {  	v1 =	vld.idx.msk [tilespmem:v1+s9+$0x0], $0xffff;
	v2 =	vadd.f32 v3, v2;
	v3 =	vmul.f32 v7, v4  }
0x1b9: {  	v4 =	vunpack.i.l.bf16.f32 v5;
	v7 =	vunpack.i.l.bf16.f32 v36  }
0x1ba: {  	v2 =	vadd.f32 v2, v3;
	v3 =	vmul.f32 v7, v4  }
0x1bb: {  	v4 =	vunpack.i.u.bf16.f32 v5;
	v5 =	vunpack.i.u.bf16.f32 v36  }
0x1bc: {  	v2 =	vadd.f32 v3, v2;
	v3 =	vmul.f32 v5, v4  }
0x1bd: {  	s23 =	simm.s32 $0x10;
	v4 =	vunpack.i.l.bf16.f32 v6;
	v5 =	vunpack.i.l.bf16.f32 v1  }
0x1be: {  	v7 =	vmov s23;
	v2 =	vadd.f32 v2, v3;
	v3 =	vmul.f32 v5, v4  }
0x1bf: {  	v4 =	vshll.u32 v7, $0x4;
	v5 =	vunpack.i.u.bf16.f32 v6;
	v6 =	vunpack.i.u.bf16.f32 v1  }
0x1c0: {  	v1 =	vor.u32 v0, v4;
	v2 =	vadd.f32 v3, v2;
	v3 =	vmul.f32 v6, v5;
	_ =	sdelay $0x1  }
0x1c1: {  	v2 =	vadd.f32 v2, v3;
	_ =	sdelay $0x1  }
0x1c2: {  	v3 =	vor.u32 $0x1, v1;
	[tilespmem:s17+$0x0] =	vst v2  }
0x1c3: {  	v2 =	vld.idx.msk [tilespmem:v1+s2+$0x0], $0xffff  }
0x1c4: {  	v4 =	vld.idx.msk [tilespmem:v1+s9+$0x0], $0xffff;
	_ =	sdelay $0x1  }
0x1c5: {  	v5 =	vor.u32 $0x2, v1  }
0x1c6: {  	v6 =	vld.idx.msk [tilespmem:v3+s2+$0x0], $0xffff  }
0x1c7: {  	v3 =	vld.idx.msk [tilespmem:v3+s9+$0x0], $0xffff  }
0x1c8: {  	v7 =	vunpack.i.l.bf16.f32 v2;
	v37 =	vunpack.i.l.bf16.f32 v4  }
0x1c9: {  	v38 =	vor.u32 $0x3, v1;
	v7 =	vmul.f32 v37, v7  }
0x1ca: {  	v39 =	vld.idx.msk [tilespmem:v5+s2+$0x0], $0xffff;
	v2 =	vunpack.i.u.bf16.f32 v2;
	v4 =	vunpack.i.u.bf16.f32 v4  }
0x1cb: {  	v5 =	vld.idx.msk [tilespmem:v5+s9+$0x0], $0xffff;
	v2 =	vmul.f32 v4, v2;
	v7 =	vadd.f32 $0.0e+00, v7  }
0x1cc: {  	v4 =	vunpack.i.l.bf16.f32 v6;
	v40 =	vunpack.i.l.bf16.f32 v3  }
0x1cd: {  	v41 =	vor.u32 $0x4, v1;
	v4 =	vmul.f32 v40, v4;
	v2 =	vadd.f32 v7, v2  }
0x1ce: {  	v9 =	vld.idx.msk [tilespmem:v38+s9+$0x0], $0xffff;
	v6 =	vunpack.i.u.bf16.f32 v6;
	v3 =	vunpack.i.u.bf16.f32 v3  }
0x1cf: {  	v3 =	vmul.f32 v3, v6;
	v7 =	vld.idx.msk [tilespmem:v38+s2+$0x0], $0xffff;
	v2 =	vadd.f32 v4, v2  }
0x1d0: {  	v6 =	vunpack.i.l.bf16.f32 v5;
	v4 =	vunpack.i.l.bf16.f32 v39  }
0x1d1: {  	v42 =	vor.u32 $0x5, v1;
	v2 =	vadd.f32 v2, v3;
	v3 =	vmul.f32 v6, v4  }
0x1d2: {  	v43 =	vld.idx.msk [tilespmem:v41+s9+$0x0], $0xffff;
	v5 =	vunpack.i.u.bf16.f32 v5;
	v6 =	vunpack.i.u.bf16.f32 v39  }
0x1d3: {  	v4 =	vld.idx.msk [tilespmem:v41+s2+$0x0], $0xffff;
	v2 =	vadd.f32 v3, v2;
	v3 =	vmul.f32 v5, v6  }
0x1d4: {  	v5 =	vunpack.i.l.bf16.f32 v7;
	v6 =	vunpack.i.l.bf16.f32 v9  }
0x1d5: {  	v44 =	vor.u32 $0x6, v1;
	v2 =	vadd.f32 v2, v3;
	v3 =	vmul.f32 v6, v5  }
0x1d6: {  	v45 =	vld.idx.msk [tilespmem:v42+s9+$0x0], $0xffff;
	v6 =	vunpack.i.u.bf16.f32 v7;
	v7 =	vunpack.i.u.bf16.f32 v9  }
0x1d7: {  	v5 =	vld.idx.msk [tilespmem:v42+s2+$0x0], $0xffff;
	v2 =	vadd.f32 v3, v2;
	v3 =	vmul.f32 v7, v6  }
0x1d8: {  	v6 =	vunpack.i.l.bf16.f32 v4;
	v7 =	vunpack.i.l.bf16.f32 v43  }
0x1d9: {  	v46 =	vor.u32 $0x7, v1;
	v2 =	vadd.f32 v2, v3;
	v3 =	vmul.f32 v7, v6  }
0x1da: {  	v47 =	vld.idx.msk [tilespmem:v44+s9+$0x0], $0xffff;
	v4 =	vunpack.i.u.bf16.f32 v4;
	v7 =	vunpack.i.u.bf16.f32 v43  }
0x1db: {  	v6 =	vld.idx.msk [tilespmem:v44+s2+$0x0], $0xffff;
	v2 =	vadd.f32 v3, v2;
	v3 =	vmul.f32 v7, v4  }
0x1dc: {  	v4 =	vunpack.i.l.bf16.f32 v5;
	v7 =	vunpack.i.l.bf16.f32 v45  }
0x1dd: {  	v48 =	vor.u32 $0x8, v1;
	v2 =	vadd.f32 v2, v3;
	v3 =	vmul.f32 v7, v4  }
0x1de: {  	v49 =	vld.idx.msk [tilespmem:v46+s9+$0x0], $0xffff;
	v5 =	vunpack.i.u.bf16.f32 v5;
	v7 =	vunpack.i.u.bf16.f32 v45  }
0x1df: {  	v4 =	vld.idx.msk [tilespmem:v46+s2+$0x0], $0xffff;
	v2 =	vadd.f32 v3, v2;
	v3 =	vmul.f32 v7, v5  }
0x1e0: {  	v5 =	vunpack.i.l.bf16.f32 v6;
	v7 =	vunpack.i.l.bf16.f32 v47  }
0x1e1: {  	v50 =	vor.u32 $0x9, v1;
	v2 =	vadd.f32 v2, v3;
	v3 =	vmul.f32 v7, v5  }
0x1e2: {  	v51 =	vld.idx.msk [tilespmem:v48+s9+$0x0], $0xffff;
	v6 =	vunpack.i.u.bf16.f32 v6;
	v7 =	vunpack.i.u.bf16.f32 v47  }
0x1e3: {  	v5 =	vld.idx.msk [tilespmem:v48+s2+$0x0], $0xffff;
	v2 =	vadd.f32 v3, v2;
	v3 =	vmul.f32 v7, v6  }
0x1e4: {  	v6 =	vunpack.i.l.bf16.f32 v4;
	v7 =	vunpack.i.l.bf16.f32 v49  }
0x1e5: {  	v52 =	vor.u32 $0xA, v1;
	v2 =	vadd.f32 v2, v3;
	v3 =	vmul.f32 v7, v6  }
0x1e6: {  	v53 =	vld.idx.msk [tilespmem:v50+s9+$0x0], $0xffff;
	v4 =	vunpack.i.u.bf16.f32 v4;
	v7 =	vunpack.i.u.bf16.f32 v49  }
0x1e7: {  	v6 =	vld.idx.msk [tilespmem:v50+s2+$0x0], $0xffff;
	v2 =	vadd.f32 v3, v2;
	v3 =	vmul.f32 v7, v4  }
0x1e8: {  	v4 =	vunpack.i.l.bf16.f32 v5;
	v7 =	vunpack.i.l.bf16.f32 v51  }
0x1e9: {  	v54 =	vor.u32 $0xB, v1;
	v2 =	vadd.f32 v2, v3;
	v3 =	vmul.f32 v7, v4  }
0x1ea: {  	v55 =	vld.idx.msk [tilespmem:v52+s9+$0x0], $0xffff;
	v5 =	vunpack.i.u.bf16.f32 v5;
	v7 =	vunpack.i.u.bf16.f32 v51  }
0x1eb: {  	v4 =	vld.idx.msk [tilespmem:v52+s2+$0x0], $0xffff;
	v2 =	vadd.f32 v3, v2;
	v3 =	vmul.f32 v7, v5  }
0x1ec: {  	v5 =	vunpack.i.l.bf16.f32 v6;
	v7 =	vunpack.i.l.bf16.f32 v53  }
0x1ed: {  	v56 =	vor.u32 $0xC, v1;
	v2 =	vadd.f32 v2, v3;
	v3 =	vmul.f32 v7, v5  }
0x1ee: {  	v57 =	vld.idx.msk [tilespmem:v54+s9+$0x0], $0xffff;
	v6 =	vunpack.i.u.bf16.f32 v6;
	v7 =	vunpack.i.u.bf16.f32 v53  }
0x1ef: {  	v5 =	vld.idx.msk [tilespmem:v54+s2+$0x0], $0xffff;
	v2 =	vadd.f32 v3, v2;
	v3 =	vmul.f32 v7, v6  }
0x1f0: {  	v6 =	vunpack.i.l.bf16.f32 v4;
	v7 =	vunpack.i.l.bf16.f32 v55  }
0x1f1: {  	v58 =	vor.u32 $0xD, v1;
	v2 =	vadd.f32 v2, v3;
	v3 =	vmul.f32 v7, v6  }
0x1f2: {  	v59 =	vld.idx.msk [tilespmem:v56+s9+$0x0], $0xffff;
	v4 =	vunpack.i.u.bf16.f32 v4;
	v7 =	vunpack.i.u.bf16.f32 v55  }
0x1f3: {  	v6 =	vld.idx.msk [tilespmem:v56+s2+$0x0], $0xffff;
	v2 =	vadd.f32 v3, v2;
	v3 =	vmul.f32 v7, v4  }
0x1f4: {  	v4 =	vunpack.i.l.bf16.f32 v5;
	v7 =	vunpack.i.l.bf16.f32 v57  }
0x1f5: {  	v60 =	vor.u32 $0xE, v1;
	v2 =	vadd.f32 v2, v3;
	v3 =	vmul.f32 v7, v4  }
0x1f6: {  	v61 =	vld.idx.msk [tilespmem:v58+s9+$0x0], $0xffff;
	v5 =	vunpack.i.u.bf16.f32 v5;
	v7 =	vunpack.i.u.bf16.f32 v57  }
0x1f7: {  	v4 =	vld.idx.msk [tilespmem:v58+s2+$0x0], $0xffff;
	v2 =	vadd.f32 v3, v2;
	v3 =	vmul.f32 v7, v5  }
0x1f8: {  	v5 =	vunpack.i.l.bf16.f32 v6;
	v7 =	vunpack.i.l.bf16.f32 v59  }
0x1f9: {  	v1 =	vor.u32 $0xF, v1;
	v2 =	vadd.f32 v2, v3;
	v3 =	vmul.f32 v7, v5  }
0x1fa: {  	v62 =	vld.idx.msk [tilespmem:v60+s9+$0x0], $0xffff;
	v6 =	vunpack.i.u.bf16.f32 v6;
	v7 =	vunpack.i.u.bf16.f32 v59  }
0x1fb: {  	v5 =	vld.idx.msk [tilespmem:v60+s2+$0x0], $0xffff;
	v2 =	vadd.f32 v3, v2;
	v3 =	vmul.f32 v7, v6  }
0x1fc: {  	v6 =	vunpack.i.l.bf16.f32 v4;
	v7 =	vunpack.i.l.bf16.f32 v61  }
0x1fd: {  	v2 =	vadd.f32 v2, v3;
	v3 =	vmul.f32 v7, v6  }
0x1fe: {  	v63 =	vld.idx.msk [tilespmem:v1+s9+$0x0], $0xffff;
	v4 =	vunpack.i.u.bf16.f32 v4;
	v7 =	vunpack.i.u.bf16.f32 v61  }
0x1ff: {  	v6 =	vld.idx.msk [tilespmem:v1+s2+$0x0], $0xffff;
	v1 =	vadd.f32 v3, v2;
	v2 =	vmul.f32 v7, v4  }
0x200: {  	v3 =	vunpack.i.l.bf16.f32 v5;
	v4 =	vunpack.i.l.bf16.f32 v62  }
0x201: {  	v1 =	vadd.f32 v1, v2;
	v2 =	vmul.f32 v4, v3  }
0x202: {  	v3 =	vunpack.i.u.bf16.f32 v5;
	v4 =	vunpack.i.u.bf16.f32 v62  }
0x203: {  	v1 =	vadd.f32 v2, v1;
	v2 =	vmul.f32 v4, v3  }
0x204: {  	s26 =	simm.s32 $0x20;
	v3 =	vunpack.i.l.bf16.f32 v6;
	v4 =	vunpack.i.l.bf16.f32 v63  }
0x205: {  	v5 =	vmov s26;
	v3 =	vmul.f32 v4, v3;
	v2 =	vadd.f32 v1, v2  }
0x206: {  	s21 =	simm.s32 $0x30;
	s20 =	smov.u32 s17;
	v4 =	vunpack.i.u.bf16.f32 v6;
	v1 =	vshll.u32 v5, $0x4;
	v5 =	vunpack.i.u.bf16.f32 v63  }
.LBB2_5:
0x207: {  	p1 =	sne.s32 s21, $0xF0;
	v1 =	vor.u32 v0, v1;
	v2 =	vadd.f32 v3, v2;
	v3 =	vmul.f32 v5, v4;
	_ =	sdelay $0x1  }
0x208: {  	v2 =	vadd.f32 v2, v3  }
0x209: {  	s20 =	sadd.s32 $0x10, s20  }
0x20a: {  	v3 =	vor.u32 $0x1, v1;
	[tilespmem:s20+$0x0] =	vst v2  }
0x20b: {  	v2 =	vld.idx.msk [tilespmem:v1+s2+$0x0], $0xffff  }
0x20c: {  	v4 =	vld.idx.msk [tilespmem:v1+s9+$0x0], $0xffff;
	_ =	sdelay $0x1  }
0x20d: {  	v5 =	vor.u32 $0x2, v1  }
0x20e: {  	v6 =	vld.idx.msk [tilespmem:v3+s2+$0x0], $0xffff  }
0x20f: {  	v3 =	vld.idx.msk [tilespmem:v3+s9+$0x0], $0xffff;
	_ =	sdelay $0x1  }
0x210: {  	v9 =	vor.u32 $0x3, v1;
	v7 =	vunpack.i.l.bf16.f32 v2;
	v8 =	vunpack.i.l.bf16.f32 v4  }
0x211: {  	v7 =	vmul.f32 v8, v7;
	v8 =	vld.idx.msk [tilespmem:v5+s2+$0x0], $0xffff  }
0x212: {  	v2 =	vunpack.i.u.bf16.f32 v2;
	v4 =	vunpack.i.u.bf16.f32 v4;
	v5 =	vld.idx.msk [tilespmem:v5+s9+$0x0], $0xffff  }
0x213: {  	v2 =	vmul.f32 v4, v2;
	v7 =	vadd.f32 $0.0e+00, v7  }
0x214: {  	v11 =	vor.u32 $0x4, v1;
	v4 =	vunpack.i.l.bf16.f32 v6;
	v10 =	vunpack.i.l.bf16.f32 v3  }
0x215: {  	v2 =	vadd.f32 v7, v2;
	v4 =	vmul.f32 v10, v4;
	v7 =	vld.idx.msk [tilespmem:v9+s2+$0x0], $0xffff  }
0x216: {  	v6 =	vunpack.i.u.bf16.f32 v6;
	v3 =	vunpack.i.u.bf16.f32 v3;
	v9 =	vld.idx.msk [tilespmem:v9+s9+$0x0], $0xffff  }
0x217: {  	v3 =	vmul.f32 v3, v6;
	v2 =	vadd.f32 v4, v2  }
0x218: {  	v10 =	vor.u32 $0x5, v1;
	v4 =	vunpack.i.l.bf16.f32 v8;
	v6 =	vunpack.i.l.bf16.f32 v5  }
0x219: {  	v2 =	vadd.f32 v2, v3;
	v3 =	vmul.f32 v6, v4;
	v4 =	vld.idx.msk [tilespmem:v11+s2+$0x0], $0xffff  }
0x21a: {  	v5 =	vunpack.i.u.bf16.f32 v5;
	v6 =	vunpack.i.u.bf16.f32 v8;
	v8 =	vld.idx.msk [tilespmem:v11+s9+$0x0], $0xffff  }
0x21b: {  	v2 =	vadd.f32 v3, v2;
	v3 =	vmul.f32 v5, v6  }
0x21c: {  	v5 =	vunpack.i.l.bf16.f32 v7;
	v11 =	vor.u32 $0x6, v1;
	v6 =	vunpack.i.l.bf16.f32 v9  }
0x21d: {  	v2 =	vadd.f32 v2, v3;
	v3 =	vmul.f32 v6, v5;
	v5 =	vld.idx.msk [tilespmem:v10+s2+$0x0], $0xffff  }
0x21e: {  	v6 =	vunpack.i.u.bf16.f32 v7;
	v7 =	vunpack.i.u.bf16.f32 v9;
	v9 =	vld.idx.msk [tilespmem:v10+s9+$0x0], $0xffff  }
0x21f: {  	v2 =	vadd.f32 v3, v2;
	v3 =	vmul.f32 v7, v6  }
0x220: {  	v6 =	vunpack.i.l.bf16.f32 v4;
	v10 =	vor.u32 $0x7, v1;
	v7 =	vunpack.i.l.bf16.f32 v8  }
0x221: {  	v2 =	vadd.f32 v2, v3;
	v3 =	vmul.f32 v7, v6;
	v6 =	vld.idx.msk [tilespmem:v11+s2+$0x0], $0xffff  }
0x222: {  	v4 =	vunpack.i.u.bf16.f32 v4;
	v7 =	vunpack.i.u.bf16.f32 v8;
	v8 =	vld.idx.msk [tilespmem:v11+s9+$0x0], $0xffff  }
0x223: {  	v2 =	vadd.f32 v3, v2;
	v3 =	vmul.f32 v7, v4  }
0x224: {  	v4 =	vunpack.i.l.bf16.f32 v5;
	v11 =	vor.u32 $0x8, v1;
	v7 =	vunpack.i.l.bf16.f32 v9  }
0x225: {  	v2 =	vadd.f32 v2, v3;
	v3 =	vmul.f32 v7, v4;
	v4 =	vld.idx.msk [tilespmem:v10+s2+$0x0], $0xffff  }
0x226: {  	v5 =	vunpack.i.u.bf16.f32 v5;
	v7 =	vunpack.i.u.bf16.f32 v9;
	v9 =	vld.idx.msk [tilespmem:v10+s9+$0x0], $0xffff  }
0x227: {  	v2 =	vadd.f32 v3, v2;
	v3 =	vmul.f32 v7, v5  }
0x228: {  	v5 =	vunpack.i.l.bf16.f32 v6;
	v10 =	vor.u32 $0x9, v1;
	v7 =	vunpack.i.l.bf16.f32 v8  }
0x229: {  	v2 =	vadd.f32 v2, v3;
	v3 =	vmul.f32 v7, v5;
	v5 =	vld.idx.msk [tilespmem:v11+s2+$0x0], $0xffff  }
0x22a: {  	v6 =	vunpack.i.u.bf16.f32 v6;
	v7 =	vunpack.i.u.bf16.f32 v8;
	v8 =	vld.idx.msk [tilespmem:v11+s9+$0x0], $0xffff  }
0x22b: {  	v2 =	vadd.f32 v3, v2;
	v3 =	vmul.f32 v7, v6  }
0x22c: {  	v6 =	vunpack.i.l.bf16.f32 v4;
	v11 =	vor.u32 $0xA, v1;
	v7 =	vunpack.i.l.bf16.f32 v9  }
0x22d: {  	v2 =	vadd.f32 v2, v3;
	v3 =	vmul.f32 v7, v6;
	v6 =	vld.idx.msk [tilespmem:v10+s2+$0x0], $0xffff  }
0x22e: {  	v4 =	vunpack.i.u.bf16.f32 v4;
	v7 =	vunpack.i.u.bf16.f32 v9;
	v9 =	vld.idx.msk [tilespmem:v10+s9+$0x0], $0xffff  }
0x22f: {  	v2 =	vadd.f32 v3, v2;
	v3 =	vmul.f32 v7, v4  }
0x230: {  	v4 =	vunpack.i.l.bf16.f32 v5;
	v10 =	vor.u32 $0xB, v1;
	v7 =	vunpack.i.l.bf16.f32 v8  }
0x231: {  	v2 =	vadd.f32 v2, v3;
	v3 =	vmul.f32 v7, v4;
	v4 =	vld.idx.msk [tilespmem:v11+s2+$0x0], $0xffff  }
0x232: {  	v5 =	vunpack.i.u.bf16.f32 v5;
	v7 =	vunpack.i.u.bf16.f32 v8;
	v8 =	vld.idx.msk [tilespmem:v11+s9+$0x0], $0xffff  }
0x233: {  	v2 =	vadd.f32 v3, v2;
	v3 =	vmul.f32 v7, v5  }
0x234: {  	v5 =	vunpack.i.l.bf16.f32 v6;
	v11 =	vor.u32 $0xC, v1;
	v7 =	vunpack.i.l.bf16.f32 v9  }
0x235: {  	v2 =	vadd.f32 v2, v3;
	v3 =	vmul.f32 v7, v5;
	v5 =	vld.idx.msk [tilespmem:v10+s2+$0x0], $0xffff  }
0x236: {  	v6 =	vunpack.i.u.bf16.f32 v6;
	v7 =	vunpack.i.u.bf16.f32 v9;
	v9 =	vld.idx.msk [tilespmem:v10+s9+$0x0], $0xffff  }
0x237: {  	v2 =	vadd.f32 v3, v2;
	v3 =	vmul.f32 v7, v6  }
0x238: {  	v6 =	vunpack.i.l.bf16.f32 v4;
	v10 =	vor.u32 $0xD, v1;
	v7 =	vunpack.i.l.bf16.f32 v8  }
0x239: {  	v2 =	vadd.f32 v2, v3;
	v3 =	vmul.f32 v7, v6;
	v6 =	vld.idx.msk [tilespmem:v11+s2+$0x0], $0xffff  }
0x23a: {  	v4 =	vunpack.i.u.bf16.f32 v4;
	v7 =	vunpack.i.u.bf16.f32 v8;
	v8 =	vld.idx.msk [tilespmem:v11+s9+$0x0], $0xffff  }
0x23b: {  	v2 =	vadd.f32 v3, v2;
	v3 =	vmul.f32 v7, v4  }
0x23c: {  	v4 =	vunpack.i.l.bf16.f32 v5;
	v11 =	vor.u32 $0xE, v1;
	v7 =	vunpack.i.l.bf16.f32 v9  }
0x23d: {  	v2 =	vadd.f32 v2, v3;
	v3 =	vmul.f32 v7, v4;
	v4 =	vld.idx.msk [tilespmem:v10+s2+$0x0], $0xffff  }
0x23e: {  	v5 =	vunpack.i.u.bf16.f32 v5;
	v7 =	vunpack.i.u.bf16.f32 v9;
	v9 =	vld.idx.msk [tilespmem:v10+s9+$0x0], $0xffff  }
0x23f: {  	v2 =	vadd.f32 v3, v2;
	v3 =	vmul.f32 v7, v5  }
0x240: {  	v1 =	vor.u32 $0xF, v1;
	v5 =	vunpack.i.l.bf16.f32 v6;
	v7 =	vunpack.i.l.bf16.f32 v8  }
0x241: {  	v2 =	vadd.f32 v2, v3;
	v3 =	vmul.f32 v7, v5;
	v5 =	vld.idx.msk [tilespmem:v11+s2+$0x0], $0xffff  }
0x242: {  	v6 =	vunpack.i.u.bf16.f32 v6;
	v7 =	vunpack.i.u.bf16.f32 v8;
	v8 =	vld.idx.msk [tilespmem:v11+s9+$0x0], $0xffff  }
0x243: {  	v2 =	vadd.f32 v3, v2;
	v3 =	vmul.f32 v7, v6  }
0x244: {  	v6 =	vunpack.i.l.bf16.f32 v4;
	v7 =	vunpack.i.l.bf16.f32 v9  }
0x245: {  	v2 =	vadd.f32 v2, v3;
	v3 =	vmul.f32 v7, v6;
	v6 =	vld.idx.msk [tilespmem:v1+s2+$0x0], $0xffff  }
0x246: {  	v4 =	vunpack.i.u.bf16.f32 v4;
	v7 =	vunpack.i.u.bf16.f32 v9;
	v9 =	vld.idx.msk [tilespmem:v1+s9+$0x0], $0xffff  }
0x247: {  	v1 =	vadd.f32 v3, v2;
	v2 =	vmul.f32 v7, v4  }
0x248: {  	v3 =	vunpack.i.l.bf16.f32 v5;
	v4 =	vunpack.i.l.bf16.f32 v8  }
0x249: {  	v1 =	vadd.f32 v1, v2;
	v2 =	vmul.f32 v4, v3  }
.Ltmp3:
0x24a: {  	v3 =	vunpack.i.u.bf16.f32 v5;
	v4 =	vunpack.i.u.bf16.f32 v8;
	(pc) =	sbr.rel @p1 .LBB2_5-.Ltmp3, $4  }
0x24b: {  	v1 =	vadd.f32 v2, v1;
	v2 =	vmul.f32 v4, v3  }
0x24c: {  	v3 =	vunpack.i.l.bf16.f32 v6;
	v4 =	vunpack.i.l.bf16.f32 v9  }
0x24d: {  	v5 =	vmov s21;
	v2 =	vadd.f32 v1, v2;
	v3 =	vmul.f32 v4, v3  }
0x24e: {  	s21 =	sadd.s32 $0x10, s21;
	v1 =	vshll.u32 v5, $0x4;
	v4 =	vunpack.i.u.bf16.f32 v6;
	v5 =	vunpack.i.u.bf16.f32 v9  }
0x24f: {  	v1 =	vor.u32 v0, v1;
	v2 =	vadd.f32 v3, v2;
	v3 =	vmul.f32 v5, v4;
	_ =	sdelay $0x1  }
0x250: {  	v2 =	vadd.f32 v2, v3  }
0x251: {  	s20 =	sadd.s32 $0x10, s20  }
0x252: {  	v3 =	vor.u32 $0x1, v1;
	[tilespmem:s20+$0x0] =	vst v2  }
0x253: {  	v2 =	vld.idx.msk [tilespmem:v1+s2+$0x0], $0xffff  }
0x254: {  	v34 =	vld.idx.msk [tilespmem:v1+s9+$0x0], $0xffff;
	_ =	sdelay $0x1  }
0x255: {  	v35 =	vor.u32 $0x2, v1  }
0x256: {  	v6 =	vld.idx.msk [tilespmem:v3+s2+$0x0], $0xffff  }
0x257: {  	v3 =	vld.idx.msk [tilespmem:v3+s9+$0x0], $0xffff  }
0x258: {  	v7 =	vunpack.i.l.bf16.f32 v2;
	v8 =	vunpack.i.l.bf16.f32 v34  }
0x259: {  	v9 =	vor.u32 $0x3, v1;
	v7 =	vmul.f32 v8, v7  }
0x25a: {  	v36 =	vld.idx.msk [tilespmem:v35+s2+$0x0], $0xffff;
	v2 =	vunpack.i.u.bf16.f32 v2;
	v4 =	vunpack.i.u.bf16.f32 v34  }
0x25b: {  	v5 =	vld.idx.msk [tilespmem:v35+s9+$0x0], $0xffff;
	v2 =	vmul.f32 v4, v2;
	v7 =	vadd.f32 $0.0e+00, v7  }
0x25c: {  	v37 =	vunpack.i.l.bf16.f32 v6;
	v10 =	vunpack.i.l.bf16.f32 v3  }
0x25d: {  	v11 =	vor.u32 $0x4, v1;
	v4 =	vmul.f32 v10, v37;
	v2 =	vadd.f32 v7, v2  }
0x25e: {  	v38 =	vld.idx.msk [tilespmem:v9+s2+$0x0], $0xffff;
	v6 =	vunpack.i.u.bf16.f32 v6;
	v3 =	vunpack.i.u.bf16.f32 v3  }
0x25f: {  	v9 =	vld.idx.msk [tilespmem:v9+s9+$0x0], $0xffff;
	v3 =	vmul.f32 v3, v6;
	v2 =	vadd.f32 v4, v2  }
0x260: {  	v39 =	vunpack.i.l.bf16.f32 v36;
	v40 =	vunpack.i.l.bf16.f32 v5  }
0x261: {  	v41 =	vor.u32 $0x5, v1;
	v2 =	vadd.f32 v2, v3;
	v3 =	vmul.f32 v40, v39  }
0x262: {  	v42 =	vld.idx.msk [tilespmem:v11+s2+$0x0], $0xffff;
	v43 =	vunpack.i.u.bf16.f32 v36;
	v5 =	vunpack.i.u.bf16.f32 v5  }
0x263: {  	v44 =	vld.idx.msk [tilespmem:v11+s9+$0x0], $0xffff;
	v2 =	vadd.f32 v3, v2;
	v3 =	vmul.f32 v5, v43  }
0x264: {  	v45 =	vunpack.i.l.bf16.f32 v38;
	v46 =	vunpack.i.l.bf16.f32 v9  }
0x265: {  	v47 =	vor.u32 $0x6, v1;
	v2 =	vadd.f32 v2, v3;
	v3 =	vmul.f32 v46, v45  }
0x266: {  	v48 =	vld.idx.msk [tilespmem:v41+s2+$0x0], $0xffff;
	v49 =	vunpack.i.u.bf16.f32 v38;
	v50 =	vunpack.i.u.bf16.f32 v9  }
0x267: {  	v51 =	vld.idx.msk [tilespmem:v41+s9+$0x0], $0xffff;
	v2 =	vadd.f32 v3, v2;
	v3 =	vmul.f32 v50, v49  }
0x268: {  	v52 =	vunpack.i.l.bf16.f32 v42;
	v53 =	vunpack.i.l.bf16.f32 v44  }
0x269: {  	v54 =	vor.u32 $0x7, v1;
	v2 =	vadd.f32 v2, v3;
	v3 =	vmul.f32 v53, v52  }
0x26a: {  	v55 =	vld.idx.msk [tilespmem:v47+s2+$0x0], $0xffff;
	v56 =	vunpack.i.u.bf16.f32 v44;
	v4 =	vunpack.i.u.bf16.f32 v42  }
0x26b: {  	v57 =	vld.idx.msk [tilespmem:v47+s9+$0x0], $0xffff;
	v2 =	vadd.f32 v3, v2;
	v3 =	vmul.f32 v56, v4  }
0x26c: {  	v58 =	vunpack.i.l.bf16.f32 v48;
	v59 =	vunpack.i.l.bf16.f32 v51  }
0x26d: {  	v60 =	vor.u32 $0x8, v1;
	v2 =	vadd.f32 v2, v3;
	v3 =	vmul.f32 v59, v58  }
0x26e: {  	v61 =	vld.idx.msk [tilespmem:v54+s2+$0x0], $0xffff;
	v62 =	vunpack.i.u.bf16.f32 v51;
	v5 =	vunpack.i.u.bf16.f32 v48  }
0x26f: {  	v63 =	vld.idx.msk [tilespmem:v54+s9+$0x0], $0xffff;
	v2 =	vadd.f32 v3, v2;
	v3 =	vmul.f32 v62, v5  }
0x270: {  	v12 =	vunpack.i.l.bf16.f32 v55;
	v13 =	vunpack.i.l.bf16.f32 v57  }
0x271: {  	v14 =	vor.u32 $0x9, v1;
	v2 =	vadd.f32 v2, v3;
	v3 =	vmul.f32 v13, v12  }
0x272: {  	v15 =	vld.idx.msk [tilespmem:v60+s2+$0x0], $0xffff;
	v16 =	vunpack.i.u.bf16.f32 v57;
	v6 =	vunpack.i.u.bf16.f32 v55  }
0x273: {  	v17 =	vld.idx.msk [tilespmem:v60+s9+$0x0], $0xffff;
	v2 =	vadd.f32 v3, v2;
	v3 =	vmul.f32 v16, v6  }
0x274: {  	v18 =	vunpack.i.l.bf16.f32 v61;
	v19 =	vunpack.i.l.bf16.f32 v63  }
0x275: {  	v20 =	vor.u32 $0xA, v1;
	v2 =	vadd.f32 v2, v3;
	v3 =	vmul.f32 v19, v18  }
0x276: {  	v21 =	vld.idx.msk [tilespmem:v14+s2+$0x0], $0xffff;
	v22 =	vunpack.i.u.bf16.f32 v63;
	v4 =	vunpack.i.u.bf16.f32 v61  }
0x277: {  	v23 =	vld.idx.msk [tilespmem:v14+s9+$0x0], $0xffff;
	v2 =	vadd.f32 v3, v2;
	v3 =	vmul.f32 v22, v4  }
0x278: {  	v24 =	vunpack.i.l.bf16.f32 v15;
	v25 =	vunpack.i.l.bf16.f32 v17  }
0x279: {  	v26 =	vor.u32 $0xB, v1;
	v2 =	vadd.f32 v2, v3;
	v3 =	vmul.f32 v25, v24  }
0x27a: {  	v27 =	vld.idx.msk [tilespmem:v20+s2+$0x0], $0xffff;
	v28 =	vunpack.i.u.bf16.f32 v17;
	v5 =	vunpack.i.u.bf16.f32 v15  }
0x27b: {  	v29 =	vld.idx.msk [tilespmem:v20+s9+$0x0], $0xffff;
	v2 =	vadd.f32 v3, v2;
	v3 =	vmul.f32 v28, v5  }
0x27c: {  	v30 =	vunpack.i.l.bf16.f32 v21;
	v31 =	vunpack.i.l.bf16.f32 v23  }
0x27d: {  	v32 =	vor.u32 $0xC, v1;
	v2 =	vadd.f32 v2, v3;
	v3 =	vmul.f32 v31, v30  }
0x27e: {  	v33 =	vld.idx.msk [tilespmem:v26+s2+$0x0], $0xffff;
	v34 =	vunpack.i.u.bf16.f32 v23;
	v6 =	vunpack.i.u.bf16.f32 v21  }
0x27f: {  	v35 =	vld.idx.msk [tilespmem:v26+s9+$0x0], $0xffff;
	v2 =	vadd.f32 v3, v2;
	v3 =	vmul.f32 v34, v6  }
0x280: {  	v36 =	vunpack.i.l.bf16.f32 v27;
	v37 =	vunpack.i.l.bf16.f32 v29  }
0x281: {  	v38 =	vor.u32 $0xD, v1;
	v2 =	vadd.f32 v2, v3;
	v3 =	vmul.f32 v37, v36  }
0x282: {  	v41 =	vld.idx.msk [tilespmem:v32+s9+$0x0], $0xffff;
	v40 =	vunpack.i.u.bf16.f32 v29;
	v4 =	vunpack.i.u.bf16.f32 v27  }
0x283: {  	v39 =	vld.idx.msk [tilespmem:v32+s2+$0x0], $0xffff;
	v2 =	vadd.f32 v3, v2;
	v3 =	vmul.f32 v40, v4  }
0x284: {  	v42 =	vunpack.i.l.bf16.f32 v33;
	v43 =	vunpack.i.l.bf16.f32 v35  }
0x285: {  	v44 =	vor.u32 $0xE, v1;
	v2 =	vadd.f32 v2, v3;
	v3 =	vmul.f32 v43, v42  }
0x286: {  	v47 =	vld.idx.msk [tilespmem:v38+s9+$0x0], $0xffff;
	v46 =	vunpack.i.u.bf16.f32 v35;
	v5 =	vunpack.i.u.bf16.f32 v33  }
0x287: {  	v45 =	vld.idx.msk [tilespmem:v38+s2+$0x0], $0xffff;
	v2 =	vadd.f32 v3, v2;
	v3 =	vmul.f32 v46, v5  }
0x288: {  	v48 =	vunpack.i.l.bf16.f32 v39;
	v49 =	vunpack.i.l.bf16.f32 v41  }
0x289: {  	v1 =	vor.u32 $0xF, v1;
	v2 =	vadd.f32 v2, v3;
	v3 =	vmul.f32 v49, v48  }
0x28a: {  	v51 =	vunpack.i.u.bf16.f32 v41;
	v50 =	vld.idx.msk [tilespmem:v44+s2+$0x0], $0xffff;
	v6 =	vunpack.i.u.bf16.f32 v39  }
0x28b: {  	v52 =	vld.idx.msk [tilespmem:v44+s9+$0x0], $0xffff;
	v2 =	vadd.f32 v3, v2;
	v3 =	vmul.f32 v51, v6  }
0x28c: {  	v54 =	vunpack.i.l.bf16.f32 v47;
	v53 =	vunpack.i.l.bf16.f32 v45  }
0x28d: {  	v2 =	vadd.f32 v2, v3;
	v3 =	vmul.f32 v54, v53  }
0x28e: {  	v55 =	vld.idx.msk [tilespmem:v1+s2+$0x0], $0xffff;
	v56 =	vunpack.i.u.bf16.f32 v47;
	v4 =	vunpack.i.u.bf16.f32 v45  }
0x28f: {  	v1 =	vld.idx.msk [tilespmem:v1+s9+$0x0], $0xffff;
	v2 =	vadd.f32 v3, v2;
	v3 =	vmul.f32 v56, v4  }
0x290: {  	v57 =	vunpack.i.l.bf16.f32 v50;
	v58 =	vunpack.i.l.bf16.f32 v52  }
0x291: {  	v2 =	vadd.f32 v2, v3;
	v3 =	vmul.f32 v58, v57  }
0x292: {  	v59 =	vunpack.i.u.bf16.f32 v50;
	v60 =	vunpack.i.u.bf16.f32 v52  }
0x293: {  	v2 =	vadd.f32 v3, v2;
	v3 =	vmul.f32 v60, v59  }
0x294: {  	v61 =	vunpack.i.l.bf16.f32 v55;
	v62 =	vunpack.i.l.bf16.f32 v1  }
0x295: {  	v2 =	vadd.f32 v2, v3;
	v3 =	vmul.f32 v62, v61  }
0x296: {  	v63 =	vunpack.i.u.bf16.f32 v55;
	v1 =	vunpack.i.u.bf16.f32 v1  }
.Ltmp4:
0x297: {  	v1 =	vmul.f32 v1, v63;
	v2 =	vadd.f32 v3, v2;
	(pc) =	sbr.rel @p0 .LBB2_8-.Ltmp4, $4  }
0x298: {  	_ = 	snop  }
0x299: {  	v1 =	vadd.f32 v2, v1  }
0x29a: {  	s1 =	sadd.s32 $0x10, s20  }
0x29b: {  	[tilespmem:s1+$0x0] =	vst v1  }
0x29c: {  	_ =	swait.ge [sflag:s31], $0x100  }
0x29d: {  	[sflag:s31] =	ssyncset.done $0x0  }
0x29e: {  	[sflag:s31] =	ssyncadd.s32 $0xFFFFFF00  }
0x29f: {  	_ =	swait.ge [sflag:s0], $0x100  }
.Ltmp5:
0x2a0: {  	[sflag:s0] =	ssyncset.done $0x0;
	(pc) =	sbr.rel .LBB2_2-.Ltmp5, $4  }
0x2a1: {  	[sflag:s0] =	ssyncadd.s32 $0xFFFFFF00  }
0x2a2: {  	[tilespmem:s2], [sflag:$0x2] =	stream.indirect.gather [hbm4b:s7+s15], $0x10, s24, s15, $0xb8;
	[tilespmem:$0x8400] =	vst v63  }
0x2a3: {  	s19 =	sadd.s32 $0x1, s19;
	s18 =	sadd.s32 $0x200, s18;
	s17 =	sadd.s32 $0x200, s17  }
0x2a4: {  	[tilespmem:s9], [sflag:$0x4] =	stream.indirect.gather [hbm4b:s8+s15], $0x10, s25, s15, $0xb8;
	[tilespmem:$0x8400] =	vst v63  }
.LBB2_8:
0x2a5: {  	s17 =	simm.s32 $0x0;
	s1 =	rddreg [dreg:$0x8]  }
0x2a6: {  	[hbm4b:s1+s17] =	stream.linear.scatter [tilespmem:s17], [sflag:$0x9], $0x4000, $0x38;
	[tilespmem:$0x8400] =	vst v63  }
0x2a7: {  	_ =	swait.ge [sflag:s12], $0x4000  }
0x2a8: {  	[sflag:s12] =	ssyncset.done $0x0  }
0x2a9: {  	s19 =	simm.s32 $0x8000;
	s20 =	rddreg [dreg:$0x9];
	[sflag:s12] =	ssyncadd.s32 $0xFFFFC000  }
0x2aa: {  	[tilespmem:s19], [sflag:$0x5] =	stream.linear.gather [hbm4b:s20+s17], $0x100, $0x38;
	[tilespmem:$0x8400] =	vst v63  }
0x2ab: {  	s21 =	rddreg [dreg:$0xa];
	s20 =	simm.s32 $0x8200  }
0x2ac: {  	[tilespmem:s20], [sflag:$0x7] =	stream.linear.gather [hbm4b:s21+s17], $0x100, $0x38;
	[tilespmem:$0x8400] =	vst v63  }
0x2ad: {  	s22 =	rddreg [dreg:$0xb]  }
0x2ae: {  	[tilespmem:s24], [sflag:$0x6] =	stream.linear.gather [hbm4b:s22+s17], $0x100, $0x38;
	[tilespmem:$0x8400] =	vst v63  }
0x2af: {  	s26 =	simm.s32 $0x5;
	s23 =	rddreg [dreg:$0xc]  }
0x2b0: {  	[tilespmem:s25], [sflag:$0x8] =	stream.linear.gather [hbm4b:s23+s17], $0x100, $0x38;
	[tilespmem:$0x8400] =	vst v63  }
0x2b1: {  	_ =	swait.ge [sflag:s26], $0x100  }
0x2b2: {  	[sflag:s26] =	ssyncset.done $0x0  }
0x2b3: {  	[sflag:s26] =	ssyncadd.s32 $0xFFFFFF00  }
0x2b4: {  	_ =	swait.ge [sflag:s28], $0x100  }
0x2b5: {  	[sflag:s28] =	ssyncset.done $0x0  }
0x2b6: {  	s18 =	simm.s32 $0x100;
	[sflag:s28] =	ssyncadd.s32 $0xFFFFFF00  }
0x2b7: {  	[tilespmem:s29], [sflag:$0x1] =	stream.indirect.gather [hbm4b:s7+s18], $0x10, s19, s18, $0xb8;
	[tilespmem:$0x8400] =	vst v63  }
0x2b8: {  	_ = 	snop  }
0x2b9: {  	[tilespmem:s30], [sflag:$0x3] =	stream.indirect.gather [hbm4b:s8+s18], $0x10, s20, s18, $0xb8;
	[tilespmem:$0x8400] =	vst v63  }
0x2ba: {  	_ =	swait.ge [sflag:s31], $0x100  }
0x2bb: {  	[sflag:s31] =	ssyncset.done $0x0  }
0x2bc: {  	[sflag:s31] =	ssyncadd.s32 $0xFFFFFF00  }
0x2bd: {  	_ =	swait.ge [sflag:s0], $0x100  }
0x2be: {  	[sflag:s0] =	ssyncset.done $0x0  }
0x2bf: {  	[sflag:s0] =	ssyncadd.s32 $0xFFFFFF00  }
0x2c0: {  	[tilespmem:s2], [sflag:$0x2] =	stream.indirect.gather [hbm4b:s7+s18], $0x10, s24, s18, $0xb8;
	[tilespmem:$0x8400] =	vst v63  }
0x2c1: {  	s22 =	simm.s32 $0x0;
	s20 =	simm.s32 $0x0  }
0x2c2: {  	[tilespmem:s9], [sflag:$0x4] =	stream.indirect.gather [hbm4b:s8+s18], $0x10, s25, s18, $0xb8;
	[tilespmem:$0x8400] =	vst v63  }
.LBB2_9:
0x2c3: {  	_ =	swait.ge [sflag:s10], $0x1000  }
0x2c4: {  	[sflag:s10] =	ssyncset.done $0x0  }
0x2c5: {  	s21 =	sshll.u32 s20, $0x9;
	p0 =	seq.s32 s20, $0x1F;
	v1 =	vmov s17;
	[sflag:s10] =	ssyncadd.s32 $0xFFFFF000  }
0x2c6: {  	s1 =	sadd.s32 @!p0 s21, s13;
	v1 =	vshll.u32 v1, $0x4;
	_ =	swait.ge [sflag:s11], $0x1000  }
0x2c7: {  	s23 =	simm.s32 @!p0 $0x0;
	s1 =	sshrl.u32 @!p0 s1, $0x3;
	v1 =	vor.u32 v0, v1;
	[sflag:s11] =	ssyncset.done $0x0  }
0x2c8: {  	s26 =	simm.s32 @!p0 $0x8000;
	s19 =	sadd.s32 @!p0 s5, s1;
	[sflag:s11] =	ssyncadd.s32 $0xFFFFF000  }
0x2c9: {  	[tilespmem:s26], [sflag:$0x5] =	stream.linear.gather @!p0 [hbm4b:s19+s23], $0x100, $0x38;
	[tilespmem:$0x8400] =	vst v63  }
0x2ca: {  	s1 =	sadd.s32 @!p0 s6, s1;
	s19 =	simm.s32 @!p0 $0x8200  }
0x2cb: {  	v2 =	vor.u32 $0x1, v1;
	[tilespmem:s19], [sflag:$0x7] =	stream.linear.gather @!p0 [hbm4b:s1+s23], $0x100, $0x38;
	[tilespmem:$0x8400] =	vst v63  }
0x2cc: {  	v3 =	vld.idx.msk [tilespmem:v1+s29+$0x0], $0xffff  }
0x2cd: {  	v4 =	vld.idx.msk [tilespmem:v1+s30+$0x0], $0xffff;
	_ =	sdelay $0x1  }
0x2ce: {  	v5 =	vor.u32 $0x2, v1  }
0x2cf: {  	v6 =	vld.idx.msk [tilespmem:v2+s29+$0x0], $0xffff  }
0x2d0: {  	v2 =	vld.idx.msk [tilespmem:v2+s30+$0x0], $0xffff  }
0x2d1: {  	v7 =	vunpack.i.l.bf16.f32 v3;
	v8 =	vunpack.i.l.bf16.f32 v4  }
0x2d2: {  	v9 =	vor.u32 $0x3, v1;
	v7 =	vmul.f32 v8, v7  }
0x2d3: {  	v15 =	vld.idx.msk [tilespmem:v5+s29+$0x0], $0xffff;
	v3 =	vunpack.i.u.bf16.f32 v3;
	v4 =	vunpack.i.u.bf16.f32 v4  }
0x2d4: {  	v5 =	vld.idx.msk [tilespmem:v5+s30+$0x0], $0xffff;
	v3 =	vmul.f32 v4, v3;
	v7 =	vadd.f32 $0.0e+00, v7  }
0x2d5: {  	v10 =	vunpack.i.l.bf16.f32 v2;
	v4 =	vunpack.i.l.bf16.f32 v6  }
0x2d6: {  	v11 =	vor.u32 $0x4, v1;
	v4 =	vmul.f32 v10, v4;
	v3 =	vadd.f32 v7, v3  }
0x2d7: {  	v2 =	vunpack.i.u.bf16.f32 v2;
	v6 =	vunpack.i.u.bf16.f32 v6;
	v7 =	vld.idx.msk [tilespmem:v9+s29+$0x0], $0xffff  }
0x2d8: {  	v2 =	vmul.f32 v2, v6;
	v9 =	vld.idx.msk [tilespmem:v9+s30+$0x0], $0xffff;
	v3 =	vadd.f32 v4, v3  }
0x2d9: {  	v6 =	vunpack.i.l.bf16.f32 v5;
	v4 =	vunpack.i.l.bf16.f32 v15  }
0x2da: {  	v16 =	vor.u32 $0x5, v1;
	v2 =	vadd.f32 v3, v2;
	v3 =	vmul.f32 v6, v4  }
0x2db: {  	v17 =	vld.idx.msk [tilespmem:v11+s30+$0x0], $0xffff;
	v5 =	vunpack.i.u.bf16.f32 v5;
	v6 =	vunpack.i.u.bf16.f32 v15  }
0x2dc: {  	v4 =	vld.idx.msk [tilespmem:v11+s29+$0x0], $0xffff;
	v2 =	vadd.f32 v3, v2;
	v3 =	vmul.f32 v5, v6  }
0x2dd: {  	v5 =	vunpack.i.l.bf16.f32 v7;
	v6 =	vunpack.i.l.bf16.f32 v9  }
0x2de: {  	v18 =	vor.u32 $0x6, v1;
	v2 =	vadd.f32 v2, v3;
	v3 =	vmul.f32 v6, v5  }
0x2df: {  	v19 =	vld.idx.msk [tilespmem:v16+s30+$0x0], $0xffff;
	v6 =	vunpack.i.u.bf16.f32 v7;
	v7 =	vunpack.i.u.bf16.f32 v9  }
0x2e0: {  	v5 =	vld.idx.msk [tilespmem:v16+s29+$0x0], $0xffff;
	v2 =	vadd.f32 v3, v2;
	v3 =	vmul.f32 v7, v6  }
0x2e1: {  	v6 =	vunpack.i.l.bf16.f32 v4;
	v7 =	vunpack.i.l.bf16.f32 v17  }
0x2e2: {  	v20 =	vor.u32 $0x7, v1;
	v2 =	vadd.f32 v2, v3;
	v3 =	vmul.f32 v7, v6  }
0x2e3: {  	v21 =	vld.idx.msk [tilespmem:v18+s30+$0x0], $0xffff;
	v4 =	vunpack.i.u.bf16.f32 v4;
	v7 =	vunpack.i.u.bf16.f32 v17  }
0x2e4: {  	v6 =	vld.idx.msk [tilespmem:v18+s29+$0x0], $0xffff;
	v2 =	vadd.f32 v3, v2;
	v3 =	vmul.f32 v7, v4  }
0x2e5: {  	v4 =	vunpack.i.l.bf16.f32 v5;
	v7 =	vunpack.i.l.bf16.f32 v19  }
0x2e6: {  	v22 =	vor.u32 $0x8, v1;
	v2 =	vadd.f32 v2, v3;
	v3 =	vmul.f32 v7, v4  }
0x2e7: {  	v23 =	vld.idx.msk [tilespmem:v20+s30+$0x0], $0xffff;
	v5 =	vunpack.i.u.bf16.f32 v5;
	v7 =	vunpack.i.u.bf16.f32 v19  }
0x2e8: {  	v4 =	vld.idx.msk [tilespmem:v20+s29+$0x0], $0xffff;
	v2 =	vadd.f32 v3, v2;
	v3 =	vmul.f32 v7, v5  }
0x2e9: {  	v5 =	vunpack.i.l.bf16.f32 v6;
	v7 =	vunpack.i.l.bf16.f32 v21  }
0x2ea: {  	v24 =	vor.u32 $0x9, v1;
	v2 =	vadd.f32 v2, v3;
	v3 =	vmul.f32 v7, v5  }
0x2eb: {  	v25 =	vld.idx.msk [tilespmem:v22+s30+$0x0], $0xffff;
	v6 =	vunpack.i.u.bf16.f32 v6;
	v7 =	vunpack.i.u.bf16.f32 v21  }
0x2ec: {  	v5 =	vld.idx.msk [tilespmem:v22+s29+$0x0], $0xffff;
	v2 =	vadd.f32 v3, v2;
	v3 =	vmul.f32 v7, v6  }
0x2ed: {  	v6 =	vunpack.i.l.bf16.f32 v4;
	v7 =	vunpack.i.l.bf16.f32 v23  }
0x2ee: {  	v26 =	vor.u32 $0xA, v1;
	v2 =	vadd.f32 v2, v3;
	v3 =	vmul.f32 v7, v6  }
0x2ef: {  	v27 =	vld.idx.msk [tilespmem:v24+s30+$0x0], $0xffff;
	v4 =	vunpack.i.u.bf16.f32 v4;
	v7 =	vunpack.i.u.bf16.f32 v23  }
0x2f0: {  	v6 =	vld.idx.msk [tilespmem:v24+s29+$0x0], $0xffff;
	v2 =	vadd.f32 v3, v2;
	v3 =	vmul.f32 v7, v4  }
0x2f1: {  	v4 =	vunpack.i.l.bf16.f32 v5;
	v7 =	vunpack.i.l.bf16.f32 v25  }
0x2f2: {  	v28 =	vor.u32 $0xB, v1;
	v2 =	vadd.f32 v2, v3;
	v3 =	vmul.f32 v7, v4  }
0x2f3: {  	v29 =	vld.idx.msk [tilespmem:v26+s30+$0x0], $0xffff;
	v5 =	vunpack.i.u.bf16.f32 v5;
	v7 =	vunpack.i.u.bf16.f32 v25  }
0x2f4: {  	v4 =	vld.idx.msk [tilespmem:v26+s29+$0x0], $0xffff;
	v2 =	vadd.f32 v3, v2;
	v3 =	vmul.f32 v7, v5  }
0x2f5: {  	v5 =	vunpack.i.l.bf16.f32 v6;
	v7 =	vunpack.i.l.bf16.f32 v27  }
0x2f6: {  	v30 =	vor.u32 $0xC, v1;
	v2 =	vadd.f32 v2, v3;
	v3 =	vmul.f32 v7, v5  }
0x2f7: {  	v31 =	vld.idx.msk [tilespmem:v28+s30+$0x0], $0xffff;
	v6 =	vunpack.i.u.bf16.f32 v6;
	v7 =	vunpack.i.u.bf16.f32 v27  }
0x2f8: {  	v5 =	vld.idx.msk [tilespmem:v28+s29+$0x0], $0xffff;
	v2 =	vadd.f32 v3, v2;
	v3 =	vmul.f32 v7, v6  }
0x2f9: {  	v6 =	vunpack.i.l.bf16.f32 v4;
	v7 =	vunpack.i.l.bf16.f32 v29  }
0x2fa: {  	v32 =	vor.u32 $0xD, v1;
	v2 =	vadd.f32 v2, v3;
	v3 =	vmul.f32 v7, v6  }
0x2fb: {  	v33 =	vld.idx.msk [tilespmem:v30+s30+$0x0], $0xffff;
	v4 =	vunpack.i.u.bf16.f32 v4;
	v7 =	vunpack.i.u.bf16.f32 v29  }
0x2fc: {  	v6 =	vld.idx.msk [tilespmem:v30+s29+$0x0], $0xffff;
	v2 =	vadd.f32 v3, v2;
	v3 =	vmul.f32 v7, v4  }
0x2fd: {  	v4 =	vunpack.i.l.bf16.f32 v5;
	v7 =	vunpack.i.l.bf16.f32 v31  }
0x2fe: {  	v34 =	vor.u32 $0xE, v1;
	v2 =	vadd.f32 v2, v3;
	v3 =	vmul.f32 v7, v4  }
0x2ff: {  	v35 =	vld.idx.msk [tilespmem:v32+s30+$0x0], $0xffff;
	v5 =	vunpack.i.u.bf16.f32 v5;
	v7 =	vunpack.i.u.bf16.f32 v31  }
0x300: {  	v4 =	vld.idx.msk [tilespmem:v32+s29+$0x0], $0xffff;
	v2 =	vadd.f32 v3, v2;
	v3 =	vmul.f32 v7, v5  }
0x301: {  	v5 =	vunpack.i.l.bf16.f32 v6;
	v7 =	vunpack.i.l.bf16.f32 v33  }
0x302: {  	v1 =	vor.u32 $0xF, v1;
	v2 =	vadd.f32 v2, v3;
	v3 =	vmul.f32 v7, v5  }
0x303: {  	v36 =	vld.idx.msk [tilespmem:v34+s30+$0x0], $0xffff;
	v6 =	vunpack.i.u.bf16.f32 v6;
	v7 =	vunpack.i.u.bf16.f32 v33  }
0x304: {  	v5 =	vld.idx.msk [tilespmem:v34+s29+$0x0], $0xffff;
	v2 =	vadd.f32 v3, v2;
	v3 =	vmul.f32 v7, v6  }
0x305: {  	v6 =	vunpack.i.l.bf16.f32 v4;
	v7 =	vunpack.i.l.bf16.f32 v35  }
0x306: {  	v2 =	vadd.f32 v2, v3;
	v3 =	vmul.f32 v7, v6  }
0x307: {  	v4 =	vunpack.i.u.bf16.f32 v4;
	v6 =	vld.idx.msk [tilespmem:v1+s29+$0x0], $0xffff;
	v7 =	vunpack.i.u.bf16.f32 v35  }
0x308: {  	v1 =	vld.idx.msk [tilespmem:v1+s30+$0x0], $0xffff;
	v2 =	vadd.f32 v3, v2;
	v3 =	vmul.f32 v7, v4  }
0x309: {  	v4 =	vunpack.i.l.bf16.f32 v5;
	v7 =	vunpack.i.l.bf16.f32 v36  }
0x30a: {  	v2 =	vadd.f32 v2, v3;
	v3 =	vmul.f32 v7, v4  }
0x30b: {  	v4 =	vunpack.i.u.bf16.f32 v5;
	v5 =	vunpack.i.u.bf16.f32 v36  }
0x30c: {  	v2 =	vadd.f32 v3, v2;
	v3 =	vmul.f32 v5, v4  }
0x30d: {  	s23 =	simm.s32 $0x10;
	v4 =	vunpack.i.l.bf16.f32 v6;
	v5 =	vunpack.i.l.bf16.f32 v1  }
0x30e: {  	v7 =	vmov s23;
	v2 =	vadd.f32 v2, v3;
	v3 =	vmul.f32 v5, v4  }
0x30f: {  	v4 =	vshll.u32 v7, $0x4;
	v5 =	vunpack.i.u.bf16.f32 v6;
	v6 =	vunpack.i.u.bf16.f32 v1  }
0x310: {  	v1 =	vor.u32 v0, v4;
	v2 =	vadd.f32 v3, v2;
	v3 =	vmul.f32 v6, v5;
	_ =	sdelay $0x1  }
0x311: {  	v2 =	vadd.f32 v2, v3;
	_ =	sdelay $0x1  }
0x312: {  	v3 =	vor.u32 $0x1, v1;
	[tilespmem:s22+$0x0] =	vst v2  }
0x313: {  	v2 =	vld.idx.msk [tilespmem:v1+s29+$0x0], $0xffff  }
0x314: {  	v4 =	vld.idx.msk [tilespmem:v1+s30+$0x0], $0xffff;
	_ =	sdelay $0x1  }
0x315: {  	v5 =	vor.u32 $0x2, v1  }
0x316: {  	v6 =	vld.idx.msk [tilespmem:v3+s29+$0x0], $0xffff  }
0x317: {  	v3 =	vld.idx.msk [tilespmem:v3+s30+$0x0], $0xffff  }
0x318: {  	v7 =	vunpack.i.l.bf16.f32 v2;
	v37 =	vunpack.i.l.bf16.f32 v4  }
0x319: {  	v38 =	vor.u32 $0x3, v1;
	v7 =	vmul.f32 v37, v7  }
0x31a: {  	v39 =	vld.idx.msk [tilespmem:v5+s29+$0x0], $0xffff;
	v2 =	vunpack.i.u.bf16.f32 v2;
	v4 =	vunpack.i.u.bf16.f32 v4  }
0x31b: {  	v5 =	vld.idx.msk [tilespmem:v5+s30+$0x0], $0xffff;
	v2 =	vmul.f32 v4, v2;
	v7 =	vadd.f32 $0.0e+00, v7  }
0x31c: {  	v4 =	vunpack.i.l.bf16.f32 v6;
	v40 =	vunpack.i.l.bf16.f32 v3  }
0x31d: {  	v41 =	vor.u32 $0x4, v1;
	v4 =	vmul.f32 v40, v4;
	v2 =	vadd.f32 v7, v2  }
0x31e: {  	v9 =	vld.idx.msk [tilespmem:v38+s30+$0x0], $0xffff;
	v6 =	vunpack.i.u.bf16.f32 v6;
	v3 =	vunpack.i.u.bf16.f32 v3  }
0x31f: {  	v3 =	vmul.f32 v3, v6;
	v7 =	vld.idx.msk [tilespmem:v38+s29+$0x0], $0xffff;
	v2 =	vadd.f32 v4, v2  }
0x320: {  	v6 =	vunpack.i.l.bf16.f32 v5;
	v4 =	vunpack.i.l.bf16.f32 v39  }
0x321: {  	v42 =	vor.u32 $0x5, v1;
	v2 =	vadd.f32 v2, v3;
	v3 =	vmul.f32 v6, v4  }
0x322: {  	v43 =	vld.idx.msk [tilespmem:v41+s30+$0x0], $0xffff;
	v5 =	vunpack.i.u.bf16.f32 v5;
	v6 =	vunpack.i.u.bf16.f32 v39  }
0x323: {  	v4 =	vld.idx.msk [tilespmem:v41+s29+$0x0], $0xffff;
	v2 =	vadd.f32 v3, v2;
	v3 =	vmul.f32 v5, v6  }
0x324: {  	v5 =	vunpack.i.l.bf16.f32 v7;
	v6 =	vunpack.i.l.bf16.f32 v9  }
0x325: {  	v44 =	vor.u32 $0x6, v1;
	v2 =	vadd.f32 v2, v3;
	v3 =	vmul.f32 v6, v5  }
0x326: {  	v45 =	vld.idx.msk [tilespmem:v42+s30+$0x0], $0xffff;
	v6 =	vunpack.i.u.bf16.f32 v7;
	v7 =	vunpack.i.u.bf16.f32 v9  }
0x327: {  	v5 =	vld.idx.msk [tilespmem:v42+s29+$0x0], $0xffff;
	v2 =	vadd.f32 v3, v2;
	v3 =	vmul.f32 v7, v6  }
0x328: {  	v6 =	vunpack.i.l.bf16.f32 v4;
	v7 =	vunpack.i.l.bf16.f32 v43  }
0x329: {  	v46 =	vor.u32 $0x7, v1;
	v2 =	vadd.f32 v2, v3;
	v3 =	vmul.f32 v7, v6  }
0x32a: {  	v47 =	vld.idx.msk [tilespmem:v44+s30+$0x0], $0xffff;
	v4 =	vunpack.i.u.bf16.f32 v4;
	v7 =	vunpack.i.u.bf16.f32 v43  }
0x32b: {  	v6 =	vld.idx.msk [tilespmem:v44+s29+$0x0], $0xffff;
	v2 =	vadd.f32 v3, v2;
	v3 =	vmul.f32 v7, v4  }
0x32c: {  	v4 =	vunpack.i.l.bf16.f32 v5;
	v7 =	vunpack.i.l.bf16.f32 v45  }
0x32d: {  	v48 =	vor.u32 $0x8, v1;
	v2 =	vadd.f32 v2, v3;
	v3 =	vmul.f32 v7, v4  }
0x32e: {  	v49 =	vld.idx.msk [tilespmem:v46+s30+$0x0], $0xffff;
	v5 =	vunpack.i.u.bf16.f32 v5;
	v7 =	vunpack.i.u.bf16.f32 v45  }
0x32f: {  	v4 =	vld.idx.msk [tilespmem:v46+s29+$0x0], $0xffff;
	v2 =	vadd.f32 v3, v2;
	v3 =	vmul.f32 v7, v5  }
0x330: {  	v5 =	vunpack.i.l.bf16.f32 v6;
	v7 =	vunpack.i.l.bf16.f32 v47  }
0x331: {  	v50 =	vor.u32 $0x9, v1;
	v2 =	vadd.f32 v2, v3;
	v3 =	vmul.f32 v7, v5  }
0x332: {  	v51 =	vld.idx.msk [tilespmem:v48+s30+$0x0], $0xffff;
	v6 =	vunpack.i.u.bf16.f32 v6;
	v7 =	vunpack.i.u.bf16.f32 v47  }
0x333: {  	v5 =	vld.idx.msk [tilespmem:v48+s29+$0x0], $0xffff;
	v2 =	vadd.f32 v3, v2;
	v3 =	vmul.f32 v7, v6  }
0x334: {  	v6 =	vunpack.i.l.bf16.f32 v4;
	v7 =	vunpack.i.l.bf16.f32 v49  }
0x335: {  	v52 =	vor.u32 $0xA, v1;
	v2 =	vadd.f32 v2, v3;
	v3 =	vmul.f32 v7, v6  }
0x336: {  	v53 =	vld.idx.msk [tilespmem:v50+s30+$0x0], $0xffff;
	v4 =	vunpack.i.u.bf16.f32 v4;
	v7 =	vunpack.i.u.bf16.f32 v49  }
0x337: {  	v6 =	vld.idx.msk [tilespmem:v50+s29+$0x0], $0xffff;
	v2 =	vadd.f32 v3, v2;
	v3 =	vmul.f32 v7, v4  }
0x338: {  	v4 =	vunpack.i.l.bf16.f32 v5;
	v7 =	vunpack.i.l.bf16.f32 v51  }
0x339: {  	v54 =	vor.u32 $0xB, v1;
	v2 =	vadd.f32 v2, v3;
	v3 =	vmul.f32 v7, v4  }
0x33a: {  	v55 =	vld.idx.msk [tilespmem:v52+s30+$0x0], $0xffff;
	v5 =	vunpack.i.u.bf16.f32 v5;
	v7 =	vunpack.i.u.bf16.f32 v51  }
0x33b: {  	v4 =	vld.idx.msk [tilespmem:v52+s29+$0x0], $0xffff;
	v2 =	vadd.f32 v3, v2;
	v3 =	vmul.f32 v7, v5  }
0x33c: {  	v5 =	vunpack.i.l.bf16.f32 v6;
	v7 =	vunpack.i.l.bf16.f32 v53  }
0x33d: {  	v56 =	vor.u32 $0xC, v1;
	v2 =	vadd.f32 v2, v3;
	v3 =	vmul.f32 v7, v5  }
0x33e: {  	v57 =	vld.idx.msk [tilespmem:v54+s30+$0x0], $0xffff;
	v6 =	vunpack.i.u.bf16.f32 v6;
	v7 =	vunpack.i.u.bf16.f32 v53  }
0x33f: {  	v5 =	vld.idx.msk [tilespmem:v54+s29+$0x0], $0xffff;
	v2 =	vadd.f32 v3, v2;
	v3 =	vmul.f32 v7, v6  }
0x340: {  	v6 =	vunpack.i.l.bf16.f32 v4;
	v7 =	vunpack.i.l.bf16.f32 v55  }
0x341: {  	v58 =	vor.u32 $0xD, v1;
	v2 =	vadd.f32 v2, v3;
	v3 =	vmul.f32 v7, v6  }
0x342: {  	v59 =	vld.idx.msk [tilespmem:v56+s30+$0x0], $0xffff;
	v4 =	vunpack.i.u.bf16.f32 v4;
	v7 =	vunpack.i.u.bf16.f32 v55  }
0x343: {  	v6 =	vld.idx.msk [tilespmem:v56+s29+$0x0], $0xffff;
	v2 =	vadd.f32 v3, v2;
	v3 =	vmul.f32 v7, v4  }
0x344: {  	v4 =	vunpack.i.l.bf16.f32 v5;
	v7 =	vunpack.i.l.bf16.f32 v57  }
0x345: {  	v60 =	vor.u32 $0xE, v1;
	v2 =	vadd.f32 v2, v3;
	v3 =	vmul.f32 v7, v4  }
0x346: {  	v61 =	vld.idx.msk [tilespmem:v58+s30+$0x0], $0xffff;
	v5 =	vunpack.i.u.bf16.f32 v5;
	v7 =	vunpack.i.u.bf16.f32 v57  }
0x347: {  	v4 =	vld.idx.msk [tilespmem:v58+s29+$0x0], $0xffff;
	v2 =	vadd.f32 v3, v2;
	v3 =	vmul.f32 v7, v5  }
0x348: {  	v5 =	vunpack.i.l.bf16.f32 v6;
	v7 =	vunpack.i.l.bf16.f32 v59  }
0x349: {  	v1 =	vor.u32 $0xF, v1;
	v2 =	vadd.f32 v2, v3;
	v3 =	vmul.f32 v7, v5  }
0x34a: {  	v62 =	vld.idx.msk [tilespmem:v60+s30+$0x0], $0xffff;
	v6 =	vunpack.i.u.bf16.f32 v6;
	v7 =	vunpack.i.u.bf16.f32 v59  }
0x34b: {  	v5 =	vld.idx.msk [tilespmem:v60+s29+$0x0], $0xffff;
	v2 =	vadd.f32 v3, v2;
	v3 =	vmul.f32 v7, v6  }
0x34c: {  	v6 =	vunpack.i.l.bf16.f32 v4;
	v7 =	vunpack.i.l.bf16.f32 v61  }
0x34d: {  	v2 =	vadd.f32 v2, v3;
	v3 =	vmul.f32 v7, v6  }
0x34e: {  	v63 =	vld.idx.msk [tilespmem:v1+s30+$0x0], $0xffff;
	v4 =	vunpack.i.u.bf16.f32 v4;
	v7 =	vunpack.i.u.bf16.f32 v61  }
0x34f: {  	v6 =	vld.idx.msk [tilespmem:v1+s29+$0x0], $0xffff;
	v1 =	vadd.f32 v3, v2;
	v2 =	vmul.f32 v7, v4  }
0x350: {  	v3 =	vunpack.i.l.bf16.f32 v5;
	v4 =	vunpack.i.l.bf16.f32 v62  }
0x351: {  	v1 =	vadd.f32 v1, v2;
	v2 =	vmul.f32 v4, v3  }
0x352: {  	v3 =	vunpack.i.u.bf16.f32 v5;
	v4 =	vunpack.i.u.bf16.f32 v62  }
0x353: {  	v1 =	vadd.f32 v2, v1;
	v2 =	vmul.f32 v4, v3  }
0x354: {  	s26 =	simm.s32 $0x20;
	v3 =	vunpack.i.l.bf16.f32 v6;
	v4 =	vunpack.i.l.bf16.f32 v63  }
0x355: {  	v5 =	vmov s26;
	v3 =	vmul.f32 v4, v3;
	v2 =	vadd.f32 v1, v2  }
0x356: {  	s19 =	smov.u32 s22;
	s23 =	simm.s32 $0x30;
	v4 =	vunpack.i.u.bf16.f32 v6;
	v1 =	vshll.u32 v5, $0x4;
	v5 =	vunpack.i.u.bf16.f32 v63  }
.LBB2_10:
0x357: {  	p1 =	sne.s32 s23, $0xF0;
	v1 =	vor.u32 v0, v1;
	v2 =	vadd.f32 v3, v2;
	v3 =	vmul.f32 v5, v4;
	_ =	sdelay $0x1  }
0x358: {  	v2 =	vadd.f32 v2, v3  }
0x359: {  	s19 =	sadd.s32 $0x10, s19  }
0x35a: {  	v3 =	vor.u32 $0x1, v1;
	[tilespmem:s19+$0x0] =	vst v2  }
0x35b: {  	v2 =	vld.idx.msk [tilespmem:v1+s29+$0x0], $0xffff  }
0x35c: {  	v4 =	vld.idx.msk [tilespmem:v1+s30+$0x0], $0xffff;
	_ =	sdelay $0x1  }
0x35d: {  	v5 =	vor.u32 $0x2, v1  }
0x35e: {  	v6 =	vld.idx.msk [tilespmem:v3+s29+$0x0], $0xffff  }
0x35f: {  	v3 =	vld.idx.msk [tilespmem:v3+s30+$0x0], $0xffff;
	_ =	sdelay $0x1  }
0x360: {  	v9 =	vor.u32 $0x3, v1;
	v7 =	vunpack.i.l.bf16.f32 v2;
	v8 =	vunpack.i.l.bf16.f32 v4  }
0x361: {  	v7 =	vmul.f32 v8, v7;
	v8 =	vld.idx.msk [tilespmem:v5+s29+$0x0], $0xffff  }
0x362: {  	v2 =	vunpack.i.u.bf16.f32 v2;
	v4 =	vunpack.i.u.bf16.f32 v4;
	v5 =	vld.idx.msk [tilespmem:v5+s30+$0x0], $0xffff  }
0x363: {  	v2 =	vmul.f32 v4, v2;
	v7 =	vadd.f32 $0.0e+00, v7  }
0x364: {  	v11 =	vor.u32 $0x4, v1;
	v4 =	vunpack.i.l.bf16.f32 v6;
	v10 =	vunpack.i.l.bf16.f32 v3  }
0x365: {  	v2 =	vadd.f32 v7, v2;
	v4 =	vmul.f32 v10, v4;
	v7 =	vld.idx.msk [tilespmem:v9+s29+$0x0], $0xffff  }
0x366: {  	v6 =	vunpack.i.u.bf16.f32 v6;
	v3 =	vunpack.i.u.bf16.f32 v3;
	v9 =	vld.idx.msk [tilespmem:v9+s30+$0x0], $0xffff  }
0x367: {  	v3 =	vmul.f32 v3, v6;
	v2 =	vadd.f32 v4, v2  }
0x368: {  	v10 =	vor.u32 $0x5, v1;
	v4 =	vunpack.i.l.bf16.f32 v8;
	v6 =	vunpack.i.l.bf16.f32 v5  }
0x369: {  	v2 =	vadd.f32 v2, v3;
	v3 =	vmul.f32 v6, v4;
	v4 =	vld.idx.msk [tilespmem:v11+s29+$0x0], $0xffff  }
0x36a: {  	v5 =	vunpack.i.u.bf16.f32 v5;
	v6 =	vunpack.i.u.bf16.f32 v8;
	v8 =	vld.idx.msk [tilespmem:v11+s30+$0x0], $0xffff  }
0x36b: {  	v2 =	vadd.f32 v3, v2;
	v3 =	vmul.f32 v5, v6  }
0x36c: {  	v5 =	vunpack.i.l.bf16.f32 v7;
	v11 =	vor.u32 $0x6, v1;
	v6 =	vunpack.i.l.bf16.f32 v9  }
0x36d: {  	v2 =	vadd.f32 v2, v3;
	v3 =	vmul.f32 v6, v5;
	v5 =	vld.idx.msk [tilespmem:v10+s29+$0x0], $0xffff  }
0x36e: {  	v6 =	vunpack.i.u.bf16.f32 v7;
	v7 =	vunpack.i.u.bf16.f32 v9;
	v9 =	vld.idx.msk [tilespmem:v10+s30+$0x0], $0xffff  }
0x36f: {  	v2 =	vadd.f32 v3, v2;
	v3 =	vmul.f32 v7, v6  }
0x370: {  	v6 =	vunpack.i.l.bf16.f32 v4;
	v10 =	vor.u32 $0x7, v1;
	v7 =	vunpack.i.l.bf16.f32 v8  }
0x371: {  	v2 =	vadd.f32 v2, v3;
	v3 =	vmul.f32 v7, v6;
	v6 =	vld.idx.msk [tilespmem:v11+s29+$0x0], $0xffff  }
0x372: {  	v4 =	vunpack.i.u.bf16.f32 v4;
	v7 =	vunpack.i.u.bf16.f32 v8;
	v8 =	vld.idx.msk [tilespmem:v11+s30+$0x0], $0xffff  }
0x373: {  	v2 =	vadd.f32 v3, v2;
	v3 =	vmul.f32 v7, v4  }
0x374: {  	v4 =	vunpack.i.l.bf16.f32 v5;
	v11 =	vor.u32 $0x8, v1;
	v7 =	vunpack.i.l.bf16.f32 v9  }
0x375: {  	v2 =	vadd.f32 v2, v3;
	v3 =	vmul.f32 v7, v4;
	v4 =	vld.idx.msk [tilespmem:v10+s29+$0x0], $0xffff  }
0x376: {  	v5 =	vunpack.i.u.bf16.f32 v5;
	v7 =	vunpack.i.u.bf16.f32 v9;
	v9 =	vld.idx.msk [tilespmem:v10+s30+$0x0], $0xffff  }
0x377: {  	v2 =	vadd.f32 v3, v2;
	v3 =	vmul.f32 v7, v5  }
0x378: {  	v5 =	vunpack.i.l.bf16.f32 v6;
	v10 =	vor.u32 $0x9, v1;
	v7 =	vunpack.i.l.bf16.f32 v8  }
0x379: {  	v2 =	vadd.f32 v2, v3;
	v3 =	vmul.f32 v7, v5;
	v5 =	vld.idx.msk [tilespmem:v11+s29+$0x0], $0xffff  }
0x37a: {  	v6 =	vunpack.i.u.bf16.f32 v6;
	v7 =	vunpack.i.u.bf16.f32 v8;
	v8 =	vld.idx.msk [tilespmem:v11+s30+$0x0], $0xffff  }
0x37b: {  	v2 =	vadd.f32 v3, v2;
	v3 =	vmul.f32 v7, v6  }
0x37c: {  	v6 =	vunpack.i.l.bf16.f32 v4;
	v11 =	vor.u32 $0xA, v1;
	v7 =	vunpack.i.l.bf16.f32 v9  }
0x37d: {  	v2 =	vadd.f32 v2, v3;
	v3 =	vmul.f32 v7, v6;
	v6 =	vld.idx.msk [tilespmem:v10+s29+$0x0], $0xffff  }
0x37e: {  	v4 =	vunpack.i.u.bf16.f32 v4;
	v7 =	vunpack.i.u.bf16.f32 v9;
	v9 =	vld.idx.msk [tilespmem:v10+s30+$0x0], $0xffff  }
0x37f: {  	v2 =	vadd.f32 v3, v2;
	v3 =	vmul.f32 v7, v4  }
0x380: {  	v4 =	vunpack.i.l.bf16.f32 v5;
	v10 =	vor.u32 $0xB, v1;
	v7 =	vunpack.i.l.bf16.f32 v8  }
0x381: {  	v2 =	vadd.f32 v2, v3;
	v3 =	vmul.f32 v7, v4;
	v4 =	vld.idx.msk [tilespmem:v11+s29+$0x0], $0xffff  }
0x382: {  	v5 =	vunpack.i.u.bf16.f32 v5;
	v7 =	vunpack.i.u.bf16.f32 v8;
	v8 =	vld.idx.msk [tilespmem:v11+s30+$0x0], $0xffff  }
0x383: {  	v2 =	vadd.f32 v3, v2;
	v3 =	vmul.f32 v7, v5  }
0x384: {  	v5 =	vunpack.i.l.bf16.f32 v6;
	v11 =	vor.u32 $0xC, v1;
	v7 =	vunpack.i.l.bf16.f32 v9  }
0x385: {  	v2 =	vadd.f32 v2, v3;
	v3 =	vmul.f32 v7, v5;
	v5 =	vld.idx.msk [tilespmem:v10+s29+$0x0], $0xffff  }
0x386: {  	v6 =	vunpack.i.u.bf16.f32 v6;
	v7 =	vunpack.i.u.bf16.f32 v9;
	v9 =	vld.idx.msk [tilespmem:v10+s30+$0x0], $0xffff  }
0x387: {  	v2 =	vadd.f32 v3, v2;
	v3 =	vmul.f32 v7, v6  }
0x388: {  	v6 =	vunpack.i.l.bf16.f32 v4;
	v10 =	vor.u32 $0xD, v1;
	v7 =	vunpack.i.l.bf16.f32 v8  }
0x389: {  	v2 =	vadd.f32 v2, v3;
	v3 =	vmul.f32 v7, v6;
	v6 =	vld.idx.msk [tilespmem:v11+s29+$0x0], $0xffff  }
0x38a: {  	v4 =	vunpack.i.u.bf16.f32 v4;
	v7 =	vunpack.i.u.bf16.f32 v8;
	v8 =	vld.idx.msk [tilespmem:v11+s30+$0x0], $0xffff  }
0x38b: {  	v2 =	vadd.f32 v3, v2;
	v3 =	vmul.f32 v7, v4  }
0x38c: {  	v4 =	vunpack.i.l.bf16.f32 v5;
	v11 =	vor.u32 $0xE, v1;
	v7 =	vunpack.i.l.bf16.f32 v9  }
0x38d: {  	v2 =	vadd.f32 v2, v3;
	v3 =	vmul.f32 v7, v4;
	v4 =	vld.idx.msk [tilespmem:v10+s29+$0x0], $0xffff  }
0x38e: {  	v5 =	vunpack.i.u.bf16.f32 v5;
	v7 =	vunpack.i.u.bf16.f32 v9;
	v9 =	vld.idx.msk [tilespmem:v10+s30+$0x0], $0xffff  }
0x38f: {  	v2 =	vadd.f32 v3, v2;
	v3 =	vmul.f32 v7, v5  }
0x390: {  	v1 =	vor.u32 $0xF, v1;
	v5 =	vunpack.i.l.bf16.f32 v6;
	v7 =	vunpack.i.l.bf16.f32 v8  }
0x391: {  	v2 =	vadd.f32 v2, v3;
	v3 =	vmul.f32 v7, v5;
	v5 =	vld.idx.msk [tilespmem:v11+s29+$0x0], $0xffff  }
0x392: {  	v6 =	vunpack.i.u.bf16.f32 v6;
	v7 =	vunpack.i.u.bf16.f32 v8;
	v8 =	vld.idx.msk [tilespmem:v11+s30+$0x0], $0xffff  }
0x393: {  	v2 =	vadd.f32 v3, v2;
	v3 =	vmul.f32 v7, v6  }
0x394: {  	v6 =	vunpack.i.l.bf16.f32 v4;
	v7 =	vunpack.i.l.bf16.f32 v9  }
0x395: {  	v2 =	vadd.f32 v2, v3;
	v3 =	vmul.f32 v7, v6;
	v6 =	vld.idx.msk [tilespmem:v1+s29+$0x0], $0xffff  }
0x396: {  	v4 =	vunpack.i.u.bf16.f32 v4;
	v7 =	vunpack.i.u.bf16.f32 v9;
	v9 =	vld.idx.msk [tilespmem:v1+s30+$0x0], $0xffff  }
0x397: {  	v1 =	vadd.f32 v3, v2;
	v2 =	vmul.f32 v7, v4  }
0x398: {  	v3 =	vunpack.i.l.bf16.f32 v5;
	v4 =	vunpack.i.l.bf16.f32 v8  }
0x399: {  	v1 =	vadd.f32 v1, v2;
	v2 =	vmul.f32 v4, v3  }
.Ltmp6:
0x39a: {  	v3 =	vunpack.i.u.bf16.f32 v5;
	v4 =	vunpack.i.u.bf16.f32 v8;
	(pc) =	sbr.rel @p1 .LBB2_10-.Ltmp6, $4  }
0x39b: {  	v1 =	vadd.f32 v2, v1;
	v2 =	vmul.f32 v4, v3  }
0x39c: {  	v3 =	vunpack.i.l.bf16.f32 v6;
	v4 =	vunpack.i.l.bf16.f32 v9  }
0x39d: {  	v5 =	vmov s23;
	v2 =	vadd.f32 v1, v2;
	v3 =	vmul.f32 v4, v3  }
0x39e: {  	s23 =	sadd.s32 $0x10, s23;
	v1 =	vshll.u32 v5, $0x4;
	v4 =	vunpack.i.u.bf16.f32 v6;
	v5 =	vunpack.i.u.bf16.f32 v9  }
0x39f: {  	v1 =	vor.u32 v0, v1;
	v2 =	vadd.f32 v3, v2;
	v3 =	vmul.f32 v5, v4;
	_ =	sdelay $0x1  }
0x3a0: {  	v2 =	vadd.f32 v2, v3  }
0x3a1: {  	s19 =	sadd.s32 $0x10, s19  }
0x3a2: {  	v3 =	vor.u32 $0x1, v1;
	[tilespmem:s19+$0x0] =	vst v2  }
0x3a3: {  	v2 =	vld.idx.msk [tilespmem:v1+s29+$0x0], $0xffff  }
0x3a4: {  	v4 =	vld.idx.msk [tilespmem:v1+s30+$0x0], $0xffff;
	_ =	sdelay $0x1  }
0x3a5: {  	v5 =	vor.u32 $0x2, v1  }
0x3a6: {  	v6 =	vld.idx.msk [tilespmem:v3+s29+$0x0], $0xffff  }
0x3a7: {  	v3 =	vld.idx.msk [tilespmem:v3+s30+$0x0], $0xffff  }
0x3a8: {  	v7 =	vunpack.i.l.bf16.f32 v2;
	v8 =	vunpack.i.l.bf16.f32 v4  }
0x3a9: {  	v9 =	vor.u32 $0x3, v1;
	v7 =	vmul.f32 v8, v7  }
0x3aa: {  	v41 =	vld.idx.msk [tilespmem:v5+s29+$0x0], $0xffff;
	v2 =	vunpack.i.u.bf16.f32 v2;
	v4 =	vunpack.i.u.bf16.f32 v4  }
0x3ab: {  	v5 =	vld.idx.msk [tilespmem:v5+s30+$0x0], $0xffff;
	v2 =	vmul.f32 v4, v2;
	v7 =	vadd.f32 $0.0e+00, v7  }
0x3ac: {  	v4 =	vunpack.i.l.bf16.f32 v6;
	v10 =	vunpack.i.l.bf16.f32 v3  }
0x3ad: {  	v11 =	vor.u32 $0x4, v1;
	v4 =	vmul.f32 v10, v4;
	v2 =	vadd.f32 v7, v2  }
0x3ae: {  	v6 =	vunpack.i.u.bf16.f32 v6;
	v3 =	vunpack.i.u.bf16.f32 v3;
	v7 =	vld.idx.msk [tilespmem:v9+s29+$0x0], $0xffff  }
0x3af: {  	v3 =	vmul.f32 v3, v6;
	v9 =	vld.idx.msk [tilespmem:v9+s30+$0x0], $0xffff;
	v2 =	vadd.f32 v4, v2  }
0x3b0: {  	v6 =	vunpack.i.l.bf16.f32 v5;
	v4 =	vunpack.i.l.bf16.f32 v41  }
0x3b1: {  	v42 =	vor.u32 $0x5, v1;
	v2 =	vadd.f32 v2, v3;
	v3 =	vmul.f32 v6, v4  }
0x3b2: {  	v43 =	vld.idx.msk [tilespmem:v11+s30+$0x0], $0xffff;
	v5 =	vunpack.i.u.bf16.f32 v5;
	v6 =	vunpack.i.u.bf16.f32 v41  }
0x3b3: {  	v4 =	vld.idx.msk [tilespmem:v11+s29+$0x0], $0xffff;
	v2 =	vadd.f32 v3, v2;
	v3 =	vmul.f32 v5, v6  }
0x3b4: {  	v5 =	vunpack.i.l.bf16.f32 v7;
	v6 =	vunpack.i.l.bf16.f32 v9  }
0x3b5: {  	v44 =	vor.u32 $0x6, v1;
	v2 =	vadd.f32 v2, v3;
	v3 =	vmul.f32 v6, v5  }
0x3b6: {  	v45 =	vld.idx.msk [tilespmem:v42+s30+$0x0], $0xffff;
	v6 =	vunpack.i.u.bf16.f32 v7;
	v7 =	vunpack.i.u.bf16.f32 v9  }
0x3b7: {  	v5 =	vld.idx.msk [tilespmem:v42+s29+$0x0], $0xffff;
	v2 =	vadd.f32 v3, v2;
	v3 =	vmul.f32 v7, v6  }
0x3b8: {  	v6 =	vunpack.i.l.bf16.f32 v4;
	v7 =	vunpack.i.l.bf16.f32 v43  }
0x3b9: {  	v46 =	vor.u32 $0x7, v1;
	v2 =	vadd.f32 v2, v3;
	v3 =	vmul.f32 v7, v6  }
0x3ba: {  	v47 =	vld.idx.msk [tilespmem:v44+s30+$0x0], $0xffff;
	v4 =	vunpack.i.u.bf16.f32 v4;
	v7 =	vunpack.i.u.bf16.f32 v43  }
0x3bb: {  	v6 =	vld.idx.msk [tilespmem:v44+s29+$0x0], $0xffff;
	v2 =	vadd.f32 v3, v2;
	v3 =	vmul.f32 v7, v4  }
0x3bc: {  	v4 =	vunpack.i.l.bf16.f32 v5;
	v7 =	vunpack.i.l.bf16.f32 v45  }
0x3bd: {  	v48 =	vor.u32 $0x8, v1;
	v2 =	vadd.f32 v2, v3;
	v3 =	vmul.f32 v7, v4  }
0x3be: {  	v49 =	vld.idx.msk [tilespmem:v46+s30+$0x0], $0xffff;
	v5 =	vunpack.i.u.bf16.f32 v5;
	v7 =	vunpack.i.u.bf16.f32 v45  }
0x3bf: {  	v4 =	vld.idx.msk [tilespmem:v46+s29+$0x0], $0xffff;
	v2 =	vadd.f32 v3, v2;
	v3 =	vmul.f32 v7, v5  }
0x3c0: {  	v5 =	vunpack.i.l.bf16.f32 v6;
	v7 =	vunpack.i.l.bf16.f32 v47  }
0x3c1: {  	v50 =	vor.u32 $0x9, v1;
	v2 =	vadd.f32 v2, v3;
	v3 =	vmul.f32 v7, v5  }
0x3c2: {  	v51 =	vld.idx.msk [tilespmem:v48+s30+$0x0], $0xffff;
	v6 =	vunpack.i.u.bf16.f32 v6;
	v7 =	vunpack.i.u.bf16.f32 v47  }
0x3c3: {  	v5 =	vld.idx.msk [tilespmem:v48+s29+$0x0], $0xffff;
	v2 =	vadd.f32 v3, v2;
	v3 =	vmul.f32 v7, v6  }
0x3c4: {  	v6 =	vunpack.i.l.bf16.f32 v4;
	v7 =	vunpack.i.l.bf16.f32 v49  }
0x3c5: {  	v52 =	vor.u32 $0xA, v1;
	v2 =	vadd.f32 v2, v3;
	v3 =	vmul.f32 v7, v6  }
0x3c6: {  	v53 =	vld.idx.msk [tilespmem:v50+s30+$0x0], $0xffff;
	v4 =	vunpack.i.u.bf16.f32 v4;
	v7 =	vunpack.i.u.bf16.f32 v49  }
0x3c7: {  	v6 =	vld.idx.msk [tilespmem:v50+s29+$0x0], $0xffff;
	v2 =	vadd.f32 v3, v2;
	v3 =	vmul.f32 v7, v4  }
0x3c8: {  	v4 =	vunpack.i.l.bf16.f32 v5;
	v7 =	vunpack.i.l.bf16.f32 v51  }
0x3c9: {  	v54 =	vor.u32 $0xB, v1;
	v2 =	vadd.f32 v2, v3;
	v3 =	vmul.f32 v7, v4  }
0x3ca: {  	v55 =	vld.idx.msk [tilespmem:v52+s30+$0x0], $0xffff;
	v5 =	vunpack.i.u.bf16.f32 v5;
	v7 =	vunpack.i.u.bf16.f32 v51  }
0x3cb: {  	v4 =	vld.idx.msk [tilespmem:v52+s29+$0x0], $0xffff;
	v2 =	vadd.f32 v3, v2;
	v3 =	vmul.f32 v7, v5  }
0x3cc: {  	v5 =	vunpack.i.l.bf16.f32 v6;
	v7 =	vunpack.i.l.bf16.f32 v53  }
0x3cd: {  	v56 =	vor.u32 $0xC, v1;
	v2 =	vadd.f32 v2, v3;
	v3 =	vmul.f32 v7, v5  }
0x3ce: {  	v57 =	vld.idx.msk [tilespmem:v54+s30+$0x0], $0xffff;
	v6 =	vunpack.i.u.bf16.f32 v6;
	v7 =	vunpack.i.u.bf16.f32 v53  }
0x3cf: {  	v5 =	vld.idx.msk [tilespmem:v54+s29+$0x0], $0xffff;
	v2 =	vadd.f32 v3, v2;
	v3 =	vmul.f32 v7, v6  }
0x3d0: {  	v6 =	vunpack.i.l.bf16.f32 v4;
	v7 =	vunpack.i.l.bf16.f32 v55  }
0x3d1: {  	v58 =	vor.u32 $0xD, v1;
	v2 =	vadd.f32 v2, v3;
	v3 =	vmul.f32 v7, v6  }
0x3d2: {  	v59 =	vld.idx.msk [tilespmem:v56+s30+$0x0], $0xffff;
	v4 =	vunpack.i.u.bf16.f32 v4;
	v7 =	vunpack.i.u.bf16.f32 v55  }
0x3d3: {  	v6 =	vld.idx.msk [tilespmem:v56+s29+$0x0], $0xffff;
	v2 =	vadd.f32 v3, v2;
	v3 =	vmul.f32 v7, v4  }
0x3d4: {  	v4 =	vunpack.i.l.bf16.f32 v5;
	v7 =	vunpack.i.l.bf16.f32 v57  }
0x3d5: {  	v60 =	vor.u32 $0xE, v1;
	v2 =	vadd.f32 v2, v3;
	v3 =	vmul.f32 v7, v4  }
0x3d6: {  	v61 =	vld.idx.msk [tilespmem:v58+s30+$0x0], $0xffff;
	v5 =	vunpack.i.u.bf16.f32 v5;
	v7 =	vunpack.i.u.bf16.f32 v57  }
0x3d7: {  	v4 =	vld.idx.msk [tilespmem:v58+s29+$0x0], $0xffff;
	v2 =	vadd.f32 v3, v2;
	v3 =	vmul.f32 v7, v5  }
0x3d8: {  	v5 =	vunpack.i.l.bf16.f32 v6;
	v7 =	vunpack.i.l.bf16.f32 v59  }
0x3d9: {  	v1 =	vor.u32 $0xF, v1;
	v2 =	vadd.f32 v2, v3;
	v3 =	vmul.f32 v7, v5  }
0x3da: {  	v62 =	vld.idx.msk [tilespmem:v60+s30+$0x0], $0xffff;
	v6 =	vunpack.i.u.bf16.f32 v6;
	v7 =	vunpack.i.u.bf16.f32 v59  }
0x3db: {  	v5 =	vld.idx.msk [tilespmem:v60+s29+$0x0], $0xffff;
	v2 =	vadd.f32 v3, v2;
	v3 =	vmul.f32 v7, v6  }
0x3dc: {  	v6 =	vunpack.i.l.bf16.f32 v4;
	v7 =	vunpack.i.l.bf16.f32 v61  }
0x3dd: {  	v2 =	vadd.f32 v2, v3;
	v3 =	vmul.f32 v7, v6  }
0x3de: {  	v4 =	vunpack.i.u.bf16.f32 v4;
	v6 =	vld.idx.msk [tilespmem:v1+s29+$0x0], $0xffff;
	v7 =	vunpack.i.u.bf16.f32 v61  }
0x3df: {  	v1 =	vld.idx.msk [tilespmem:v1+s30+$0x0], $0xffff;
	v2 =	vadd.f32 v3, v2;
	v3 =	vmul.f32 v7, v4  }
0x3e0: {  	v4 =	vunpack.i.l.bf16.f32 v5;
	v7 =	vunpack.i.l.bf16.f32 v62  }
0x3e1: {  	v2 =	vadd.f32 v2, v3;
	v3 =	vmul.f32 v7, v4  }
0x3e2: {  	v4 =	vunpack.i.u.bf16.f32 v5;
	v5 =	vunpack.i.u.bf16.f32 v62  }
0x3e3: {  	v2 =	vadd.f32 v3, v2;
	v3 =	vmul.f32 v5, v4  }
0x3e4: {  	v4 =	vunpack.i.l.bf16.f32 v6;
	v5 =	vunpack.i.l.bf16.f32 v1  }
0x3e5: {  	v2 =	vadd.f32 v2, v3;
	v3 =	vmul.f32 v5, v4  }
0x3e6: {  	v1 =	vunpack.i.u.bf16.f32 v1;
	v4 =	vunpack.i.u.bf16.f32 v6  }
0x3e7: {  	v1 =	vmul.f32 v1, v4;
	v2 =	vadd.f32 v3, v2;
	_ =	sdelay $0x1  }
0x3e8: {  	v1 =	vadd.f32 v2, v1  }
0x3e9: {  	s1 =	sadd.s32 $0x10, s19  }
0x3ea: {  	[tilespmem:s1+$0x0] =	vst v1;
	s1 =	simm.s32 @p0 $0x2  }
0x3eb: {  	_ =	swait.ge @p0 [sflag:s1], $0x1000  }
0x3ec: {  	[sflag:s1] =	ssyncset.done @p0 $0x0  }
0x3ed: {  	[sflag:s1] =	ssyncadd.s32 @p0 $0xFFFFF000;
	s1 =	simm.s32 @p0 $0x4  }
0x3ee: {  	_ =	swait.ge @p0 [sflag:s1], $0x1000  }
0x3ef: {  	[sflag:s1] =	ssyncset.done @p0 $0x0  }
0x3f0: {  	[sflag:s1] =	ssyncadd.s32 @p0 $0xFFFFF000;
	s1 =	simm.s32 @!p0 $0x5  }
0x3f1: {  	_ =	swait.ge @!p0 [sflag:s1], $0x100  }
0x3f2: {  	[sflag:s1] =	ssyncset.done @!p0 $0x0  }
0x3f3: {  	[sflag:s1] =	ssyncadd.s32 @!p0 $0xFFFFFF00;
	s1 =	simm.s32 @!p0 $0x7  }
0x3f4: {  	_ =	swait.ge @!p0 [sflag:s1], $0x100  }
0x3f5: {  	s23 =	simm.s32 @!p0 $0x4000;
	[sflag:s1] =	ssyncset.done @!p0 $0x0  }
0x3f6: {  	s19 =	simm.s32 @!p0 $0x8000;
	[sflag:s1] =	ssyncadd.s32 @!p0 $0xFFFFFF00;
	s1 =	simm.s32 @!p0 $0x100  }
0x3f7: {  	[tilespmem:s23], [sflag:$0x1] =	stream.indirect.gather @!p0 [hbm4b:s7+s1], $0x10, s19, s1, $0xb8;
	[tilespmem:$0x8400] =	vst v63  }
0x3f8: {  	s19 =	simm.s32 @!p0 $0x8200;
	s23 =	simm.s32 @!p0 $0x6000  }
0x3f9: {  	[tilespmem:s23], [sflag:$0x3] =	stream.indirect.gather @!p0 [hbm4b:s8+s1], $0x10, s19, s1, $0xb8;
	[tilespmem:$0x8400] =	vst v63  }
0x3fa: {  	s1 =	simm.s32 @!p0 $0x2  }
0x3fb: {  	_ =	swait.ge @!p0 [sflag:s1], $0x1000  }
0x3fc: {  	[sflag:s1] =	ssyncset.done @!p0 $0x0  }
0x3fd: {  	s26 =	simm.s32 $0x0;
	[sflag:s1] =	ssyncadd.s32 @!p0 $0xFFFFF000;
	s1 =	simm.s32 @!p0 $0x4  }
0x3fe: {  	v1 =	vmov s26;
	_ =	swait.ge @!p0 [sflag:s1], $0x1000  }
0x3ff: {  	v1 =	vshll.u32 v1, $0x4;
	s19 =	sadd.s32 @!p0 s21, s14;
	[sflag:s1] =	ssyncset.done @!p0 $0x0  }
0x400: {  	v1 =	vor.u32 v0, v1;
	[sflag:s1] =	ssyncadd.s32 @!p0 $0xFFFFF000;
	s1 =	sshrl.u32 @!p0 s19, $0x3  }
0x401: {  	s21 =	simm.s32 @!p0 $0x0;
	s23 =	simm.s32 @!p0 $0x8100;
	s19 =	sadd.s32 @!p0 s5, s1  }
0x402: {  	[tilespmem:s23], [sflag:$0x6] =	stream.linear.gather @!p0 [hbm4b:s19+s21], $0x100, $0x38;
	[tilespmem:$0x8400] =	vst v63  }
0x403: {  	s1 =	sadd.s32 @!p0 s6, s1;
	s19 =	simm.s32 @!p0 $0x8300  }
0x404: {  	v2 =	vor.u32 $0x1, v1;
	[tilespmem:s19], [sflag:$0x8] =	stream.linear.gather @!p0 [hbm4b:s1+s21], $0x100, $0x38;
	[tilespmem:$0x8400] =	vst v63  }
0x405: {  	v3 =	vld.idx.msk [tilespmem:v1+s2+$0x0], $0xffff  }
0x406: {  	v4 =	vld.idx.msk [tilespmem:v1+s9+$0x0], $0xffff;
	_ =	sdelay $0x1  }
0x407: {  	v5 =	vor.u32 $0x2, v1  }
0x408: {  	v6 =	vld.idx.msk [tilespmem:v2+s2+$0x0], $0xffff  }
0x409: {  	v2 =	vld.idx.msk [tilespmem:v2+s9+$0x0], $0xffff  }
0x40a: {  	v7 =	vunpack.i.l.bf16.f32 v3;
	v63 =	vunpack.i.l.bf16.f32 v4  }
0x40b: {  	v12 =	vor.u32 $0x3, v1;
	v7 =	vmul.f32 v63, v7  }
0x40c: {  	v13 =	vld.idx.msk [tilespmem:v5+s2+$0x0], $0xffff;
	v3 =	vunpack.i.u.bf16.f32 v3;
	v4 =	vunpack.i.u.bf16.f32 v4  }
0x40d: {  	v5 =	vld.idx.msk [tilespmem:v5+s9+$0x0], $0xffff;
	v3 =	vmul.f32 v4, v3;
	v7 =	vadd.f32 $0.0e+00, v7  }
0x40e: {  	v14 =	vunpack.i.l.bf16.f32 v2;
	v4 =	vunpack.i.l.bf16.f32 v6  }
0x40f: {  	v15 =	vor.u32 $0x4, v1;
	v4 =	vmul.f32 v14, v4;
	v3 =	vadd.f32 v7, v3  }
0x410: {  	v9 =	vld.idx.msk [tilespmem:v12+s9+$0x0], $0xffff;
	v2 =	vunpack.i.u.bf16.f32 v2;
	v6 =	vunpack.i.u.bf16.f32 v6  }
0x411: {  	v2 =	vmul.f32 v2, v6;
	v7 =	vld.idx.msk [tilespmem:v12+s2+$0x0], $0xffff;
	v3 =	vadd.f32 v4, v3  }
0x412: {  	v6 =	vunpack.i.l.bf16.f32 v5;
	v4 =	vunpack.i.l.bf16.f32 v13  }
0x413: {  	v16 =	vor.u32 $0x5, v1;
	v2 =	vadd.f32 v3, v2;
	v3 =	vmul.f32 v6, v4  }
0x414: {  	v17 =	vld.idx.msk [tilespmem:v15+s9+$0x0], $0xffff;
	v5 =	vunpack.i.u.bf16.f32 v5;
	v6 =	vunpack.i.u.bf16.f32 v13  }
0x415: {  	v4 =	vld.idx.msk [tilespmem:v15+s2+$0x0], $0xffff;
	v2 =	vadd.f32 v3, v2;
	v3 =	vmul.f32 v5, v6  }
0x416: {  	v5 =	vunpack.i.l.bf16.f32 v7;
	v6 =	vunpack.i.l.bf16.f32 v9  }
0x417: {  	v18 =	vor.u32 $0x6, v1;
	v2 =	vadd.f32 v2, v3;
	v3 =	vmul.f32 v6, v5  }
0x418: {  	v19 =	vld.idx.msk [tilespmem:v16+s9+$0x0], $0xffff;
	v6 =	vunpack.i.u.bf16.f32 v7;
	v7 =	vunpack.i.u.bf16.f32 v9  }
0x419: {  	v5 =	vld.idx.msk [tilespmem:v16+s2+$0x0], $0xffff;
	v2 =	vadd.f32 v3, v2;
	v3 =	vmul.f32 v7, v6  }
0x41a: {  	v6 =	vunpack.i.l.bf16.f32 v4;
	v7 =	vunpack.i.l.bf16.f32 v17  }
0x41b: {  	v20 =	vor.u32 $0x7, v1;
	v2 =	vadd.f32 v2, v3;
	v3 =	vmul.f32 v7, v6  }
0x41c: {  	v21 =	vld.idx.msk [tilespmem:v18+s9+$0x0], $0xffff;
	v4 =	vunpack.i.u.bf16.f32 v4;
	v7 =	vunpack.i.u.bf16.f32 v17  }
0x41d: {  	v6 =	vld.idx.msk [tilespmem:v18+s2+$0x0], $0xffff;
	v2 =	vadd.f32 v3, v2;
	v3 =	vmul.f32 v7, v4  }
0x41e: {  	v4 =	vunpack.i.l.bf16.f32 v5;
	v7 =	vunpack.i.l.bf16.f32 v19  }
0x41f: {  	v22 =	vor.u32 $0x8, v1;
	v2 =	vadd.f32 v2, v3;
	v3 =	vmul.f32 v7, v4  }
0x420: {  	v23 =	vld.idx.msk [tilespmem:v20+s9+$0x0], $0xffff;
	v5 =	vunpack.i.u.bf16.f32 v5;
	v7 =	vunpack.i.u.bf16.f32 v19  }
0x421: {  	v4 =	vld.idx.msk [tilespmem:v20+s2+$0x0], $0xffff;
	v2 =	vadd.f32 v3, v2;
	v3 =	vmul.f32 v7, v5  }
0x422: {  	v5 =	vunpack.i.l.bf16.f32 v6;
	v7 =	vunpack.i.l.bf16.f32 v21  }
0x423: {  	v24 =	vor.u32 $0x9, v1;
	v2 =	vadd.f32 v2, v3;
	v3 =	vmul.f32 v7, v5  }
0x424: {  	v25 =	vld.idx.msk [tilespmem:v22+s9+$0x0], $0xffff;
	v6 =	vunpack.i.u.bf16.f32 v6;
	v7 =	vunpack.i.u.bf16.f32 v21  }
0x425: {  	v5 =	vld.idx.msk [tilespmem:v22+s2+$0x0], $0xffff;
	v2 =	vadd.f32 v3, v2;
	v3 =	vmul.f32 v7, v6  }
0x426: {  	v6 =	vunpack.i.l.bf16.f32 v4;
	v7 =	vunpack.i.l.bf16.f32 v23  }
0x427: {  	v26 =	vor.u32 $0xA, v1;
	v2 =	vadd.f32 v2, v3;
	v3 =	vmul.f32 v7, v6  }
0x428: {  	v27 =	vld.idx.msk [tilespmem:v24+s9+$0x0], $0xffff;
	v4 =	vunpack.i.u.bf16.f32 v4;
	v7 =	vunpack.i.u.bf16.f32 v23  }
0x429: {  	v6 =	vld.idx.msk [tilespmem:v24+s2+$0x0], $0xffff;
	v2 =	vadd.f32 v3, v2;
	v3 =	vmul.f32 v7, v4  }
0x42a: {  	v4 =	vunpack.i.l.bf16.f32 v5;
	v7 =	vunpack.i.l.bf16.f32 v25  }
0x42b: {  	v28 =	vor.u32 $0xB, v1;
	v2 =	vadd.f32 v2, v3;
	v3 =	vmul.f32 v7, v4  }
0x42c: {  	v29 =	vld.idx.msk [tilespmem:v26+s9+$0x0], $0xffff;
	v5 =	vunpack.i.u.bf16.f32 v5;
	v7 =	vunpack.i.u.bf16.f32 v25  }
0x42d: {  	v4 =	vld.idx.msk [tilespmem:v26+s2+$0x0], $0xffff;
	v2 =	vadd.f32 v3, v2;
	v3 =	vmul.f32 v7, v5  }
0x42e: {  	v5 =	vunpack.i.l.bf16.f32 v6;
	v7 =	vunpack.i.l.bf16.f32 v27  }
0x42f: {  	v30 =	vor.u32 $0xC, v1;
	v2 =	vadd.f32 v2, v3;
	v3 =	vmul.f32 v7, v5  }
0x430: {  	v31 =	vld.idx.msk [tilespmem:v28+s9+$0x0], $0xffff;
	v6 =	vunpack.i.u.bf16.f32 v6;
	v7 =	vunpack.i.u.bf16.f32 v27  }
0x431: {  	v5 =	vld.idx.msk [tilespmem:v28+s2+$0x0], $0xffff;
	v2 =	vadd.f32 v3, v2;
	v3 =	vmul.f32 v7, v6  }
0x432: {  	v6 =	vunpack.i.l.bf16.f32 v4;
	v7 =	vunpack.i.l.bf16.f32 v29  }
0x433: {  	v32 =	vor.u32 $0xD, v1;
	v2 =	vadd.f32 v2, v3;
	v3 =	vmul.f32 v7, v6  }
0x434: {  	v33 =	vld.idx.msk [tilespmem:v30+s9+$0x0], $0xffff;
	v4 =	vunpack.i.u.bf16.f32 v4;
	v7 =	vunpack.i.u.bf16.f32 v29  }
0x435: {  	v6 =	vld.idx.msk [tilespmem:v30+s2+$0x0], $0xffff;
	v2 =	vadd.f32 v3, v2;
	v3 =	vmul.f32 v7, v4  }
0x436: {  	v4 =	vunpack.i.l.bf16.f32 v5;
	v7 =	vunpack.i.l.bf16.f32 v31  }
0x437: {  	v34 =	vor.u32 $0xE, v1;
	v2 =	vadd.f32 v2, v3;
	v3 =	vmul.f32 v7, v4  }
0x438: {  	v35 =	vld.idx.msk [tilespmem:v32+s9+$0x0], $0xffff;
	v5 =	vunpack.i.u.bf16.f32 v5;
	v7 =	vunpack.i.u.bf16.f32 v31  }
0x439: {  	v4 =	vld.idx.msk [tilespmem:v32+s2+$0x0], $0xffff;
	v2 =	vadd.f32 v3, v2;
	v3 =	vmul.f32 v7, v5  }
0x43a: {  	v5 =	vunpack.i.l.bf16.f32 v6;
	v7 =	vunpack.i.l.bf16.f32 v33  }
0x43b: {  	v1 =	vor.u32 $0xF, v1;
	v2 =	vadd.f32 v2, v3;
	v3 =	vmul.f32 v7, v5  }
0x43c: {  	v36 =	vld.idx.msk [tilespmem:v34+s9+$0x0], $0xffff;
	v6 =	vunpack.i.u.bf16.f32 v6;
	v7 =	vunpack.i.u.bf16.f32 v33  }
0x43d: {  	v5 =	vld.idx.msk [tilespmem:v34+s2+$0x0], $0xffff;
	v2 =	vadd.f32 v3, v2;
	v3 =	vmul.f32 v7, v6  }
0x43e: {  	v6 =	vunpack.i.l.bf16.f32 v4;
	v7 =	vunpack.i.l.bf16.f32 v35  }
0x43f: {  	v2 =	vadd.f32 v2, v3;
	v3 =	vmul.f32 v7, v6  }
0x440: {  	v4 =	vunpack.i.u.bf16.f32 v4;
	v6 =	vld.idx.msk [tilespmem:v1+s2+$0x0], $0xffff;
	v7 =	vunpack.i.u.bf16.f32 v35  }
0x441: {  	v1 =	vld.idx.msk [tilespmem:v1+s9+$0x0], $0xffff;
	v2 =	vadd.f32 v3, v2;
	v3 =	vmul.f32 v7, v4  }
0x442: {  	v4 =	vunpack.i.l.bf16.f32 v5;
	v7 =	vunpack.i.l.bf16.f32 v36  }
0x443: {  	v2 =	vadd.f32 v2, v3;
	v3 =	vmul.f32 v7, v4  }
0x444: {  	v4 =	vunpack.i.u.bf16.f32 v5;
	v5 =	vunpack.i.u.bf16.f32 v36  }
0x445: {  	v2 =	vadd.f32 v3, v2;
	v3 =	vmul.f32 v5, v4  }
0x446: {  	s23 =	simm.s32 $0x10;
	v4 =	vunpack.i.l.bf16.f32 v6;
	v5 =	vunpack.i.l.bf16.f32 v1  }
0x447: {  	v7 =	vmov s23;
	v2 =	vadd.f32 v2, v3;
	v3 =	vmul.f32 v5, v4  }
0x448: {  	v4 =	vshll.u32 v7, $0x4;
	v5 =	vunpack.i.u.bf16.f32 v6;
	v6 =	vunpack.i.u.bf16.f32 v1  }
0x449: {  	v1 =	vor.u32 v0, v4;
	v2 =	vadd.f32 v3, v2;
	v3 =	vmul.f32 v6, v5;
	_ =	sdelay $0x1  }
0x44a: {  	v2 =	vadd.f32 v2, v3;
	_ =	sdelay $0x1  }
0x44b: {  	v3 =	vor.u32 $0x1, v1;
	[tilespmem:s18+$0x0] =	vst v2  }
0x44c: {  	v2 =	vld.idx.msk [tilespmem:v1+s2+$0x0], $0xffff  }
0x44d: {  	v4 =	vld.idx.msk [tilespmem:v1+s9+$0x0], $0xffff;
	_ =	sdelay $0x1  }
0x44e: {  	v5 =	vor.u32 $0x2, v1  }
0x44f: {  	v6 =	vld.idx.msk [tilespmem:v3+s2+$0x0], $0xffff  }
0x450: {  	v3 =	vld.idx.msk [tilespmem:v3+s9+$0x0], $0xffff  }
0x451: {  	v7 =	vunpack.i.l.bf16.f32 v2;
	v37 =	vunpack.i.l.bf16.f32 v4  }
0x452: {  	v38 =	vor.u32 $0x3, v1;
	v7 =	vmul.f32 v37, v7  }
0x453: {  	v39 =	vld.idx.msk [tilespmem:v5+s2+$0x0], $0xffff;
	v2 =	vunpack.i.u.bf16.f32 v2;
	v4 =	vunpack.i.u.bf16.f32 v4  }
0x454: {  	v5 =	vld.idx.msk [tilespmem:v5+s9+$0x0], $0xffff;
	v2 =	vmul.f32 v4, v2;
	v7 =	vadd.f32 $0.0e+00, v7  }
0x455: {  	v4 =	vunpack.i.l.bf16.f32 v6;
	v40 =	vunpack.i.l.bf16.f32 v3  }
0x456: {  	v41 =	vor.u32 $0x4, v1;
	v4 =	vmul.f32 v40, v4;
	v2 =	vadd.f32 v7, v2  }
0x457: {  	v9 =	vld.idx.msk [tilespmem:v38+s9+$0x0], $0xffff;
	v6 =	vunpack.i.u.bf16.f32 v6;
	v3 =	vunpack.i.u.bf16.f32 v3  }
0x458: {  	v3 =	vmul.f32 v3, v6;
	v7 =	vld.idx.msk [tilespmem:v38+s2+$0x0], $0xffff;
	v2 =	vadd.f32 v4, v2  }
0x459: {  	v6 =	vunpack.i.l.bf16.f32 v5;
	v4 =	vunpack.i.l.bf16.f32 v39  }
0x45a: {  	v42 =	vor.u32 $0x5, v1;
	v2 =	vadd.f32 v2, v3;
	v3 =	vmul.f32 v6, v4  }
0x45b: {  	v43 =	vld.idx.msk [tilespmem:v41+s9+$0x0], $0xffff;
	v5 =	vunpack.i.u.bf16.f32 v5;
	v6 =	vunpack.i.u.bf16.f32 v39  }
0x45c: {  	v4 =	vld.idx.msk [tilespmem:v41+s2+$0x0], $0xffff;
	v2 =	vadd.f32 v3, v2;
	v3 =	vmul.f32 v5, v6  }
0x45d: {  	v5 =	vunpack.i.l.bf16.f32 v7;
	v6 =	vunpack.i.l.bf16.f32 v9  }
0x45e: {  	v44 =	vor.u32 $0x6, v1;
	v2 =	vadd.f32 v2, v3;
	v3 =	vmul.f32 v6, v5  }
0x45f: {  	v45 =	vld.idx.msk [tilespmem:v42+s9+$0x0], $0xffff;
	v6 =	vunpack.i.u.bf16.f32 v7;
	v7 =	vunpack.i.u.bf16.f32 v9  }
0x460: {  	v5 =	vld.idx.msk [tilespmem:v42+s2+$0x0], $0xffff;
	v2 =	vadd.f32 v3, v2;
	v3 =	vmul.f32 v7, v6  }
0x461: {  	v6 =	vunpack.i.l.bf16.f32 v4;
	v7 =	vunpack.i.l.bf16.f32 v43  }
0x462: {  	v46 =	vor.u32 $0x7, v1;
	v2 =	vadd.f32 v2, v3;
	v3 =	vmul.f32 v7, v6  }
0x463: {  	v47 =	vld.idx.msk [tilespmem:v44+s9+$0x0], $0xffff;
	v4 =	vunpack.i.u.bf16.f32 v4;
	v7 =	vunpack.i.u.bf16.f32 v43  }
0x464: {  	v6 =	vld.idx.msk [tilespmem:v44+s2+$0x0], $0xffff;
	v2 =	vadd.f32 v3, v2;
	v3 =	vmul.f32 v7, v4  }
0x465: {  	v4 =	vunpack.i.l.bf16.f32 v5;
	v7 =	vunpack.i.l.bf16.f32 v45  }
0x466: {  	v48 =	vor.u32 $0x8, v1;
	v2 =	vadd.f32 v2, v3;
	v3 =	vmul.f32 v7, v4  }
0x467: {  	v49 =	vld.idx.msk [tilespmem:v46+s9+$0x0], $0xffff;
	v5 =	vunpack.i.u.bf16.f32 v5;
	v7 =	vunpack.i.u.bf16.f32 v45  }
0x468: {  	v4 =	vld.idx.msk [tilespmem:v46+s2+$0x0], $0xffff;
	v2 =	vadd.f32 v3, v2;
	v3 =	vmul.f32 v7, v5  }
0x469: {  	v5 =	vunpack.i.l.bf16.f32 v6;
	v7 =	vunpack.i.l.bf16.f32 v47  }
0x46a: {  	v50 =	vor.u32 $0x9, v1;
	v2 =	vadd.f32 v2, v3;
	v3 =	vmul.f32 v7, v5  }
0x46b: {  	v51 =	vld.idx.msk [tilespmem:v48+s9+$0x0], $0xffff;
	v6 =	vunpack.i.u.bf16.f32 v6;
	v7 =	vunpack.i.u.bf16.f32 v47  }
0x46c: {  	v5 =	vld.idx.msk [tilespmem:v48+s2+$0x0], $0xffff;
	v2 =	vadd.f32 v3, v2;
	v3 =	vmul.f32 v7, v6  }
0x46d: {  	v6 =	vunpack.i.l.bf16.f32 v4;
	v7 =	vunpack.i.l.bf16.f32 v49  }
0x46e: {  	v52 =	vor.u32 $0xA, v1;
	v2 =	vadd.f32 v2, v3;
	v3 =	vmul.f32 v7, v6  }
0x46f: {  	v53 =	vld.idx.msk [tilespmem:v50+s9+$0x0], $0xffff;
	v4 =	vunpack.i.u.bf16.f32 v4;
	v7 =	vunpack.i.u.bf16.f32 v49  }
0x470: {  	v6 =	vld.idx.msk [tilespmem:v50+s2+$0x0], $0xffff;
	v2 =	vadd.f32 v3, v2;
	v3 =	vmul.f32 v7, v4  }
0x471: {  	v4 =	vunpack.i.l.bf16.f32 v5;
	v7 =	vunpack.i.l.bf16.f32 v51  }
0x472: {  	v54 =	vor.u32 $0xB, v1;
	v2 =	vadd.f32 v2, v3;
	v3 =	vmul.f32 v7, v4  }
0x473: {  	v55 =	vld.idx.msk [tilespmem:v52+s9+$0x0], $0xffff;
	v5 =	vunpack.i.u.bf16.f32 v5;
	v7 =	vunpack.i.u.bf16.f32 v51  }
0x474: {  	v4 =	vld.idx.msk [tilespmem:v52+s2+$0x0], $0xffff;
	v2 =	vadd.f32 v3, v2;
	v3 =	vmul.f32 v7, v5  }
0x475: {  	v5 =	vunpack.i.l.bf16.f32 v6;
	v7 =	vunpack.i.l.bf16.f32 v53  }
0x476: {  	v56 =	vor.u32 $0xC, v1;
	v2 =	vadd.f32 v2, v3;
	v3 =	vmul.f32 v7, v5  }
0x477: {  	v57 =	vld.idx.msk [tilespmem:v54+s9+$0x0], $0xffff;
	v6 =	vunpack.i.u.bf16.f32 v6;
	v7 =	vunpack.i.u.bf16.f32 v53  }
0x478: {  	v5 =	vld.idx.msk [tilespmem:v54+s2+$0x0], $0xffff;
	v2 =	vadd.f32 v3, v2;
	v3 =	vmul.f32 v7, v6  }
0x479: {  	v6 =	vunpack.i.l.bf16.f32 v4;
	v7 =	vunpack.i.l.bf16.f32 v55  }
0x47a: {  	v58 =	vor.u32 $0xD, v1;
	v2 =	vadd.f32 v2, v3;
	v3 =	vmul.f32 v7, v6  }
0x47b: {  	v59 =	vld.idx.msk [tilespmem:v56+s9+$0x0], $0xffff;
	v4 =	vunpack.i.u.bf16.f32 v4;
	v7 =	vunpack.i.u.bf16.f32 v55  }
0x47c: {  	v6 =	vld.idx.msk [tilespmem:v56+s2+$0x0], $0xffff;
	v2 =	vadd.f32 v3, v2;
	v3 =	vmul.f32 v7, v4  }
0x47d: {  	v4 =	vunpack.i.l.bf16.f32 v5;
	v7 =	vunpack.i.l.bf16.f32 v57  }
0x47e: {  	v60 =	vor.u32 $0xE, v1;
	v2 =	vadd.f32 v2, v3;
	v3 =	vmul.f32 v7, v4  }
0x47f: {  	v61 =	vld.idx.msk [tilespmem:v58+s9+$0x0], $0xffff;
	v5 =	vunpack.i.u.bf16.f32 v5;
	v7 =	vunpack.i.u.bf16.f32 v57  }
0x480: {  	v4 =	vld.idx.msk [tilespmem:v58+s2+$0x0], $0xffff;
	v2 =	vadd.f32 v3, v2;
	v3 =	vmul.f32 v7, v5  }
0x481: {  	v5 =	vunpack.i.l.bf16.f32 v6;
	v7 =	vunpack.i.l.bf16.f32 v59  }
0x482: {  	v1 =	vor.u32 $0xF, v1;
	v2 =	vadd.f32 v2, v3;
	v3 =	vmul.f32 v7, v5  }
0x483: {  	v62 =	vld.idx.msk [tilespmem:v60+s9+$0x0], $0xffff;
	v6 =	vunpack.i.u.bf16.f32 v6;
	v7 =	vunpack.i.u.bf16.f32 v59  }
0x484: {  	v5 =	vld.idx.msk [tilespmem:v60+s2+$0x0], $0xffff;
	v2 =	vadd.f32 v3, v2;
	v3 =	vmul.f32 v7, v6  }
0x485: {  	v6 =	vunpack.i.l.bf16.f32 v4;
	v7 =	vunpack.i.l.bf16.f32 v61  }
0x486: {  	v2 =	vadd.f32 v2, v3;
	v3 =	vmul.f32 v7, v6  }
0x487: {  	v63 =	vld.idx.msk [tilespmem:v1+s9+$0x0], $0xffff;
	v4 =	vunpack.i.u.bf16.f32 v4;
	v7 =	vunpack.i.u.bf16.f32 v61  }
0x488: {  	v6 =	vld.idx.msk [tilespmem:v1+s2+$0x0], $0xffff;
	v1 =	vadd.f32 v3, v2;
	v2 =	vmul.f32 v7, v4  }
0x489: {  	v3 =	vunpack.i.l.bf16.f32 v5;
	v4 =	vunpack.i.l.bf16.f32 v62  }
0x48a: {  	v1 =	vadd.f32 v1, v2;
	v2 =	vmul.f32 v4, v3  }
0x48b: {  	v3 =	vunpack.i.u.bf16.f32 v5;
	v4 =	vunpack.i.u.bf16.f32 v62  }
0x48c: {  	v1 =	vadd.f32 v2, v1;
	v2 =	vmul.f32 v4, v3  }
0x48d: {  	s26 =	simm.s32 $0x20;
	v3 =	vunpack.i.l.bf16.f32 v6;
	v4 =	vunpack.i.l.bf16.f32 v63  }
0x48e: {  	v5 =	vmov s26;
	v3 =	vmul.f32 v4, v3;
	v2 =	vadd.f32 v1, v2  }
0x48f: {  	s21 =	simm.s32 $0x30;
	s19 =	smov.u32 s18;
	v4 =	vunpack.i.u.bf16.f32 v6;
	v1 =	vshll.u32 v5, $0x4;
	v5 =	vunpack.i.u.bf16.f32 v63  }
.LBB2_12:
0x490: {  	p1 =	sne.s32 s21, $0xF0;
	v1 =	vor.u32 v0, v1;
	v2 =	vadd.f32 v3, v2;
	v3 =	vmul.f32 v5, v4;
	_ =	sdelay $0x1  }
0x491: {  	v2 =	vadd.f32 v2, v3  }
0x492: {  	s19 =	sadd.s32 $0x10, s19  }
0x493: {  	v3 =	vor.u32 $0x1, v1;
	[tilespmem:s19+$0x0] =	vst v2  }
0x494: {  	v2 =	vld.idx.msk [tilespmem:v1+s2+$0x0], $0xffff  }
0x495: {  	v4 =	vld.idx.msk [tilespmem:v1+s9+$0x0], $0xffff;
	_ =	sdelay $0x1  }
0x496: {  	v5 =	vor.u32 $0x2, v1  }
0x497: {  	v6 =	vld.idx.msk [tilespmem:v3+s2+$0x0], $0xffff  }
0x498: {  	v3 =	vld.idx.msk [tilespmem:v3+s9+$0x0], $0xffff;
	_ =	sdelay $0x1  }
0x499: {  	v9 =	vor.u32 $0x3, v1;
	v7 =	vunpack.i.l.bf16.f32 v2;
	v8 =	vunpack.i.l.bf16.f32 v4  }
0x49a: {  	v7 =	vmul.f32 v8, v7;
	v8 =	vld.idx.msk [tilespmem:v5+s2+$0x0], $0xffff  }
0x49b: {  	v2 =	vunpack.i.u.bf16.f32 v2;
	v4 =	vunpack.i.u.bf16.f32 v4;
	v5 =	vld.idx.msk [tilespmem:v5+s9+$0x0], $0xffff  }
0x49c: {  	v2 =	vmul.f32 v4, v2;
	v7 =	vadd.f32 $0.0e+00, v7  }
0x49d: {  	v11 =	vor.u32 $0x4, v1;
	v4 =	vunpack.i.l.bf16.f32 v6;
	v10 =	vunpack.i.l.bf16.f32 v3  }
0x49e: {  	v2 =	vadd.f32 v7, v2;
	v4 =	vmul.f32 v10, v4;
	v7 =	vld.idx.msk [tilespmem:v9+s2+$0x0], $0xffff  }
0x49f: {  	v6 =	vunpack.i.u.bf16.f32 v6;
	v3 =	vunpack.i.u.bf16.f32 v3;
	v9 =	vld.idx.msk [tilespmem:v9+s9+$0x0], $0xffff  }
0x4a0: {  	v3 =	vmul.f32 v3, v6;
	v2 =	vadd.f32 v4, v2  }
0x4a1: {  	v10 =	vor.u32 $0x5, v1;
	v4 =	vunpack.i.l.bf16.f32 v8;
	v6 =	vunpack.i.l.bf16.f32 v5  }
0x4a2: {  	v2 =	vadd.f32 v2, v3;
	v3 =	vmul.f32 v6, v4;
	v4 =	vld.idx.msk [tilespmem:v11+s2+$0x0], $0xffff  }
0x4a3: {  	v5 =	vunpack.i.u.bf16.f32 v5;
	v6 =	vunpack.i.u.bf16.f32 v8;
	v8 =	vld.idx.msk [tilespmem:v11+s9+$0x0], $0xffff  }
0x4a4: {  	v2 =	vadd.f32 v3, v2;
	v3 =	vmul.f32 v5, v6  }
0x4a5: {  	v5 =	vunpack.i.l.bf16.f32 v7;
	v11 =	vor.u32 $0x6, v1;
	v6 =	vunpack.i.l.bf16.f32 v9  }
0x4a6: {  	v2 =	vadd.f32 v2, v3;
	v3 =	vmul.f32 v6, v5;
	v5 =	vld.idx.msk [tilespmem:v10+s2+$0x0], $0xffff  }
0x4a7: {  	v6 =	vunpack.i.u.bf16.f32 v7;
	v7 =	vunpack.i.u.bf16.f32 v9;
	v9 =	vld.idx.msk [tilespmem:v10+s9+$0x0], $0xffff  }
0x4a8: {  	v2 =	vadd.f32 v3, v2;
	v3 =	vmul.f32 v7, v6  }
0x4a9: {  	v6 =	vunpack.i.l.bf16.f32 v4;
	v10 =	vor.u32 $0x7, v1;
	v7 =	vunpack.i.l.bf16.f32 v8  }
0x4aa: {  	v2 =	vadd.f32 v2, v3;
	v3 =	vmul.f32 v7, v6;
	v6 =	vld.idx.msk [tilespmem:v11+s2+$0x0], $0xffff  }
0x4ab: {  	v4 =	vunpack.i.u.bf16.f32 v4;
	v7 =	vunpack.i.u.bf16.f32 v8;
	v8 =	vld.idx.msk [tilespmem:v11+s9+$0x0], $0xffff  }
0x4ac: {  	v2 =	vadd.f32 v3, v2;
	v3 =	vmul.f32 v7, v4  }
0x4ad: {  	v4 =	vunpack.i.l.bf16.f32 v5;
	v11 =	vor.u32 $0x8, v1;
	v7 =	vunpack.i.l.bf16.f32 v9  }
0x4ae: {  	v2 =	vadd.f32 v2, v3;
	v3 =	vmul.f32 v7, v4;
	v4 =	vld.idx.msk [tilespmem:v10+s2+$0x0], $0xffff  }
0x4af: {  	v5 =	vunpack.i.u.bf16.f32 v5;
	v7 =	vunpack.i.u.bf16.f32 v9;
	v9 =	vld.idx.msk [tilespmem:v10+s9+$0x0], $0xffff  }
0x4b0: {  	v2 =	vadd.f32 v3, v2;
	v3 =	vmul.f32 v7, v5  }
0x4b1: {  	v5 =	vunpack.i.l.bf16.f32 v6;
	v10 =	vor.u32 $0x9, v1;
	v7 =	vunpack.i.l.bf16.f32 v8  }
0x4b2: {  	v2 =	vadd.f32 v2, v3;
	v3 =	vmul.f32 v7, v5;
	v5 =	vld.idx.msk [tilespmem:v11+s2+$0x0], $0xffff  }
0x4b3: {  	v6 =	vunpack.i.u.bf16.f32 v6;
	v7 =	vunpack.i.u.bf16.f32 v8;
	v8 =	vld.idx.msk [tilespmem:v11+s9+$0x0], $0xffff  }
0x4b4: {  	v2 =	vadd.f32 v3, v2;
	v3 =	vmul.f32 v7, v6  }
0x4b5: {  	v6 =	vunpack.i.l.bf16.f32 v4;
	v11 =	vor.u32 $0xA, v1;
	v7 =	vunpack.i.l.bf16.f32 v9  }
0x4b6: {  	v2 =	vadd.f32 v2, v3;
	v3 =	vmul.f32 v7, v6;
	v6 =	vld.idx.msk [tilespmem:v10+s2+$0x0], $0xffff  }
0x4b7: {  	v4 =	vunpack.i.u.bf16.f32 v4;
	v7 =	vunpack.i.u.bf16.f32 v9;
	v9 =	vld.idx.msk [tilespmem:v10+s9+$0x0], $0xffff  }
0x4b8: {  	v2 =	vadd.f32 v3, v2;
	v3 =	vmul.f32 v7, v4  }
0x4b9: {  	v4 =	vunpack.i.l.bf16.f32 v5;
	v10 =	vor.u32 $0xB, v1;
	v7 =	vunpack.i.l.bf16.f32 v8  }
0x4ba: {  	v2 =	vadd.f32 v2, v3;
	v3 =	vmul.f32 v7, v4;
	v4 =	vld.idx.msk [tilespmem:v11+s2+$0x0], $0xffff  }
0x4bb: {  	v5 =	vunpack.i.u.bf16.f32 v5;
	v7 =	vunpack.i.u.bf16.f32 v8;
	v8 =	vld.idx.msk [tilespmem:v11+s9+$0x0], $0xffff  }
0x4bc: {  	v2 =	vadd.f32 v3, v2;
	v3 =	vmul.f32 v7, v5  }
0x4bd: {  	v5 =	vunpack.i.l.bf16.f32 v6;
	v11 =	vor.u32 $0xC, v1;
	v7 =	vunpack.i.l.bf16.f32 v9  }
0x4be: {  	v2 =	vadd.f32 v2, v3;
	v3 =	vmul.f32 v7, v5;
	v5 =	vld.idx.msk [tilespmem:v10+s2+$0x0], $0xffff  }
0x4bf: {  	v6 =	vunpack.i.u.bf16.f32 v6;
	v7 =	vunpack.i.u.bf16.f32 v9;
	v9 =	vld.idx.msk [tilespmem:v10+s9+$0x0], $0xffff  }
0x4c0: {  	v2 =	vadd.f32 v3, v2;
	v3 =	vmul.f32 v7, v6  }
0x4c1: {  	v6 =	vunpack.i.l.bf16.f32 v4;
	v10 =	vor.u32 $0xD, v1;
	v7 =	vunpack.i.l.bf16.f32 v8  }
0x4c2: {  	v2 =	vadd.f32 v2, v3;
	v3 =	vmul.f32 v7, v6;
	v6 =	vld.idx.msk [tilespmem:v11+s2+$0x0], $0xffff  }
0x4c3: {  	v4 =	vunpack.i.u.bf16.f32 v4;
	v7 =	vunpack.i.u.bf16.f32 v8;
	v8 =	vld.idx.msk [tilespmem:v11+s9+$0x0], $0xffff  }
0x4c4: {  	v2 =	vadd.f32 v3, v2;
	v3 =	vmul.f32 v7, v4  }
0x4c5: {  	v4 =	vunpack.i.l.bf16.f32 v5;
	v11 =	vor.u32 $0xE, v1;
	v7 =	vunpack.i.l.bf16.f32 v9  }
0x4c6: {  	v2 =	vadd.f32 v2, v3;
	v3 =	vmul.f32 v7, v4;
	v4 =	vld.idx.msk [tilespmem:v10+s2+$0x0], $0xffff  }
0x4c7: {  	v5 =	vunpack.i.u.bf16.f32 v5;
	v7 =	vunpack.i.u.bf16.f32 v9;
	v9 =	vld.idx.msk [tilespmem:v10+s9+$0x0], $0xffff  }
0x4c8: {  	v2 =	vadd.f32 v3, v2;
	v3 =	vmul.f32 v7, v5  }
0x4c9: {  	v1 =	vor.u32 $0xF, v1;
	v5 =	vunpack.i.l.bf16.f32 v6;
	v7 =	vunpack.i.l.bf16.f32 v8  }
0x4ca: {  	v2 =	vadd.f32 v2, v3;
	v3 =	vmul.f32 v7, v5;
	v5 =	vld.idx.msk [tilespmem:v11+s2+$0x0], $0xffff  }
0x4cb: {  	v6 =	vunpack.i.u.bf16.f32 v6;
	v7 =	vunpack.i.u.bf16.f32 v8;
	v8 =	vld.idx.msk [tilespmem:v11+s9+$0x0], $0xffff  }
0x4cc: {  	v2 =	vadd.f32 v3, v2;
	v3 =	vmul.f32 v7, v6  }
0x4cd: {  	v6 =	vunpack.i.l.bf16.f32 v4;
	v7 =	vunpack.i.l.bf16.f32 v9  }
0x4ce: {  	v2 =	vadd.f32 v2, v3;
	v3 =	vmul.f32 v7, v6;
	v6 =	vld.idx.msk [tilespmem:v1+s2+$0x0], $0xffff  }
0x4cf: {  	v4 =	vunpack.i.u.bf16.f32 v4;
	v7 =	vunpack.i.u.bf16.f32 v9;
	v9 =	vld.idx.msk [tilespmem:v1+s9+$0x0], $0xffff  }
0x4d0: {  	v1 =	vadd.f32 v3, v2;
	v2 =	vmul.f32 v7, v4  }
0x4d1: {  	v3 =	vunpack.i.l.bf16.f32 v5;
	v4 =	vunpack.i.l.bf16.f32 v8  }
0x4d2: {  	v1 =	vadd.f32 v1, v2;
	v2 =	vmul.f32 v4, v3  }
.Ltmp7:
0x4d3: {  	v3 =	vunpack.i.u.bf16.f32 v5;
	v4 =	vunpack.i.u.bf16.f32 v8;
	(pc) =	sbr.rel @p1 .LBB2_12-.Ltmp7, $4  }
0x4d4: {  	v1 =	vadd.f32 v2, v1;
	v2 =	vmul.f32 v4, v3  }
0x4d5: {  	v3 =	vunpack.i.l.bf16.f32 v6;
	v4 =	vunpack.i.l.bf16.f32 v9  }
0x4d6: {  	v5 =	vmov s21;
	v2 =	vadd.f32 v1, v2;
	v3 =	vmul.f32 v4, v3  }
0x4d7: {  	s21 =	sadd.s32 $0x10, s21;
	v1 =	vshll.u32 v5, $0x4;
	v4 =	vunpack.i.u.bf16.f32 v6;
	v5 =	vunpack.i.u.bf16.f32 v9  }
0x4d8: {  	v1 =	vor.u32 v0, v1;
	v2 =	vadd.f32 v3, v2;
	v3 =	vmul.f32 v5, v4;
	_ =	sdelay $0x1  }
0x4d9: {  	v2 =	vadd.f32 v2, v3  }
0x4da: {  	s19 =	sadd.s32 $0x10, s19  }
0x4db: {  	v3 =	vor.u32 $0x1, v1;
	[tilespmem:s19+$0x0] =	vst v2  }
0x4dc: {  	v2 =	vld.idx.msk [tilespmem:v1+s2+$0x0], $0xffff  }
0x4dd: {  	v34 =	vld.idx.msk [tilespmem:v1+s9+$0x0], $0xffff;
	_ =	sdelay $0x1  }
0x4de: {  	v35 =	vor.u32 $0x2, v1  }
0x4df: {  	v6 =	vld.idx.msk [tilespmem:v3+s2+$0x0], $0xffff  }
0x4e0: {  	v3 =	vld.idx.msk [tilespmem:v3+s9+$0x0], $0xffff  }
0x4e1: {  	v7 =	vunpack.i.l.bf16.f32 v2;
	v8 =	vunpack.i.l.bf16.f32 v34  }
0x4e2: {  	v9 =	vor.u32 $0x3, v1;
	v7 =	vmul.f32 v8, v7  }
0x4e3: {  	v36 =	vld.idx.msk [tilespmem:v35+s2+$0x0], $0xffff;
	v2 =	vunpack.i.u.bf16.f32 v2;
	v4 =	vunpack.i.u.bf16.f32 v34  }
0x4e4: {  	v5 =	vld.idx.msk [tilespmem:v35+s9+$0x0], $0xffff;
	v2 =	vmul.f32 v4, v2;
	v7 =	vadd.f32 $0.0e+00, v7  }
0x4e5: {  	v37 =	vunpack.i.l.bf16.f32 v6;
	v10 =	vunpack.i.l.bf16.f32 v3  }
0x4e6: {  	v11 =	vor.u32 $0x4, v1;
	v4 =	vmul.f32 v10, v37;
	v2 =	vadd.f32 v7, v2  }
0x4e7: {  	v38 =	vld.idx.msk [tilespmem:v9+s2+$0x0], $0xffff;
	v6 =	vunpack.i.u.bf16.f32 v6;
	v3 =	vunpack.i.u.bf16.f32 v3  }
0x4e8: {  	v9 =	vld.idx.msk [tilespmem:v9+s9+$0x0], $0xffff;
	v3 =	vmul.f32 v3, v6;
	v2 =	vadd.f32 v4, v2  }
0x4e9: {  	v39 =	vunpack.i.l.bf16.f32 v36;
	v40 =	vunpack.i.l.bf16.f32 v5  }
0x4ea: {  	v41 =	vor.u32 $0x5, v1;
	v2 =	vadd.f32 v2, v3;
	v3 =	vmul.f32 v40, v39  }
0x4eb: {  	v42 =	vld.idx.msk [tilespmem:v11+s2+$0x0], $0xffff;
	v43 =	vunpack.i.u.bf16.f32 v36;
	v5 =	vunpack.i.u.bf16.f32 v5  }
0x4ec: {  	v44 =	vld.idx.msk [tilespmem:v11+s9+$0x0], $0xffff;
	v2 =	vadd.f32 v3, v2;
	v3 =	vmul.f32 v5, v43  }
0x4ed: {  	v45 =	vunpack.i.l.bf16.f32 v38;
	v46 =	vunpack.i.l.bf16.f32 v9  }
0x4ee: {  	v47 =	vor.u32 $0x6, v1;
	v2 =	vadd.f32 v2, v3;
	v3 =	vmul.f32 v46, v45  }
0x4ef: {  	v48 =	vld.idx.msk [tilespmem:v41+s2+$0x0], $0xffff;
	v49 =	vunpack.i.u.bf16.f32 v38;
	v50 =	vunpack.i.u.bf16.f32 v9  }
0x4f0: {  	v51 =	vld.idx.msk [tilespmem:v41+s9+$0x0], $0xffff;
	v2 =	vadd.f32 v3, v2;
	v3 =	vmul.f32 v50, v49  }
0x4f1: {  	v52 =	vunpack.i.l.bf16.f32 v42;
	v53 =	vunpack.i.l.bf16.f32 v44  }
0x4f2: {  	v54 =	vor.u32 $0x7, v1;
	v2 =	vadd.f32 v2, v3;
	v3 =	vmul.f32 v53, v52  }
0x4f3: {  	v55 =	vld.idx.msk [tilespmem:v47+s2+$0x0], $0xffff;
	v56 =	vunpack.i.u.bf16.f32 v44;
	v4 =	vunpack.i.u.bf16.f32 v42  }
0x4f4: {  	v57 =	vld.idx.msk [tilespmem:v47+s9+$0x0], $0xffff;
	v2 =	vadd.f32 v3, v2;
	v3 =	vmul.f32 v56, v4  }
0x4f5: {  	v58 =	vunpack.i.l.bf16.f32 v48;
	v59 =	vunpack.i.l.bf16.f32 v51  }
0x4f6: {  	v60 =	vor.u32 $0x8, v1;
	v2 =	vadd.f32 v2, v3;
	v3 =	vmul.f32 v59, v58  }
0x4f7: {  	v61 =	vld.idx.msk [tilespmem:v54+s2+$0x0], $0xffff;
	v62 =	vunpack.i.u.bf16.f32 v51;
	v5 =	vunpack.i.u.bf16.f32 v48  }
0x4f8: {  	v63 =	vld.idx.msk [tilespmem:v54+s9+$0x0], $0xffff;
	v2 =	vadd.f32 v3, v2;
	v3 =	vmul.f32 v62, v5  }
0x4f9: {  	v12 =	vunpack.i.l.bf16.f32 v55;
	v13 =	vunpack.i.l.bf16.f32 v57  }
0x4fa: {  	v14 =	vor.u32 $0x9, v1;
	v2 =	vadd.f32 v2, v3;
	v3 =	vmul.f32 v13, v12  }
0x4fb: {  	v15 =	vld.idx.msk [tilespmem:v60+s2+$0x0], $0xffff;
	v16 =	vunpack.i.u.bf16.f32 v57;
	v6 =	vunpack.i.u.bf16.f32 v55  }
0x4fc: {  	v17 =	vld.idx.msk [tilespmem:v60+s9+$0x0], $0xffff;
	v2 =	vadd.f32 v3, v2;
	v3 =	vmul.f32 v16, v6  }
0x4fd: {  	v18 =	vunpack.i.l.bf16.f32 v61;
	v19 =	vunpack.i.l.bf16.f32 v63  }
0x4fe: {  	v20 =	vor.u32 $0xA, v1;
	v2 =	vadd.f32 v2, v3;
	v3 =	vmul.f32 v19, v18  }
0x4ff: {  	v21 =	vld.idx.msk [tilespmem:v14+s2+$0x0], $0xffff;
	v22 =	vunpack.i.u.bf16.f32 v63;
	v4 =	vunpack.i.u.bf16.f32 v61  }
0x500: {  	v23 =	vld.idx.msk [tilespmem:v14+s9+$0x0], $0xffff;
	v2 =	vadd.f32 v3, v2;
	v3 =	vmul.f32 v22, v4  }
0x501: {  	v24 =	vunpack.i.l.bf16.f32 v15;
	v25 =	vunpack.i.l.bf16.f32 v17  }
0x502: {  	v26 =	vor.u32 $0xB, v1;
	v2 =	vadd.f32 v2, v3;
	v3 =	vmul.f32 v25, v24  }
0x503: {  	v27 =	vld.idx.msk [tilespmem:v20+s2+$0x0], $0xffff;
	v28 =	vunpack.i.u.bf16.f32 v17;
	v5 =	vunpack.i.u.bf16.f32 v15  }
0x504: {  	v29 =	vld.idx.msk [tilespmem:v20+s9+$0x0], $0xffff;
	v2 =	vadd.f32 v3, v2;
	v3 =	vmul.f32 v28, v5  }
0x505: {  	v30 =	vunpack.i.l.bf16.f32 v21;
	v31 =	vunpack.i.l.bf16.f32 v23  }
0x506: {  	v32 =	vor.u32 $0xC, v1;
	v2 =	vadd.f32 v2, v3;
	v3 =	vmul.f32 v31, v30  }
0x507: {  	v33 =	vld.idx.msk [tilespmem:v26+s2+$0x0], $0xffff;
	v34 =	vunpack.i.u.bf16.f32 v23;
	v6 =	vunpack.i.u.bf16.f32 v21  }
0x508: {  	v35 =	vld.idx.msk [tilespmem:v26+s9+$0x0], $0xffff;
	v2 =	vadd.f32 v3, v2;
	v3 =	vmul.f32 v34, v6  }
0x509: {  	v36 =	vunpack.i.l.bf16.f32 v27;
	v37 =	vunpack.i.l.bf16.f32 v29  }
0x50a: {  	v38 =	vor.u32 $0xD, v1;
	v2 =	vadd.f32 v2, v3;
	v3 =	vmul.f32 v37, v36  }
0x50b: {  	v41 =	vld.idx.msk [tilespmem:v32+s9+$0x0], $0xffff;
	v40 =	vunpack.i.u.bf16.f32 v29;
	v4 =	vunpack.i.u.bf16.f32 v27  }
0x50c: {  	v39 =	vld.idx.msk [tilespmem:v32+s2+$0x0], $0xffff;
	v2 =	vadd.f32 v3, v2;
	v3 =	vmul.f32 v40, v4  }
0x50d: {  	v42 =	vunpack.i.l.bf16.f32 v33;
	v43 =	vunpack.i.l.bf16.f32 v35  }
0x50e: {  	v44 =	vor.u32 $0xE, v1;
	v2 =	vadd.f32 v2, v3;
	v3 =	vmul.f32 v43, v42  }
0x50f: {  	v47 =	vld.idx.msk [tilespmem:v38+s9+$0x0], $0xffff;
	v46 =	vunpack.i.u.bf16.f32 v35;
	v5 =	vunpack.i.u.bf16.f32 v33  }
0x510: {  	v45 =	vld.idx.msk [tilespmem:v38+s2+$0x0], $0xffff;
	v2 =	vadd.f32 v3, v2;
	v3 =	vmul.f32 v46, v5  }
0x511: {  	v48 =	vunpack.i.l.bf16.f32 v39;
	v49 =	vunpack.i.l.bf16.f32 v41  }
0x512: {  	v1 =	vor.u32 $0xF, v1;
	v2 =	vadd.f32 v2, v3;
	v3 =	vmul.f32 v49, v48  }
0x513: {  	v51 =	vunpack.i.u.bf16.f32 v41;
	v50 =	vld.idx.msk [tilespmem:v44+s2+$0x0], $0xffff;
	v6 =	vunpack.i.u.bf16.f32 v39  }
0x514: {  	v52 =	vld.idx.msk [tilespmem:v44+s9+$0x0], $0xffff;
	v2 =	vadd.f32 v3, v2;
	v3 =	vmul.f32 v51, v6  }
0x515: {  	v54 =	vunpack.i.l.bf16.f32 v47;
	v53 =	vunpack.i.l.bf16.f32 v45  }
0x516: {  	v2 =	vadd.f32 v2, v3;
	v3 =	vmul.f32 v54, v53  }
0x517: {  	v55 =	vld.idx.msk [tilespmem:v1+s2+$0x0], $0xffff;
	v56 =	vunpack.i.u.bf16.f32 v47;
	v4 =	vunpack.i.u.bf16.f32 v45  }
0x518: {  	v1 =	vld.idx.msk [tilespmem:v1+s9+$0x0], $0xffff;
	v2 =	vadd.f32 v3, v2;
	v3 =	vmul.f32 v56, v4  }
0x519: {  	v57 =	vunpack.i.l.bf16.f32 v50;
	v58 =	vunpack.i.l.bf16.f32 v52  }
0x51a: {  	v2 =	vadd.f32 v2, v3;
	v3 =	vmul.f32 v58, v57  }
0x51b: {  	v59 =	vunpack.i.u.bf16.f32 v50;
	v60 =	vunpack.i.u.bf16.f32 v52  }
0x51c: {  	v2 =	vadd.f32 v3, v2;
	v3 =	vmul.f32 v60, v59  }
0x51d: {  	v61 =	vunpack.i.l.bf16.f32 v55;
	v62 =	vunpack.i.l.bf16.f32 v1  }
0x51e: {  	v2 =	vadd.f32 v2, v3;
	v3 =	vmul.f32 v62, v61  }
0x51f: {  	v63 =	vunpack.i.u.bf16.f32 v55;
	v1 =	vunpack.i.u.bf16.f32 v1  }
.Ltmp8:
0x520: {  	v1 =	vmul.f32 v1, v63;
	v2 =	vadd.f32 v3, v2;
	(pc) =	sbr.rel @p0 .LBB2_15-.Ltmp8, $4  }
0x521: {  	_ = 	snop  }
0x522: {  	v1 =	vadd.f32 v2, v1  }
0x523: {  	s1 =	sadd.s32 $0x10, s19  }
0x524: {  	[tilespmem:s1+$0x0] =	vst v1  }
0x525: {  	_ =	swait.ge [sflag:s31], $0x100  }
0x526: {  	[sflag:s31] =	ssyncset.done $0x0  }
0x527: {  	[sflag:s31] =	ssyncadd.s32 $0xFFFFFF00  }
0x528: {  	_ =	swait.ge [sflag:s0], $0x100  }
.Ltmp9:
0x529: {  	[sflag:s0] =	ssyncset.done $0x0;
	(pc) =	sbr.rel .LBB2_9-.Ltmp9, $4  }
0x52a: {  	[sflag:s0] =	ssyncadd.s32 $0xFFFFFF00  }
0x52b: {  	[tilespmem:s2], [sflag:$0x2] =	stream.indirect.gather [hbm4b:s7+s15], $0x10, s24, s15, $0xb8;
	[tilespmem:$0x8400] =	vst v63  }
0x52c: {  	s20 =	sadd.s32 $0x1, s20;
	s22 =	sadd.s32 $0x200, s22;
	s18 =	sadd.s32 $0x200, s18  }
0x52d: {  	[tilespmem:s9], [sflag:$0x4] =	stream.indirect.gather [hbm4b:s8+s15], $0x10, s25, s15, $0xb8;
	[tilespmem:$0x8400] =	vst v63  }
.LBB2_16:
0x52e: {  	_ =	sfence.sel $0x180000  }
0x52f: {  	[bflag:$0x0] =	sbarrier.arrive $0xFFFF  }
0x530: {  	_ =	strace $0x90000047  }
0x531: {  	s0 =	stileid.u32;
	[bflag:$0x2] =	sbarrier.arrive $0xFFFF  }
0x532: {  	p0 =	sne.s32 s0, $0x0;
	s0 =	rddreg [dreg:$0x3]  }
0x533: {  	s0 =	sadd.s32 @!p0 $0x100000, s0  }
0x534: {  	[sflag:s0] =	ssyncadd.tile.s32 @!p0 $0x1;
	_ =	shalt  }
.Lfunc_end2:
_tile_overlayer_lowered:
.L_overlay_start_2:
0x535: {  	(tag) =	ssettag $0x2  }
0x536: {  	s0 =	rddreg [dreg:$0x0];
	s2 =	stileid.u32  }
0x537: {  	s1 =	rddreg [dreg:$0x1];
	p0 =	sne.s32 s2, $0x0  }
0x538: {  	s3 =	rddreg [dreg:$0x2];
	[bflag:$0x3] =	sbarrier.arrive $0xFFFF;
	s2 =	simm.s32 @!p0 $0x1C09  }
0x539: {  	[timem:s3], [sflag:s2] =	dma.local @!p0 [hbm:s0], s1  }
0x53a: {  	s0 =	simm.s32 @!p0 $0x9  }
0x53b: {  	_ =	swait.ge @!p0 [sflag:s0], s1  }
0x53c: {  	s1 =	ssub.s32 @!p0 $0x0, s1;
	[sflag:s0] =	ssyncset.done @!p0 $0x0  }
0x53d: {  	[sflag:s0] =	ssyncadd.s32 @!p0 s1  }
0x53e: {  	[bflag:$0x3] =	sbarrier.arrive $0xFFFF  }
0x53f: {  	_ =	shalt  }

</sc_bundles>
